<compile_context>
chip_gen: v7x
topology: tpu7x:2x2x1
jax: 0.10.2.dev20260603
libtpu: 0.0.44.dev20260713+nightly
codegen_flags: <defaults>
</compile_context>

<pallas_src>
import functools

import jax
import jax.numpy as jnp
from jax import lax
from jax.experimental import pallas as pl
from jax.experimental.pallas import tpu as pltpu
from jax.experimental.pallas import tpu_sc as plsc

N = 10000
E = 320000
D = 128
NW = 32
EPW = 10240
C = 64
NCHUNK = EPW // C
NPAD = 10240
RPT = NPAD // 16

_MESH = plsc.VectorSubcoreMesh(core_axis_name="c", subcore_axis_name="s")



@functools.partial(
    pl.kernel,
    out_type=jax.ShapeDtypeStruct((2 * NPAD,), jnp.float32),
    scratch_types=[
        pltpu.VMEM((NCHUNK, C), jnp.int32),
        pltpu.VMEM((C,), jnp.float32),
        pltpu.VMEM_SHARED((NPAD,), jnp.float32),
        pltpu.SemaphoreType.DMA,
    ],
    mesh=_MESH,
)
def _deg_kernel(dst_hbm, out_hbm, didx, vals, acc, sem):
    cid = lax.axis_index("c")
    sid = lax.axis_index("s")
    wid = cid * 16 + sid

    for j in range(C // 16):
        vals[pl.ds(j * 16, 16)] = jnp.zeros((16,), jnp.float32)
    for k in range(RPT // C):
        pltpu.sync_copy(vals, acc.at[pl.ds(sid * RPT + k * C, C)])
    for j in range(C // 16):
        vals[pl.ds(j * 16, 16)] = jnp.ones((16,), jnp.float32)
    pltpu.sync_copy(dst_hbm.at[wid], didx)
    plsc.subcore_barrier()

    def body(i, carry):
        pltpu.async_copy(vals, acc.at[didx.at[i]], sem, add=True)
        return carry

    lax.fori_loop(0, NCHUNK, body, 0)

    def drain(i, carry):
        pltpu.make_async_copy(vals, acc.at[didx.at[0]], sem).wait()
        return carry

    lax.fori_loop(0, NCHUNK, drain, 0)
    plsc.subcore_barrier()
    pltpu.sync_copy(acc.at[pl.ds(sid * RPT, RPT)],
                    out_hbm.at[pl.ds(cid * NPAD + sid * RPT, RPT)])


NBG = 4
NBS = 2
PF = 3

@functools.partial(
    pl.kernel,
    out_type=jax.ShapeDtypeStruct((2 * NPAD, D), jnp.float32),
    scratch_types=(
        [pltpu.VMEM((EPW,), jnp.int32)]
        + [pltpu.VMEM((C, D // 2), jnp.int32)] * NBG
        + [pltpu.VMEM((C, D), jnp.float32)] * NBS
        + [pltpu.VMEM((C,), jnp.int32)] * NBG
        + [pltpu.VMEM((C,), jnp.int32)] * NBS
        + [pltpu.VMEM_SHARED((NPAD, D), jnp.float32)]
        + [pltpu.SemaphoreType.DMA] * (NBG + NBS)
    ),
    mesh=_MESH,
    compiler_params=pltpu.CompilerParams(use_tc_tiling_on_sc=False,
                                        needs_layout_passes=False),
)
def _agg_kernel(t_hbm, pk_hbm, out_hbm, pk, *scr):
    gbuf = scr[0:NBG]
    fbuf = scr[NBG:NBG + NBS]
    sbb = scr[NBG + NBS:2 * NBG + NBS]
    dbb = scr[2 * NBG + NBS:2 * NBG + 2 * NBS]
    acc = scr[2 * NBG + 2 * NBS]
    gsem = scr[2 * NBG + 2 * NBS + 1:3 * NBG + 2 * NBS + 1]
    ssem = scr[3 * NBG + 2 * NBS + 1:3 * NBG + 3 * NBS + 1]
    cid = lax.axis_index("c")
    sid = lax.axis_index("s")
    wid = cid * 16 + sid

    def zrow(i, carry):
        for j in range(D // 16):
            fbuf[0][i, pl.ds(j * 16, 16)] = jnp.zeros((16,), jnp.float32)
        return carry

    lax.fori_loop(0, C, zrow, 0)
    for k in range(RPT // C):
        pltpu.sync_copy(fbuf[0], acc.at[pl.ds(sid * RPT + k * C, C)])
    pltpu.sync_copy(pk_hbm.at[wid], pk)
    plsc.subcore_barrier()

    def unp_src(c, b):
        for j in range(C // 16):
            ev = pk[pl.ds(c * C + j * 16, 16)]
            sbb[b][pl.ds(j * 16, 16)] = ev & 0xFFFF

    def unp_dst(c, b):
        for j in range(C // 16):
            ev = pk[pl.ds(c * C + j * 16, 16)]
            dbb[b][pl.ds(j * 16, 16)] = lax.shift_right_logical(ev, 16)

    for c0 in range(PF):
        unp_src(c0, c0)
        pltpu.async_copy(t_hbm.at[sbb[c0]], gbuf[c0], gsem[c0])

    def body(i, carry):
        for b in range(NBG):
            c = NBG * i + b
            bf = b % NBS
            bpf = (b + PF) % NBG
            pltpu.make_async_copy(t_hbm.at[sbb[b]], gbuf[b], gsem[b]).wait()

            @pl.when(c >= NBS)
            def _():
                pltpu.make_async_copy(fbuf[bf], acc.at[dbb[bf]],
                                      ssem[bf]).wait()

            unp_dst(c, bf)

            def unp_row(r, carry2):
                for j in range(D // 32):
                    w = gbuf[b][r, pl.ds(j * 16, 16)]
                    bfv = plsc.bitcast(w, jnp.bfloat16)
                    lo, hi = plsc.unpack(bfv, format=plsc.PackFormat.INTERLEAVED)
                    fbuf[bf][r, pl.ds(j * 16, 16)] = lo
                    fbuf[bf][r, pl.ds(D // 2 + j * 16, 16)] = hi
                return carry2

            lax.fori_loop(0, C, unp_row, 0)
            pltpu.async_copy(fbuf[bf], acc.at[dbb[bf]], ssem[bf], add=True)

            @pl.when(c + PF < NCHUNK)
            def _():
                unp_src(c + PF, bpf)
                pltpu.async_copy(t_hbm.at[sbb[bpf]], gbuf[bpf], gsem[bpf])
        return carry

    lax.fori_loop(0, NCHUNK // NBG, body, 0)
    for c in range(NCHUNK - NBS, NCHUNK):
        b = c % NBS
        pltpu.make_async_copy(fbuf[b], acc.at[dbb[b]], ssem[b]).wait()
    plsc.subcore_barrier()
    pltpu.sync_copy(acc.at[pl.ds(sid * RPT, RPT)],
                    out_hbm.at[pl.ds(cid * NPAD + sid * RPT, RPT)])



def _mm(a, w):
    return lax.dot_general(a, w, (((1,), (1,)), ((), ())),
                           preferred_element_type=jnp.float32,
                           precision=lax.Precision.HIGHEST)


def _rnd16(t):
    return lax.shift_right_logical(
        t + 0x7FFF + (lax.shift_right_logical(t, 16) & 1), 16)


def _pack(g):
    a = lax.bitcast_convert_type(g[:, :D // 2], jnp.int32)
    b = lax.bitcast_convert_type(g[:, D // 2:], jnp.int32)
    return _rnd16(a) | (_rnd16(b) * 65536)


def _tc1_body(degp_ref, x_ref, w1_ref, g1_ref, t1_ref, dinv_ref):
    deg = 1.0 + degp_ref[0] + degp_ref[1]
    dinv = lax.rsqrt(deg)
    dinv_ref[...] = dinv
    g = dinv * _mm(x_ref[...], w1_ref[...])
    g1_ref[...] = g
    t1_ref[...] = _pack(g)


def _tc2_body(sp_ref, g1_ref, dinv_ref, b1_ref, w2_ref, g2_ref, t2_ref):
    dinv = dinv_ref[...]
    s = sp_ref[0] + sp_ref[1]
    h = jnp.maximum(dinv * (s + g1_ref[...]) + b1_ref[...], 0.0)
    g = dinv * _mm(h, w2_ref[...])
    g2_ref[...] = g
    t2_ref[...] = _pack(g)


def _tc3_body(sp_ref, g2_ref, dinv_ref, b2_ref, wlin_ref, blin_ref, y_ref):
    dinv = dinv_ref[...]
    s = sp_ref[0] + sp_ref[1]
    h = jnp.maximum(dinv * (s + g2_ref[...]) + b2_ref[...], 0.0)
    y_ref[...] = jax.nn.sigmoid(_mm(h, wlin_ref[...]) + blin_ref[...])


BR = 2048
_GRID = (NPAD // BR,)
_S3 = pl.BlockSpec((2, BR, D), lambda i: (0, i, 0))


def _rs(minor):
    return pl.BlockSpec((BR, minor), lambda i: (i, 0))


def _ws(a, b):
    return pl.BlockSpec((a, b), lambda i: (0, 0))


_tc1 = pl.pallas_call(
    _tc1_body,
    grid=_GRID,
    in_specs=[pl.BlockSpec((2, BR, 1), lambda i: (0, i, 0)),
              _rs(D), _ws(D, D)],
    out_specs=(_rs(D), _rs(D // 2), _rs(1)),
    out_shape=(jax.ShapeDtypeStruct((NPAD, D), jnp.float32),
               jax.ShapeDtypeStruct((NPAD, D // 2), jnp.int32),
               jax.ShapeDtypeStruct((NPAD, 1), jnp.float32)),
)
_tc2 = pl.pallas_call(
    _tc2_body,
    grid=_GRID,
    in_specs=[_S3, _rs(D), _rs(1), _ws(1, D), _ws(D, D)],
    out_specs=(_rs(D), _rs(D // 2)),
    out_shape=(jax.ShapeDtypeStruct((NPAD, D), jnp.float32),
               jax.ShapeDtypeStruct((NPAD, D // 2), jnp.int32)),
)
_tc3 = pl.pallas_call(
    _tc3_body,
    grid=_GRID,
    in_specs=[_S3, _rs(D), _rs(1), _ws(1, D), _ws(64, D), _ws(1, 64)],
    out_specs=_rs(64),
    out_shape=jax.ShapeDtypeStruct((NPAD, 64), jnp.float32),
)



def kernel(x, edge_index, W1, b1, W2, b2, Wlin, blin):
    src = edge_index[0].astype(jnp.int32)
    dst = edge_index[1].astype(jnp.int32)

    pad = EPW - E // NW
    src_p = jnp.concatenate(
        [src.reshape(NW, E // NW), jnp.zeros((NW, pad), jnp.int32)], axis=1
    )
    dst_p = jnp.concatenate(
        [dst.reshape(NW, E // NW), jnp.full((NW, pad), N, jnp.int32)], axis=1
    )
    pk_p = jnp.bitwise_or(src_p, dst_p * 65536)
    dst_c = dst_p.reshape(NW, NCHUNK, C)

    x_p = jnp.concatenate([x, jnp.zeros((NPAD - N, D), x.dtype)], axis=0)
    degp = _deg_kernel(dst_c).reshape(2, NPAD, 1)
    g1, t1, dinv = _tc1(degp, x_p, W1)
    s1 = _agg_kernel(t1, pk_p).reshape(2, NPAD, D)
    g2, t2 = _tc2(s1, g1, dinv, b1.reshape(1, D), W2)
    s2 = _agg_kernel(t2, pk_p).reshape(2, NPAD, D)
    y = _tc3(s2, g2, dinv, b2.reshape(1, D), Wlin, blin.reshape(1, 64))
    return y[:N]

# --- scband reference (transcript-rebuilt; emitter-appended) ---
"""Pipeline reference for scband-gcn-22265110462988 (READ-ONLY COPY).

The authoritative reference and input builder live on the scoring server;
editing this copy changes nothing except your own understanding.
"""

import jax, jax.numpy as jnp
import numpy as np

N_NODES = 10000
N_EDGES = 320000
IN_DIM = 128
HID_DIM = 128
OUT_DIM = 64
NUM_LAYERS = 2


def gcn_conv(x, src, dst, W, b):
    # PyG GCNConv (add self-loops, symmetric normalization, aggr='add')
    N = x.shape[0]
    loop = jnp.arange(N, dtype=src.dtype)
    src_a = jnp.concatenate([src, loop])
    dst_a = jnp.concatenate([dst, loop])
    deg = jnp.zeros((N,), dtype=x.dtype).at[dst_a].add(1.0)
    dinv = jnp.where(deg > 0, deg ** -0.5, 0.0)
    norm = dinv[src_a] * dinv[dst_a]
    h = x @ W.T
    msg = h[src_a] * norm[:, None]
    out = jnp.zeros((N, h.shape[1]), dtype=x.dtype).at[dst_a].add(msg)
    return out + b


def setup_inputs(seed: int = 0) -> dict:
    key = jax.random.key(seed)
    k = jax.random.split(key, 10)
    x = jax.random.normal(k[0], (N_NODES, IN_DIM), dtype=jnp.float32)
    edge_index = jax.random.randint(k[1], (2, N_EDGES), 0, N_NODES, dtype=jnp.int64)
    s1 = (1.0 / IN_DIM) ** 0.5
    W1 = jax.random.uniform(k[2], (HID_DIM, IN_DIM), minval=-s1, maxval=s1, dtype=jnp.float32)
    b1 = jax.random.uniform(k[3], (HID_DIM,), minval=-s1, maxval=s1, dtype=jnp.float32)
    s2 = (1.0 / HID_DIM) ** 0.5
    W2 = jax.random.uniform(k[4], (HID_DIM, HID_DIM), minval=-s2, maxval=s2, dtype=jnp.float32)
    b2 = jax.random.uniform(k[5], (HID_DIM,), minval=-s2, maxval=s2, dtype=jnp.float32)
    Wlin = jax.random.uniform(k[6], (OUT_DIM, HID_DIM), minval=-s2, maxval=s2, dtype=jnp.float32)
    blin = jax.random.uniform(k[7], (OUT_DIM,), minval=-s2, maxval=s2, dtype=jnp.float32)
    return {"x": x, "edge_index": edge_index, "W1": W1, "b1": b1, "W2": W2, "b2": b2, "Wlin": Wlin, "blin": blin}


def reference(x, edge_index, W1, b1, W2, b2, Wlin, blin):
    src, dst = edge_index[0], edge_index[1]
    h = gcn_conv(x, src, dst, W1, b1)
    h = jax.nn.relu(h)
    # F.dropout with training=False is identity (eval mode)
    h = gcn_conv(h, src, dst, W2, b2)
    h = jax.nn.relu(h)
    h = h @ Wlin.T + blin
    node_y = jax.nn.sigmoid(h)
    return node_y

if __name__ == "__main__":
    import jax
    _d = setup_inputs()
    print(jax.jit(kernel)(*tuple(_d.values())))

</pallas_src>

<mosaic_0001>
#map = affine_map<(d0, d1) -> (0, 0)>
module attributes {stable_mosaic.version = 14 : i64} {
  func.func @_agg_kernel(%arg0: i32, %arg1: i32, %arg2: memref<10240x64xi32, #tpu.memory_space<hbm>>, %arg3: memref<32x10240xi32, #tpu.memory_space<hbm>>, %arg4: memref<20480x128xf32, #tpu.memory_space<hbm>>, %arg5: memref<10240xi32, #tpu.memory_space<vmem>>, %arg6: memref<64x64xi32, #tpu.memory_space<vmem>>, %arg7: memref<64x64xi32, #tpu.memory_space<vmem>>, %arg8: memref<64x64xi32, #tpu.memory_space<vmem>>, %arg9: memref<64x64xi32, #tpu.memory_space<vmem>>, %arg10: memref<64x128xf32, #tpu.memory_space<vmem>>, %arg11: memref<64x128xf32, #tpu.memory_space<vmem>>, %arg12: memref<64xi32, #tpu.memory_space<vmem>>, %arg13: memref<64xi32, #tpu.memory_space<vmem>>, %arg14: memref<64xi32, #tpu.memory_space<vmem>>, %arg15: memref<64xi32, #tpu.memory_space<vmem>>, %arg16: memref<64xi32, #tpu.memory_space<vmem>>, %arg17: memref<64xi32, #tpu.memory_space<vmem>>, %arg18: memref<10240x128xf32, #tpu.memory_space<vmem_shared>>, %arg19: memref<!tpu.dma_semaphore, #tpu.memory_space<semaphore_mem>>, %arg20: memref<!tpu.dma_semaphore, #tpu.memory_space<semaphore_mem>>, %arg21: memref<!tpu.dma_semaphore, #tpu.memory_space<semaphore_mem>>, %arg22: memref<!tpu.dma_semaphore, #tpu.memory_space<semaphore_mem>>, %arg23: memref<!tpu.dma_semaphore, #tpu.memory_space<semaphore_mem>>, %arg24: memref<!tpu.dma_semaphore, #tpu.memory_space<semaphore_mem>>) attributes {dimension_semantics = [#tpu.dimension_semantics<core_parallel>, #tpu.dimension_semantics<subcore_parallel>], iteration_bounds = array<i64: 2, 16>, scalar_prefetch = 0 : i64, scratch_operands = 20 : i64, tpu.core_type = #tpu.core_type<sc_vector_subcore>, window_params = [{transform_indices = #map}, {transform_indices = #map}, {transform_indices = #map}]} {
    %mul3A = arith.constant 16 : i32
    %mul3A_0 = arith.muli %arg0, %mul3A : i32
    %add3A = arith.addi %mul3A_0, %arg1 : i32
    %scan3A = arith.constant 0 : i32
    %scan3A_1 = arith.constant 0 : i32
    %scan3A_2 = arith.constant 64 : i32
    %scan3A_3 = arith.addi %scan3A_1, %scan3A_2 : i32
    %scan3A_4 = arith.constant 1 : i32
    scf.for %scan3A_154 = %scan3A_1 to %scan3A_3 step %scan3A_4  : i32 {
      %broadcast_in_dim3A = arith.constant 0.000000e+00 : f32
      %broadcast_in_dim3A_155 = vector.broadcast %broadcast_in_dim3A : f32 to vector<16xf32>
      %swap3A_156 = arith.index_cast %scan3A_154 : i32 to index
      %swap3A_157 = arith.constant 0 : index
      %swap3A_158 = tpu.vector_load %arg10[%swap3A_156, %swap3A_157] {strides = array<i32>} : memref<64x128xf32, #tpu.memory_space<vmem>>, vector<16xf32>,
      tpu.vector_store %arg10[%swap3A_156, %swap3A_157], %broadcast_in_dim3A_155 {strides = array<i32>} : memref<64x128xf32, #tpu.memory_space<vmem>>, vector<16xf32>,
      %broadcast_in_dim3A_159 = arith.constant 0.000000e+00 : f32
      %broadcast_in_dim3A_160 = vector.broadcast %broadcast_in_dim3A_159 : f32 to vector<16xf32>
      %swap3A_161 = arith.index_cast %scan3A_154 : i32 to index
      %swap3A_162 = arith.constant 16 : index
      %swap3A_163 = tpu.vector_load %arg10[%swap3A_161, %swap3A_162] {strides = array<i32>} : memref<64x128xf32, #tpu.memory_space<vmem>>, vector<16xf32>,
      tpu.vector_store %arg10[%swap3A_161, %swap3A_162], %broadcast_in_dim3A_160 {strides = array<i32>} : memref<64x128xf32, #tpu.memory_space<vmem>>, vector<16xf32>,
      %broadcast_in_dim3A_164 = arith.constant 0.000000e+00 : f32
      %broadcast_in_dim3A_165 = vector.broadcast %broadcast_in_dim3A_164 : f32 to vector<16xf32>
      %swap3A_166 = arith.index_cast %scan3A_154 : i32 to index
      %swap3A_167 = arith.constant 32 : index
      %swap3A_168 = tpu.vector_load %arg10[%swap3A_166, %swap3A_167] {strides = array<i32>} : memref<64x128xf32, #tpu.memory_space<vmem>>, vector<16xf32>,
      tpu.vector_store %arg10[%swap3A_166, %swap3A_167], %broadcast_in_dim3A_165 {strides = array<i32>} : memref<64x128xf32, #tpu.memory_space<vmem>>, vector<16xf32>,
      %broadcast_in_dim3A_169 = arith.constant 0.000000e+00 : f32
      %broadcast_in_dim3A_170 = vector.broadcast %broadcast_in_dim3A_169 : f32 to vector<16xf32>
      %swap3A_171 = arith.index_cast %scan3A_154 : i32 to index
      %swap3A_172 = arith.constant 48 : index
      %swap3A_173 = tpu.vector_load %arg10[%swap3A_171, %swap3A_172] {strides = array<i32>} : memref<64x128xf32, #tpu.memory_space<vmem>>, vector<16xf32>,
      tpu.vector_store %arg10[%swap3A_171, %swap3A_172], %broadcast_in_dim3A_170 {strides = array<i32>} : memref<64x128xf32, #tpu.memory_space<vmem>>, vector<16xf32>,
      %broadcast_in_dim3A_174 = arith.constant 0.000000e+00 : f32
      %broadcast_in_dim3A_175 = vector.broadcast %broadcast_in_dim3A_174 : f32 to vector<16xf32>
      %swap3A_176 = arith.index_cast %scan3A_154 : i32 to index
      %swap3A_177 = arith.constant 64 : index
      %swap3A_178 = tpu.vector_load %arg10[%swap3A_176, %swap3A_177] {strides = array<i32>} : memref<64x128xf32, #tpu.memory_space<vmem>>, vector<16xf32>,
      tpu.vector_store %arg10[%swap3A_176, %swap3A_177], %broadcast_in_dim3A_175 {strides = array<i32>} : memref<64x128xf32, #tpu.memory_space<vmem>>, vector<16xf32>,
      %broadcast_in_dim3A_179 = arith.constant 0.000000e+00 : f32
      %broadcast_in_dim3A_180 = vector.broadcast %broadcast_in_dim3A_179 : f32 to vector<16xf32>
      %swap3A_181 = arith.index_cast %scan3A_154 : i32 to index
      %swap3A_182 = arith.constant 80 : index
      %swap3A_183 = tpu.vector_load %arg10[%swap3A_181, %swap3A_182] {strides = array<i32>} : memref<64x128xf32, #tpu.memory_space<vmem>>, vector<16xf32>,
      tpu.vector_store %arg10[%swap3A_181, %swap3A_182], %broadcast_in_dim3A_180 {strides = array<i32>} : memref<64x128xf32, #tpu.memory_space<vmem>>, vector<16xf32>,
      %broadcast_in_dim3A_184 = arith.constant 0.000000e+00 : f32
      %broadcast_in_dim3A_185 = vector.broadcast %broadcast_in_dim3A_184 : f32 to vector<16xf32>
      %swap3A_186 = arith.index_cast %scan3A_154 : i32 to index
      %swap3A_187 = arith.constant 96 : index
      %swap3A_188 = tpu.vector_load %arg10[%swap3A_186, %swap3A_187] {strides = array<i32>} : memref<64x128xf32, #tpu.memory_space<vmem>>, vector<16xf32>,
      tpu.vector_store %arg10[%swap3A_186, %swap3A_187], %broadcast_in_dim3A_185 {strides = array<i32>} : memref<64x128xf32, #tpu.memory_space<vmem>>, vector<16xf32>,
      %broadcast_in_dim3A_189 = arith.constant 0.000000e+00 : f32
      %broadcast_in_dim3A_190 = vector.broadcast %broadcast_in_dim3A_189 : f32 to vector<16xf32>
      %swap3A_191 = arith.index_cast %scan3A_154 : i32 to index
      %swap3A_192 = arith.constant 112 : index
      %swap3A_193 = tpu.vector_load %arg10[%swap3A_191, %swap3A_192] {strides = array<i32>} : memref<64x128xf32, #tpu.memory_space<vmem>>, vector<16xf32>,
      tpu.vector_store %arg10[%swap3A_191, %swap3A_192], %broadcast_in_dim3A_190 {strides = array<i32>} : memref<64x128xf32, #tpu.memory_space<vmem>>, vector<16xf32>,
    }
    %scan3A_5 = arith.constant 64 : i32
    %mul3A_6 = arith.constant 640 : i32
    %mul3A_7 = arith.muli %arg1, %mul3A_6 : i32
    %add3A_8 = arith.constant 0 : i32
    %add3A_9 = arith.addi %mul3A_7, %add3A_8 : i32
    "tpu.region"() ({
      %run_scoped3A = tpu.sem_alloc : memref<!tpu.dma_semaphore, #tpu.memory_space<semaphore_mem>>
      %dma_start3A_154 = arith.constant 0 : i32
      %dma_start3A_155 = tpu.memref_slice %arg18[%add3A_9, %dma_start3A_154] : memref<10240x128xf32, #tpu.memory_space<vmem_shared>> -> memref<64x128xf32, #tpu.memory_space<vmem_shared>>
      %dma_start3A_156 = arith.constant 0 : i32
      %dma_start3A_157 = tpu.memref_slice %arg18[%add3A_9, %dma_start3A_156] : memref<10240x128xf32, #tpu.memory_space<vmem_shared>> -> memref<64x128xf32, #tpu.memory_space<vmem_shared>>
      tpu.enqueue_dma source(%arg10 : memref<64x128xf32, #tpu.memory_space<vmem>>) target(%dma_start3A_157 : memref<64x128xf32, #tpu.memory_space<vmem_shared>>) target_semaphore(%run_scoped3A : memref<!tpu.dma_semaphore, #tpu.memory_space<semaphore_mem>>)
      %dma_wait3A_158 = arith.constant 0 : i32
      %dma_wait3A_159 = tpu.memref_slice %arg18[%add3A_9, %dma_wait3A_158] : memref<10240x128xf32, #tpu.memory_space<vmem_shared>> -> memref<64x128xf32, #tpu.memory_space<vmem_shared>>
      %dma_wait3A_160 = arith.constant 0 : i32
      %dma_wait3A_161 = tpu.memref_slice %arg18[%add3A_9, %dma_wait3A_160] : memref<10240x128xf32, #tpu.memory_space<vmem_shared>> -> memref<64x128xf32, #tpu.memory_space<vmem_shared>>
      tpu.wait_dma2 semaphore(%run_scoped3A : memref<!tpu.dma_semaphore, #tpu.memory_space<semaphore_mem>>) src(%arg10 : memref<64x128xf32, #tpu.memory_space<vmem>>) dst(%dma_wait3A_161 : memref<64x128xf32, #tpu.memory_space<vmem_shared>>)
      tpu.yield
    }) : () -> ()
    %mul3A_10 = arith.constant 640 : i32
    %mul3A_11 = arith.muli %arg1, %mul3A_10 : i32
    %add3A_12 = arith.constant 64 : i32
    %add3A_13 = arith.addi %mul3A_11, %add3A_12 : i32
    "tpu.region"() ({
      %run_scoped3A = tpu.sem_alloc : memref<!tpu.dma_semaphore, #tpu.memory_space<semaphore_mem>>
      %dma_start3A_154 = arith.constant 0 : i32
      %dma_start3A_155 = tpu.memref_slice %arg18[%add3A_13, %dma_start3A_154] : memref<10240x128xf32, #tpu.memory_space<vmem_shared>> -> memref<64x128xf32, #tpu.memory_space<vmem_shared>>
      %dma_start3A_156 = arith.constant 0 : i32
      %dma_start3A_157 = tpu.memref_slice %arg18[%add3A_13, %dma_start3A_156] : memref<10240x128xf32, #tpu.memory_space<vmem_shared>> -> memref<64x128xf32, #tpu.memory_space<vmem_shared>>
      tpu.enqueue_dma source(%arg10 : memref<64x128xf32, #tpu.memory_space<vmem>>) target(%dma_start3A_157 : memref<64x128xf32, #tpu.memory_space<vmem_shared>>) target_semaphore(%run_scoped3A : memref<!tpu.dma_semaphore, #tpu.memory_space<semaphore_mem>>)
      %dma_wait3A_158 = arith.constant 0 : i32
      %dma_wait3A_159 = tpu.memref_slice %arg18[%add3A_13, %dma_wait3A_158] : memref<10240x128xf32, #tpu.memory_space<vmem_shared>> -> memref<64x128xf32, #tpu.memory_space<vmem_shared>>
      %dma_wait3A_160 = arith.constant 0 : i32
      %dma_wait3A_161 = tpu.memref_slice %arg18[%add3A_13, %dma_wait3A_160] : memref<10240x128xf32, #tpu.memory_space<vmem_shared>> -> memref<64x128xf32, #tpu.memory_space<vmem_shared>>
      tpu.wait_dma2 semaphore(%run_scoped3A : memref<!tpu.dma_semaphore, #tpu.memory_space<semaphore_mem>>) src(%arg10 : memref<64x128xf32, #tpu.memory_space<vmem>>) dst(%dma_wait3A_161 : memref<64x128xf32, #tpu.memory_space<vmem_shared>>)
      tpu.yield
    }) : () -> ()
    %mul3A_14 = arith.constant 640 : i32
    %mul3A_15 = arith.muli %arg1, %mul3A_14 : i32
    %add3A_16 = arith.constant 128 : i32
    %add3A_17 = arith.addi %mul3A_15, %add3A_16 : i32
    "tpu.region"() ({
      %run_scoped3A = tpu.sem_alloc : memref<!tpu.dma_semaphore, #tpu.memory_space<semaphore_mem>>
      %dma_start3A_154 = arith.constant 0 : i32
      %dma_start3A_155 = tpu.memref_slice %arg18[%add3A_17, %dma_start3A_154] : memref<10240x128xf32, #tpu.memory_space<vmem_shared>> -> memref<64x128xf32, #tpu.memory_space<vmem_shared>>
      %dma_start3A_156 = arith.constant 0 : i32
      %dma_start3A_157 = tpu.memref_slice %arg18[%add3A_17, %dma_start3A_156] : memref<10240x128xf32, #tpu.memory_space<vmem_shared>> -> memref<64x128xf32, #tpu.memory_space<vmem_shared>>
      tpu.enqueue_dma source(%arg10 : memref<64x128xf32, #tpu.memory_space<vmem>>) target(%dma_start3A_157 : memref<64x128xf32, #tpu.memory_space<vmem_shared>>) target_semaphore(%run_scoped3A : memref<!tpu.dma_semaphore, #tpu.memory_space<semaphore_mem>>)
      %dma_wait3A_158 = arith.constant 0 : i32
      %dma_wait3A_159 = tpu.memref_slice %arg18[%add3A_17, %dma_wait3A_158] : memref<10240x128xf32, #tpu.memory_space<vmem_shared>> -> memref<64x128xf32, #tpu.memory_space<vmem_shared>>
      %dma_wait3A_160 = arith.constant 0 : i32
      %dma_wait3A_161 = tpu.memref_slice %arg18[%add3A_17, %dma_wait3A_160] : memref<10240x128xf32, #tpu.memory_space<vmem_shared>> -> memref<64x128xf32, #tpu.memory_space<vmem_shared>>
      tpu.wait_dma2 semaphore(%run_scoped3A : memref<!tpu.dma_semaphore, #tpu.memory_space<semaphore_mem>>) src(%arg10 : memref<64x128xf32, #tpu.memory_space<vmem>>) dst(%dma_wait3A_161 : memref<64x128xf32, #tpu.memory_space<vmem_shared>>)
      tpu.yield
    }) : () -> ()
    %mul3A_18 = arith.constant 640 : i32
    %mul3A_19 = arith.muli %arg1, %mul3A_18 : i32
    %add3A_20 = arith.constant 192 : i32
    %add3A_21 = arith.addi %mul3A_19, %add3A_20 : i32
    "tpu.region"() ({
      %run_scoped3A = tpu.sem_alloc : memref<!tpu.dma_semaphore, #tpu.memory_space<semaphore_mem>>
      %dma_start3A_154 = arith.constant 0 : i32
      %dma_start3A_155 = tpu.memref_slice %arg18[%add3A_21, %dma_start3A_154] : memref<10240x128xf32, #tpu.memory_space<vmem_shared>> -> memref<64x128xf32, #tpu.memory_space<vmem_shared>>
      %dma_start3A_156 = arith.constant 0 : i32
      %dma_start3A_157 = tpu.memref_slice %arg18[%add3A_21, %dma_start3A_156] : memref<10240x128xf32, #tpu.memory_space<vmem_shared>> -> memref<64x128xf32, #tpu.memory_space<vmem_shared>>
      tpu.enqueue_dma source(%arg10 : memref<64x128xf32, #tpu.memory_space<vmem>>) target(%dma_start3A_157 : memref<64x128xf32, #tpu.memory_space<vmem_shared>>) target_semaphore(%run_scoped3A : memref<!tpu.dma_semaphore, #tpu.memory_space<semaphore_mem>>)
      %dma_wait3A_158 = arith.constant 0 : i32
      %dma_wait3A_159 = tpu.memref_slice %arg18[%add3A_21, %dma_wait3A_158] : memref<10240x128xf32, #tpu.memory_space<vmem_shared>> -> memref<64x128xf32, #tpu.memory_space<vmem_shared>>
      %dma_wait3A_160 = arith.constant 0 : i32
      %dma_wait3A_161 = tpu.memref_slice %arg18[%add3A_21, %dma_wait3A_160] : memref<10240x128xf32, #tpu.memory_space<vmem_shared>> -> memref<64x128xf32, #tpu.memory_space<vmem_shared>>
      tpu.wait_dma2 semaphore(%run_scoped3A : memref<!tpu.dma_semaphore, #tpu.memory_space<semaphore_mem>>) src(%arg10 : memref<64x128xf32, #tpu.memory_space<vmem>>) dst(%dma_wait3A_161 : memref<64x128xf32, #tpu.memory_space<vmem_shared>>)
      tpu.yield
    }) : () -> ()
    %mul3A_22 = arith.constant 640 : i32
    %mul3A_23 = arith.muli %arg1, %mul3A_22 : i32
    %add3A_24 = arith.constant 256 : i32
    %add3A_25 = arith.addi %mul3A_23, %add3A_24 : i32
    "tpu.region"() ({
      %run_scoped3A = tpu.sem_alloc : memref<!tpu.dma_semaphore, #tpu.memory_space<semaphore_mem>>
      %dma_start3A_154 = arith.constant 0 : i32
      %dma_start3A_155 = tpu.memref_slice %arg18[%add3A_25, %dma_start3A_154] : memref<10240x128xf32, #tpu.memory_space<vmem_shared>> -> memref<64x128xf32, #tpu.memory_space<vmem_shared>>
      %dma_start3A_156 = arith.constant 0 : i32
      %dma_start3A_157 = tpu.memref_slice %arg18[%add3A_25, %dma_start3A_156] : memref<10240x128xf32, #tpu.memory_space<vmem_shared>> -> memref<64x128xf32, #tpu.memory_space<vmem_shared>>
      tpu.enqueue_dma source(%arg10 : memref<64x128xf32, #tpu.memory_space<vmem>>) target(%dma_start3A_157 : memref<64x128xf32, #tpu.memory_space<vmem_shared>>) target_semaphore(%run_scoped3A : memref<!tpu.dma_semaphore, #tpu.memory_space<semaphore_mem>>)
      %dma_wait3A_158 = arith.constant 0 : i32
      %dma_wait3A_159 = tpu.memref_slice %arg18[%add3A_25, %dma_wait3A_158] : memref<10240x128xf32, #tpu.memory_space<vmem_shared>> -> memref<64x128xf32, #tpu.memory_space<vmem_shared>>
      %dma_wait3A_160 = arith.constant 0 : i32
      %dma_wait3A_161 = tpu.memref_slice %arg18[%add3A_25, %dma_wait3A_160] : memref<10240x128xf32, #tpu.memory_space<vmem_shared>> -> memref<64x128xf32, #tpu.memory_space<vmem_shared>>
      tpu.wait_dma2 semaphore(%run_scoped3A : memref<!tpu.dma_semaphore, #tpu.memory_space<semaphore_mem>>) src(%arg10 : memref<64x128xf32, #tpu.memory_space<vmem>>) dst(%dma_wait3A_161 : memref<64x128xf32, #tpu.memory_space<vmem_shared>>)
      tpu.yield
    }) : () -> ()
    %mul3A_26 = arith.constant 640 : i32
    %mul3A_27 = arith.muli %arg1, %mul3A_26 : i32
    %add3A_28 = arith.constant 320 : i32
    %add3A_29 = arith.addi %mul3A_27, %add3A_28 : i32
    "tpu.region"() ({
      %run_scoped3A = tpu.sem_alloc : memref<!tpu.dma_semaphore, #tpu.memory_space<semaphore_mem>>
      %dma_start3A_154 = arith.constant 0 : i32
      %dma_start3A_155 = tpu.memref_slice %arg18[%add3A_29, %dma_start3A_154] : memref<10240x128xf32, #tpu.memory_space<vmem_shared>> -> memref<64x128xf32, #tpu.memory_space<vmem_shared>>
      %dma_start3A_156 = arith.constant 0 : i32
      %dma_start3A_157 = tpu.memref_slice %arg18[%add3A_29, %dma_start3A_156] : memref<10240x128xf32, #tpu.memory_space<vmem_shared>> -> memref<64x128xf32, #tpu.memory_space<vmem_shared>>
      tpu.enqueue_dma source(%arg10 : memref<64x128xf32, #tpu.memory_space<vmem>>) target(%dma_start3A_157 : memref<64x128xf32, #tpu.memory_space<vmem_shared>>) target_semaphore(%run_scoped3A : memref<!tpu.dma_semaphore, #tpu.memory_space<semaphore_mem>>)
      %dma_wait3A_158 = arith.constant 0 : i32
      %dma_wait3A_159 = tpu.memref_slice %arg18[%add3A_29, %dma_wait3A_158] : memref<10240x128xf32, #tpu.memory_space<vmem_shared>> -> memref<64x128xf32, #tpu.memory_space<vmem_shared>>
      %dma_wait3A_160 = arith.constant 0 : i32
      %dma_wait3A_161 = tpu.memref_slice %arg18[%add3A_29, %dma_wait3A_160] : memref<10240x128xf32, #tpu.memory_space<vmem_shared>> -> memref<64x128xf32, #tpu.memory_space<vmem_shared>>
      tpu.wait_dma2 semaphore(%run_scoped3A : memref<!tpu.dma_semaphore, #tpu.memory_space<semaphore_mem>>) src(%arg10 : memref<64x128xf32, #tpu.memory_space<vmem>>) dst(%dma_wait3A_161 : memref<64x128xf32, #tpu.memory_space<vmem_shared>>)
      tpu.yield
    }) : () -> ()
    %mul3A_30 = arith.constant 640 : i32
    %mul3A_31 = arith.muli %arg1, %mul3A_30 : i32
    %add3A_32 = arith.constant 384 : i32
    %add3A_33 = arith.addi %mul3A_31, %add3A_32 : i32
    "tpu.region"() ({
      %run_scoped3A = tpu.sem_alloc : memref<!tpu.dma_semaphore, #tpu.memory_space<semaphore_mem>>
      %dma_start3A_154 = arith.constant 0 : i32
      %dma_start3A_155 = tpu.memref_slice %arg18[%add3A_33, %dma_start3A_154] : memref<10240x128xf32, #tpu.memory_space<vmem_shared>> -> memref<64x128xf32, #tpu.memory_space<vmem_shared>>
      %dma_start3A_156 = arith.constant 0 : i32
      %dma_start3A_157 = tpu.memref_slice %arg18[%add3A_33, %dma_start3A_156] : memref<10240x128xf32, #tpu.memory_space<vmem_shared>> -> memref<64x128xf32, #tpu.memory_space<vmem_shared>>
      tpu.enqueue_dma source(%arg10 : memref<64x128xf32, #tpu.memory_space<vmem>>) target(%dma_start3A_157 : memref<64x128xf32, #tpu.memory_space<vmem_shared>>) target_semaphore(%run_scoped3A : memref<!tpu.dma_semaphore, #tpu.memory_space<semaphore_mem>>)
      %dma_wait3A_158 = arith.constant 0 : i32
      %dma_wait3A_159 = tpu.memref_slice %arg18[%add3A_33, %dma_wait3A_158] : memref<10240x128xf32, #tpu.memory_space<vmem_shared>> -> memref<64x128xf32, #tpu.memory_space<vmem_shared>>
      %dma_wait3A_160 = arith.constant 0 : i32
      %dma_wait3A_161 = tpu.memref_slice %arg18[%add3A_33, %dma_wait3A_160] : memref<10240x128xf32, #tpu.memory_space<vmem_shared>> -> memref<64x128xf32, #tpu.memory_space<vmem_shared>>
      tpu.wait_dma2 semaphore(%run_scoped3A : memref<!tpu.dma_semaphore, #tpu.memory_space<semaphore_mem>>) src(%arg10 : memref<64x128xf32, #tpu.memory_space<vmem>>) dst(%dma_wait3A_161 : memref<64x128xf32, #tpu.memory_space<vmem_shared>>)
      tpu.yield
    }) : () -> ()
    %mul3A_34 = arith.constant 640 : i32
    %mul3A_35 = arith.muli %arg1, %mul3A_34 : i32
    %add3A_36 = arith.constant 448 : i32
    %add3A_37 = arith.addi %mul3A_35, %add3A_36 : i32
    "tpu.region"() ({
      %run_scoped3A = tpu.sem_alloc : memref<!tpu.dma_semaphore, #tpu.memory_space<semaphore_mem>>
      %dma_start3A_154 = arith.constant 0 : i32
      %dma_start3A_155 = tpu.memref_slice %arg18[%add3A_37, %dma_start3A_154] : memref<10240x128xf32, #tpu.memory_space<vmem_shared>> -> memref<64x128xf32, #tpu.memory_space<vmem_shared>>
      %dma_start3A_156 = arith.constant 0 : i32
      %dma_start3A_157 = tpu.memref_slice %arg18[%add3A_37, %dma_start3A_156] : memref<10240x128xf32, #tpu.memory_space<vmem_shared>> -> memref<64x128xf32, #tpu.memory_space<vmem_shared>>
      tpu.enqueue_dma source(%arg10 : memref<64x128xf32, #tpu.memory_space<vmem>>) target(%dma_start3A_157 : memref<64x128xf32, #tpu.memory_space<vmem_shared>>) target_semaphore(%run_scoped3A : memref<!tpu.dma_semaphore, #tpu.memory_space<semaphore_mem>>)
      %dma_wait3A_158 = arith.constant 0 : i32
      %dma_wait3A_159 = tpu.memref_slice %arg18[%add3A_37, %dma_wait3A_158] : memref<10240x128xf32, #tpu.memory_space<vmem_shared>> -> memref<64x128xf32, #tpu.memory_space<vmem_shared>>
      %dma_wait3A_160 = arith.constant 0 : i32
      %dma_wait3A_161 = tpu.memref_slice %arg18[%add3A_37, %dma_wait3A_160] : memref<10240x128xf32, #tpu.memory_space<vmem_shared>> -> memref<64x128xf32, #tpu.memory_space<vmem_shared>>
      tpu.wait_dma2 semaphore(%run_scoped3A : memref<!tpu.dma_semaphore, #tpu.memory_space<semaphore_mem>>) src(%arg10 : memref<64x128xf32, #tpu.memory_space<vmem>>) dst(%dma_wait3A_161 : memref<64x128xf32, #tpu.memory_space<vmem_shared>>)
      tpu.yield
    }) : () -> ()
    %mul3A_38 = arith.constant 640 : i32
    %mul3A_39 = arith.muli %arg1, %mul3A_38 : i32
    %add3A_40 = arith.constant 512 : i32
    %add3A_41 = arith.addi %mul3A_39, %add3A_40 : i32
    "tpu.region"() ({
      %run_scoped3A = tpu.sem_alloc : memref<!tpu.dma_semaphore, #tpu.memory_space<semaphore_mem>>
      %dma_start3A_154 = arith.constant 0 : i32
      %dma_start3A_155 = tpu.memref_slice %arg18[%add3A_41, %dma_start3A_154] : memref<10240x128xf32, #tpu.memory_space<vmem_shared>> -> memref<64x128xf32, #tpu.memory_space<vmem_shared>>
      %dma_start3A_156 = arith.constant 0 : i32
      %dma_start3A_157 = tpu.memref_slice %arg18[%add3A_41, %dma_start3A_156] : memref<10240x128xf32, #tpu.memory_space<vmem_shared>> -> memref<64x128xf32, #tpu.memory_space<vmem_shared>>
      tpu.enqueue_dma source(%arg10 : memref<64x128xf32, #tpu.memory_space<vmem>>) target(%dma_start3A_157 : memref<64x128xf32, #tpu.memory_space<vmem_shared>>) target_semaphore(%run_scoped3A : memref<!tpu.dma_semaphore, #tpu.memory_space<semaphore_mem>>)
      %dma_wait3A_158 = arith.constant 0 : i32
      %dma_wait3A_159 = tpu.memref_slice %arg18[%add3A_41, %dma_wait3A_158] : memref<10240x128xf32, #tpu.memory_space<vmem_shared>> -> memref<64x128xf32, #tpu.memory_space<vmem_shared>>
      %dma_wait3A_160 = arith.constant 0 : i32
      %dma_wait3A_161 = tpu.memref_slice %arg18[%add3A_41, %dma_wait3A_160] : memref<10240x128xf32, #tpu.memory_space<vmem_shared>> -> memref<64x128xf32, #tpu.memory_space<vmem_shared>>
      tpu.wait_dma2 semaphore(%run_scoped3A : memref<!tpu.dma_semaphore, #tpu.memory_space<semaphore_mem>>) src(%arg10 : memref<64x128xf32, #tpu.memory_space<vmem>>) dst(%dma_wait3A_161 : memref<64x128xf32, #tpu.memory_space<vmem_shared>>)
      tpu.yield
    }) : () -> ()
    %mul3A_42 = arith.constant 640 : i32
    %mul3A_43 = arith.muli %arg1, %mul3A_42 : i32
    %add3A_44 = arith.constant 576 : i32
    %add3A_45 = arith.addi %mul3A_43, %add3A_44 : i32
    "tpu.region"() ({
      %run_scoped3A = tpu.sem_alloc : memref<!tpu.dma_semaphore, #tpu.memory_space<semaphore_mem>>
      %dma_start3A_154 = arith.constant 0 : i32
      %dma_start3A_155 = tpu.memref_slice %arg18[%add3A_45, %dma_start3A_154] : memref<10240x128xf32, #tpu.memory_space<vmem_shared>> -> memref<64x128xf32, #tpu.memory_space<vmem_shared>>
      %dma_start3A_156 = arith.constant 0 : i32
      %dma_start3A_157 = tpu.memref_slice %arg18[%add3A_45, %dma_start3A_156] : memref<10240x128xf32, #tpu.memory_space<vmem_shared>> -> memref<64x128xf32, #tpu.memory_space<vmem_shared>>
      tpu.enqueue_dma source(%arg10 : memref<64x128xf32, #tpu.memory_space<vmem>>) target(%dma_start3A_157 : memref<64x128xf32, #tpu.memory_space<vmem_shared>>) target_semaphore(%run_scoped3A : memref<!tpu.dma_semaphore, #tpu.memory_space<semaphore_mem>>)
      %dma_wait3A_158 = arith.constant 0 : i32
      %dma_wait3A_159 = tpu.memref_slice %arg18[%add3A_45, %dma_wait3A_158] : memref<10240x128xf32, #tpu.memory_space<vmem_shared>> -> memref<64x128xf32, #tpu.memory_space<vmem_shared>>
      %dma_wait3A_160 = arith.constant 0 : i32
      %dma_wait3A_161 = tpu.memref_slice %arg18[%add3A_45, %dma_wait3A_160] : memref<10240x128xf32, #tpu.memory_space<vmem_shared>> -> memref<64x128xf32, #tpu.memory_space<vmem_shared>>
      tpu.wait_dma2 semaphore(%run_scoped3A : memref<!tpu.dma_semaphore, #tpu.memory_space<semaphore_mem>>) src(%arg10 : memref<64x128xf32, #tpu.memory_space<vmem>>) dst(%dma_wait3A_161 : memref<64x128xf32, #tpu.memory_space<vmem_shared>>)
      tpu.yield
    }) : () -> ()
    "tpu.region"() ({
      %run_scoped3A = tpu.sem_alloc : memref<!tpu.dma_semaphore, #tpu.memory_space<semaphore_mem>>
      %dma_start3A_154 = arith.constant 0 : i32
      %dma_start3A_155 = tpu.memref_slice %arg3[%add3A, %dma_start3A_154] : memref<32x10240xi32, #tpu.memory_space<hbm>> -> memref<1x10240xi32, #tpu.memory_space<hbm>>
      %dma_start3A_156 = tpu.memref_squeeze %dma_start3A_155 : memref<1x10240xi32, #tpu.memory_space<hbm>> -> memref<10240xi32, #tpu.memory_space<hbm>>
      %dma_start3A_157 = arith.constant 0 : i32
      %dma_start3A_158 = tpu.memref_slice %arg3[%add3A, %dma_start3A_157] : memref<32x10240xi32, #tpu.memory_space<hbm>> -> memref<1x10240xi32, #tpu.memory_space<hbm>>
      %dma_start3A_159 = tpu.memref_squeeze %dma_start3A_158 : memref<1x10240xi32, #tpu.memory_space<hbm>> -> memref<10240xi32, #tpu.memory_space<hbm>>
      tpu.enqueue_dma source(%dma_start3A_159 : memref<10240xi32, #tpu.memory_space<hbm>>) target(%arg5 : memref<10240xi32, #tpu.memory_space<vmem>>) target_semaphore(%run_scoped3A : memref<!tpu.dma_semaphore, #tpu.memory_space<semaphore_mem>>)
      %dma_wait3A_160 = arith.constant 0 : i32
      %dma_wait3A_161 = tpu.memref_slice %arg3[%add3A, %dma_wait3A_160] : memref<32x10240xi32, #tpu.memory_space<hbm>> -> memref<1x10240xi32, #tpu.memory_space<hbm>>
      %dma_wait3A_162 = tpu.memref_squeeze %dma_wait3A_161 : memref<1x10240xi32, #tpu.memory_space<hbm>> -> memref<10240xi32, #tpu.memory_space<hbm>>
      %dma_wait3A_163 = arith.constant 0 : i32
      %dma_wait3A_164 = tpu.memref_slice %arg3[%add3A, %dma_wait3A_163] : memref<32x10240xi32, #tpu.memory_space<hbm>> -> memref<1x10240xi32, #tpu.memory_space<hbm>>
      %dma_wait3A_165 = tpu.memref_squeeze %dma_wait3A_164 : memref<1x10240xi32, #tpu.memory_space<hbm>> -> memref<10240xi32, #tpu.memory_space<hbm>>
      tpu.wait_dma2 semaphore(%run_scoped3A : memref<!tpu.dma_semaphore, #tpu.memory_space<semaphore_mem>>) src(%dma_wait3A_165 : memref<10240xi32, #tpu.memory_space<hbm>>) dst(%arg5 : memref<10240xi32, #tpu.memory_space<vmem>>)
      tpu.yield
    }) : () -> ()
    %barrier3A = arith.constant 0 : index
    tpu.barrier barrier_id(%barrier3A)
    %get3A = arith.constant 0 : index
    %get3A_46 = tpu.vector_load %arg5[%get3A] {strides = array<i32>} : memref<10240xi32, #tpu.memory_space<vmem>>, vector<16xi32>,
    %and3A = arith.constant 65535 : i32
    %and3A_47 = vector.broadcast %and3A : i32 to vector<16xi32>
    %and3A_48 = arith.andi %get3A_46, %and3A_47 : vector<16xi32>
    %swap3A = arith.constant 0 : index
    %swap3A_49 = tpu.vector_load %arg12[%swap3A] {strides = array<i32>} : memref<64xi32, #tpu.memory_space<vmem>>, vector<16xi32>,
    tpu.vector_store %arg12[%swap3A], %and3A_48 {strides = array<i32>} : memref<64xi32, #tpu.memory_space<vmem>>, vector<16xi32>,
    %get3A_50 = arith.constant 16 : index
    %get3A_51 = tpu.vector_load %arg5[%get3A_50] {strides = array<i32>} : memref<10240xi32, #tpu.memory_space<vmem>>, vector<16xi32>,
    %and3A_52 = arith.constant 65535 : i32
    %and3A_53 = vector.broadcast %and3A_52 : i32 to vector<16xi32>
    %and3A_54 = arith.andi %get3A_51, %and3A_53 : vector<16xi32>
    %swap3A_55 = arith.constant 16 : index
    %swap3A_56 = tpu.vector_load %arg12[%swap3A_55] {strides = array<i32>} : memref<64xi32, #tpu.memory_space<vmem>>, vector<16xi32>,
    tpu.vector_store %arg12[%swap3A_55], %and3A_54 {strides = array<i32>} : memref<64xi32, #tpu.memory_space<vmem>>, vector<16xi32>,
    %get3A_57 = arith.constant 32 : index
    %get3A_58 = tpu.vector_load %arg5[%get3A_57] {strides = array<i32>} : memref<10240xi32, #tpu.memory_space<vmem>>, vector<16xi32>,
    %and3A_59 = arith.constant 65535 : i32
    %and3A_60 = vector.broadcast %and3A_59 : i32 to vector<16xi32>
    %and3A_61 = arith.andi %get3A_58, %and3A_60 : vector<16xi32>
    %swap3A_62 = arith.constant 32 : index
    %swap3A_63 = tpu.vector_load %arg12[%swap3A_62] {strides = array<i32>} : memref<64xi32, #tpu.memory_space<vmem>>, vector<16xi32>,
    tpu.vector_store %arg12[%swap3A_62], %and3A_61 {strides = array<i32>} : memref<64xi32, #tpu.memory_space<vmem>>, vector<16xi32>,
    %get3A_64 = arith.constant 48 : index
    %get3A_65 = tpu.vector_load %arg5[%get3A_64] {strides = array<i32>} : memref<10240xi32, #tpu.memory_space<vmem>>, vector<16xi32>,
    %and3A_66 = arith.constant 65535 : i32
    %and3A_67 = vector.broadcast %and3A_66 : i32 to vector<16xi32>
    %and3A_68 = arith.andi %get3A_65, %and3A_67 : vector<16xi32>
    %swap3A_69 = arith.constant 48 : index
    %swap3A_70 = tpu.vector_load %arg12[%swap3A_69] {strides = array<i32>} : memref<64xi32, #tpu.memory_space<vmem>>, vector<16xi32>,
    tpu.vector_store %arg12[%swap3A_69], %and3A_68 {strides = array<i32>} : memref<64xi32, #tpu.memory_space<vmem>>, vector<16xi32>,
    %dma_start3A = arith.constant 0 : i32
    %dma_start3A_71 = arith.constant 0 : i32
    %dma_start3A_72 = tpu.memref_slice %arg2[%dma_start3A, %dma_start3A_71] : memref<10240x64xi32, #tpu.memory_space<hbm>> -> memref<10240x64xi32, #tpu.memory_space<hbm>>
    tpu.enqueue_indirect_dma source(%dma_start3A_72 : memref<10240x64xi32, #tpu.memory_space<hbm>>) target(%arg6 : memref<64x64xi32, #tpu.memory_space<vmem>>) offsets(%arg12 : memref<64xi32, #tpu.memory_space<vmem>>) semaphore(%arg19 : memref<!tpu.dma_semaphore, #tpu.memory_space<semaphore_mem>>)
    %get3A_73 = arith.constant 64 : index
    %get3A_74 = tpu.vector_load %arg5[%get3A_73] {strides = array<i32>} : memref<10240xi32, #tpu.memory_space<vmem>>, vector<16xi32>,
    %and3A_75 = arith.constant 65535 : i32
    %and3A_76 = vector.broadcast %and3A_75 : i32 to vector<16xi32>
    %and3A_77 = arith.andi %get3A_74, %and3A_76 : vector<16xi32>
    %swap3A_78 = arith.constant 0 : index
    %swap3A_79 = tpu.vector_load %arg13[%swap3A_78] {strides = array<i32>} : memref<64xi32, #tpu.memory_space<vmem>>, vector<16xi32>,
    tpu.vector_store %arg13[%swap3A_78], %and3A_77 {strides = array<i32>} : memref<64xi32, #tpu.memory_space<vmem>>, vector<16xi32>,
    %get3A_80 = arith.constant 80 : index
    %get3A_81 = tpu.vector_load %arg5[%get3A_80] {strides = array<i32>} : memref<10240xi32, #tpu.memory_space<vmem>>, vector<16xi32>,
    %and3A_82 = arith.constant 65535 : i32
    %and3A_83 = vector.broadcast %and3A_82 : i32 to vector<16xi32>
    %and3A_84 = arith.andi %get3A_81, %and3A_83 : vector<16xi32>
    %swap3A_85 = arith.constant 16 : index
    %swap3A_86 = tpu.vector_load %arg13[%swap3A_85] {strides = array<i32>} : memref<64xi32, #tpu.memory_space<vmem>>, vector<16xi32>,
    tpu.vector_store %arg13[%swap3A_85], %and3A_84 {strides = array<i32>} : memref<64xi32, #tpu.memory_space<vmem>>, vector<16xi32>,
    %get3A_87 = arith.constant 96 : index
    %get3A_88 = tpu.vector_load %arg5[%get3A_87] {strides = array<i32>} : memref<10240xi32, #tpu.memory_space<vmem>>, vector<16xi32>,
    %and3A_89 = arith.constant 65535 : i32
    %and3A_90 = vector.broadcast %and3A_89 : i32 to vector<16xi32>
    %and3A_91 = arith.andi %get3A_88, %and3A_90 : vector<16xi32>
    %swap3A_92 = arith.constant 32 : index
    %swap3A_93 = tpu.vector_load %arg13[%swap3A_92] {strides = array<i32>} : memref<64xi32, #tpu.memory_space<vmem>>, vector<16xi32>,
    tpu.vector_store %arg13[%swap3A_92], %and3A_91 {strides = array<i32>} : memref<64xi32, #tpu.memory_space<vmem>>, vector<16xi32>,
    %get3A_94 = arith.constant 112 : index
    %get3A_95 = tpu.vector_load %arg5[%get3A_94] {strides = array<i32>} : memref<10240xi32, #tpu.memory_space<vmem>>, vector<16xi32>,
    %and3A_96 = arith.constant 65535 : i32
    %and3A_97 = vector.broadcast %and3A_96 : i32 to vector<16xi32>
    %and3A_98 = arith.andi %get3A_95, %and3A_97 : vector<16xi32>
    %swap3A_99 = arith.constant 48 : index
    %swap3A_100 = tpu.vector_load %arg13[%swap3A_99] {strides = array<i32>} : memref<64xi32, #tpu.memory_space<vmem>>, vector<16xi32>,
    tpu.vector_store %arg13[%swap3A_99], %and3A_98 {strides = array<i32>} : memref<64xi32, #tpu.memory_space<vmem>>, vector<16xi32>,
    %dma_start3A_101 = arith.constant 0 : i32
    %dma_start3A_102 = arith.constant 0 : i32
    %dma_start3A_103 = tpu.memref_slice %arg2[%dma_start3A_101, %dma_start3A_102] : memref<10240x64xi32, #tpu.memory_space<hbm>> -> memref<10240x64xi32, #tpu.memory_space<hbm>>
    tpu.enqueue_indirect_dma source(%dma_start3A_103 : memref<10240x64xi32, #tpu.memory_space<hbm>>) target(%arg7 : memref<64x64xi32, #tpu.memory_space<vmem>>) offsets(%arg13 : memref<64xi32, #tpu.memory_space<vmem>>) semaphore(%arg20 : memref<!tpu.dma_semaphore, #tpu.memory_space<semaphore_mem>>)
    %get3A_104 = arith.constant 128 : index
    %get3A_105 = tpu.vector_load %arg5[%get3A_104] {strides = array<i32>} : memref<10240xi32, #tpu.memory_space<vmem>>, vector<16xi32>,
    %and3A_106 = arith.constant 65535 : i32
    %and3A_107 = vector.broadcast %and3A_106 : i32 to vector<16xi32>
    %and3A_108 = arith.andi %get3A_105, %and3A_107 : vector<16xi32>
    %swap3A_109 = arith.constant 0 : index
    %swap3A_110 = tpu.vector_load %arg14[%swap3A_109] {strides = array<i32>} : memref<64xi32, #tpu.memory_space<vmem>>, vector<16xi32>,
    tpu.vector_store %arg14[%swap3A_109], %and3A_108 {strides = array<i32>} : memref<64xi32, #tpu.memory_space<vmem>>, vector<16xi32>,
    %get3A_111 = arith.constant 144 : index
    %get3A_112 = tpu.vector_load %arg5[%get3A_111] {strides = array<i32>} : memref<10240xi32, #tpu.memory_space<vmem>>, vector<16xi32>,
    %and3A_113 = arith.constant 65535 : i32
    %and3A_114 = vector.broadcast %and3A_113 : i32 to vector<16xi32>
    %and3A_115 = arith.andi %get3A_112, %and3A_114 : vector<16xi32>
    %swap3A_116 = arith.constant 16 : index
    %swap3A_117 = tpu.vector_load %arg14[%swap3A_116] {strides = array<i32>} : memref<64xi32, #tpu.memory_space<vmem>>, vector<16xi32>,
    tpu.vector_store %arg14[%swap3A_116], %and3A_115 {strides = array<i32>} : memref<64xi32, #tpu.memory_space<vmem>>, vector<16xi32>,
    %get3A_118 = arith.constant 160 : index
    %get3A_119 = tpu.vector_load %arg5[%get3A_118] {strides = array<i32>} : memref<10240xi32, #tpu.memory_space<vmem>>, vector<16xi32>,
    %and3A_120 = arith.constant 65535 : i32
    %and3A_121 = vector.broadcast %and3A_120 : i32 to vector<16xi32>
    %and3A_122 = arith.andi %get3A_119, %and3A_121 : vector<16xi32>
    %swap3A_123 = arith.constant 32 : index
    %swap3A_124 = tpu.vector_load %arg14[%swap3A_123] {strides = array<i32>} : memref<64xi32, #tpu.memory_space<vmem>>, vector<16xi32>,
    tpu.vector_store %arg14[%swap3A_123], %and3A_122 {strides = array<i32>} : memref<64xi32, #tpu.memory_space<vmem>>, vector<16xi32>,
    %get3A_125 = arith.constant 176 : index
    %get3A_126 = tpu.vector_load %arg5[%get3A_125] {strides = array<i32>} : memref<10240xi32, #tpu.memory_space<vmem>>, vector<16xi32>,
    %and3A_127 = arith.constant 65535 : i32
    %and3A_128 = vector.broadcast %and3A_127 : i32 to vector<16xi32>
    %and3A_129 = arith.andi %get3A_126, %and3A_128 : vector<16xi32>
    %swap3A_130 = arith.constant 48 : index
    %swap3A_131 = tpu.vector_load %arg14[%swap3A_130] {strides = array<i32>} : memref<64xi32, #tpu.memory_space<vmem>>, vector<16xi32>,
    tpu.vector_store %arg14[%swap3A_130], %and3A_129 {strides = array<i32>} : memref<64xi32, #tpu.memory_space<vmem>>, vector<16xi32>,
    %dma_start3A_132 = arith.constant 0 : i32
    %dma_start3A_133 = arith.constant 0 : i32
    %dma_start3A_134 = tpu.memref_slice %arg2[%dma_start3A_132, %dma_start3A_133] : memref<10240x64xi32, #tpu.memory_space<hbm>> -> memref<10240x64xi32, #tpu.memory_space<hbm>>
    tpu.enqueue_indirect_dma source(%dma_start3A_134 : memref<10240x64xi32, #tpu.memory_space<hbm>>) target(%arg8 : memref<64x64xi32, #tpu.memory_space<vmem>>) offsets(%arg14 : memref<64xi32, #tpu.memory_space<vmem>>) semaphore(%arg21 : memref<!tpu.dma_semaphore, #tpu.memory_space<semaphore_mem>>)
    %scan3A_135 = arith.constant 0 : i32
    %scan3A_136 = arith.constant 0 : i32
    %scan3A_137 = arith.constant 40 : i32
    %scan3A_138 = arith.addi %scan3A_136, %scan3A_137 : i32
    %scan3A_139 = arith.constant 1 : i32
    scf.for %scan3A_154 = %scan3A_136 to %scan3A_138 step %scan3A_139  : i32 {
      %mul3A_155 = arith.constant 4 : i32
      %mul3A_156 = arith.muli %mul3A_155, %scan3A_154 : i32
      %add3A_157 = arith.constant 0 : i32
      %add3A_158 = arith.addi %mul3A_156, %add3A_157 : i32
      %dma_wait3A_159 = arith.constant 0 : i32
      %dma_wait3A_160 = arith.constant 0 : i32
      %dma_wait3A_161 = tpu.memref_slice %arg2[%dma_wait3A_159, %dma_wait3A_160] : memref<10240x64xi32, #tpu.memory_space<hbm>> -> memref<10240x64xi32, #tpu.memory_space<hbm>>
      tpu.wait_indirect_dma semaphore(%arg19 : memref<!tpu.dma_semaphore, #tpu.memory_space<semaphore_mem>>) src(%dma_wait3A_161 : memref<10240x64xi32, #tpu.memory_space<hbm>>) dst(%arg6 : memref<64x64xi32, #tpu.memory_space<vmem>>)
      %ge3A = arith.constant 2 : i32
      %ge3A_162 = arith.cmpi sge, %add3A_158, %ge3A : i32
      %convert_element_type3A = arith.extui %ge3A_162 : i1 to i32
      %cond3A = arith.constant 0 : i32
      %cond3A_163 = arith.cmpi ne, %convert_element_type3A, %cond3A : i32
      scf.if %cond3A_163 {
        %dma_wait3A_438 = arith.constant 0 : i32
        %dma_wait3A_439 = arith.constant 0 : i32
        %dma_wait3A_440 = tpu.memref_slice %arg18[%dma_wait3A_438, %dma_wait3A_439] : memref<10240x128xf32, #tpu.memory_space<vmem_shared>> -> memref<10240x128xf32, #tpu.memory_space<vmem_shared>>
        tpu.wait_indirect_dma semaphore(%arg23 : memref<!tpu.dma_semaphore, #tpu.memory_space<semaphore_mem>>) src(%arg10 : memref<64x128xf32, #tpu.memory_space<vmem>>) dst(%dma_wait3A_440 : memref<10240x128xf32, #tpu.memory_space<vmem_shared>>)
      } else {
      }
      %mul3A_164 = arith.constant 64 : i32
      %mul3A_165 = arith.muli %add3A_158, %mul3A_164 : i32
      %add3A_166 = arith.constant 0 : i32
      %add3A_167 = arith.addi %mul3A_165, %add3A_166 : i32
      %get3A_168 = arith.index_cast %add3A_167 : i32 to index
      %get3A_169 = tpu.vector_load %arg5[%get3A_168] {strides = array<i32>} : memref<10240xi32, #tpu.memory_space<vmem>>, vector<16xi32>,
      %shift_right_logical3A = arith.constant 16 : i32
      %shift_right_logical3A_170 = vector.broadcast %shift_right_logical3A : i32 to vector<16xi32>
      %shift_right_logical3A_171 = arith.shrui %get3A_169, %shift_right_logical3A_170 : vector<16xi32>
      %swap3A_172 = arith.constant 0 : index
      %swap3A_173 = tpu.vector_load %arg16[%swap3A_172] {strides = array<i32>} : memref<64xi32, #tpu.memory_space<vmem>>, vector<16xi32>,
      tpu.vector_store %arg16[%swap3A_172], %shift_right_logical3A_171 {strides = array<i32>} : memref<64xi32, #tpu.memory_space<vmem>>, vector<16xi32>,
      %mul3A_174 = arith.constant 64 : i32
      %mul3A_175 = arith.muli %add3A_158, %mul3A_174 : i32
      %add3A_176 = arith.constant 16 : i32
      %add3A_177 = arith.addi %mul3A_175, %add3A_176 : i32
      %get3A_178 = arith.index_cast %add3A_177 : i32 to index
      %get3A_179 = tpu.vector_load %arg5[%get3A_178] {strides = array<i32>} : memref<10240xi32, #tpu.memory_space<vmem>>, vector<16xi32>,
      %shift_right_logical3A_180 = arith.constant 16 : i32
      %shift_right_logical3A_181 = vector.broadcast %shift_right_logical3A_180 : i32 to vector<16xi32>
      %shift_right_logical3A_182 = arith.shrui %get3A_179, %shift_right_logical3A_181 : vector<16xi32>
      %swap3A_183 = arith.constant 16 : index
      %swap3A_184 = tpu.vector_load %arg16[%swap3A_183] {strides = array<i32>} : memref<64xi32, #tpu.memory_space<vmem>>, vector<16xi32>,
      tpu.vector_store %arg16[%swap3A_183], %shift_right_logical3A_182 {strides = array<i32>} : memref<64xi32, #tpu.memory_space<vmem>>, vector<16xi32>,
      %mul3A_185 = arith.constant 64 : i32
      %mul3A_186 = arith.muli %add3A_158, %mul3A_185 : i32
      %add3A_187 = arith.constant 32 : i32
      %add3A_188 = arith.addi %mul3A_186, %add3A_187 : i32
      %get3A_189 = arith.index_cast %add3A_188 : i32 to index
      %get3A_190 = tpu.vector_load %arg5[%get3A_189] {strides = array<i32>} : memref<10240xi32, #tpu.memory_space<vmem>>, vector<16xi32>,
      %shift_right_logical3A_191 = arith.constant 16 : i32
      %shift_right_logical3A_192 = vector.broadcast %shift_right_logical3A_191 : i32 to vector<16xi32>
      %shift_right_logical3A_193 = arith.shrui %get3A_190, %shift_right_logical3A_192 : vector<16xi32>
      %swap3A_194 = arith.constant 32 : index
      %swap3A_195 = tpu.vector_load %arg16[%swap3A_194] {strides = array<i32>} : memref<64xi32, #tpu.memory_space<vmem>>, vector<16xi32>,
      tpu.vector_store %arg16[%swap3A_194], %shift_right_logical3A_193 {strides = array<i32>} : memref<64xi32, #tpu.memory_space<vmem>>, vector<16xi32>,
      %mul3A_196 = arith.constant 64 : i32
      %mul3A_197 = arith.muli %add3A_158, %mul3A_196 : i32
      %add3A_198 = arith.constant 48 : i32
      %add3A_199 = arith.addi %mul3A_197, %add3A_198 : i32
      %get3A_200 = arith.index_cast %add3A_199 : i32 to index
      %get3A_201 = tpu.vector_load %arg5[%get3A_200] {strides = array<i32>} : memref<10240xi32, #tpu.memory_space<vmem>>, vector<16xi32>,
      %shift_right_logical3A_202 = arith.constant 16 : i32
      %shift_right_logical3A_203 = vector.broadcast %shift_right_logical3A_202 : i32 to vector<16xi32>
      %shift_right_logical3A_204 = arith.shrui %get3A_201, %shift_right_logical3A_203 : vector<16xi32>
      %swap3A_205 = arith.constant 48 : index
      %swap3A_206 = tpu.vector_load %arg16[%swap3A_205] {strides = array<i32>} : memref<64xi32, #tpu.memory_space<vmem>>, vector<16xi32>,
      tpu.vector_store %arg16[%swap3A_205], %shift_right_logical3A_204 {strides = array<i32>} : memref<64xi32, #tpu.memory_space<vmem>>, vector<16xi32>,
      %scan3A_207 = arith.constant 0 : i32
      %scan3A_208 = arith.constant 0 : i32
      %scan3A_209 = arith.constant 64 : i32
      %scan3A_210 = arith.addi %scan3A_208, %scan3A_209 : i32
      %scan3A_211 = arith.constant 1 : i32
      scf.for %scan3A_438 = %scan3A_208 to %scan3A_210 step %scan3A_211  : i32 {
        %get3A_439 = arith.index_cast %scan3A_438 : i32 to index
        %get3A_440 = arith.constant 0 : index
        %get3A_441 = tpu.vector_load %arg6[%get3A_439, %get3A_440] {strides = array<i32>} : memref<64x64xi32, #tpu.memory_space<vmem>>, vector<16xi32>,
        %bitcast3A = vector.bitcast %get3A_441 : vector<16xi32> to vector<32xbf16>
        %unpack3A = tpu.unpack_subelements %bitcast3A, 0 {pack_format = #tpu.pack_format<interleaved>} : vector<32xbf16> -> vector<16xf32>
        %unpack3A_442 = tpu.unpack_subelements %bitcast3A, 1 {pack_format = #tpu.pack_format<interleaved>} : vector<32xbf16> -> vector<16xf32>
        %swap3A_443 = arith.index_cast %scan3A_438 : i32 to index
        %swap3A_444 = arith.constant 0 : index
        %swap3A_445 = tpu.vector_load %arg10[%swap3A_443, %swap3A_444] {strides = array<i32>} : memref<64x128xf32, #tpu.memory_space<vmem>>, vector<16xf32>,
        tpu.vector_store %arg10[%swap3A_443, %swap3A_444], %unpack3A {strides = array<i32>} : memref<64x128xf32, #tpu.memory_space<vmem>>, vector<16xf32>,
        %swap3A_446 = arith.index_cast %scan3A_438 : i32 to index
        %swap3A_447 = arith.constant 64 : index
        %swap3A_448 = tpu.vector_load %arg10[%swap3A_446, %swap3A_447] {strides = array<i32>} : memref<64x128xf32, #tpu.memory_space<vmem>>, vector<16xf32>,
        tpu.vector_store %arg10[%swap3A_446, %swap3A_447], %unpack3A_442 {strides = array<i32>} : memref<64x128xf32, #tpu.memory_space<vmem>>, vector<16xf32>,
        %get3A_449 = arith.index_cast %scan3A_438 : i32 to index
        %get3A_450 = arith.constant 16 : index
        %get3A_451 = tpu.vector_load %arg6[%get3A_449, %get3A_450] {strides = array<i32>} : memref<64x64xi32, #tpu.memory_space<vmem>>, vector<16xi32>,
        %bitcast3A_452 = vector.bitcast %get3A_451 : vector<16xi32> to vector<32xbf16>
        %unpack3A_453 = tpu.unpack_subelements %bitcast3A_452, 0 {pack_format = #tpu.pack_format<interleaved>} : vector<32xbf16> -> vector<16xf32>
        %unpack3A_454 = tpu.unpack_subelements %bitcast3A_452, 1 {pack_format = #tpu.pack_format<interleaved>} : vector<32xbf16> -> vector<16xf32>
        %swap3A_455 = arith.index_cast %scan3A_438 : i32 to index
        %swap3A_456 = arith.constant 16 : index
        %swap3A_457 = tpu.vector_load %arg10[%swap3A_455, %swap3A_456] {strides = array<i32>} : memref<64x128xf32, #tpu.memory_space<vmem>>, vector<16xf32>,
        tpu.vector_store %arg10[%swap3A_455, %swap3A_456], %unpack3A_453 {strides = array<i32>} : memref<64x128xf32, #tpu.memory_space<vmem>>, vector<16xf32>,
        %swap3A_458 = arith.index_cast %scan3A_438 : i32 to index
        %swap3A_459 = arith.constant 80 : index
        %swap3A_460 = tpu.vector_load %arg10[%swap3A_458, %swap3A_459] {strides = array<i32>} : memref<64x128xf32, #tpu.memory_space<vmem>>, vector<16xf32>,
        tpu.vector_store %arg10[%swap3A_458, %swap3A_459], %unpack3A_454 {strides = array<i32>} : memref<64x128xf32, #tpu.memory_space<vmem>>, vector<16xf32>,
        %get3A_461 = arith.index_cast %scan3A_438 : i32 to index
        %get3A_462 = arith.constant 32 : index
        %get3A_463 = tpu.vector_load %arg6[%get3A_461, %get3A_462] {strides = array<i32>} : memref<64x64xi32, #tpu.memory_space<vmem>>, vector<16xi32>,
        %bitcast3A_464 = vector.bitcast %get3A_463 : vector<16xi32> to vector<32xbf16>
        %unpack3A_465 = tpu.unpack_subelements %bitcast3A_464, 0 {pack_format = #tpu.pack_format<interleaved>} : vector<32xbf16> -> vector<16xf32>
        %unpack3A_466 = tpu.unpack_subelements %bitcast3A_464, 1 {pack_format = #tpu.pack_format<interleaved>} : vector<32xbf16> -> vector<16xf32>
        %swap3A_467 = arith.index_cast %scan3A_438 : i32 to index
        %swap3A_468 = arith.constant 32 : index
        %swap3A_469 = tpu.vector_load %arg10[%swap3A_467, %swap3A_468] {strides = array<i32>} : memref<64x128xf32, #tpu.memory_space<vmem>>, vector<16xf32>,
        tpu.vector_store %arg10[%swap3A_467, %swap3A_468], %unpack3A_465 {strides = array<i32>} : memref<64x128xf32, #tpu.memory_space<vmem>>, vector<16xf32>,
        %swap3A_470 = arith.index_cast %scan3A_438 : i32 to index
        %swap3A_471 = arith.constant 96 : index
        %swap3A_472 = tpu.vector_load %arg10[%swap3A_470, %swap3A_471] {strides = array<i32>} : memref<64x128xf32, #tpu.memory_space<vmem>>, vector<16xf32>,
        tpu.vector_store %arg10[%swap3A_470, %swap3A_471], %unpack3A_466 {strides = array<i32>} : memref<64x128xf32, #tpu.memory_space<vmem>>, vector<16xf32>,
        %get3A_473 = arith.index_cast %scan3A_438 : i32 to index
        %get3A_474 = arith.constant 48 : index
        %get3A_475 = tpu.vector_load %arg6[%get3A_473, %get3A_474] {strides = array<i32>} : memref<64x64xi32, #tpu.memory_space<vmem>>, vector<16xi32>,
        %bitcast3A_476 = vector.bitcast %get3A_475 : vector<16xi32> to vector<32xbf16>
        %unpack3A_477 = tpu.unpack_subelements %bitcast3A_476, 0 {pack_format = #tpu.pack_format<interleaved>} : vector<32xbf16> -> vector<16xf32>
        %unpack3A_478 = tpu.unpack_subelements %bitcast3A_476, 1 {pack_format = #tpu.pack_format<interleaved>} : vector<32xbf16> -> vector<16xf32>
        %swap3A_479 = arith.index_cast %scan3A_438 : i32 to index
        %swap3A_480 = arith.constant 48 : index
        %swap3A_481 = tpu.vector_load %arg10[%swap3A_479, %swap3A_480] {strides = array<i32>} : memref<64x128xf32, #tpu.memory_space<vmem>>, vector<16xf32>,
        tpu.vector_store %arg10[%swap3A_479, %swap3A_480], %unpack3A_477 {strides = array<i32>} : memref<64x128xf32, #tpu.memory_space<vmem>>, vector<16xf32>,
        %swap3A_482 = arith.index_cast %scan3A_438 : i32 to index
        %swap3A_483 = arith.constant 112 : index
        %swap3A_484 = tpu.vector_load %arg10[%swap3A_482, %swap3A_483] {strides = array<i32>} : memref<64x128xf32, #tpu.memory_space<vmem>>, vector<16xf32>,
        tpu.vector_store %arg10[%swap3A_482, %swap3A_483], %unpack3A_478 {strides = array<i32>} : memref<64x128xf32, #tpu.memory_space<vmem>>, vector<16xf32>,
      }
      %scan3A_212 = arith.constant 64 : i32
      %dma_start3A_213 = arith.constant 0 : i32
      %dma_start3A_214 = arith.constant 0 : i32
      %dma_start3A_215 = tpu.memref_slice %arg18[%dma_start3A_213, %dma_start3A_214] : memref<10240x128xf32, #tpu.memory_space<vmem_shared>> -> memref<10240x128xf32, #tpu.memory_space<vmem_shared>>
      tpu.enqueue_indirect_dma source(%arg10 : memref<64x128xf32, #tpu.memory_space<vmem>>) target(%dma_start3A_215 : memref<10240x128xf32, #tpu.memory_space<vmem_shared>>) offsets(%arg16 : memref<64xi32, #tpu.memory_space<vmem>>) semaphore(%arg23 : memref<!tpu.dma_semaphore, #tpu.memory_space<semaphore_mem>>) {add = true}
      %add3A_216 = arith.constant 3 : i32
      %add3A_217 = arith.addi %add3A_158, %add3A_216 : i32
      %lt3A = arith.constant 160 : i32
      %lt3A_218 = arith.cmpi slt, %add3A_217, %lt3A : i32
      %convert_element_type3A_219 = arith.extui %lt3A_218 : i1 to i32
      %cond3A_220 = arith.constant 0 : i32
      %cond3A_221 = arith.cmpi ne, %convert_element_type3A_219, %cond3A_220 : i32
      scf.if %cond3A_221 {
        %add3A_438 = arith.constant 3 : i32
        %add3A_439 = arith.addi %add3A_158, %add3A_438 : i32
        %mul3A_440 = arith.constant 64 : i32
        %mul3A_441 = arith.muli %add3A_439, %mul3A_440 : i32
        %add3A_442 = arith.constant 0 : i32
        %add3A_443 = arith.addi %mul3A_441, %add3A_442 : i32
        %get3A_444 = arith.index_cast %add3A_443 : i32 to index
        %get3A_445 = tpu.vector_load %arg5[%get3A_444] {strides = array<i32>} : memref<10240xi32, #tpu.memory_space<vmem>>, vector<16xi32>,
        %and3A_446 = arith.constant 65535 : i32
        %and3A_447 = vector.broadcast %and3A_446 : i32 to vector<16xi32>
        %and3A_448 = arith.andi %get3A_445, %and3A_447 : vector<16xi32>
        %swap3A_449 = arith.constant 0 : index
        %swap3A_450 = tpu.vector_load %arg15[%swap3A_449] {strides = array<i32>} : memref<64xi32, #tpu.memory_space<vmem>>, vector<16xi32>,
        tpu.vector_store %arg15[%swap3A_449], %and3A_448 {strides = array<i32>} : memref<64xi32, #tpu.memory_space<vmem>>, vector<16xi32>,
        %mul3A_451 = arith.constant 64 : i32
        %mul3A_452 = arith.muli %add3A_439, %mul3A_451 : i32
        %add3A_453 = arith.constant 16 : i32
        %add3A_454 = arith.addi %mul3A_452, %add3A_453 : i32
        %get3A_455 = arith.index_cast %add3A_454 : i32 to index
        %get3A_456 = tpu.vector_load %arg5[%get3A_455] {strides = array<i32>} : memref<10240xi32, #tpu.memory_space<vmem>>, vector<16xi32>,
        %and3A_457 = arith.constant 65535 : i32
        %and3A_458 = vector.broadcast %and3A_457 : i32 to vector<16xi32>
        %and3A_459 = arith.andi %get3A_456, %and3A_458 : vector<16xi32>
        %swap3A_460 = arith.constant 16 : index
        %swap3A_461 = tpu.vector_load %arg15[%swap3A_460] {strides = array<i32>} : memref<64xi32, #tpu.memory_space<vmem>>, vector<16xi32>,
        tpu.vector_store %arg15[%swap3A_460], %and3A_459 {strides = array<i32>} : memref<64xi32, #tpu.memory_space<vmem>>, vector<16xi32>,
        %mul3A_462 = arith.constant 64 : i32
        %mul3A_463 = arith.muli %add3A_439, %mul3A_462 : i32
        %add3A_464 = arith.constant 32 : i32
        %add3A_465 = arith.addi %mul3A_463, %add3A_464 : i32
        %get3A_466 = arith.index_cast %add3A_465 : i32 to index
        %get3A_467 = tpu.vector_load %arg5[%get3A_466] {strides = array<i32>} : memref<10240xi32, #tpu.memory_space<vmem>>, vector<16xi32>,
        %and3A_468 = arith.constant 65535 : i32
        %and3A_469 = vector.broadcast %and3A_468 : i32 to vector<16xi32>
        %and3A_470 = arith.andi %get3A_467, %and3A_469 : vector<16xi32>
        %swap3A_471 = arith.constant 32 : index
        %swap3A_472 = tpu.vector_load %arg15[%swap3A_471] {strides = array<i32>} : memref<64xi32, #tpu.memory_space<vmem>>, vector<16xi32>,
        tpu.vector_store %arg15[%swap3A_471], %and3A_470 {strides = array<i32>} : memref<64xi32, #tpu.memory_space<vmem>>, vector<16xi32>,
        %mul3A_473 = arith.constant 64 : i32
        %mul3A_474 = arith.muli %add3A_439, %mul3A_473 : i32
        %add3A_475 = arith.constant 48 : i32
        %add3A_476 = arith.addi %mul3A_474, %add3A_475 : i32
        %get3A_477 = arith.index_cast %add3A_476 : i32 to index
        %get3A_478 = tpu.vector_load %arg5[%get3A_477] {strides = array<i32>} : memref<10240xi32, #tpu.memory_space<vmem>>, vector<16xi32>,
        %and3A_479 = arith.constant 65535 : i32
        %and3A_480 = vector.broadcast %and3A_479 : i32 to vector<16xi32>
        %and3A_481 = arith.andi %get3A_478, %and3A_480 : vector<16xi32>
        %swap3A_482 = arith.constant 48 : index
        %swap3A_483 = tpu.vector_load %arg15[%swap3A_482] {strides = array<i32>} : memref<64xi32, #tpu.memory_space<vmem>>, vector<16xi32>,
        tpu.vector_store %arg15[%swap3A_482], %and3A_481 {strides = array<i32>} : memref<64xi32, #tpu.memory_space<vmem>>, vector<16xi32>,
        %dma_start3A_484 = arith.constant 0 : i32
        %dma_start3A_485 = arith.constant 0 : i32
        %dma_start3A_486 = tpu.memref_slice %arg2[%dma_start3A_484, %dma_start3A_485] : memref<10240x64xi32, #tpu.memory_space<hbm>> -> memref<10240x64xi32, #tpu.memory_space<hbm>>
        tpu.enqueue_indirect_dma source(%dma_start3A_486 : memref<10240x64xi32, #tpu.memory_space<hbm>>) target(%arg9 : memref<64x64xi32, #tpu.memory_space<vmem>>) offsets(%arg15 : memref<64xi32, #tpu.memory_space<vmem>>) semaphore(%arg22 : memref<!tpu.dma_semaphore, #tpu.memory_space<semaphore_mem>>)
      } else {
      }
      %mul3A_222 = arith.constant 4 : i32
      %mul3A_223 = arith.muli %mul3A_222, %scan3A_154 : i32
      %add3A_224 = arith.constant 1 : i32
      %add3A_225 = arith.addi %mul3A_223, %add3A_224 : i32
      %dma_wait3A_226 = arith.constant 0 : i32
      %dma_wait3A_227 = arith.constant 0 : i32
      %dma_wait3A_228 = tpu.memref_slice %arg2[%dma_wait3A_226, %dma_wait3A_227] : memref<10240x64xi32, #tpu.memory_space<hbm>> -> memref<10240x64xi32, #tpu.memory_space<hbm>>
      tpu.wait_indirect_dma semaphore(%arg20 : memref<!tpu.dma_semaphore, #tpu.memory_space<semaphore_mem>>) src(%dma_wait3A_228 : memref<10240x64xi32, #tpu.memory_space<hbm>>) dst(%arg7 : memref<64x64xi32, #tpu.memory_space<vmem>>)
      %ge3A_229 = arith.constant 2 : i32
      %ge3A_230 = arith.cmpi sge, %add3A_225, %ge3A_229 : i32
      %convert_element_type3A_231 = arith.extui %ge3A_230 : i1 to i32
      %cond3A_232 = arith.constant 0 : i32
      %cond3A_233 = arith.cmpi ne, %convert_element_type3A_231, %cond3A_232 : i32
      scf.if %cond3A_233 {
        %dma_wait3A_438 = arith.constant 0 : i32
        %dma_wait3A_439 = arith.constant 0 : i32
        %dma_wait3A_440 = tpu.memref_slice %arg18[%dma_wait3A_438, %dma_wait3A_439] : memref<10240x128xf32, #tpu.memory_space<vmem_shared>> -> memref<10240x128xf32, #tpu.memory_space<vmem_shared>>
        tpu.wait_indirect_dma semaphore(%arg24 : memref<!tpu.dma_semaphore, #tpu.memory_space<semaphore_mem>>) src(%arg11 : memref<64x128xf32, #tpu.memory_space<vmem>>) dst(%dma_wait3A_440 : memref<10240x128xf32, #tpu.memory_space<vmem_shared>>)
      } else {
      }
      %mul3A_234 = arith.constant 64 : i32
      %mul3A_235 = arith.muli %add3A_225, %mul3A_234 : i32
      %add3A_236 = arith.constant 0 : i32
      %add3A_237 = arith.addi %mul3A_235, %add3A_236 : i32
      %get3A_238 = arith.index_cast %add3A_237 : i32 to index
      %get3A_239 = tpu.vector_load %arg5[%get3A_238] {strides = array<i32>} : memref<10240xi32, #tpu.memory_space<vmem>>, vector<16xi32>,
      %shift_right_logical3A_240 = arith.constant 16 : i32
      %shift_right_logical3A_241 = vector.broadcast %shift_right_logical3A_240 : i32 to vector<16xi32>
      %shift_right_logical3A_242 = arith.shrui %get3A_239, %shift_right_logical3A_241 : vector<16xi32>
      %swap3A_243 = arith.constant 0 : index
      %swap3A_244 = tpu.vector_load %arg17[%swap3A_243] {strides = array<i32>} : memref<64xi32, #tpu.memory_space<vmem>>, vector<16xi32>,
      tpu.vector_store %arg17[%swap3A_243], %shift_right_logical3A_242 {strides = array<i32>} : memref<64xi32, #tpu.memory_space<vmem>>, vector<16xi32>,
      %mul3A_245 = arith.constant 64 : i32
      %mul3A_246 = arith.muli %add3A_225, %mul3A_245 : i32
      %add3A_247 = arith.constant 16 : i32
      %add3A_248 = arith.addi %mul3A_246, %add3A_247 : i32
      %get3A_249 = arith.index_cast %add3A_248 : i32 to index
      %get3A_250 = tpu.vector_load %arg5[%get3A_249] {strides = array<i32>} : memref<10240xi32, #tpu.memory_space<vmem>>, vector<16xi32>,
      %shift_right_logical3A_251 = arith.constant 16 : i32
      %shift_right_logical3A_252 = vector.broadcast %shift_right_logical3A_251 : i32 to vector<16xi32>
      %shift_right_logical3A_253 = arith.shrui %get3A_250, %shift_right_logical3A_252 : vector<16xi32>
      %swap3A_254 = arith.constant 16 : index
      %swap3A_255 = tpu.vector_load %arg17[%swap3A_254] {strides = array<i32>} : memref<64xi32, #tpu.memory_space<vmem>>, vector<16xi32>,
      tpu.vector_store %arg17[%swap3A_254], %shift_right_logical3A_253 {strides = array<i32>} : memref<64xi32, #tpu.memory_space<vmem>>, vector<16xi32>,
      %mul3A_256 = arith.constant 64 : i32
      %mul3A_257 = arith.muli %add3A_225, %mul3A_256 : i32
      %add3A_258 = arith.constant 32 : i32
      %add3A_259 = arith.addi %mul3A_257, %add3A_258 : i32
      %get3A_260 = arith.index_cast %add3A_259 : i32 to index
      %get3A_261 = tpu.vector_load %arg5[%get3A_260] {strides = array<i32>} : memref<10240xi32, #tpu.memory_space<vmem>>, vector<16xi32>,
      %shift_right_logical3A_262 = arith.constant 16 : i32
      %shift_right_logical3A_263 = vector.broadcast %shift_right_logical3A_262 : i32 to vector<16xi32>
      %shift_right_logical3A_264 = arith.shrui %get3A_261, %shift_right_logical3A_263 : vector<16xi32>
      %swap3A_265 = arith.constant 32 : index
      %swap3A_266 = tpu.vector_load %arg17[%swap3A_265] {strides = array<i32>} : memref<64xi32, #tpu.memory_space<vmem>>, vector<16xi32>,
      tpu.vector_store %arg17[%swap3A_265], %shift_right_logical3A_264 {strides = array<i32>} : memref<64xi32, #tpu.memory_space<vmem>>, vector<16xi32>,
      %mul3A_267 = arith.constant 64 : i32
      %mul3A_268 = arith.muli %add3A_225, %mul3A_267 : i32
      %add3A_269 = arith.constant 48 : i32
      %add3A_270 = arith.addi %mul3A_268, %add3A_269 : i32
      %get3A_271 = arith.index_cast %add3A_270 : i32 to index
      %get3A_272 = tpu.vector_load %arg5[%get3A_271] {strides = array<i32>} : memref<10240xi32, #tpu.memory_space<vmem>>, vector<16xi32>,
      %shift_right_logical3A_273 = arith.constant 16 : i32
      %shift_right_logical3A_274 = vector.broadcast %shift_right_logical3A_273 : i32 to vector<16xi32>
      %shift_right_logical3A_275 = arith.shrui %get3A_272, %shift_right_logical3A_274 : vector<16xi32>
      %swap3A_276 = arith.constant 48 : index
      %swap3A_277 = tpu.vector_load %arg17[%swap3A_276] {strides = array<i32>} : memref<64xi32, #tpu.memory_space<vmem>>, vector<16xi32>,
      tpu.vector_store %arg17[%swap3A_276], %shift_right_logical3A_275 {strides = array<i32>} : memref<64xi32, #tpu.memory_space<vmem>>, vector<16xi32>,
      %scan3A_278 = arith.constant 0 : i32
      %scan3A_279 = arith.constant 0 : i32
      %scan3A_280 = arith.constant 64 : i32
      %scan3A_281 = arith.addi %scan3A_279, %scan3A_280 : i32
      %scan3A_282 = arith.constant 1 : i32
      scf.for %scan3A_438 = %scan3A_279 to %scan3A_281 step %scan3A_282  : i32 {
        %get3A_439 = arith.index_cast %scan3A_438 : i32 to index
        %get3A_440 = arith.constant 0 : index
        %get3A_441 = tpu.vector_load %arg7[%get3A_439, %get3A_440] {strides = array<i32>} : memref<64x64xi32, #tpu.memory_space<vmem>>, vector<16xi32>,
        %bitcast3A = vector.bitcast %get3A_441 : vector<16xi32> to vector<32xbf16>
        %unpack3A = tpu.unpack_subelements %bitcast3A, 0 {pack_format = #tpu.pack_format<interleaved>} : vector<32xbf16> -> vector<16xf32>
        %unpack3A_442 = tpu.unpack_subelements %bitcast3A, 1 {pack_format = #tpu.pack_format<interleaved>} : vector<32xbf16> -> vector<16xf32>
        %swap3A_443 = arith.index_cast %scan3A_438 : i32 to index
        %swap3A_444 = arith.constant 0 : index
        %swap3A_445 = tpu.vector_load %arg11[%swap3A_443, %swap3A_444] {strides = array<i32>} : memref<64x128xf32, #tpu.memory_space<vmem>>, vector<16xf32>,
        tpu.vector_store %arg11[%swap3A_443, %swap3A_444], %unpack3A {strides = array<i32>} : memref<64x128xf32, #tpu.memory_space<vmem>>, vector<16xf32>,
        %swap3A_446 = arith.index_cast %scan3A_438 : i32 to index
        %swap3A_447 = arith.constant 64 : index
        %swap3A_448 = tpu.vector_load %arg11[%swap3A_446, %swap3A_447] {strides = array<i32>} : memref<64x128xf32, #tpu.memory_space<vmem>>, vector<16xf32>,
        tpu.vector_store %arg11[%swap3A_446, %swap3A_447], %unpack3A_442 {strides = array<i32>} : memref<64x128xf32, #tpu.memory_space<vmem>>, vector<16xf32>,
        %get3A_449 = arith.index_cast %scan3A_438 : i32 to index
        %get3A_450 = arith.constant 16 : index
        %get3A_451 = tpu.vector_load %arg7[%get3A_449, %get3A_450] {strides = array<i32>} : memref<64x64xi32, #tpu.memory_space<vmem>>, vector<16xi32>,
        %bitcast3A_452 = vector.bitcast %get3A_451 : vector<16xi32> to vector<32xbf16>
        %unpack3A_453 = tpu.unpack_subelements %bitcast3A_452, 0 {pack_format = #tpu.pack_format<interleaved>} : vector<32xbf16> -> vector<16xf32>
        %unpack3A_454 = tpu.unpack_subelements %bitcast3A_452, 1 {pack_format = #tpu.pack_format<interleaved>} : vector<32xbf16> -> vector<16xf32>
        %swap3A_455 = arith.index_cast %scan3A_438 : i32 to index
        %swap3A_456 = arith.constant 16 : index
        %swap3A_457 = tpu.vector_load %arg11[%swap3A_455, %swap3A_456] {strides = array<i32>} : memref<64x128xf32, #tpu.memory_space<vmem>>, vector<16xf32>,
        tpu.vector_store %arg11[%swap3A_455, %swap3A_456], %unpack3A_453 {strides = array<i32>} : memref<64x128xf32, #tpu.memory_space<vmem>>, vector<16xf32>,
        %swap3A_458 = arith.index_cast %scan3A_438 : i32 to index
        %swap3A_459 = arith.constant 80 : index
        %swap3A_460 = tpu.vector_load %arg11[%swap3A_458, %swap3A_459] {strides = array<i32>} : memref<64x128xf32, #tpu.memory_space<vmem>>, vector<16xf32>,
        tpu.vector_store %arg11[%swap3A_458, %swap3A_459], %unpack3A_454 {strides = array<i32>} : memref<64x128xf32, #tpu.memory_space<vmem>>, vector<16xf32>,
        %get3A_461 = arith.index_cast %scan3A_438 : i32 to index
        %get3A_462 = arith.constant 32 : index
        %get3A_463 = tpu.vector_load %arg7[%get3A_461, %get3A_462] {strides = array<i32>} : memref<64x64xi32, #tpu.memory_space<vmem>>, vector<16xi32>,
        %bitcast3A_464 = vector.bitcast %get3A_463 : vector<16xi32> to vector<32xbf16>
        %unpack3A_465 = tpu.unpack_subelements %bitcast3A_464, 0 {pack_format = #tpu.pack_format<interleaved>} : vector<32xbf16> -> vector<16xf32>
        %unpack3A_466 = tpu.unpack_subelements %bitcast3A_464, 1 {pack_format = #tpu.pack_format<interleaved>} : vector<32xbf16> -> vector<16xf32>
        %swap3A_467 = arith.index_cast %scan3A_438 : i32 to index
        %swap3A_468 = arith.constant 32 : index
        %swap3A_469 = tpu.vector_load %arg11[%swap3A_467, %swap3A_468] {strides = array<i32>} : memref<64x128xf32, #tpu.memory_space<vmem>>, vector<16xf32>,
        tpu.vector_store %arg11[%swap3A_467, %swap3A_468], %unpack3A_465 {strides = array<i32>} : memref<64x128xf32, #tpu.memory_space<vmem>>, vector<16xf32>,
        %swap3A_470 = arith.index_cast %scan3A_438 : i32 to index
        %swap3A_471 = arith.constant 96 : index
        %swap3A_472 = tpu.vector_load %arg11[%swap3A_470, %swap3A_471] {strides = array<i32>} : memref<64x128xf32, #tpu.memory_space<vmem>>, vector<16xf32>,
        tpu.vector_store %arg11[%swap3A_470, %swap3A_471], %unpack3A_466 {strides = array<i32>} : memref<64x128xf32, #tpu.memory_space<vmem>>, vector<16xf32>,
        %get3A_473 = arith.index_cast %scan3A_438 : i32 to index
        %get3A_474 = arith.constant 48 : index
        %get3A_475 = tpu.vector_load %arg7[%get3A_473, %get3A_474] {strides = array<i32>} : memref<64x64xi32, #tpu.memory_space<vmem>>, vector<16xi32>,
        %bitcast3A_476 = vector.bitcast %get3A_475 : vector<16xi32> to vector<32xbf16>
        %unpack3A_477 = tpu.unpack_subelements %bitcast3A_476, 0 {pack_format = #tpu.pack_format<interleaved>} : vector<32xbf16> -> vector<16xf32>
        %unpack3A_478 = tpu.unpack_subelements %bitcast3A_476, 1 {pack_format = #tpu.pack_format<interleaved>} : vector<32xbf16> -> vector<16xf32>
        %swap3A_479 = arith.index_cast %scan3A_438 : i32 to index
        %swap3A_480 = arith.constant 48 : index
        %swap3A_481 = tpu.vector_load %arg11[%swap3A_479, %swap3A_480] {strides = array<i32>} : memref<64x128xf32, #tpu.memory_space<vmem>>, vector<16xf32>,
        tpu.vector_store %arg11[%swap3A_479, %swap3A_480], %unpack3A_477 {strides = array<i32>} : memref<64x128xf32, #tpu.memory_space<vmem>>, vector<16xf32>,
        %swap3A_482 = arith.index_cast %scan3A_438 : i32 to index
        %swap3A_483 = arith.constant 112 : index
        %swap3A_484 = tpu.vector_load %arg11[%swap3A_482, %swap3A_483] {strides = array<i32>} : memref<64x128xf32, #tpu.memory_space<vmem>>, vector<16xf32>,
        tpu.vector_store %arg11[%swap3A_482, %swap3A_483], %unpack3A_478 {strides = array<i32>} : memref<64x128xf32, #tpu.memory_space<vmem>>, vector<16xf32>,
      }
      %scan3A_283 = arith.constant 64 : i32
      %dma_start3A_284 = arith.constant 0 : i32
      %dma_start3A_285 = arith.constant 0 : i32
      %dma_start3A_286 = tpu.memref_slice %arg18[%dma_start3A_284, %dma_start3A_285] : memref<10240x128xf32, #tpu.memory_space<vmem_shared>> -> memref<10240x128xf32, #tpu.memory_space<vmem_shared>>
      tpu.enqueue_indirect_dma source(%arg11 : memref<64x128xf32, #tpu.memory_space<vmem>>) target(%dma_start3A_286 : memref<10240x128xf32, #tpu.memory_space<vmem_shared>>) offsets(%arg17 : memref<64xi32, #tpu.memory_space<vmem>>) semaphore(%arg24 : memref<!tpu.dma_semaphore, #tpu.memory_space<semaphore_mem>>) {add = true}
      %add3A_287 = arith.constant 3 : i32
      %add3A_288 = arith.addi %add3A_225, %add3A_287 : i32
      %lt3A_289 = arith.constant 160 : i32
      %lt3A_290 = arith.cmpi slt, %add3A_288, %lt3A_289 : i32
      %convert_element_type3A_291 = arith.extui %lt3A_290 : i1 to i32
      %cond3A_292 = arith.constant 0 : i32
      %cond3A_293 = arith.cmpi ne, %convert_element_type3A_291, %cond3A_292 : i32
      scf.if %cond3A_293 {
        %add3A_438 = arith.constant 3 : i32
        %add3A_439 = arith.addi %add3A_225, %add3A_438 : i32
        %mul3A_440 = arith.constant 64 : i32
        %mul3A_441 = arith.muli %add3A_439, %mul3A_440 : i32
        %add3A_442 = arith.constant 0 : i32
        %add3A_443 = arith.addi %mul3A_441, %add3A_442 : i32
        %get3A_444 = arith.index_cast %add3A_443 : i32 to index
        %get3A_445 = tpu.vector_load %arg5[%get3A_444] {strides = array<i32>} : memref<10240xi32, #tpu.memory_space<vmem>>, vector<16xi32>,
        %and3A_446 = arith.constant 65535 : i32
        %and3A_447 = vector.broadcast %and3A_446 : i32 to vector<16xi32>
        %and3A_448 = arith.andi %get3A_445, %and3A_447 : vector<16xi32>
        %swap3A_449 = arith.constant 0 : index
        %swap3A_450 = tpu.vector_load %arg12[%swap3A_449] {strides = array<i32>} : memref<64xi32, #tpu.memory_space<vmem>>, vector<16xi32>,
        tpu.vector_store %arg12[%swap3A_449], %and3A_448 {strides = array<i32>} : memref<64xi32, #tpu.memory_space<vmem>>, vector<16xi32>,
        %mul3A_451 = arith.constant 64 : i32
        %mul3A_452 = arith.muli %add3A_439, %mul3A_451 : i32
        %add3A_453 = arith.constant 16 : i32
        %add3A_454 = arith.addi %mul3A_452, %add3A_453 : i32
        %get3A_455 = arith.index_cast %add3A_454 : i32 to index
        %get3A_456 = tpu.vector_load %arg5[%get3A_455] {strides = array<i32>} : memref<10240xi32, #tpu.memory_space<vmem>>, vector<16xi32>,
        %and3A_457 = arith.constant 65535 : i32
        %and3A_458 = vector.broadcast %and3A_457 : i32 to vector<16xi32>
        %and3A_459 = arith.andi %get3A_456, %and3A_458 : vector<16xi32>
        %swap3A_460 = arith.constant 16 : index
        %swap3A_461 = tpu.vector_load %arg12[%swap3A_460] {strides = array<i32>} : memref<64xi32, #tpu.memory_space<vmem>>, vector<16xi32>,
        tpu.vector_store %arg12[%swap3A_460], %and3A_459 {strides = array<i32>} : memref<64xi32, #tpu.memory_space<vmem>>, vector<16xi32>,
        %mul3A_462 = arith.constant 64 : i32
        %mul3A_463 = arith.muli %add3A_439, %mul3A_462 : i32
        %add3A_464 = arith.constant 32 : i32
        %add3A_465 = arith.addi %mul3A_463, %add3A_464 : i32
        %get3A_466 = arith.index_cast %add3A_465 : i32 to index
        %get3A_467 = tpu.vector_load %arg5[%get3A_466] {strides = array<i32>} : memref<10240xi32, #tpu.memory_space<vmem>>, vector<16xi32>,
        %and3A_468 = arith.constant 65535 : i32
        %and3A_469 = vector.broadcast %and3A_468 : i32 to vector<16xi32>
        %and3A_470 = arith.andi %get3A_467, %and3A_469 : vector<16xi32>
        %swap3A_471 = arith.constant 32 : index
        %swap3A_472 = tpu.vector_load %arg12[%swap3A_471] {strides = array<i32>} : memref<64xi32, #tpu.memory_space<vmem>>, vector<16xi32>,
        tpu.vector_store %arg12[%swap3A_471], %and3A_470 {strides = array<i32>} : memref<64xi32, #tpu.memory_space<vmem>>, vector<16xi32>,
        %mul3A_473 = arith.constant 64 : i32
        %mul3A_474 = arith.muli %add3A_439, %mul3A_473 : i32
        %add3A_475 = arith.constant 48 : i32
        %add3A_476 = arith.addi %mul3A_474, %add3A_475 : i32
        %get3A_477 = arith.index_cast %add3A_476 : i32 to index
        %get3A_478 = tpu.vector_load %arg5[%get3A_477] {strides = array<i32>} : memref<10240xi32, #tpu.memory_space<vmem>>, vector<16xi32>,
        %and3A_479 = arith.constant 65535 : i32
        %and3A_480 = vector.broadcast %and3A_479 : i32 to vector<16xi32>
        %and3A_481 = arith.andi %get3A_478, %and3A_480 : vector<16xi32>
        %swap3A_482 = arith.constant 48 : index
        %swap3A_483 = tpu.vector_load %arg12[%swap3A_482] {strides = array<i32>} : memref<64xi32, #tpu.memory_space<vmem>>, vector<16xi32>,
        tpu.vector_store %arg12[%swap3A_482], %and3A_481 {strides = array<i32>} : memref<64xi32, #tpu.memory_space<vmem>>, vector<16xi32>,
        %dma_start3A_484 = arith.constant 0 : i32
        %dma_start3A_485 = arith.constant 0 : i32
        %dma_start3A_486 = tpu.memref_slice %arg2[%dma_start3A_484, %dma_start3A_485] : memref<10240x64xi32, #tpu.memory_space<hbm>> -> memref<10240x64xi32, #tpu.memory_space<hbm>>
        tpu.enqueue_indirect_dma source(%dma_start3A_486 : memref<10240x64xi32, #tpu.memory_space<hbm>>) target(%arg6 : memref<64x64xi32, #tpu.memory_space<vmem>>) offsets(%arg12 : memref<64xi32, #tpu.memory_space<vmem>>) semaphore(%arg19 : memref<!tpu.dma_semaphore, #tpu.memory_space<semaphore_mem>>)
      } else {
      }
      %mul3A_294 = arith.constant 4 : i32
      %mul3A_295 = arith.muli %mul3A_294, %scan3A_154 : i32
      %add3A_296 = arith.constant 2 : i32
      %add3A_297 = arith.addi %mul3A_295, %add3A_296 : i32
      %dma_wait3A_298 = arith.constant 0 : i32
      %dma_wait3A_299 = arith.constant 0 : i32
      %dma_wait3A_300 = tpu.memref_slice %arg2[%dma_wait3A_298, %dma_wait3A_299] : memref<10240x64xi32, #tpu.memory_space<hbm>> -> memref<10240x64xi32, #tpu.memory_space<hbm>>
      tpu.wait_indirect_dma semaphore(%arg21 : memref<!tpu.dma_semaphore, #tpu.memory_space<semaphore_mem>>) src(%dma_wait3A_300 : memref<10240x64xi32, #tpu.memory_space<hbm>>) dst(%arg8 : memref<64x64xi32, #tpu.memory_space<vmem>>)
      %ge3A_301 = arith.constant 2 : i32
      %ge3A_302 = arith.cmpi sge, %add3A_297, %ge3A_301 : i32
      %convert_element_type3A_303 = arith.extui %ge3A_302 : i1 to i32
      %cond3A_304 = arith.constant 0 : i32
      %cond3A_305 = arith.cmpi ne, %convert_element_type3A_303, %cond3A_304 : i32
      scf.if %cond3A_305 {
        %dma_wait3A_438 = arith.constant 0 : i32
        %dma_wait3A_439 = arith.constant 0 : i32
        %dma_wait3A_440 = tpu.memref_slice %arg18[%dma_wait3A_438, %dma_wait3A_439] : memref<10240x128xf32, #tpu.memory_space<vmem_shared>> -> memref<10240x128xf32, #tpu.memory_space<vmem_shared>>
        tpu.wait_indirect_dma semaphore(%arg23 : memref<!tpu.dma_semaphore, #tpu.memory_space<semaphore_mem>>) src(%arg10 : memref<64x128xf32, #tpu.memory_space<vmem>>) dst(%dma_wait3A_440 : memref<10240x128xf32, #tpu.memory_space<vmem_shared>>)
      } else {
      }
      %mul3A_306 = arith.constant 64 : i32
      %mul3A_307 = arith.muli %add3A_297, %mul3A_306 : i32
      %add3A_308 = arith.constant 0 : i32
      %add3A_309 = arith.addi %mul3A_307, %add3A_308 : i32
      %get3A_310 = arith.index_cast %add3A_309 : i32 to index
      %get3A_311 = tpu.vector_load %arg5[%get3A_310] {strides = array<i32>} : memref<10240xi32, #tpu.memory_space<vmem>>, vector<16xi32>,
      %shift_right_logical3A_312 = arith.constant 16 : i32
      %shift_right_logical3A_313 = vector.broadcast %shift_right_logical3A_312 : i32 to vector<16xi32>
      %shift_right_logical3A_314 = arith.shrui %get3A_311, %shift_right_logical3A_313 : vector<16xi32>
      %swap3A_315 = arith.constant 0 : index
      %swap3A_316 = tpu.vector_load %arg16[%swap3A_315] {strides = array<i32>} : memref<64xi32, #tpu.memory_space<vmem>>, vector<16xi32>,
      tpu.vector_store %arg16[%swap3A_315], %shift_right_logical3A_314 {strides = array<i32>} : memref<64xi32, #tpu.memory_space<vmem>>, vector<16xi32>,
      %mul3A_317 = arith.constant 64 : i32
      %mul3A_318 = arith.muli %add3A_297, %mul3A_317 : i32
      %add3A_319 = arith.constant 16 : i32
      %add3A_320 = arith.addi %mul3A_318, %add3A_319 : i32
      %get3A_321 = arith.index_cast %add3A_320 : i32 to index
      %get3A_322 = tpu.vector_load %arg5[%get3A_321] {strides = array<i32>} : memref<10240xi32, #tpu.memory_space<vmem>>, vector<16xi32>,
      %shift_right_logical3A_323 = arith.constant 16 : i32
      %shift_right_logical3A_324 = vector.broadcast %shift_right_logical3A_323 : i32 to vector<16xi32>
      %shift_right_logical3A_325 = arith.shrui %get3A_322, %shift_right_logical3A_324 : vector<16xi32>
      %swap3A_326 = arith.constant 16 : index
      %swap3A_327 = tpu.vector_load %arg16[%swap3A_326] {strides = array<i32>} : memref<64xi32, #tpu.memory_space<vmem>>, vector<16xi32>,
      tpu.vector_store %arg16[%swap3A_326], %shift_right_logical3A_325 {strides = array<i32>} : memref<64xi32, #tpu.memory_space<vmem>>, vector<16xi32>,
      %mul3A_328 = arith.constant 64 : i32
      %mul3A_329 = arith.muli %add3A_297, %mul3A_328 : i32
      %add3A_330 = arith.constant 32 : i32
      %add3A_331 = arith.addi %mul3A_329, %add3A_330 : i32
      %get3A_332 = arith.index_cast %add3A_331 : i32 to index
      %get3A_333 = tpu.vector_load %arg5[%get3A_332] {strides = array<i32>} : memref<10240xi32, #tpu.memory_space<vmem>>, vector<16xi32>,
      %shift_right_logical3A_334 = arith.constant 16 : i32
      %shift_right_logical3A_335 = vector.broadcast %shift_right_logical3A_334 : i32 to vector<16xi32>
      %shift_right_logical3A_336 = arith.shrui %get3A_333, %shift_right_logical3A_335 : vector<16xi32>
      %swap3A_337 = arith.constant 32 : index
      %swap3A_338 = tpu.vector_load %arg16[%swap3A_337] {strides = array<i32>} : memref<64xi32, #tpu.memory_space<vmem>>, vector<16xi32>,
      tpu.vector_store %arg16[%swap3A_337], %shift_right_logical3A_336 {strides = array<i32>} : memref<64xi32, #tpu.memory_space<vmem>>, vector<16xi32>,
      %mul3A_339 = arith.constant 64 : i32
      %mul3A_340 = arith.muli %add3A_297, %mul3A_339 : i32
      %add3A_341 = arith.constant 48 : i32
      %add3A_342 = arith.addi %mul3A_340, %add3A_341 : i32
      %get3A_343 = arith.index_cast %add3A_342 : i32 to index
      %get3A_344 = tpu.vector_load %arg5[%get3A_343] {strides = array<i32>} : memref<10240xi32, #tpu.memory_space<vmem>>, vector<16xi32>,
      %shift_right_logical3A_345 = arith.constant 16 : i32
      %shift_right_logical3A_346 = vector.broadcast %shift_right_logical3A_345 : i32 to vector<16xi32>
      %shift_right_logical3A_347 = arith.shrui %get3A_344, %shift_right_logical3A_346 : vector<16xi32>
      %swap3A_348 = arith.constant 48 : index
      %swap3A_349 = tpu.vector_load %arg16[%swap3A_348] {strides = array<i32>} : memref<64xi32, #tpu.memory_space<vmem>>, vector<16xi32>,
      tpu.vector_store %arg16[%swap3A_348], %shift_right_logical3A_347 {strides = array<i32>} : memref<64xi32, #tpu.memory_space<vmem>>, vector<16xi32>,
      %scan3A_350 = arith.constant 0 : i32
      %scan3A_351 = arith.constant 0 : i32
      %scan3A_352 = arith.constant 64 : i32
      %scan3A_353 = arith.addi %scan3A_351, %scan3A_352 : i32
      %scan3A_354 = arith.constant 1 : i32
      scf.for %scan3A_438 = %scan3A_351 to %scan3A_353 step %scan3A_354  : i32 {
        %get3A_439 = arith.index_cast %scan3A_438 : i32 to index
        %get3A_440 = arith.constant 0 : index
        %get3A_441 = tpu.vector_load %arg8[%get3A_439, %get3A_440] {strides = array<i32>} : memref<64x64xi32, #tpu.memory_space<vmem>>, vector<16xi32>,
        %bitcast3A = vector.bitcast %get3A_441 : vector<16xi32> to vector<32xbf16>
        %unpack3A = tpu.unpack_subelements %bitcast3A, 0 {pack_format = #tpu.pack_format<interleaved>} : vector<32xbf16> -> vector<16xf32>
        %unpack3A_442 = tpu.unpack_subelements %bitcast3A, 1 {pack_format = #tpu.pack_format<interleaved>} : vector<32xbf16> -> vector<16xf32>
        %swap3A_443 = arith.index_cast %scan3A_438 : i32 to index
        %swap3A_444 = arith.constant 0 : index
        %swap3A_445 = tpu.vector_load %arg10[%swap3A_443, %swap3A_444] {strides = array<i32>} : memref<64x128xf32, #tpu.memory_space<vmem>>, vector<16xf32>,
        tpu.vector_store %arg10[%swap3A_443, %swap3A_444], %unpack3A {strides = array<i32>} : memref<64x128xf32, #tpu.memory_space<vmem>>, vector<16xf32>,
        %swap3A_446 = arith.index_cast %scan3A_438 : i32 to index
        %swap3A_447 = arith.constant 64 : index
        %swap3A_448 = tpu.vector_load %arg10[%swap3A_446, %swap3A_447] {strides = array<i32>} : memref<64x128xf32, #tpu.memory_space<vmem>>, vector<16xf32>,
        tpu.vector_store %arg10[%swap3A_446, %swap3A_447], %unpack3A_442 {strides = array<i32>} : memref<64x128xf32, #tpu.memory_space<vmem>>, vector<16xf32>,
        %get3A_449 = arith.index_cast %scan3A_438 : i32 to index
        %get3A_450 = arith.constant 16 : index
        %get3A_451 = tpu.vector_load %arg8[%get3A_449, %get3A_450] {strides = array<i32>} : memref<64x64xi32, #tpu.memory_space<vmem>>, vector<16xi32>,
        %bitcast3A_452 = vector.bitcast %get3A_451 : vector<16xi32> to vector<32xbf16>
        %unpack3A_453 = tpu.unpack_subelements %bitcast3A_452, 0 {pack_format = #tpu.pack_format<interleaved>} : vector<32xbf16> -> vector<16xf32>
        %unpack3A_454 = tpu.unpack_subelements %bitcast3A_452, 1 {pack_format = #tpu.pack_format<interleaved>} : vector<32xbf16> -> vector<16xf32>
        %swap3A_455 = arith.index_cast %scan3A_438 : i32 to index
        %swap3A_456 = arith.constant 16 : index
        %swap3A_457 = tpu.vector_load %arg10[%swap3A_455, %swap3A_456] {strides = array<i32>} : memref<64x128xf32, #tpu.memory_space<vmem>>, vector<16xf32>,
        tpu.vector_store %arg10[%swap3A_455, %swap3A_456], %unpack3A_453 {strides = array<i32>} : memref<64x128xf32, #tpu.memory_space<vmem>>, vector<16xf32>,
        %swap3A_458 = arith.index_cast %scan3A_438 : i32 to index
        %swap3A_459 = arith.constant 80 : index
        %swap3A_460 = tpu.vector_load %arg10[%swap3A_458, %swap3A_459] {strides = array<i32>} : memref<64x128xf32, #tpu.memory_space<vmem>>, vector<16xf32>,
        tpu.vector_store %arg10[%swap3A_458, %swap3A_459], %unpack3A_454 {strides = array<i32>} : memref<64x128xf32, #tpu.memory_space<vmem>>, vector<16xf32>,
        %get3A_461 = arith.index_cast %scan3A_438 : i32 to index
        %get3A_462 = arith.constant 32 : index
        %get3A_463 = tpu.vector_load %arg8[%get3A_461, %get3A_462] {strides = array<i32>} : memref<64x64xi32, #tpu.memory_space<vmem>>, vector<16xi32>,
        %bitcast3A_464 = vector.bitcast %get3A_463 : vector<16xi32> to vector<32xbf16>
        %unpack3A_465 = tpu.unpack_subelements %bitcast3A_464, 0 {pack_format = #tpu.pack_format<interleaved>} : vector<32xbf16> -> vector<16xf32>
        %unpack3A_466 = tpu.unpack_subelements %bitcast3A_464, 1 {pack_format = #tpu.pack_format<interleaved>} : vector<32xbf16> -> vector<16xf32>
        %swap3A_467 = arith.index_cast %scan3A_438 : i32 to index
        %swap3A_468 = arith.constant 32 : index
        %swap3A_469 = tpu.vector_load %arg10[%swap3A_467, %swap3A_468] {strides = array<i32>} : memref<64x128xf32, #tpu.memory_space<vmem>>, vector<16xf32>,
        tpu.vector_store %arg10[%swap3A_467, %swap3A_468], %unpack3A_465 {strides = array<i32>} : memref<64x128xf32, #tpu.memory_space<vmem>>, vector<16xf32>,
        %swap3A_470 = arith.index_cast %scan3A_438 : i32 to index
        %swap3A_471 = arith.constant 96 : index
        %swap3A_472 = tpu.vector_load %arg10[%swap3A_470, %swap3A_471] {strides = array<i32>} : memref<64x128xf32, #tpu.memory_space<vmem>>, vector<16xf32>,
        tpu.vector_store %arg10[%swap3A_470, %swap3A_471], %unpack3A_466 {strides = array<i32>} : memref<64x128xf32, #tpu.memory_space<vmem>>, vector<16xf32>,
        %get3A_473 = arith.index_cast %scan3A_438 : i32 to index
        %get3A_474 = arith.constant 48 : index
        %get3A_475 = tpu.vector_load %arg8[%get3A_473, %get3A_474] {strides = array<i32>} : memref<64x64xi32, #tpu.memory_space<vmem>>, vector<16xi32>,
        %bitcast3A_476 = vector.bitcast %get3A_475 : vector<16xi32> to vector<32xbf16>
        %unpack3A_477 = tpu.unpack_subelements %bitcast3A_476, 0 {pack_format = #tpu.pack_format<interleaved>} : vector<32xbf16> -> vector<16xf32>
        %unpack3A_478 = tpu.unpack_subelements %bitcast3A_476, 1 {pack_format = #tpu.pack_format<interleaved>} : vector<32xbf16> -> vector<16xf32>
        %swap3A_479 = arith.index_cast %scan3A_438 : i32 to index
        %swap3A_480 = arith.constant 48 : index
        %swap3A_481 = tpu.vector_load %arg10[%swap3A_479, %swap3A_480] {strides = array<i32>} : memref<64x128xf32, #tpu.memory_space<vmem>>, vector<16xf32>,
        tpu.vector_store %arg10[%swap3A_479, %swap3A_480], %unpack3A_477 {strides = array<i32>} : memref<64x128xf32, #tpu.memory_space<vmem>>, vector<16xf32>,
        %swap3A_482 = arith.index_cast %scan3A_438 : i32 to index
        %swap3A_483 = arith.constant 112 : index
        %swap3A_484 = tpu.vector_load %arg10[%swap3A_482, %swap3A_483] {strides = array<i32>} : memref<64x128xf32, #tpu.memory_space<vmem>>, vector<16xf32>,
        tpu.vector_store %arg10[%swap3A_482, %swap3A_483], %unpack3A_478 {strides = array<i32>} : memref<64x128xf32, #tpu.memory_space<vmem>>, vector<16xf32>,
      }
      %scan3A_355 = arith.constant 64 : i32
      %dma_start3A_356 = arith.constant 0 : i32
      %dma_start3A_357 = arith.constant 0 : i32
      %dma_start3A_358 = tpu.memref_slice %arg18[%dma_start3A_356, %dma_start3A_357] : memref<10240x128xf32, #tpu.memory_space<vmem_shared>> -> memref<10240x128xf32, #tpu.memory_space<vmem_shared>>
      tpu.enqueue_indirect_dma source(%arg10 : memref<64x128xf32, #tpu.memory_space<vmem>>) target(%dma_start3A_358 : memref<10240x128xf32, #tpu.memory_space<vmem_shared>>) offsets(%arg16 : memref<64xi32, #tpu.memory_space<vmem>>) semaphore(%arg23 : memref<!tpu.dma_semaphore, #tpu.memory_space<semaphore_mem>>) {add = true}
      %add3A_359 = arith.constant 3 : i32
      %add3A_360 = arith.addi %add3A_297, %add3A_359 : i32
      %lt3A_361 = arith.constant 160 : i32
      %lt3A_362 = arith.cmpi slt, %add3A_360, %lt3A_361 : i32
      %convert_element_type3A_363 = arith.extui %lt3A_362 : i1 to i32
      %cond3A_364 = arith.constant 0 : i32
      %cond3A_365 = arith.cmpi ne, %convert_element_type3A_363, %cond3A_364 : i32
      scf.if %cond3A_365 {
        %add3A_438 = arith.constant 3 : i32
        %add3A_439 = arith.addi %add3A_297, %add3A_438 : i32
        %mul3A_440 = arith.constant 64 : i32
        %mul3A_441 = arith.muli %add3A_439, %mul3A_440 : i32
        %add3A_442 = arith.constant 0 : i32
        %add3A_443 = arith.addi %mul3A_441, %add3A_442 : i32
        %get3A_444 = arith.index_cast %add3A_443 : i32 to index
        %get3A_445 = tpu.vector_load %arg5[%get3A_444] {strides = array<i32>} : memref<10240xi32, #tpu.memory_space<vmem>>, vector<16xi32>,
        %and3A_446 = arith.constant 65535 : i32
        %and3A_447 = vector.broadcast %and3A_446 : i32 to vector<16xi32>
        %and3A_448 = arith.andi %get3A_445, %and3A_447 : vector<16xi32>
        %swap3A_449 = arith.constant 0 : index
        %swap3A_450 = tpu.vector_load %arg13[%swap3A_449] {strides = array<i32>} : memref<64xi32, #tpu.memory_space<vmem>>, vector<16xi32>,
        tpu.vector_store %arg13[%swap3A_449], %and3A_448 {strides = array<i32>} : memref<64xi32, #tpu.memory_space<vmem>>, vector<16xi32>,
        %mul3A_451 = arith.constant 64 : i32
        %mul3A_452 = arith.muli %add3A_439, %mul3A_451 : i32
        %add3A_453 = arith.constant 16 : i32
        %add3A_454 = arith.addi %mul3A_452, %add3A_453 : i32
        %get3A_455 = arith.index_cast %add3A_454 : i32 to index
        %get3A_456 = tpu.vector_load %arg5[%get3A_455] {strides = array<i32>} : memref<10240xi32, #tpu.memory_space<vmem>>, vector<16xi32>,
        %and3A_457 = arith.constant 65535 : i32
        %and3A_458 = vector.broadcast %and3A_457 : i32 to vector<16xi32>
        %and3A_459 = arith.andi %get3A_456, %and3A_458 : vector<16xi32>
        %swap3A_460 = arith.constant 16 : index
        %swap3A_461 = tpu.vector_load %arg13[%swap3A_460] {strides = array<i32>} : memref<64xi32, #tpu.memory_space<vmem>>, vector<16xi32>,
        tpu.vector_store %arg13[%swap3A_460], %and3A_459 {strides = array<i32>} : memref<64xi32, #tpu.memory_space<vmem>>, vector<16xi32>,
        %mul3A_462 = arith.constant 64 : i32
        %mul3A_463 = arith.muli %add3A_439, %mul3A_462 : i32
        %add3A_464 = arith.constant 32 : i32
        %add3A_465 = arith.addi %mul3A_463, %add3A_464 : i32
        %get3A_466 = arith.index_cast %add3A_465 : i32 to index
        %get3A_467 = tpu.vector_load %arg5[%get3A_466] {strides = array<i32>} : memref<10240xi32, #tpu.memory_space<vmem>>, vector<16xi32>,
        %and3A_468 = arith.constant 65535 : i32
        %and3A_469 = vector.broadcast %and3A_468 : i32 to vector<16xi32>
        %and3A_470 = arith.andi %get3A_467, %and3A_469 : vector<16xi32>
        %swap3A_471 = arith.constant 32 : index
        %swap3A_472 = tpu.vector_load %arg13[%swap3A_471] {strides = array<i32>} : memref<64xi32, #tpu.memory_space<vmem>>, vector<16xi32>,
        tpu.vector_store %arg13[%swap3A_471], %and3A_470 {strides = array<i32>} : memref<64xi32, #tpu.memory_space<vmem>>, vector<16xi32>,
        %mul3A_473 = arith.constant 64 : i32
        %mul3A_474 = arith.muli %add3A_439, %mul3A_473 : i32
        %add3A_475 = arith.constant 48 : i32
        %add3A_476 = arith.addi %mul3A_474, %add3A_475 : i32
        %get3A_477 = arith.index_cast %add3A_476 : i32 to index
        %get3A_478 = tpu.vector_load %arg5[%get3A_477] {strides = array<i32>} : memref<10240xi32, #tpu.memory_space<vmem>>, vector<16xi32>,
        %and3A_479 = arith.constant 65535 : i32
        %and3A_480 = vector.broadcast %and3A_479 : i32 to vector<16xi32>
        %and3A_481 = arith.andi %get3A_478, %and3A_480 : vector<16xi32>
        %swap3A_482 = arith.constant 48 : index
        %swap3A_483 = tpu.vector_load %arg13[%swap3A_482] {strides = array<i32>} : memref<64xi32, #tpu.memory_space<vmem>>, vector<16xi32>,
        tpu.vector_store %arg13[%swap3A_482], %and3A_481 {strides = array<i32>} : memref<64xi32, #tpu.memory_space<vmem>>, vector<16xi32>,
        %dma_start3A_484 = arith.constant 0 : i32
        %dma_start3A_485 = arith.constant 0 : i32
        %dma_start3A_486 = tpu.memref_slice %arg2[%dma_start3A_484, %dma_start3A_485] : memref<10240x64xi32, #tpu.memory_space<hbm>> -> memref<10240x64xi32, #tpu.memory_space<hbm>>
        tpu.enqueue_indirect_dma source(%dma_start3A_486 : memref<10240x64xi32, #tpu.memory_space<hbm>>) target(%arg7 : memref<64x64xi32, #tpu.memory_space<vmem>>) offsets(%arg13 : memref<64xi32, #tpu.memory_space<vmem>>) semaphore(%arg20 : memref<!tpu.dma_semaphore, #tpu.memory_space<semaphore_mem>>)
      } else {
      }
      %mul3A_366 = arith.constant 4 : i32
      %mul3A_367 = arith.muli %mul3A_366, %scan3A_154 : i32
      %add3A_368 = arith.constant 3 : i32
      %add3A_369 = arith.addi %mul3A_367, %add3A_368 : i32
      %dma_wait3A_370 = arith.constant 0 : i32
      %dma_wait3A_371 = arith.constant 0 : i32
      %dma_wait3A_372 = tpu.memref_slice %arg2[%dma_wait3A_370, %dma_wait3A_371] : memref<10240x64xi32, #tpu.memory_space<hbm>> -> memref<10240x64xi32, #tpu.memory_space<hbm>>
      tpu.wait_indirect_dma semaphore(%arg22 : memref<!tpu.dma_semaphore, #tpu.memory_space<semaphore_mem>>) src(%dma_wait3A_372 : memref<10240x64xi32, #tpu.memory_space<hbm>>) dst(%arg9 : memref<64x64xi32, #tpu.memory_space<vmem>>)
      %ge3A_373 = arith.constant 2 : i32
      %ge3A_374 = arith.cmpi sge, %add3A_369, %ge3A_373 : i32
      %convert_element_type3A_375 = arith.extui %ge3A_374 : i1 to i32
      %cond3A_376 = arith.constant 0 : i32
      %cond3A_377 = arith.cmpi ne, %convert_element_type3A_375, %cond3A_376 : i32
      scf.if %cond3A_377 {
        %dma_wait3A_438 = arith.constant 0 : i32
        %dma_wait3A_439 = arith.constant 0 : i32
        %dma_wait3A_440 = tpu.memref_slice %arg18[%dma_wait3A_438, %dma_wait3A_439] : memref<10240x128xf32, #tpu.memory_space<vmem_shared>> -> memref<10240x128xf32, #tpu.memory_space<vmem_shared>>
        tpu.wait_indirect_dma semaphore(%arg24 : memref<!tpu.dma_semaphore, #tpu.memory_space<semaphore_mem>>) src(%arg11 : memref<64x128xf32, #tpu.memory_space<vmem>>) dst(%dma_wait3A_440 : memref<10240x128xf32, #tpu.memory_space<vmem_shared>>)
      } else {
      }
      %mul3A_378 = arith.constant 64 : i32
      %mul3A_379 = arith.muli %add3A_369, %mul3A_378 : i32
      %add3A_380 = arith.constant 0 : i32
      %add3A_381 = arith.addi %mul3A_379, %add3A_380 : i32
      %get3A_382 = arith.index_cast %add3A_381 : i32 to index
      %get3A_383 = tpu.vector_load %arg5[%get3A_382] {strides = array<i32>} : memref<10240xi32, #tpu.memory_space<vmem>>, vector<16xi32>,
      %shift_right_logical3A_384 = arith.constant 16 : i32
      %shift_right_logical3A_385 = vector.broadcast %shift_right_logical3A_384 : i32 to vector<16xi32>
      %shift_right_logical3A_386 = arith.shrui %get3A_383, %shift_right_logical3A_385 : vector<16xi32>
      %swap3A_387 = arith.constant 0 : index
      %swap3A_388 = tpu.vector_load %arg17[%swap3A_387] {strides = array<i32>} : memref<64xi32, #tpu.memory_space<vmem>>, vector<16xi32>,
      tpu.vector_store %arg17[%swap3A_387], %shift_right_logical3A_386 {strides = array<i32>} : memref<64xi32, #tpu.memory_space<vmem>>, vector<16xi32>,
      %mul3A_389 = arith.constant 64 : i32
      %mul3A_390 = arith.muli %add3A_369, %mul3A_389 : i32
      %add3A_391 = arith.constant 16 : i32
      %add3A_392 = arith.addi %mul3A_390, %add3A_391 : i32
      %get3A_393 = arith.index_cast %add3A_392 : i32 to index
      %get3A_394 = tpu.vector_load %arg5[%get3A_393] {strides = array<i32>} : memref<10240xi32, #tpu.memory_space<vmem>>, vector<16xi32>,
      %shift_right_logical3A_395 = arith.constant 16 : i32
      %shift_right_logical3A_396 = vector.broadcast %shift_right_logical3A_395 : i32 to vector<16xi32>
      %shift_right_logical3A_397 = arith.shrui %get3A_394, %shift_right_logical3A_396 : vector<16xi32>
      %swap3A_398 = arith.constant 16 : index
      %swap3A_399 = tpu.vector_load %arg17[%swap3A_398] {strides = array<i32>} : memref<64xi32, #tpu.memory_space<vmem>>, vector<16xi32>,
      tpu.vector_store %arg17[%swap3A_398], %shift_right_logical3A_397 {strides = array<i32>} : memref<64xi32, #tpu.memory_space<vmem>>, vector<16xi32>,
      %mul3A_400 = arith.constant 64 : i32
      %mul3A_401 = arith.muli %add3A_369, %mul3A_400 : i32
      %add3A_402 = arith.constant 32 : i32
      %add3A_403 = arith.addi %mul3A_401, %add3A_402 : i32
      %get3A_404 = arith.index_cast %add3A_403 : i32 to index
      %get3A_405 = tpu.vector_load %arg5[%get3A_404] {strides = array<i32>} : memref<10240xi32, #tpu.memory_space<vmem>>, vector<16xi32>,
      %shift_right_logical3A_406 = arith.constant 16 : i32
      %shift_right_logical3A_407 = vector.broadcast %shift_right_logical3A_406 : i32 to vector<16xi32>
      %shift_right_logical3A_408 = arith.shrui %get3A_405, %shift_right_logical3A_407 : vector<16xi32>
      %swap3A_409 = arith.constant 32 : index
      %swap3A_410 = tpu.vector_load %arg17[%swap3A_409] {strides = array<i32>} : memref<64xi32, #tpu.memory_space<vmem>>, vector<16xi32>,
      tpu.vector_store %arg17[%swap3A_409], %shift_right_logical3A_408 {strides = array<i32>} : memref<64xi32, #tpu.memory_space<vmem>>, vector<16xi32>,
      %mul3A_411 = arith.constant 64 : i32
      %mul3A_412 = arith.muli %add3A_369, %mul3A_411 : i32
      %add3A_413 = arith.constant 48 : i32
      %add3A_414 = arith.addi %mul3A_412, %add3A_413 : i32
      %get3A_415 = arith.index_cast %add3A_414 : i32 to index
      %get3A_416 = tpu.vector_load %arg5[%get3A_415] {strides = array<i32>} : memref<10240xi32, #tpu.memory_space<vmem>>, vector<16xi32>,
      %shift_right_logical3A_417 = arith.constant 16 : i32
      %shift_right_logical3A_418 = vector.broadcast %shift_right_logical3A_417 : i32 to vector<16xi32>
      %shift_right_logical3A_419 = arith.shrui %get3A_416, %shift_right_logical3A_418 : vector<16xi32>
      %swap3A_420 = arith.constant 48 : index
      %swap3A_421 = tpu.vector_load %arg17[%swap3A_420] {strides = array<i32>} : memref<64xi32, #tpu.memory_space<vmem>>, vector<16xi32>,
      tpu.vector_store %arg17[%swap3A_420], %shift_right_logical3A_419 {strides = array<i32>} : memref<64xi32, #tpu.memory_space<vmem>>, vector<16xi32>,
      %scan3A_422 = arith.constant 0 : i32
      %scan3A_423 = arith.constant 0 : i32
      %scan3A_424 = arith.constant 64 : i32
      %scan3A_425 = arith.addi %scan3A_423, %scan3A_424 : i32
      %scan3A_426 = arith.constant 1 : i32
      scf.for %scan3A_438 = %scan3A_423 to %scan3A_425 step %scan3A_426  : i32 {
        %get3A_439 = arith.index_cast %scan3A_438 : i32 to index
        %get3A_440 = arith.constant 0 : index
        %get3A_441 = tpu.vector_load %arg9[%get3A_439, %get3A_440] {strides = array<i32>} : memref<64x64xi32, #tpu.memory_space<vmem>>, vector<16xi32>,
        %bitcast3A = vector.bitcast %get3A_441 : vector<16xi32> to vector<32xbf16>
        %unpack3A = tpu.unpack_subelements %bitcast3A, 0 {pack_format = #tpu.pack_format<interleaved>} : vector<32xbf16> -> vector<16xf32>
        %unpack3A_442 = tpu.unpack_subelements %bitcast3A, 1 {pack_format = #tpu.pack_format<interleaved>} : vector<32xbf16> -> vector<16xf32>
        %swap3A_443 = arith.index_cast %scan3A_438 : i32 to index
        %swap3A_444 = arith.constant 0 : index
        %swap3A_445 = tpu.vector_load %arg11[%swap3A_443, %swap3A_444] {strides = array<i32>} : memref<64x128xf32, #tpu.memory_space<vmem>>, vector<16xf32>,
        tpu.vector_store %arg11[%swap3A_443, %swap3A_444], %unpack3A {strides = array<i32>} : memref<64x128xf32, #tpu.memory_space<vmem>>, vector<16xf32>,
        %swap3A_446 = arith.index_cast %scan3A_438 : i32 to index
        %swap3A_447 = arith.constant 64 : index
        %swap3A_448 = tpu.vector_load %arg11[%swap3A_446, %swap3A_447] {strides = array<i32>} : memref<64x128xf32, #tpu.memory_space<vmem>>, vector<16xf32>,
        tpu.vector_store %arg11[%swap3A_446, %swap3A_447], %unpack3A_442 {strides = array<i32>} : memref<64x128xf32, #tpu.memory_space<vmem>>, vector<16xf32>,
        %get3A_449 = arith.index_cast %scan3A_438 : i32 to index
        %get3A_450 = arith.constant 16 : index
        %get3A_451 = tpu.vector_load %arg9[%get3A_449, %get3A_450] {strides = array<i32>} : memref<64x64xi32, #tpu.memory_space<vmem>>, vector<16xi32>,
        %bitcast3A_452 = vector.bitcast %get3A_451 : vector<16xi32> to vector<32xbf16>
        %unpack3A_453 = tpu.unpack_subelements %bitcast3A_452, 0 {pack_format = #tpu.pack_format<interleaved>} : vector<32xbf16> -> vector<16xf32>
        %unpack3A_454 = tpu.unpack_subelements %bitcast3A_452, 1 {pack_format = #tpu.pack_format<interleaved>} : vector<32xbf16> -> vector<16xf32>
        %swap3A_455 = arith.index_cast %scan3A_438 : i32 to index
        %swap3A_456 = arith.constant 16 : index
        %swap3A_457 = tpu.vector_load %arg11[%swap3A_455, %swap3A_456] {strides = array<i32>} : memref<64x128xf32, #tpu.memory_space<vmem>>, vector<16xf32>,
        tpu.vector_store %arg11[%swap3A_455, %swap3A_456], %unpack3A_453 {strides = array<i32>} : memref<64x128xf32, #tpu.memory_space<vmem>>, vector<16xf32>,
        %swap3A_458 = arith.index_cast %scan3A_438 : i32 to index
        %swap3A_459 = arith.constant 80 : index
        %swap3A_460 = tpu.vector_load %arg11[%swap3A_458, %swap3A_459] {strides = array<i32>} : memref<64x128xf32, #tpu.memory_space<vmem>>, vector<16xf32>,
        tpu.vector_store %arg11[%swap3A_458, %swap3A_459], %unpack3A_454 {strides = array<i32>} : memref<64x128xf32, #tpu.memory_space<vmem>>, vector<16xf32>,
        %get3A_461 = arith.index_cast %scan3A_438 : i32 to index
        %get3A_462 = arith.constant 32 : index
        %get3A_463 = tpu.vector_load %arg9[%get3A_461, %get3A_462] {strides = array<i32>} : memref<64x64xi32, #tpu.memory_space<vmem>>, vector<16xi32>,
        %bitcast3A_464 = vector.bitcast %get3A_463 : vector<16xi32> to vector<32xbf16>
        %unpack3A_465 = tpu.unpack_subelements %bitcast3A_464, 0 {pack_format = #tpu.pack_format<interleaved>} : vector<32xbf16> -> vector<16xf32>
        %unpack3A_466 = tpu.unpack_subelements %bitcast3A_464, 1 {pack_format = #tpu.pack_format<interleaved>} : vector<32xbf16> -> vector<16xf32>
        %swap3A_467 = arith.index_cast %scan3A_438 : i32 to index
        %swap3A_468 = arith.constant 32 : index
        %swap3A_469 = tpu.vector_load %arg11[%swap3A_467, %swap3A_468] {strides = array<i32>} : memref<64x128xf32, #tpu.memory_space<vmem>>, vector<16xf32>,
        tpu.vector_store %arg11[%swap3A_467, %swap3A_468], %unpack3A_465 {strides = array<i32>} : memref<64x128xf32, #tpu.memory_space<vmem>>, vector<16xf32>,
        %swap3A_470 = arith.index_cast %scan3A_438 : i32 to index
        %swap3A_471 = arith.constant 96 : index
        %swap3A_472 = tpu.vector_load %arg11[%swap3A_470, %swap3A_471] {strides = array<i32>} : memref<64x128xf32, #tpu.memory_space<vmem>>, vector<16xf32>,
        tpu.vector_store %arg11[%swap3A_470, %swap3A_471], %unpack3A_466 {strides = array<i32>} : memref<64x128xf32, #tpu.memory_space<vmem>>, vector<16xf32>,
        %get3A_473 = arith.index_cast %scan3A_438 : i32 to index
        %get3A_474 = arith.constant 48 : index
        %get3A_475 = tpu.vector_load %arg9[%get3A_473, %get3A_474] {strides = array<i32>} : memref<64x64xi32, #tpu.memory_space<vmem>>, vector<16xi32>,
        %bitcast3A_476 = vector.bitcast %get3A_475 : vector<16xi32> to vector<32xbf16>
        %unpack3A_477 = tpu.unpack_subelements %bitcast3A_476, 0 {pack_format = #tpu.pack_format<interleaved>} : vector<32xbf16> -> vector<16xf32>
        %unpack3A_478 = tpu.unpack_subelements %bitcast3A_476, 1 {pack_format = #tpu.pack_format<interleaved>} : vector<32xbf16> -> vector<16xf32>
        %swap3A_479 = arith.index_cast %scan3A_438 : i32 to index
        %swap3A_480 = arith.constant 48 : index
        %swap3A_481 = tpu.vector_load %arg11[%swap3A_479, %swap3A_480] {strides = array<i32>} : memref<64x128xf32, #tpu.memory_space<vmem>>, vector<16xf32>,
        tpu.vector_store %arg11[%swap3A_479, %swap3A_480], %unpack3A_477 {strides = array<i32>} : memref<64x128xf32, #tpu.memory_space<vmem>>, vector<16xf32>,
        %swap3A_482 = arith.index_cast %scan3A_438 : i32 to index
        %swap3A_483 = arith.constant 112 : index
        %swap3A_484 = tpu.vector_load %arg11[%swap3A_482, %swap3A_483] {strides = array<i32>} : memref<64x128xf32, #tpu.memory_space<vmem>>, vector<16xf32>,
        tpu.vector_store %arg11[%swap3A_482, %swap3A_483], %unpack3A_478 {strides = array<i32>} : memref<64x128xf32, #tpu.memory_space<vmem>>, vector<16xf32>,
      }
      %scan3A_427 = arith.constant 64 : i32
      %dma_start3A_428 = arith.constant 0 : i32
      %dma_start3A_429 = arith.constant 0 : i32
      %dma_start3A_430 = tpu.memref_slice %arg18[%dma_start3A_428, %dma_start3A_429] : memref<10240x128xf32, #tpu.memory_space<vmem_shared>> -> memref<10240x128xf32, #tpu.memory_space<vmem_shared>>
      tpu.enqueue_indirect_dma source(%arg11 : memref<64x128xf32, #tpu.memory_space<vmem>>) target(%dma_start3A_430 : memref<10240x128xf32, #tpu.memory_space<vmem_shared>>) offsets(%arg17 : memref<64xi32, #tpu.memory_space<vmem>>) semaphore(%arg24 : memref<!tpu.dma_semaphore, #tpu.memory_space<semaphore_mem>>) {add = true}
      %add3A_431 = arith.constant 3 : i32
      %add3A_432 = arith.addi %add3A_369, %add3A_431 : i32
      %lt3A_433 = arith.constant 160 : i32
      %lt3A_434 = arith.cmpi slt, %add3A_432, %lt3A_433 : i32
      %convert_element_type3A_435 = arith.extui %lt3A_434 : i1 to i32
      %cond3A_436 = arith.constant 0 : i32
      %cond3A_437 = arith.cmpi ne, %convert_element_type3A_435, %cond3A_436 : i32
      scf.if %cond3A_437 {
        %add3A_438 = arith.constant 3 : i32
        %add3A_439 = arith.addi %add3A_369, %add3A_438 : i32
        %mul3A_440 = arith.constant 64 : i32
        %mul3A_441 = arith.muli %add3A_439, %mul3A_440 : i32
        %add3A_442 = arith.constant 0 : i32
        %add3A_443 = arith.addi %mul3A_441, %add3A_442 : i32
        %get3A_444 = arith.index_cast %add3A_443 : i32 to index
        %get3A_445 = tpu.vector_load %arg5[%get3A_444] {strides = array<i32>} : memref<10240xi32, #tpu.memory_space<vmem>>, vector<16xi32>,
        %and3A_446 = arith.constant 65535 : i32
        %and3A_447 = vector.broadcast %and3A_446 : i32 to vector<16xi32>
        %and3A_448 = arith.andi %get3A_445, %and3A_447 : vector<16xi32>
        %swap3A_449 = arith.constant 0 : index
        %swap3A_450 = tpu.vector_load %arg14[%swap3A_449] {strides = array<i32>} : memref<64xi32, #tpu.memory_space<vmem>>, vector<16xi32>,
        tpu.vector_store %arg14[%swap3A_449], %and3A_448 {strides = array<i32>} : memref<64xi32, #tpu.memory_space<vmem>>, vector<16xi32>,
        %mul3A_451 = arith.constant 64 : i32
        %mul3A_452 = arith.muli %add3A_439, %mul3A_451 : i32
        %add3A_453 = arith.constant 16 : i32
        %add3A_454 = arith.addi %mul3A_452, %add3A_453 : i32
        %get3A_455 = arith.index_cast %add3A_454 : i32 to index
        %get3A_456 = tpu.vector_load %arg5[%get3A_455] {strides = array<i32>} : memref<10240xi32, #tpu.memory_space<vmem>>, vector<16xi32>,
        %and3A_457 = arith.constant 65535 : i32
        %and3A_458 = vector.broadcast %and3A_457 : i32 to vector<16xi32>
        %and3A_459 = arith.andi %get3A_456, %and3A_458 : vector<16xi32>
        %swap3A_460 = arith.constant 16 : index
        %swap3A_461 = tpu.vector_load %arg14[%swap3A_460] {strides = array<i32>} : memref<64xi32, #tpu.memory_space<vmem>>, vector<16xi32>,
        tpu.vector_store %arg14[%swap3A_460], %and3A_459 {strides = array<i32>} : memref<64xi32, #tpu.memory_space<vmem>>, vector<16xi32>,
        %mul3A_462 = arith.constant 64 : i32
        %mul3A_463 = arith.muli %add3A_439, %mul3A_462 : i32
        %add3A_464 = arith.constant 32 : i32
        %add3A_465 = arith.addi %mul3A_463, %add3A_464 : i32
        %get3A_466 = arith.index_cast %add3A_465 : i32 to index
        %get3A_467 = tpu.vector_load %arg5[%get3A_466] {strides = array<i32>} : memref<10240xi32, #tpu.memory_space<vmem>>, vector<16xi32>,
        %and3A_468 = arith.constant 65535 : i32
        %and3A_469 = vector.broadcast %and3A_468 : i32 to vector<16xi32>
        %and3A_470 = arith.andi %get3A_467, %and3A_469 : vector<16xi32>
        %swap3A_471 = arith.constant 32 : index
        %swap3A_472 = tpu.vector_load %arg14[%swap3A_471] {strides = array<i32>} : memref<64xi32, #tpu.memory_space<vmem>>, vector<16xi32>,
        tpu.vector_store %arg14[%swap3A_471], %and3A_470 {strides = array<i32>} : memref<64xi32, #tpu.memory_space<vmem>>, vector<16xi32>,
        %mul3A_473 = arith.constant 64 : i32
        %mul3A_474 = arith.muli %add3A_439, %mul3A_473 : i32
        %add3A_475 = arith.constant 48 : i32
        %add3A_476 = arith.addi %mul3A_474, %add3A_475 : i32
        %get3A_477 = arith.index_cast %add3A_476 : i32 to index
        %get3A_478 = tpu.vector_load %arg5[%get3A_477] {strides = array<i32>} : memref<10240xi32, #tpu.memory_space<vmem>>, vector<16xi32>,
        %and3A_479 = arith.constant 65535 : i32
        %and3A_480 = vector.broadcast %and3A_479 : i32 to vector<16xi32>
        %and3A_481 = arith.andi %get3A_478, %and3A_480 : vector<16xi32>
        %swap3A_482 = arith.constant 48 : index
        %swap3A_483 = tpu.vector_load %arg14[%swap3A_482] {strides = array<i32>} : memref<64xi32, #tpu.memory_space<vmem>>, vector<16xi32>,
        tpu.vector_store %arg14[%swap3A_482], %and3A_481 {strides = array<i32>} : memref<64xi32, #tpu.memory_space<vmem>>, vector<16xi32>,
        %dma_start3A_484 = arith.constant 0 : i32
        %dma_start3A_485 = arith.constant 0 : i32
        %dma_start3A_486 = tpu.memref_slice %arg2[%dma_start3A_484, %dma_start3A_485] : memref<10240x64xi32, #tpu.memory_space<hbm>> -> memref<10240x64xi32, #tpu.memory_space<hbm>>
        tpu.enqueue_indirect_dma source(%dma_start3A_486 : memref<10240x64xi32, #tpu.memory_space<hbm>>) target(%arg8 : memref<64x64xi32, #tpu.memory_space<vmem>>) offsets(%arg14 : memref<64xi32, #tpu.memory_space<vmem>>) semaphore(%arg21 : memref<!tpu.dma_semaphore, #tpu.memory_space<semaphore_mem>>)
      } else {
      }
    }
    %scan3A_140 = arith.constant 40 : i32
    %dma_wait3A = arith.constant 0 : i32
    %dma_wait3A_141 = arith.constant 0 : i32
    %dma_wait3A_142 = tpu.memref_slice %arg18[%dma_wait3A, %dma_wait3A_141] : memref<10240x128xf32, #tpu.memory_space<vmem_shared>> -> memref<10240x128xf32, #tpu.memory_space<vmem_shared>>
    tpu.wait_indirect_dma semaphore(%arg23 : memref<!tpu.dma_semaphore, #tpu.memory_space<semaphore_mem>>) src(%arg10 : memref<64x128xf32, #tpu.memory_space<vmem>>) dst(%dma_wait3A_142 : memref<10240x128xf32, #tpu.memory_space<vmem_shared>>)
    %dma_wait3A_143 = arith.constant 0 : i32
    %dma_wait3A_144 = arith.constant 0 : i32
    %dma_wait3A_145 = tpu.memref_slice %arg18[%dma_wait3A_143, %dma_wait3A_144] : memref<10240x128xf32, #tpu.memory_space<vmem_shared>> -> memref<10240x128xf32, #tpu.memory_space<vmem_shared>>
    tpu.wait_indirect_dma semaphore(%arg24 : memref<!tpu.dma_semaphore, #tpu.memory_space<semaphore_mem>>) src(%arg11 : memref<64x128xf32, #tpu.memory_space<vmem>>) dst(%dma_wait3A_145 : memref<10240x128xf32, #tpu.memory_space<vmem_shared>>)
    %barrier3A_146 = arith.constant 0 : index
    tpu.barrier barrier_id(%barrier3A_146)
    %mul3A_147 = arith.constant 640 : i32
    %mul3A_148 = arith.muli %arg1, %mul3A_147 : i32
    %mul3A_149 = arith.constant 10240 : i32
    %mul3A_150 = arith.muli %arg0, %mul3A_149 : i32
    %mul3A_151 = arith.constant 640 : i32
    %mul3A_152 = arith.muli %arg1, %mul3A_151 : i32
    %add3A_153 = arith.addi %mul3A_150, %mul3A_152 : i32
    "tpu.region"() ({
      %run_scoped3A = tpu.sem_alloc : memref<!tpu.dma_semaphore, #tpu.memory_space<semaphore_mem>>
      %dma_start3A_154 = arith.constant 0 : i32
      %dma_start3A_155 = tpu.memref_slice %arg4[%add3A_153, %dma_start3A_154] : memref<20480x128xf32, #tpu.memory_space<hbm>> -> memref<640x128xf32, #tpu.memory_space<hbm>>
      %dma_start3A_156 = arith.constant 0 : i32
      %dma_start3A_157 = tpu.memref_slice %arg18[%mul3A_148, %dma_start3A_156] : memref<10240x128xf32, #tpu.memory_space<vmem_shared>> -> memref<640x128xf32, #tpu.memory_space<vmem_shared>>
      tpu.enqueue_dma source(%dma_start3A_157 : memref<640x128xf32, #tpu.memory_space<vmem_shared>>) target(%dma_start3A_155 : memref<640x128xf32, #tpu.memory_space<hbm>>) target_semaphore(%run_scoped3A : memref<!tpu.dma_semaphore, #tpu.memory_space<semaphore_mem>>)
      %dma_wait3A_158 = arith.constant 0 : i32
      %dma_wait3A_159 = tpu.memref_slice %arg4[%add3A_153, %dma_wait3A_158] : memref<20480x128xf32, #tpu.memory_space<hbm>> -> memref<640x128xf32, #tpu.memory_space<hbm>>
      %dma_wait3A_160 = arith.constant 0 : i32
      %dma_wait3A_161 = tpu.memref_slice %arg18[%mul3A_148, %dma_wait3A_160] : memref<10240x128xf32, #tpu.memory_space<vmem_shared>> -> memref<640x128xf32, #tpu.memory_space<vmem_shared>>
      tpu.wait_dma2 semaphore(%run_scoped3A : memref<!tpu.dma_semaphore, #tpu.memory_space<semaphore_mem>>) src(%dma_wait3A_161 : memref<640x128xf32, #tpu.memory_space<vmem_shared>>) dst(%dma_wait3A_159 : memref<640x128xf32, #tpu.memory_space<hbm>>)
      tpu.yield
    }) : () -> ()
    return
  }
}

#map = affine_map<(d0, d1) -> (0, 0)>
module attributes {stable_mosaic.version = 14 : i64} {
  func.func @_agg_kernel(%arg0: i32, %arg1: i32, %arg2: memref<10240x64xi32, #tpu.memory_space<hbm>>, %arg3: memref<32x10240xi32, #tpu.memory_space<hbm>>, %arg4: memref<20480x128xf32, #tpu.memory_space<hbm>>, %arg5: memref<10240xi32, #tpu.memory_space<vmem>>, %arg6: memref<64x64xi32, #tpu.memory_space<vmem>>, %arg7: memref<64x64xi32, #tpu.memory_space<vmem>>, %arg8: memref<64x64xi32, #tpu.memory_space<vmem>>, %arg9: memref<64x64xi32, #tpu.memory_space<vmem>>, %arg10: memref<64x128xf32, #tpu.memory_space<vmem>>, %arg11: memref<64x128xf32, #tpu.memory_space<vmem>>, %arg12: memref<64xi32, #tpu.memory_space<vmem>>, %arg13: memref<64xi32, #tpu.memory_space<vmem>>, %arg14: memref<64xi32, #tpu.memory_space<vmem>>, %arg15: memref<64xi32, #tpu.memory_space<vmem>>, %arg16: memref<64xi32, #tpu.memory_space<vmem>>, %arg17: memref<64xi32, #tpu.memory_space<vmem>>, %arg18: memref<10240x128xf32, #tpu.memory_space<vmem_shared>>, %arg19: memref<!tpu.dma_semaphore, #tpu.memory_space<semaphore_mem>>, %arg20: memref<!tpu.dma_semaphore, #tpu.memory_space<semaphore_mem>>, %arg21: memref<!tpu.dma_semaphore, #tpu.memory_space<semaphore_mem>>, %arg22: memref<!tpu.dma_semaphore, #tpu.memory_space<semaphore_mem>>, %arg23: memref<!tpu.dma_semaphore, #tpu.memory_space<semaphore_mem>>, %arg24: memref<!tpu.dma_semaphore, #tpu.memory_space<semaphore_mem>>) attributes {dimension_semantics = [#tpu.dimension_semantics<core_parallel>, #tpu.dimension_semantics<subcore_parallel>], iteration_bounds = array<i64: 2, 16>, scalar_prefetch = 0 : i64, scratch_operands = 20 : i64, tpu.core_type = #tpu.core_type<sc_vector_subcore>, window_params = [{transform_indices = #map}, {transform_indices = #map}, {transform_indices = #map}]} {
    %mul3A = arith.constant 16 : i32
    %mul3A_0 = arith.muli %arg0, %mul3A : i32
    %add3A = arith.addi %mul3A_0, %arg1 : i32
    %scan3A = arith.constant 0 : i32
    %scan3A_1 = arith.constant 0 : i32
    %scan3A_2 = arith.constant 64 : i32
    %scan3A_3 = arith.addi %scan3A_1, %scan3A_2 : i32
    %scan3A_4 = arith.constant 1 : i32
    scf.for %scan3A_154 = %scan3A_1 to %scan3A_3 step %scan3A_4  : i32 {
      %broadcast_in_dim3A = arith.constant 0.000000e+00 : f32
      %broadcast_in_dim3A_155 = vector.broadcast %broadcast_in_dim3A : f32 to vector<16xf32>
      %swap3A_156 = arith.index_cast %scan3A_154 : i32 to index
      %swap3A_157 = arith.constant 0 : index
      %swap3A_158 = tpu.vector_load %arg10[%swap3A_156, %swap3A_157] {strides = array<i32>} : memref<64x128xf32, #tpu.memory_space<vmem>>, vector<16xf32>,
      tpu.vector_store %arg10[%swap3A_156, %swap3A_157], %broadcast_in_dim3A_155 {strides = array<i32>} : memref<64x128xf32, #tpu.memory_space<vmem>>, vector<16xf32>,
      %broadcast_in_dim3A_159 = arith.constant 0.000000e+00 : f32
      %broadcast_in_dim3A_160 = vector.broadcast %broadcast_in_dim3A_159 : f32 to vector<16xf32>
      %swap3A_161 = arith.index_cast %scan3A_154 : i32 to index
      %swap3A_162 = arith.constant 16 : index
      %swap3A_163 = tpu.vector_load %arg10[%swap3A_161, %swap3A_162] {strides = array<i32>} : memref<64x128xf32, #tpu.memory_space<vmem>>, vector<16xf32>,
      tpu.vector_store %arg10[%swap3A_161, %swap3A_162], %broadcast_in_dim3A_160 {strides = array<i32>} : memref<64x128xf32, #tpu.memory_space<vmem>>, vector<16xf32>,
      %broadcast_in_dim3A_164 = arith.constant 0.000000e+00 : f32
      %broadcast_in_dim3A_165 = vector.broadcast %broadcast_in_dim3A_164 : f32 to vector<16xf32>
      %swap3A_166 = arith.index_cast %scan3A_154 : i32 to index
      %swap3A_167 = arith.constant 32 : index
      %swap3A_168 = tpu.vector_load %arg10[%swap3A_166, %swap3A_167] {strides = array<i32>} : memref<64x128xf32, #tpu.memory_space<vmem>>, vector<16xf32>,
      tpu.vector_store %arg10[%swap3A_166, %swap3A_167], %broadcast_in_dim3A_165 {strides = array<i32>} : memref<64x128xf32, #tpu.memory_space<vmem>>, vector<16xf32>,
      %broadcast_in_dim3A_169 = arith.constant 0.000000e+00 : f32
      %broadcast_in_dim3A_170 = vector.broadcast %broadcast_in_dim3A_169 : f32 to vector<16xf32>
      %swap3A_171 = arith.index_cast %scan3A_154 : i32 to index
      %swap3A_172 = arith.constant 48 : index
      %swap3A_173 = tpu.vector_load %arg10[%swap3A_171, %swap3A_172] {strides = array<i32>} : memref<64x128xf32, #tpu.memory_space<vmem>>, vector<16xf32>,
      tpu.vector_store %arg10[%swap3A_171, %swap3A_172], %broadcast_in_dim3A_170 {strides = array<i32>} : memref<64x128xf32, #tpu.memory_space<vmem>>, vector<16xf32>,
      %broadcast_in_dim3A_174 = arith.constant 0.000000e+00 : f32
      %broadcast_in_dim3A_175 = vector.broadcast %broadcast_in_dim3A_174 : f32 to vector<16xf32>
      %swap3A_176 = arith.index_cast %scan3A_154 : i32 to index
      %swap3A_177 = arith.constant 64 : index
      %swap3A_178 = tpu.vector_load %arg10[%swap3A_176, %swap3A_177] {strides = array<i32>} : memref<64x128xf32, #tpu.memory_space<vmem>>, vector<16xf32>,
      tpu.vector_store %arg10[%swap3A_176, %swap3A_177], %broadcast_in_dim3A_175 {strides = array<i32>} : memref<64x128xf32, #tpu.memory_space<vmem>>, vector<16xf32>,
      %broadcast_in_dim3A_179 = arith.constant 0.000000e+00 : f32
      %broadcast_in_dim3A_180 = vector.broadcast %broadcast_in_dim3A_179 : f32 to vector<16xf32>
      %swap3A_181 = arith.index_cast %scan3A_154 : i32 to index
      %swap3A_182 = arith.constant 80 : index
      %swap3A_183 = tpu.vector_load %arg10[%swap3A_181, %swap3A_182] {strides = array<i32>} : memref<64x128xf32, #tpu.memory_space<vmem>>, vector<16xf32>,
      tpu.vector_store %arg10[%swap3A_181, %swap3A_182], %broadcast_in_dim3A_180 {strides = array<i32>} : memref<64x128xf32, #tpu.memory_space<vmem>>, vector<16xf32>,
      %broadcast_in_dim3A_184 = arith.constant 0.000000e+00 : f32
      %broadcast_in_dim3A_185 = vector.broadcast %broadcast_in_dim3A_184 : f32 to vector<16xf32>
      %swap3A_186 = arith.index_cast %scan3A_154 : i32 to index
      %swap3A_187 = arith.constant 96 : index
      %swap3A_188 = tpu.vector_load %arg10[%swap3A_186, %swap3A_187] {strides = array<i32>} : memref<64x128xf32, #tpu.memory_space<vmem>>, vector<16xf32>,
      tpu.vector_store %arg10[%swap3A_186, %swap3A_187], %broadcast_in_dim3A_185 {strides = array<i32>} : memref<64x128xf32, #tpu.memory_space<vmem>>, vector<16xf32>,
      %broadcast_in_dim3A_189 = arith.constant 0.000000e+00 : f32
      %broadcast_in_dim3A_190 = vector.broadcast %broadcast_in_dim3A_189 : f32 to vector<16xf32>
      %swap3A_191 = arith.index_cast %scan3A_154 : i32 to index
      %swap3A_192 = arith.constant 112 : index
      %swap3A_193 = tpu.vector_load %arg10[%swap3A_191, %swap3A_192] {strides = array<i32>} : memref<64x128xf32, #tpu.memory_space<vmem>>, vector<16xf32>,
      tpu.vector_store %arg10[%swap3A_191, %swap3A_192], %broadcast_in_dim3A_190 {strides = array<i32>} : memref<64x128xf32, #tpu.memory_space<vmem>>, vector<16xf32>,
    }
    %scan3A_5 = arith.constant 64 : i32
    %mul3A_6 = arith.constant 640 : i32
    %mul3A_7 = arith.muli %arg1, %mul3A_6 : i32
    %add3A_8 = arith.constant 0 : i32
    %add3A_9 = arith.addi %mul3A_7, %add3A_8 : i32
    "tpu.region"() ({
      %run_scoped3A = tpu.sem_alloc : memref<!tpu.dma_semaphore, #tpu.memory_space<semaphore_mem>>
      %dma_start3A_154 = arith.constant 0 : i32
      %dma_start3A_155 = tpu.memref_slice %arg18[%add3A_9, %dma_start3A_154] : memref<10240x128xf32, #tpu.memory_space<vmem_shared>> -> memref<64x128xf32, #tpu.memory_space<vmem_shared>>
      %dma_start3A_156 = arith.constant 0 : i32
      %dma_start3A_157 = tpu.memref_slice %arg18[%add3A_9, %dma_start3A_156] : memref<10240x128xf32, #tpu.memory_space<vmem_shared>> -> memref<64x128xf32, #tpu.memory_space<vmem_shared>>
      tpu.enqueue_dma source(%arg10 : memref<64x128xf32, #tpu.memory_space<vmem>>) target(%dma_start3A_157 : memref<64x128xf32, #tpu.memory_space<vmem_shared>>) target_semaphore(%run_scoped3A : memref<!tpu.dma_semaphore, #tpu.memory_space<semaphore_mem>>)
      %dma_wait3A_158 = arith.constant 0 : i32
      %dma_wait3A_159 = tpu.memref_slice %arg18[%add3A_9, %dma_wait3A_158] : memref<10240x128xf32, #tpu.memory_space<vmem_shared>> -> memref<64x128xf32, #tpu.memory_space<vmem_shared>>
      %dma_wait3A_160 = arith.constant 0 : i32
      %dma_wait3A_161 = tpu.memref_slice %arg18[%add3A_9, %dma_wait3A_160] : memref<10240x128xf32, #tpu.memory_space<vmem_shared>> -> memref<64x128xf32, #tpu.memory_space<vmem_shared>>
      tpu.wait_dma2 semaphore(%run_scoped3A : memref<!tpu.dma_semaphore, #tpu.memory_space<semaphore_mem>>) src(%arg10 : memref<64x128xf32, #tpu.memory_space<vmem>>) dst(%dma_wait3A_161 : memref<64x128xf32, #tpu.memory_space<vmem_shared>>)
      tpu.yield
    }) : () -> ()
    %mul3A_10 = arith.constant 640 : i32
    %mul3A_11 = arith.muli %arg1, %mul3A_10 : i32
    %add3A_12 = arith.constant 64 : i32
    %add3A_13 = arith.addi %mul3A_11, %add3A_12 : i32
    "tpu.region"() ({
      %run_scoped3A = tpu.sem_alloc : memref<!tpu.dma_semaphore, #tpu.memory_space<semaphore_mem>>
      %dma_start3A_154 = arith.constant 0 : i32
      %dma_start3A_155 = tpu.memref_slice %arg18[%add3A_13, %dma_start3A_154] : memref<10240x128xf32, #tpu.memory_space<vmem_shared>> -> memref<64x128xf32, #tpu.memory_space<vmem_shared>>
      %dma_start3A_156 = arith.constant 0 : i32
      %dma_start3A_157 = tpu.memref_slice %arg18[%add3A_13, %dma_start3A_156] : memref<10240x128xf32, #tpu.memory_space<vmem_shared>> -> memref<64x128xf32, #tpu.memory_space<vmem_shared>>
      tpu.enqueue_dma source(%arg10 : memref<64x128xf32, #tpu.memory_space<vmem>>) target(%dma_start3A_157 : memref<64x128xf32, #tpu.memory_space<vmem_shared>>) target_semaphore(%run_scoped3A : memref<!tpu.dma_semaphore, #tpu.memory_space<semaphore_mem>>)
      %dma_wait3A_158 = arith.constant 0 : i32
      %dma_wait3A_159 = tpu.memref_slice %arg18[%add3A_13, %dma_wait3A_158] : memref<10240x128xf32, #tpu.memory_space<vmem_shared>> -> memref<64x128xf32, #tpu.memory_space<vmem_shared>>
      %dma_wait3A_160 = arith.constant 0 : i32
      %dma_wait3A_161 = tpu.memref_slice %arg18[%add3A_13, %dma_wait3A_160] : memref<10240x128xf32, #tpu.memory_space<vmem_shared>> -> memref<64x128xf32, #tpu.memory_space<vmem_shared>>
      tpu.wait_dma2 semaphore(%run_scoped3A : memref<!tpu.dma_semaphore, #tpu.memory_space<semaphore_mem>>) src(%arg10 : memref<64x128xf32, #tpu.memory_space<vmem>>) dst(%dma_wait3A_161 : memref<64x128xf32, #tpu.memory_space<vmem_shared>>)
      tpu.yield
    }) : () -> ()
    %mul3A_14 = arith.constant 640 : i32
    %mul3A_15 = arith.muli %arg1, %mul3A_14 : i32
    %add3A_16 = arith.constant 128 : i32
    %add3A_17 = arith.addi %mul3A_15, %add3A_16 : i32
    "tpu.region"() ({
      %run_scoped3A = tpu.sem_alloc : memref<!tpu.dma_semaphore, #tpu.memory_space<semaphore_mem>>
      %dma_start3A_154 = arith.constant 0 : i32
      %dma_start3A_155 = tpu.memref_slice %arg18[%add3A_17, %dma_start3A_154] : memref<10240x128xf32, #tpu.memory_space<vmem_shared>> -> memref<64x128xf32, #tpu.memory_space<vmem_shared>>
      %dma_start3A_156 = arith.constant 0 : i32
      %dma_start3A_157 = tpu.memref_slice %arg18[%add3A_17, %dma_start3A_156] : memref<10240x128xf32, #tpu.memory_space<vmem_shared>> -> memref<64x128xf32, #tpu.memory_space<vmem_shared>>
      tpu.enqueue_dma source(%arg10 : memref<64x128xf32, #tpu.memory_space<vmem>>) target(%dma_start3A_157 : memref<64x128xf32, #tpu.memory_space<vmem_shared>>) target_semaphore(%run_scoped3A : memref<!tpu.dma_semaphore, #tpu.memory_space<semaphore_mem>>)
      %dma_wait3A_158 = arith.constant 0 : i32
      %dma_wait3A_159 = tpu.memref_slice %arg18[%add3A_17, %dma_wait3A_158] : memref<10240x128xf32, #tpu.memory_space<vmem_shared>> -> memref<64x128xf32, #tpu.memory_space<vmem_shared>>
      %dma_wait3A_160 = arith.constant 0 : i32
      %dma_wait3A_161 = tpu.memref_slice %arg18[%add3A_17, %dma_wait3A_160] : memref<10240x128xf32, #tpu.memory_space<vmem_shared>> -> memref<64x128xf32, #tpu.memory_space<vmem_shared>>
      tpu.wait_dma2 semaphore(%run_scoped3A : memref<!tpu.dma_semaphore, #tpu.memory_space<semaphore_mem>>) src(%arg10 : memref<64x128xf32, #tpu.memory_space<vmem>>) dst(%dma_wait3A_161 : memref<64x128xf32, #tpu.memory_space<vmem_shared>>)
      tpu.yield
    }) : () -> ()
    %mul3A_18 = arith.constant 640 : i32
    %mul3A_19 = arith.muli %arg1, %mul3A_18 : i32
    %add3A_20 = arith.constant 192 : i32
    %add3A_21 = arith.addi %mul3A_19, %add3A_20 : i32
    "tpu.region"() ({
      %run_scoped3A = tpu.sem_alloc : memref<!tpu.dma_semaphore, #tpu.memory_space<semaphore_mem>>
      %dma_start3A_154 = arith.constant 0 : i32
      %dma_start3A_155 = tpu.memref_slice %arg18[%add3A_21, %dma_start3A_154] : memref<10240x128xf32, #tpu.memory_space<vmem_shared>> -> memref<64x128xf32, #tpu.memory_space<vmem_shared>>
      %dma_start3A_156 = arith.constant 0 : i32
      %dma_start3A_157 = tpu.memref_slice %arg18[%add3A_21, %dma_start3A_156] : memref<10240x128xf32, #tpu.memory_space<vmem_shared>> -> memref<64x128xf32, #tpu.memory_space<vmem_shared>>
      tpu.enqueue_dma source(%arg10 : memref<64x128xf32, #tpu.memory_space<vmem>>) target(%dma_start3A_157 : memref<64x128xf32, #tpu.memory_space<vmem_shared>>) target_semaphore(%run_scoped3A : memref<!tpu.dma_semaphore, #tpu.memory_space<semaphore_mem>>)
      %dma_wait3A_158 = arith.constant 0 : i32
      %dma_wait3A_159 = tpu.memref_slice %arg18[%add3A_21, %dma_wait3A_158] : memref<10240x128xf32, #tpu.memory_space<vmem_shared>> -> memref<64x128xf32, #tpu.memory_space<vmem_shared>>
      %dma_wait3A_160 = arith.constant 0 : i32
      %dma_wait3A_161 = tpu.memref_slice %arg18[%add3A_21, %dma_wait3A_160] : memref<10240x128xf32, #tpu.memory_space<vmem_shared>> -> memref<64x128xf32, #tpu.memory_space<vmem_shared>>
      tpu.wait_dma2 semaphore(%run_scoped3A : memref<!tpu.dma_semaphore, #tpu.memory_space<semaphore_mem>>) src(%arg10 : memref<64x128xf32, #tpu.memory_space<vmem>>) dst(%dma_wait3A_161 : memref<64x128xf32, #tpu.memory_space<vmem_shared>>)
      tpu.yield
    }) : () -> ()
    %mul3A_22 = arith.constant 640 : i32
    %mul3A_23 = arith.muli %arg1, %mul3A_22 : i32
    %add3A_24 = arith.constant 256 : i32
    %add3A_25 = arith.addi %mul3A_23, %add3A_24 : i32
    "tpu.region"() ({
      %run_scoped3A = tpu.sem_alloc : memref<!tpu.dma_semaphore, #tpu.memory_space<semaphore_mem>>
      %dma_start3A_154 = arith.constant 0 : i32
      %dma_start3A_155 = tpu.memref_slice %arg18[%add3A_25, %dma_start3A_154] : memref<10240x128xf32, #tpu.memory_space<vmem_shared>> -> memref<64x128xf32, #tpu.memory_space<vmem_shared>>
      %dma_start3A_156 = arith.constant 0 : i32
      %dma_start3A_157 = tpu.memref_slice %arg18[%add3A_25, %dma_start3A_156] : memref<10240x128xf32, #tpu.memory_space<vmem_shared>> -> memref<64x128xf32, #tpu.memory_space<vmem_shared>>
      tpu.enqueue_dma source(%arg10 : memref<64x128xf32, #tpu.memory_space<vmem>>) target(%dma_start3A_157 : memref<64x128xf32, #tpu.memory_space<vmem_shared>>) target_semaphore(%run_scoped3A : memref<!tpu.dma_semaphore, #tpu.memory_space<semaphore_mem>>)
      %dma_wait3A_158 = arith.constant 0 : i32
      %dma_wait3A_159 = tpu.memref_slice %arg18[%add3A_25, %dma_wait3A_158] : memref<10240x128xf32, #tpu.memory_space<vmem_shared>> -> memref<64x128xf32, #tpu.memory_space<vmem_shared>>
      %dma_wait3A_160 = arith.constant 0 : i32
      %dma_wait3A_161 = tpu.memref_slice %arg18[%add3A_25, %dma_wait3A_160] : memref<10240x128xf32, #tpu.memory_space<vmem_shared>> -> memref<64x128xf32, #tpu.memory_space<vmem_shared>>
      tpu.wait_dma2 semaphore(%run_scoped3A : memref<!tpu.dma_semaphore, #tpu.memory_space<semaphore_mem>>) src(%arg10 : memref<64x128xf32, #tpu.memory_space<vmem>>) dst(%dma_wait3A_161 : memref<64x128xf32, #tpu.memory_space<vmem_shared>>)
      tpu.yield
    }) : () -> ()
    %mul3A_26 = arith.constant 640 : i32
    %mul3A_27 = arith.muli %arg1, %mul3A_26 : i32
    %add3A_28 = arith.constant 320 : i32
    %add3A_29 = arith.addi %mul3A_27, %add3A_28 : i32
    "tpu.region"() ({
      %run_scoped3A = tpu.sem_alloc : memref<!tpu.dma_semaphore, #tpu.memory_space<semaphore_mem>>
      %dma_start3A_154 = arith.constant 0 : i32
      %dma_start3A_155 = tpu.memref_slice %arg18[%add3A_29, %dma_start3A_154] : memref<10240x128xf32, #tpu.memory_space<vmem_shared>> -> memref<64x128xf32, #tpu.memory_space<vmem_shared>>
      %dma_start3A_156 = arith.constant 0 : i32
      %dma_start3A_157 = tpu.memref_slice %arg18[%add3A_29, %dma_start3A_156] : memref<10240x128xf32, #tpu.memory_space<vmem_shared>> -> memref<64x128xf32, #tpu.memory_space<vmem_shared>>
      tpu.enqueue_dma source(%arg10 : memref<64x128xf32, #tpu.memory_space<vmem>>) target(%dma_start3A_157 : memref<64x128xf32, #tpu.memory_space<vmem_shared>>) target_semaphore(%run_scoped3A : memref<!tpu.dma_semaphore, #tpu.memory_space<semaphore_mem>>)
      %dma_wait3A_158 = arith.constant 0 : i32
      %dma_wait3A_159 = tpu.memref_slice %arg18[%add3A_29, %dma_wait3A_158] : memref<10240x128xf32, #tpu.memory_space<vmem_shared>> -> memref<64x128xf32, #tpu.memory_space<vmem_shared>>
      %dma_wait3A_160 = arith.constant 0 : i32
      %dma_wait3A_161 = tpu.memref_slice %arg18[%add3A_29, %dma_wait3A_160] : memref<10240x128xf32, #tpu.memory_space<vmem_shared>> -> memref<64x128xf32, #tpu.memory_space<vmem_shared>>
      tpu.wait_dma2 semaphore(%run_scoped3A : memref<!tpu.dma_semaphore, #tpu.memory_space<semaphore_mem>>) src(%arg10 : memref<64x128xf32, #tpu.memory_space<vmem>>) dst(%dma_wait3A_161 : memref<64x128xf32, #tpu.memory_space<vmem_shared>>)
      tpu.yield
    }) : () -> ()
    %mul3A_30 = arith.constant 640 : i32
    %mul3A_31 = arith.muli %arg1, %mul3A_30 : i32
    %add3A_32 = arith.constant 384 : i32
    %add3A_33 = arith.addi %mul3A_31, %add3A_32 : i32
    "tpu.region"() ({
      %run_scoped3A = tpu.sem_alloc : memref<!tpu.dma_semaphore, #tpu.memory_space<semaphore_mem>>
      %dma_start3A_154 = arith.constant 0 : i32
      %dma_start3A_155 = tpu.memref_slice %arg18[%add3A_33, %dma_start3A_154] : memref<10240x128xf32, #tpu.memory_space<vmem_shared>> -> memref<64x128xf32, #tpu.memory_space<vmem_shared>>
      %dma_start3A_156 = arith.constant 0 : i32
      %dma_start3A_157 = tpu.memref_slice %arg18[%add3A_33, %dma_start3A_156] : memref<10240x128xf32, #tpu.memory_space<vmem_shared>> -> memref<64x128xf32, #tpu.memory_space<vmem_shared>>
      tpu.enqueue_dma source(%arg10 : memref<64x128xf32, #tpu.memory_space<vmem>>) target(%dma_start3A_157 : memref<64x128xf32, #tpu.memory_space<vmem_shared>>) target_semaphore(%run_scoped3A : memref<!tpu.dma_semaphore, #tpu.memory_space<semaphore_mem>>)
      %dma_wait3A_158 = arith.constant 0 : i32
      %dma_wait3A_159 = tpu.memref_slice %arg18[%add3A_33, %dma_wait3A_158] : memref<10240x128xf32, #tpu.memory_space<vmem_shared>> -> memref<64x128xf32, #tpu.memory_space<vmem_shared>>
      %dma_wait3A_160 = arith.constant 0 : i32
      %dma_wait3A_161 = tpu.memref_slice %arg18[%add3A_33, %dma_wait3A_160] : memref<10240x128xf32, #tpu.memory_space<vmem_shared>> -> memref<64x128xf32, #tpu.memory_space<vmem_shared>>
      tpu.wait_dma2 semaphore(%run_scoped3A : memref<!tpu.dma_semaphore, #tpu.memory_space<semaphore_mem>>) src(%arg10 : memref<64x128xf32, #tpu.memory_space<vmem>>) dst(%dma_wait3A_161 : memref<64x128xf32, #tpu.memory_space<vmem_shared>>)
      tpu.yield
    }) : () -> ()
    %mul3A_34 = arith.constant 640 : i32
    %mul3A_35 = arith.muli %arg1, %mul3A_34 : i32
    %add3A_36 = arith.constant 448 : i32
    %add3A_37 = arith.addi %mul3A_35, %add3A_36 : i32
    "tpu.region"() ({
      %run_scoped3A = tpu.sem_alloc : memref<!tpu.dma_semaphore, #tpu.memory_space<semaphore_mem>>
      %dma_start3A_154 = arith.constant 0 : i32
      %dma_start3A_155 = tpu.memref_slice %arg18[%add3A_37, %dma_start3A_154] : memref<10240x128xf32, #tpu.memory_space<vmem_shared>> -> memref<64x128xf32, #tpu.memory_space<vmem_shared>>
      %dma_start3A_156 = arith.constant 0 : i32
      %dma_start3A_157 = tpu.memref_slice %arg18[%add3A_37, %dma_start3A_156] : memref<10240x128xf32, #tpu.memory_space<vmem_shared>> -> memref<64x128xf32, #tpu.memory_space<vmem_shared>>
      tpu.enqueue_dma source(%arg10 : memref<64x128xf32, #tpu.memory_space<vmem>>) target(%dma_start3A_157 : memref<64x128xf32, #tpu.memory_space<vmem_shared>>) target_semaphore(%run_scoped3A : memref<!tpu.dma_semaphore, #tpu.memory_space<semaphore_mem>>)
      %dma_wait3A_158 = arith.constant 0 : i32
      %dma_wait3A_159 = tpu.memref_slice %arg18[%add3A_37, %dma_wait3A_158] : memref<10240x128xf32, #tpu.memory_space<vmem_shared>> -> memref<64x128xf32, #tpu.memory_space<vmem_shared>>
      %dma_wait3A_160 = arith.constant 0 : i32
      %dma_wait3A_161 = tpu.memref_slice %arg18[%add3A_37, %dma_wait3A_160] : memref<10240x128xf32, #tpu.memory_space<vmem_shared>> -> memref<64x128xf32, #tpu.memory_space<vmem_shared>>
      tpu.wait_dma2 semaphore(%run_scoped3A : memref<!tpu.dma_semaphore, #tpu.memory_space<semaphore_mem>>) src(%arg10 : memref<64x128xf32, #tpu.memory_space<vmem>>) dst(%dma_wait3A_161 : memref<64x128xf32, #tpu.memory_space<vmem_shared>>)
      tpu.yield
    }) : () -> ()
    %mul3A_38 = arith.constant 640 : i32
    %mul3A_39 = arith.muli %arg1, %mul3A_38 : i32
    %add3A_40 = arith.constant 512 : i32
    %add3A_41 = arith.addi %mul3A_39, %add3A_40 : i32
    "tpu.region"() ({
      %run_scoped3A = tpu.sem_alloc : memref<!tpu.dma_semaphore, #tpu.memory_space<semaphore_mem>>
      %dma_start3A_154 = arith.constant 0 : i32
      %dma_start3A_155 = tpu.memref_slice %arg18[%add3A_41, %dma_start3A_154] : memref<10240x128xf32, #tpu.memory_space<vmem_shared>> -> memref<64x128xf32, #tpu.memory_space<vmem_shared>>
      %dma_start3A_156 = arith.constant 0 : i32
      %dma_start3A_157 = tpu.memref_slice %arg18[%add3A_41, %dma_start3A_156] : memref<10240x128xf32, #tpu.memory_space<vmem_shared>> -> memref<64x128xf32, #tpu.memory_space<vmem_shared>>
      tpu.enqueue_dma source(%arg10 : memref<64x128xf32, #tpu.memory_space<vmem>>) target(%dma_start3A_157 : memref<64x128xf32, #tpu.memory_space<vmem_shared>>) target_semaphore(%run_scoped3A : memref<!tpu.dma_semaphore, #tpu.memory_space<semaphore_mem>>)
      %dma_wait3A_158 = arith.constant 0 : i32
      %dma_wait3A_159 = tpu.memref_slice %arg18[%add3A_41, %dma_wait3A_158] : memref<10240x128xf32, #tpu.memory_space<vmem_shared>> -> memref<64x128xf32, #tpu.memory_space<vmem_shared>>
      %dma_wait3A_160 = arith.constant 0 : i32
      %dma_wait3A_161 = tpu.memref_slice %arg18[%add3A_41, %dma_wait3A_160] : memref<10240x128xf32, #tpu.memory_space<vmem_shared>> -> memref<64x128xf32, #tpu.memory_space<vmem_shared>>
      tpu.wait_dma2 semaphore(%run_scoped3A : memref<!tpu.dma_semaphore, #tpu.memory_space<semaphore_mem>>) src(%arg10 : memref<64x128xf32, #tpu.memory_space<vmem>>) dst(%dma_wait3A_161 : memref<64x128xf32, #tpu.memory_space<vmem_shared>>)
      tpu.yield
    }) : () -> ()
    %mul3A_42 = arith.constant 640 : i32
    %mul3A_43 = arith.muli %arg1, %mul3A_42 : i32
    %add3A_44 = arith.constant 576 : i32
    %add3A_45 = arith.addi %mul3A_43, %add3A_44 : i32
    "tpu.region"() ({
      %run_scoped3A = tpu.sem_alloc : memref<!tpu.dma_semaphore, #tpu.memory_space<semaphore_mem>>
      %dma_start3A_154 = arith.constant 0 : i32
      %dma_start3A_155 = tpu.memref_slice %arg18[%add3A_45, %dma_start3A_154] : memref<10240x128xf32, #tpu.memory_space<vmem_shared>> -> memref<64x128xf32, #tpu.memory_space<vmem_shared>>
      %dma_start3A_156 = arith.constant 0 : i32
      %dma_start3A_157 = tpu.memref_slice %arg18[%add3A_45, %dma_start3A_156] : memref<10240x128xf32, #tpu.memory_space<vmem_shared>> -> memref<64x128xf32, #tpu.memory_space<vmem_shared>>
      tpu.enqueue_dma source(%arg10 : memref<64x128xf32, #tpu.memory_space<vmem>>) target(%dma_start3A_157 : memref<64x128xf32, #tpu.memory_space<vmem_shared>>) target_semaphore(%run_scoped3A : memref<!tpu.dma_semaphore, #tpu.memory_space<semaphore_mem>>)
      %dma_wait3A_158 = arith.constant 0 : i32
      %dma_wait3A_159 = tpu.memref_slice %arg18[%add3A_45, %dma_wait3A_158] : memref<10240x128xf32, #tpu.memory_space<vmem_shared>> -> memref<64x128xf32, #tpu.memory_space<vmem_shared>>
      %dma_wait3A_160 = arith.constant 0 : i32
      %dma_wait3A_161 = tpu.memref_slice %arg18[%add3A_45, %dma_wait3A_160] : memref<10240x128xf32, #tpu.memory_space<vmem_shared>> -> memref<64x128xf32, #tpu.memory_space<vmem_shared>>
      tpu.wait_dma2 semaphore(%run_scoped3A : memref<!tpu.dma_semaphore, #tpu.memory_space<semaphore_mem>>) src(%arg10 : memref<64x128xf32, #tpu.memory_space<vmem>>) dst(%dma_wait3A_161 : memref<64x128xf32, #tpu.memory_space<vmem_shared>>)
      tpu.yield
    }) : () -> ()
    "tpu.region"() ({
      %run_scoped3A = tpu.sem_alloc : memref<!tpu.dma_semaphore, #tpu.memory_space<semaphore_mem>>
      %dma_start3A_154 = arith.constant 0 : i32
      %dma_start3A_155 = tpu.memref_slice %arg3[%add3A, %dma_start3A_154] : memref<32x10240xi32, #tpu.memory_space<hbm>> -> memref<1x10240xi32, #tpu.memory_space<hbm>>
      %dma_start3A_156 = tpu.memref_squeeze %dma_start3A_155 : memref<1x10240xi32, #tpu.memory_space<hbm>> -> memref<10240xi32, #tpu.memory_space<hbm>>
      %dma_start3A_157 = arith.constant 0 : i32
      %dma_start3A_158 = tpu.memref_slice %arg3[%add3A, %dma_start3A_157] : memref<32x10240xi32, #tpu.memory_space<hbm>> -> memref<1x10240xi32, #tpu.memory_space<hbm>>
      %dma_start3A_159 = tpu.memref_squeeze %dma_start3A_158 : memref<1x10240xi32, #tpu.memory_space<hbm>> -> memref<10240xi32, #tpu.memory_space<hbm>>
      tpu.enqueue_dma source(%dma_start3A_159 : memref<10240xi32, #tpu.memory_space<hbm>>) target(%arg5 : memref<10240xi32, #tpu.memory_space<vmem>>) target_semaphore(%run_scoped3A : memref<!tpu.dma_semaphore, #tpu.memory_space<semaphore_mem>>)
      %dma_wait3A_160 = arith.constant 0 : i32
      %dma_wait3A_161 = tpu.memref_slice %arg3[%add3A, %dma_wait3A_160] : memref<32x10240xi32, #tpu.memory_space<hbm>> -> memref<1x10240xi32, #tpu.memory_space<hbm>>
      %dma_wait3A_162 = tpu.memref_squeeze %dma_wait3A_161 : memref<1x10240xi32, #tpu.memory_space<hbm>> -> memref<10240xi32, #tpu.memory_space<hbm>>
      %dma_wait3A_163 = arith.constant 0 : i32
      %dma_wait3A_164 = tpu.memref_slice %arg3[%add3A, %dma_wait3A_163] : memref<32x10240xi32, #tpu.memory_space<hbm>> -> memref<1x10240xi32, #tpu.memory_space<hbm>>
      %dma_wait3A_165 = tpu.memref_squeeze %dma_wait3A_164 : memref<1x10240xi32, #tpu.memory_space<hbm>> -> memref<10240xi32, #tpu.memory_space<hbm>>
      tpu.wait_dma2 semaphore(%run_scoped3A : memref<!tpu.dma_semaphore, #tpu.memory_space<semaphore_mem>>) src(%dma_wait3A_165 : memref<10240xi32, #tpu.memory_space<hbm>>) dst(%arg5 : memref<10240xi32, #tpu.memory_space<vmem>>)
      tpu.yield
    }) : () -> ()
    %barrier3A = arith.constant 0 : index
    tpu.barrier barrier_id(%barrier3A)
    %get3A = arith.constant 0 : index
    %get3A_46 = tpu.vector_load %arg5[%get3A] {strides = array<i32>} : memref<10240xi32, #tpu.memory_space<vmem>>, vector<16xi32>,
    %and3A = arith.constant 65535 : i32
    %and3A_47 = vector.broadcast %and3A : i32 to vector<16xi32>
    %and3A_48 = arith.andi %get3A_46, %and3A_47 : vector<16xi32>
    %swap3A = arith.constant 0 : index
    %swap3A_49 = tpu.vector_load %arg12[%swap3A] {strides = array<i32>} : memref<64xi32, #tpu.memory_space<vmem>>, vector<16xi32>,
    tpu.vector_store %arg12[%swap3A], %and3A_48 {strides = array<i32>} : memref<64xi32, #tpu.memory_space<vmem>>, vector<16xi32>,
    %get3A_50 = arith.constant 16 : index
    %get3A_51 = tpu.vector_load %arg5[%get3A_50] {strides = array<i32>} : memref<10240xi32, #tpu.memory_space<vmem>>, vector<16xi32>,
    %and3A_52 = arith.constant 65535 : i32
    %and3A_53 = vector.broadcast %and3A_52 : i32 to vector<16xi32>
    %and3A_54 = arith.andi %get3A_51, %and3A_53 : vector<16xi32>
    %swap3A_55 = arith.constant 16 : index
    %swap3A_56 = tpu.vector_load %arg12[%swap3A_55] {strides = array<i32>} : memref<64xi32, #tpu.memory_space<vmem>>, vector<16xi32>,
    tpu.vector_store %arg12[%swap3A_55], %and3A_54 {strides = array<i32>} : memref<64xi32, #tpu.memory_space<vmem>>, vector<16xi32>,
    %get3A_57 = arith.constant 32 : index
    %get3A_58 = tpu.vector_load %arg5[%get3A_57] {strides = array<i32>} : memref<10240xi32, #tpu.memory_space<vmem>>, vector<16xi32>,
    %and3A_59 = arith.constant 65535 : i32
    %and3A_60 = vector.broadcast %and3A_59 : i32 to vector<16xi32>
    %and3A_61 = arith.andi %get3A_58, %and3A_60 : vector<16xi32>
    %swap3A_62 = arith.constant 32 : index
    %swap3A_63 = tpu.vector_load %arg12[%swap3A_62] {strides = array<i32>} : memref<64xi32, #tpu.memory_space<vmem>>, vector<16xi32>,
    tpu.vector_store %arg12[%swap3A_62], %and3A_61 {strides = array<i32>} : memref<64xi32, #tpu.memory_space<vmem>>, vector<16xi32>,
    %get3A_64 = arith.constant 48 : index
    %get3A_65 = tpu.vector_load %arg5[%get3A_64] {strides = array<i32>} : memref<10240xi32, #tpu.memory_space<vmem>>, vector<16xi32>,
    %and3A_66 = arith.constant 65535 : i32
    %and3A_67 = vector.broadcast %and3A_66 : i32 to vector<16xi32>
    %and3A_68 = arith.andi %get3A_65, %and3A_67 : vector<16xi32>
    %swap3A_69 = arith.constant 48 : index
    %swap3A_70 = tpu.vector_load %arg12[%swap3A_69] {strides = array<i32>} : memref<64xi32, #tpu.memory_space<vmem>>, vector<16xi32>,
    tpu.vector_store %arg12[%swap3A_69], %and3A_68 {strides = array<i32>} : memref<64xi32, #tpu.memory_space<vmem>>, vector<16xi32>,
    %dma_start3A = arith.constant 0 : i32
    %dma_start3A_71 = arith.constant 0 : i32
    %dma_start3A_72 = tpu.memref_slice %arg2[%dma_start3A, %dma_start3A_71] : memref<10240x64xi32, #tpu.memory_space<hbm>> -> memref<10240x64xi32, #tpu.memory_space<hbm>>
    tpu.enqueue_indirect_dma source(%dma_start3A_72 : memref<10240x64xi32, #tpu.memory_space<hbm>>) target(%arg6 : memref<64x64xi32, #tpu.memory_space<vmem>>) offsets(%arg12 : memref<64xi32, #tpu.memory_space<vmem>>) semaphore(%arg19 : memref<!tpu.dma_semaphore, #tpu.memory_space<semaphore_mem>>)
    %get3A_73 = arith.constant 64 : index
    %get3A_74 = tpu.vector_load %arg5[%get3A_73] {strides = array<i32>} : memref<10240xi32, #tpu.memory_space<vmem>>, vector<16xi32>,
    %and3A_75 = arith.constant 65535 : i32
    %and3A_76 = vector.broadcast %and3A_75 : i32 to vector<16xi32>
    %and3A_77 = arith.andi %get3A_74, %and3A_76 : vector<16xi32>
    %swap3A_78 = arith.constant 0 : index
    %swap3A_79 = tpu.vector_load %arg13[%swap3A_78] {strides = array<i32>} : memref<64xi32, #tpu.memory_space<vmem>>, vector<16xi32>,
    tpu.vector_store %arg13[%swap3A_78], %and3A_77 {strides = array<i32>} : memref<64xi32, #tpu.memory_space<vmem>>, vector<16xi32>,
    %get3A_80 = arith.constant 80 : index
    %get3A_81 = tpu.vector_load %arg5[%get3A_80] {strides = array<i32>} : memref<10240xi32, #tpu.memory_space<vmem>>, vector<16xi32>,
    %and3A_82 = arith.constant 65535 : i32
    %and3A_83 = vector.broadcast %and3A_82 : i32 to vector<16xi32>
    %and3A_84 = arith.andi %get3A_81, %and3A_83 : vector<16xi32>
    %swap3A_85 = arith.constant 16 : index
    %swap3A_86 = tpu.vector_load %arg13[%swap3A_85] {strides = array<i32>} : memref<64xi32, #tpu.memory_space<vmem>>, vector<16xi32>,
    tpu.vector_store %arg13[%swap3A_85], %and3A_84 {strides = array<i32>} : memref<64xi32, #tpu.memory_space<vmem>>, vector<16xi32>,
    %get3A_87 = arith.constant 96 : index
    %get3A_88 = tpu.vector_load %arg5[%get3A_87] {strides = array<i32>} : memref<10240xi32, #tpu.memory_space<vmem>>, vector<16xi32>,
    %and3A_89 = arith.constant 65535 : i32
    %and3A_90 = vector.broadcast %and3A_89 : i32 to vector<16xi32>
    %and3A_91 = arith.andi %get3A_88, %and3A_90 : vector<16xi32>
    %swap3A_92 = arith.constant 32 : index
    %swap3A_93 = tpu.vector_load %arg13[%swap3A_92] {strides = array<i32>} : memref<64xi32, #tpu.memory_space<vmem>>, vector<16xi32>,
    tpu.vector_store %arg13[%swap3A_92], %and3A_91 {strides = array<i32>} : memref<64xi32, #tpu.memory_space<vmem>>, vector<16xi32>,
    %get3A_94 = arith.constant 112 : index
    %get3A_95 = tpu.vector_load %arg5[%get3A_94] {strides = array<i32>} : memref<10240xi32, #tpu.memory_space<vmem>>, vector<16xi32>,
    %and3A_96 = arith.constant 65535 : i32
    %and3A_97 = vector.broadcast %and3A_96 : i32 to vector<16xi32>
    %and3A_98 = arith.andi %get3A_95, %and3A_97 : vector<16xi32>
    %swap3A_99 = arith.constant 48 : index
    %swap3A_100 = tpu.vector_load %arg13[%swap3A_99] {strides = array<i32>} : memref<64xi32, #tpu.memory_space<vmem>>, vector<16xi32>,
    tpu.vector_store %arg13[%swap3A_99], %and3A_98 {strides = array<i32>} : memref<64xi32, #tpu.memory_space<vmem>>, vector<16xi32>,
    %dma_start3A_101 = arith.constant 0 : i32
    %dma_start3A_102 = arith.constant 0 : i32
    %dma_start3A_103 = tpu.memref_slice %arg2[%dma_start3A_101, %dma_start3A_102] : memref<10240x64xi32, #tpu.memory_space<hbm>> -> memref<10240x64xi32, #tpu.memory_space<hbm>>
    tpu.enqueue_indirect_dma source(%dma_start3A_103 : memref<10240x64xi32, #tpu.memory_space<hbm>>) target(%arg7 : memref<64x64xi32, #tpu.memory_space<vmem>>) offsets(%arg13 : memref<64xi32, #tpu.memory_space<vmem>>) semaphore(%arg20 : memref<!tpu.dma_semaphore, #tpu.memory_space<semaphore_mem>>)
    %get3A_104 = arith.constant 128 : index
    %get3A_105 = tpu.vector_load %arg5[%get3A_104] {strides = array<i32>} : memref<10240xi32, #tpu.memory_space<vmem>>, vector<16xi32>,
    %and3A_106 = arith.constant 65535 : i32
    %and3A_107 = vector.broadcast %and3A_106 : i32 to vector<16xi32>
    %and3A_108 = arith.andi %get3A_105, %and3A_107 : vector<16xi32>
    %swap3A_109 = arith.constant 0 : index
    %swap3A_110 = tpu.vector_load %arg14[%swap3A_109] {strides = array<i32>} : memref<64xi32, #tpu.memory_space<vmem>>, vector<16xi32>,
    tpu.vector_store %arg14[%swap3A_109], %and3A_108 {strides = array<i32>} : memref<64xi32, #tpu.memory_space<vmem>>, vector<16xi32>,
    %get3A_111 = arith.constant 144 : index
    %get3A_112 = tpu.vector_load %arg5[%get3A_111] {strides = array<i32>} : memref<10240xi32, #tpu.memory_space<vmem>>, vector<16xi32>,
    %and3A_113 = arith.constant 65535 : i32
    %and3A_114 = vector.broadcast %and3A_113 : i32 to vector<16xi32>
    %and3A_115 = arith.andi %get3A_112, %and3A_114 : vector<16xi32>
    %swap3A_116 = arith.constant 16 : index
    %swap3A_117 = tpu.vector_load %arg14[%swap3A_116] {strides = array<i32>} : memref<64xi32, #tpu.memory_space<vmem>>, vector<16xi32>,
    tpu.vector_store %arg14[%swap3A_116], %and3A_115 {strides = array<i32>} : memref<64xi32, #tpu.memory_space<vmem>>, vector<16xi32>,
    %get3A_118 = arith.constant 160 : index
    %get3A_119 = tpu.vector_load %arg5[%get3A_118] {strides = array<i32>} : memref<10240xi32, #tpu.memory_space<vmem>>, vector<16xi32>,
    %and3A_120 = arith.constant 65535 : i32
    %and3A_121 = vector.broadcast %and3A_120 : i32 to vector<16xi32>
    %and3A_122 = arith.andi %get3A_119, %and3A_121 : vector<16xi32>
    %swap3A_123 = arith.constant 32 : index
    %swap3A_124 = tpu.vector_load %arg14[%swap3A_123] {strides = array<i32>} : memref<64xi32, #tpu.memory_space<vmem>>, vector<16xi32>,
    tpu.vector_store %arg14[%swap3A_123], %and3A_122 {strides = array<i32>} : memref<64xi32, #tpu.memory_space<vmem>>, vector<16xi32>,
    %get3A_125 = arith.constant 176 : index
    %get3A_126 = tpu.vector_load %arg5[%get3A_125] {strides = array<i32>} : memref<10240xi32, #tpu.memory_space<vmem>>, vector<16xi32>,
    %and3A_127 = arith.constant 65535 : i32
    %and3A_128 = vector.broadcast %and3A_127 : i32 to vector<16xi32>
    %and3A_129 = arith.andi %get3A_126, %and3A_128 : vector<16xi32>
    %swap3A_130 = arith.constant 48 : index
    %swap3A_131 = tpu.vector_load %arg14[%swap3A_130] {strides = array<i32>} : memref<64xi32, #tpu.memory_space<vmem>>, vector<16xi32>,
    tpu.vector_store %arg14[%swap3A_130], %and3A_129 {strides = array<i32>} : memref<64xi32, #tpu.memory_space<vmem>>, vector<16xi32>,
    %dma_start3A_132 = arith.constant 0 : i32
    %dma_start3A_133 = arith.constant 0 : i32
    %dma_start3A_134 = tpu.memref_slice %arg2[%dma_start3A_132, %dma_start3A_133] : memref<10240x64xi32, #tpu.memory_space<hbm>> -> memref<10240x64xi32, #tpu.memory_space<hbm>>
    tpu.enqueue_indirect_dma source(%dma_start3A_134 : memref<10240x64xi32, #tpu.memory_space<hbm>>) target(%arg8 : memref<64x64xi32, #tpu.memory_space<vmem>>) offsets(%arg14 : memref<64xi32, #tpu.memory_space<vmem>>) semaphore(%arg21 : memref<!tpu.dma_semaphore, #tpu.memory_space<semaphore_mem>>)
    %scan3A_135 = arith.constant 0 : i32
    %scan3A_136 = arith.constant 0 : i32
    %scan3A_137 = arith.constant 40 : i32
    %scan3A_138 = arith.addi %scan3A_136, %scan3A_137 : i32
    %scan3A_139 = arith.constant 1 : i32
    scf.for %scan3A_154 = %scan3A_136 to %scan3A_138 step %scan3A_139  : i32 {
      %mul3A_155 = arith.constant 4 : i32
      %mul3A_156 = arith.muli %mul3A_155, %scan3A_154 : i32
      %add3A_157 = arith.constant 0 : i32
      %add3A_158 = arith.addi %mul3A_156, %add3A_157 : i32
      %dma_wait3A_159 = arith.constant 0 : i32
      %dma_wait3A_160 = arith.constant 0 : i32
      %dma_wait3A_161 = tpu.memref_slice %arg2[%dma_wait3A_159, %dma_wait3A_160] : memref<10240x64xi32, #tpu.memory_space<hbm>> -> memref<10240x64xi32, #tpu.memory_space<hbm>>
      tpu.wait_indirect_dma semaphore(%arg19 : memref<!tpu.dma_semaphore, #tpu.memory_space<semaphore_mem>>) src(%dma_wait3A_161 : memref<10240x64xi32, #tpu.memory_space<hbm>>) dst(%arg6 : memref<64x64xi32, #tpu.memory_space<vmem>>)
      %ge3A = arith.constant 2 : i32
      %ge3A_162 = arith.cmpi sge, %add3A_158, %ge3A : i32
      %convert_element_type3A = arith.extui %ge3A_162 : i1 to i32
      %cond3A = arith.constant 0 : i32
      %cond3A_163 = arith.cmpi ne, %convert_element_type3A, %cond3A : i32
      scf.if %cond3A_163 {
        %dma_wait3A_438 = arith.constant 0 : i32
        %dma_wait3A_439 = arith.constant 0 : i32
        %dma_wait3A_440 = tpu.memref_slice %arg18[%dma_wait3A_438, %dma_wait3A_439] : memref<10240x128xf32, #tpu.memory_space<vmem_shared>> -> memref<10240x128xf32, #tpu.memory_space<vmem_shared>>
        tpu.wait_indirect_dma semaphore(%arg23 : memref<!tpu.dma_semaphore, #tpu.memory_space<semaphore_mem>>) src(%arg10 : memref<64x128xf32, #tpu.memory_space<vmem>>) dst(%dma_wait3A_440 : memref<10240x128xf32, #tpu.memory_space<vmem_shared>>)
      } else {
      }
      %mul3A_164 = arith.constant 64 : i32
      %mul3A_165 = arith.muli %add3A_158, %mul3A_164 : i32
      %add3A_166 = arith.constant 0 : i32
      %add3A_167 = arith.addi %mul3A_165, %add3A_166 : i32
      %get3A_168 = arith.index_cast %add3A_167 : i32 to index
      %get3A_169 = tpu.vector_load %arg5[%get3A_168] {strides = array<i32>} : memref<10240xi32, #tpu.memory_space<vmem>>, vector<16xi32>,
      %shift_right_logical3A = arith.constant 16 : i32
      %shift_right_logical3A_170 = vector.broadcast %shift_right_logical3A : i32 to vector<16xi32>
      %shift_right_logical3A_171 = arith.shrui %get3A_169, %shift_right_logical3A_170 : vector<16xi32>
      %swap3A_172 = arith.constant 0 : index
      %swap3A_173 = tpu.vector_load %arg16[%swap3A_172] {strides = array<i32>} : memref<64xi32, #tpu.memory_space<vmem>>, vector<16xi32>,
      tpu.vector_store %arg16[%swap3A_172], %shift_right_logical3A_171 {strides = array<i32>} : memref<64xi32, #tpu.memory_space<vmem>>, vector<16xi32>,
      %mul3A_174 = arith.constant 64 : i32
      %mul3A_175 = arith.muli %add3A_158, %mul3A_174 : i32
      %add3A_176 = arith.constant 16 : i32
      %add3A_177 = arith.addi %mul3A_175, %add3A_176 : i32
      %get3A_178 = arith.index_cast %add3A_177 : i32 to index
      %get3A_179 = tpu.vector_load %arg5[%get3A_178] {strides = array<i32>} : memref<10240xi32, #tpu.memory_space<vmem>>, vector<16xi32>,
      %shift_right_logical3A_180 = arith.constant 16 : i32
      %shift_right_logical3A_181 = vector.broadcast %shift_right_logical3A_180 : i32 to vector<16xi32>
      %shift_right_logical3A_182 = arith.shrui %get3A_179, %shift_right_logical3A_181 : vector<16xi32>
      %swap3A_183 = arith.constant 16 : index
      %swap3A_184 = tpu.vector_load %arg16[%swap3A_183] {strides = array<i32>} : memref<64xi32, #tpu.memory_space<vmem>>, vector<16xi32>,
      tpu.vector_store %arg16[%swap3A_183], %shift_right_logical3A_182 {strides = array<i32>} : memref<64xi32, #tpu.memory_space<vmem>>, vector<16xi32>,
      %mul3A_185 = arith.constant 64 : i32
      %mul3A_186 = arith.muli %add3A_158, %mul3A_185 : i32
      %add3A_187 = arith.constant 32 : i32
      %add3A_188 = arith.addi %mul3A_186, %add3A_187 : i32
      %get3A_189 = arith.index_cast %add3A_188 : i32 to index
      %get3A_190 = tpu.vector_load %arg5[%get3A_189] {strides = array<i32>} : memref<10240xi32, #tpu.memory_space<vmem>>, vector<16xi32>,
      %shift_right_logical3A_191 = arith.constant 16 : i32
      %shift_right_logical3A_192 = vector.broadcast %shift_right_logical3A_191 : i32 to vector<16xi32>
      %shift_right_logical3A_193 = arith.shrui %get3A_190, %shift_right_logical3A_192 : vector<16xi32>
      %swap3A_194 = arith.constant 32 : index
      %swap3A_195 = tpu.vector_load %arg16[%swap3A_194] {strides = array<i32>} : memref<64xi32, #tpu.memory_space<vmem>>, vector<16xi32>,
      tpu.vector_store %arg16[%swap3A_194], %shift_right_logical3A_193 {strides = array<i32>} : memref<64xi32, #tpu.memory_space<vmem>>, vector<16xi32>,
      %mul3A_196 = arith.constant 64 : i32
      %mul3A_197 = arith.muli %add3A_158, %mul3A_196 : i32
      %add3A_198 = arith.constant 48 : i32
      %add3A_199 = arith.addi %mul3A_197, %add3A_198 : i32
      %get3A_200 = arith.index_cast %add3A_199 : i32 to index
      %get3A_201 = tpu.vector_load %arg5[%get3A_200] {strides = array<i32>} : memref<10240xi32, #tpu.memory_space<vmem>>, vector<16xi32>,
      %shift_right_logical3A_202 = arith.constant 16 : i32
      %shift_right_logical3A_203 = vector.broadcast %shift_right_logical3A_202 : i32 to vector<16xi32>
      %shift_right_logical3A_204 = arith.shrui %get3A_201, %shift_right_logical3A_203 : vector<16xi32>
      %swap3A_205 = arith.constant 48 : index
      %swap3A_206 = tpu.vector_load %arg16[%swap3A_205] {strides = array<i32>} : memref<64xi32, #tpu.memory_space<vmem>>, vector<16xi32>,
      tpu.vector_store %arg16[%swap3A_205], %shift_right_logical3A_204 {strides = array<i32>} : memref<64xi32, #tpu.memory_space<vmem>>, vector<16xi32>,
      %scan3A_207 = arith.constant 0 : i32
      %scan3A_208 = arith.constant 0 : i32
      %scan3A_209 = arith.constant 64 : i32
      %scan3A_210 = arith.addi %scan3A_208, %scan3A_209 : i32
      %scan3A_211 = arith.constant 1 : i32
      scf.for %scan3A_438 = %scan3A_208 to %scan3A_210 step %scan3A_211  : i32 {
        %get3A_439 = arith.index_cast %scan3A_438 : i32 to index
        %get3A_440 = arith.constant 0 : index
        %get3A_441 = tpu.vector_load %arg6[%get3A_439, %get3A_440] {strides = array<i32>} : memref<64x64xi32, #tpu.memory_space<vmem>>, vector<16xi32>,
        %bitcast3A = vector.bitcast %get3A_441 : vector<16xi32> to vector<32xbf16>
        %unpack3A = tpu.unpack_subelements %bitcast3A, 0 {pack_format = #tpu.pack_format<interleaved>} : vector<32xbf16> -> vector<16xf32>
        %unpack3A_442 = tpu.unpack_subelements %bitcast3A, 1 {pack_format = #tpu.pack_format<interleaved>} : vector<32xbf16> -> vector<16xf32>
        %swap3A_443 = arith.index_cast %scan3A_438 : i32 to index
        %swap3A_444 = arith.constant 0 : index
        %swap3A_445 = tpu.vector_load %arg10[%swap3A_443, %swap3A_444] {strides = array<i32>} : memref<64x128xf32, #tpu.memory_space<vmem>>, vector<16xf32>,
        tpu.vector_store %arg10[%swap3A_443, %swap3A_444], %unpack3A {strides = array<i32>} : memref<64x128xf32, #tpu.memory_space<vmem>>, vector<16xf32>,
        %swap3A_446 = arith.index_cast %scan3A_438 : i32 to index
        %swap3A_447 = arith.constant 64 : index
        %swap3A_448 = tpu.vector_load %arg10[%swap3A_446, %swap3A_447] {strides = array<i32>} : memref<64x128xf32, #tpu.memory_space<vmem>>, vector<16xf32>,
        tpu.vector_store %arg10[%swap3A_446, %swap3A_447], %unpack3A_442 {strides = array<i32>} : memref<64x128xf32, #tpu.memory_space<vmem>>, vector<16xf32>,
        %get3A_449 = arith.index_cast %scan3A_438 : i32 to index
        %get3A_450 = arith.constant 16 : index
        %get3A_451 = tpu.vector_load %arg6[%get3A_449, %get3A_450] {strides = array<i32>} : memref<64x64xi32, #tpu.memory_space<vmem>>, vector<16xi32>,
        %bitcast3A_452 = vector.bitcast %get3A_451 : vector<16xi32> to vector<32xbf16>
        %unpack3A_453 = tpu.unpack_subelements %bitcast3A_452, 0 {pack_format = #tpu.pack_format<interleaved>} : vector<32xbf16> -> vector<16xf32>
        %unpack3A_454 = tpu.unpack_subelements %bitcast3A_452, 1 {pack_format = #tpu.pack_format<interleaved>} : vector<32xbf16> -> vector<16xf32>
        %swap3A_455 = arith.index_cast %scan3A_438 : i32 to index
        %swap3A_456 = arith.constant 16 : index
        %swap3A_457 = tpu.vector_load %arg10[%swap3A_455, %swap3A_456] {strides = array<i32>} : memref<64x128xf32, #tpu.memory_space<vmem>>, vector<16xf32>,
        tpu.vector_store %arg10[%swap3A_455, %swap3A_456], %unpack3A_453 {strides = array<i32>} : memref<64x128xf32, #tpu.memory_space<vmem>>, vector<16xf32>,
        %swap3A_458 = arith.index_cast %scan3A_438 : i32 to index
        %swap3A_459 = arith.constant 80 : index
        %swap3A_460 = tpu.vector_load %arg10[%swap3A_458, %swap3A_459] {strides = array<i32>} : memref<64x128xf32, #tpu.memory_space<vmem>>, vector<16xf32>,
        tpu.vector_store %arg10[%swap3A_458, %swap3A_459], %unpack3A_454 {strides = array<i32>} : memref<64x128xf32, #tpu.memory_space<vmem>>, vector<16xf32>,
        %get3A_461 = arith.index_cast %scan3A_438 : i32 to index
        %get3A_462 = arith.constant 32 : index
        %get3A_463 = tpu.vector_load %arg6[%get3A_461, %get3A_462] {strides = array<i32>} : memref<64x64xi32, #tpu.memory_space<vmem>>, vector<16xi32>,
        %bitcast3A_464 = vector.bitcast %get3A_463 : vector<16xi32> to vector<32xbf16>
        %unpack3A_465 = tpu.unpack_subelements %bitcast3A_464, 0 {pack_format = #tpu.pack_format<interleaved>} : vector<32xbf16> -> vector<16xf32>
        %unpack3A_466 = tpu.unpack_subelements %bitcast3A_464, 1 {pack_format = #tpu.pack_format<interleaved>} : vector<32xbf16> -> vector<16xf32>
        %swap3A_467 = arith.index_cast %scan3A_438 : i32 to index
        %swap3A_468 = arith.constant 32 : index
        %swap3A_469 = tpu.vector_load %arg10[%swap3A_467, %swap3A_468] {strides = array<i32>} : memref<64x128xf32, #tpu.memory_space<vmem>>, vector<16xf32>,
        tpu.vector_store %arg10[%swap3A_467, %swap3A_468], %unpack3A_465 {strides = array<i32>} : memref<64x128xf32, #tpu.memory_space<vmem>>, vector<16xf32>,
        %swap3A_470 = arith.index_cast %scan3A_438 : i32 to index
        %swap3A_471 = arith.constant 96 : index
        %swap3A_472 = tpu.vector_load %arg10[%swap3A_470, %swap3A_471] {strides = array<i32>} : memref<64x128xf32, #tpu.memory_space<vmem>>, vector<16xf32>,
        tpu.vector_store %arg10[%swap3A_470, %swap3A_471], %unpack3A_466 {strides = array<i32>} : memref<64x128xf32, #tpu.memory_space<vmem>>, vector<16xf32>,
        %get3A_473 = arith.index_cast %scan3A_438 : i32 to index
        %get3A_474 = arith.constant 48 : index
        %get3A_475 = tpu.vector_load %arg6[%get3A_473, %get3A_474] {strides = array<i32>} : memref<64x64xi32, #tpu.memory_space<vmem>>, vector<16xi32>,
        %bitcast3A_476 = vector.bitcast %get3A_475 : vector<16xi32> to vector<32xbf16>
        %unpack3A_477 = tpu.unpack_subelements %bitcast3A_476, 0 {pack_format = #tpu.pack_format<interleaved>} : vector<32xbf16> -> vector<16xf32>
        %unpack3A_478 = tpu.unpack_subelements %bitcast3A_476, 1 {pack_format = #tpu.pack_format<interleaved>} : vector<32xbf16> -> vector<16xf32>
        %swap3A_479 = arith.index_cast %scan3A_438 : i32 to index
        %swap3A_480 = arith.constant 48 : index
        %swap3A_481 = tpu.vector_load %arg10[%swap3A_479, %swap3A_480] {strides = array<i32>} : memref<64x128xf32, #tpu.memory_space<vmem>>, vector<16xf32>,
        tpu.vector_store %arg10[%swap3A_479, %swap3A_480], %unpack3A_477 {strides = array<i32>} : memref<64x128xf32, #tpu.memory_space<vmem>>, vector<16xf32>,
        %swap3A_482 = arith.index_cast %scan3A_438 : i32 to index
        %swap3A_483 = arith.constant 112 : index
        %swap3A_484 = tpu.vector_load %arg10[%swap3A_482, %swap3A_483] {strides = array<i32>} : memref<64x128xf32, #tpu.memory_space<vmem>>, vector<16xf32>,
        tpu.vector_store %arg10[%swap3A_482, %swap3A_483], %unpack3A_478 {strides = array<i32>} : memref<64x128xf32, #tpu.memory_space<vmem>>, vector<16xf32>,
      }
      %scan3A_212 = arith.constant 64 : i32
      %dma_start3A_213 = arith.constant 0 : i32
      %dma_start3A_214 = arith.constant 0 : i32
      %dma_start3A_215 = tpu.memref_slice %arg18[%dma_start3A_213, %dma_start3A_214] : memref<10240x128xf32, #tpu.memory_space<vmem_shared>> -> memref<10240x128xf32, #tpu.memory_space<vmem_shared>>
      tpu.enqueue_indirect_dma source(%arg10 : memref<64x128xf32, #tpu.memory_space<vmem>>) target(%dma_start3A_215 : memref<10240x128xf32, #tpu.memory_space<vmem_shared>>) offsets(%arg16 : memref<64xi32, #tpu.memory_space<vmem>>) semaphore(%arg23 : memref<!tpu.dma_semaphore, #tpu.memory_space<semaphore_mem>>) {add = true}
      %add3A_216 = arith.constant 3 : i32
      %add3A_217 = arith.addi %add3A_158, %add3A_216 : i32
      %lt3A = arith.constant 160 : i32
      %lt3A_218 = arith.cmpi slt, %add3A_217, %lt3A : i32
      %convert_element_type3A_219 = arith.extui %lt3A_218 : i1 to i32
      %cond3A_220 = arith.constant 0 : i32
      %cond3A_221 = arith.cmpi ne, %convert_element_type3A_219, %cond3A_220 : i32
      scf.if %cond3A_221 {
        %add3A_438 = arith.constant 3 : i32
        %add3A_439 = arith.addi %add3A_158, %add3A_438 : i32
        %mul3A_440 = arith.constant 64 : i32
        %mul3A_441 = arith.muli %add3A_439, %mul3A_440 : i32
        %add3A_442 = arith.constant 0 : i32
        %add3A_443 = arith.addi %mul3A_441, %add3A_442 : i32
        %get3A_444 = arith.index_cast %add3A_443 : i32 to index
        %get3A_445 = tpu.vector_load %arg5[%get3A_444] {strides = array<i32>} : memref<10240xi32, #tpu.memory_space<vmem>>, vector<16xi32>,
        %and3A_446 = arith.constant 65535 : i32
        %and3A_447 = vector.broadcast %and3A_446 : i32 to vector<16xi32>
        %and3A_448 = arith.andi %get3A_445, %and3A_447 : vector<16xi32>
        %swap3A_449 = arith.constant 0 : index
        %swap3A_450 = tpu.vector_load %arg15[%swap3A_449] {strides = array<i32>} : memref<64xi32, #tpu.memory_space<vmem>>, vector<16xi32>,
        tpu.vector_store %arg15[%swap3A_449], %and3A_448 {strides = array<i32>} : memref<64xi32, #tpu.memory_space<vmem>>, vector<16xi32>,
        %mul3A_451 = arith.constant 64 : i32
        %mul3A_452 = arith.muli %add3A_439, %mul3A_451 : i32
        %add3A_453 = arith.constant 16 : i32
        %add3A_454 = arith.addi %mul3A_452, %add3A_453 : i32
        %get3A_455 = arith.index_cast %add3A_454 : i32 to index
        %get3A_456 = tpu.vector_load %arg5[%get3A_455] {strides = array<i32>} : memref<10240xi32, #tpu.memory_space<vmem>>, vector<16xi32>,
        %and3A_457 = arith.constant 65535 : i32
        %and3A_458 = vector.broadcast %and3A_457 : i32 to vector<16xi32>
        %and3A_459 = arith.andi %get3A_456, %and3A_458 : vector<16xi32>
        %swap3A_460 = arith.constant 16 : index
        %swap3A_461 = tpu.vector_load %arg15[%swap3A_460] {strides = array<i32>} : memref<64xi32, #tpu.memory_space<vmem>>, vector<16xi32>,
        tpu.vector_store %arg15[%swap3A_460], %and3A_459 {strides = array<i32>} : memref<64xi32, #tpu.memory_space<vmem>>, vector<16xi32>,
        %mul3A_462 = arith.constant 64 : i32
        %mul3A_463 = arith.muli %add3A_439, %mul3A_462 : i32
        %add3A_464 = arith.constant 32 : i32
        %add3A_465 = arith.addi %mul3A_463, %add3A_464 : i32
        %get3A_466 = arith.index_cast %add3A_465 : i32 to index
        %get3A_467 = tpu.vector_load %arg5[%get3A_466] {strides = array<i32>} : memref<10240xi32, #tpu.memory_space<vmem>>, vector<16xi32>,
        %and3A_468 = arith.constant 65535 : i32
        %and3A_469 = vector.broadcast %and3A_468 : i32 to vector<16xi32>
        %and3A_470 = arith.andi %get3A_467, %and3A_469 : vector<16xi32>
        %swap3A_471 = arith.constant 32 : index
        %swap3A_472 = tpu.vector_load %arg15[%swap3A_471] {strides = array<i32>} : memref<64xi32, #tpu.memory_space<vmem>>, vector<16xi32>,
        tpu.vector_store %arg15[%swap3A_471], %and3A_470 {strides = array<i32>} : memref<64xi32, #tpu.memory_space<vmem>>, vector<16xi32>,
        %mul3A_473 = arith.constant 64 : i32
        %mul3A_474 = arith.muli %add3A_439, %mul3A_473 : i32
        %add3A_475 = arith.constant 48 : i32
        %add3A_476 = arith.addi %mul3A_474, %add3A_475 : i32
        %get3A_477 = arith.index_cast %add3A_476 : i32 to index
        %get3A_478 = tpu.vector_load %arg5[%get3A_477] {strides = array<i32>} : memref<10240xi32, #tpu.memory_space<vmem>>, vector<16xi32>,
        %and3A_479 = arith.constant 65535 : i32
        %and3A_480 = vector.broadcast %and3A_479 : i32 to vector<16xi32>
        %and3A_481 = arith.andi %get3A_478, %and3A_480 : vector<16xi32>
        %swap3A_482 = arith.constant 48 : index
        %swap3A_483 = tpu.vector_load %arg15[%swap3A_482] {strides = array<i32>} : memref<64xi32, #tpu.memory_space<vmem>>, vector<16xi32>,
        tpu.vector_store %arg15[%swap3A_482], %and3A_481 {strides = array<i32>} : memref<64xi32, #tpu.memory_space<vmem>>, vector<16xi32>,
        %dma_start3A_484 = arith.constant 0 : i32
        %dma_start3A_485 = arith.constant 0 : i32
        %dma_start3A_486 = tpu.memref_slice %arg2[%dma_start3A_484, %dma_start3A_485] : memref<10240x64xi32, #tpu.memory_space<hbm>> -> memref<10240x64xi32, #tpu.memory_space<hbm>>
        tpu.enqueue_indirect_dma source(%dma_start3A_486 : memref<10240x64xi32, #tpu.memory_space<hbm>>) target(%arg9 : memref<64x64xi32, #tpu.memory_space<vmem>>) offsets(%arg15 : memref<64xi32, #tpu.memory_space<vmem>>) semaphore(%arg22 : memref<!tpu.dma_semaphore, #tpu.memory_space<semaphore_mem>>)
      } else {
      }
      %mul3A_222 = arith.constant 4 : i32
      %mul3A_223 = arith.muli %mul3A_222, %scan3A_154 : i32
      %add3A_224 = arith.constant 1 : i32
      %add3A_225 = arith.addi %mul3A_223, %add3A_224 : i32
      %dma_wait3A_226 = arith.constant 0 : i32
      %dma_wait3A_227 = arith.constant 0 : i32
      %dma_wait3A_228 = tpu.memref_slice %arg2[%dma_wait3A_226, %dma_wait3A_227] : memref<10240x64xi32, #tpu.memory_space<hbm>> -> memref<10240x64xi32, #tpu.memory_space<hbm>>
      tpu.wait_indirect_dma semaphore(%arg20 : memref<!tpu.dma_semaphore, #tpu.memory_space<semaphore_mem>>) src(%dma_wait3A_228 : memref<10240x64xi32, #tpu.memory_space<hbm>>) dst(%arg7 : memref<64x64xi32, #tpu.memory_space<vmem>>)
      %ge3A_229 = arith.constant 2 : i32
      %ge3A_230 = arith.cmpi sge, %add3A_225, %ge3A_229 : i32
      %convert_element_type3A_231 = arith.extui %ge3A_230 : i1 to i32
      %cond3A_232 = arith.constant 0 : i32
      %cond3A_233 = arith.cmpi ne, %convert_element_type3A_231, %cond3A_232 : i32
      scf.if %cond3A_233 {
        %dma_wait3A_438 = arith.constant 0 : i32
        %dma_wait3A_439 = arith.constant 0 : i32
        %dma_wait3A_440 = tpu.memref_slice %arg18[%dma_wait3A_438, %dma_wait3A_439] : memref<10240x128xf32, #tpu.memory_space<vmem_shared>> -> memref<10240x128xf32, #tpu.memory_space<vmem_shared>>
        tpu.wait_indirect_dma semaphore(%arg24 : memref<!tpu.dma_semaphore, #tpu.memory_space<semaphore_mem>>) src(%arg11 : memref<64x128xf32, #tpu.memory_space<vmem>>) dst(%dma_wait3A_440 : memref<10240x128xf32, #tpu.memory_space<vmem_shared>>)
      } else {
      }
      %mul3A_234 = arith.constant 64 : i32
      %mul3A_235 = arith.muli %add3A_225, %mul3A_234 : i32
      %add3A_236 = arith.constant 0 : i32
      %add3A_237 = arith.addi %mul3A_235, %add3A_236 : i32
      %get3A_238 = arith.index_cast %add3A_237 : i32 to index
      %get3A_239 = tpu.vector_load %arg5[%get3A_238] {strides = array<i32>} : memref<10240xi32, #tpu.memory_space<vmem>>, vector<16xi32>,
      %shift_right_logical3A_240 = arith.constant 16 : i32
      %shift_right_logical3A_241 = vector.broadcast %shift_right_logical3A_240 : i32 to vector<16xi32>
      %shift_right_logical3A_242 = arith.shrui %get3A_239, %shift_right_logical3A_241 : vector<16xi32>
      %swap3A_243 = arith.constant 0 : index
      %swap3A_244 = tpu.vector_load %arg17[%swap3A_243] {strides = array<i32>} : memref<64xi32, #tpu.memory_space<vmem>>, vector<16xi32>,
      tpu.vector_store %arg17[%swap3A_243], %shift_right_logical3A_242 {strides = array<i32>} : memref<64xi32, #tpu.memory_space<vmem>>, vector<16xi32>,
      %mul3A_245 = arith.constant 64 : i32
      %mul3A_246 = arith.muli %add3A_225, %mul3A_245 : i32
      %add3A_247 = arith.constant 16 : i32
      %add3A_248 = arith.addi %mul3A_246, %add3A_247 : i32
      %get3A_249 = arith.index_cast %add3A_248 : i32 to index
      %get3A_250 = tpu.vector_load %arg5[%get3A_249] {strides = array<i32>} : memref<10240xi32, #tpu.memory_space<vmem>>, vector<16xi32>,
      %shift_right_logical3A_251 = arith.constant 16 : i32
      %shift_right_logical3A_252 = vector.broadcast %shift_right_logical3A_251 : i32 to vector<16xi32>
      %shift_right_logical3A_253 = arith.shrui %get3A_250, %shift_right_logical3A_252 : vector<16xi32>
      %swap3A_254 = arith.constant 16 : index
      %swap3A_255 = tpu.vector_load %arg17[%swap3A_254] {strides = array<i32>} : memref<64xi32, #tpu.memory_space<vmem>>, vector<16xi32>,
      tpu.vector_store %arg17[%swap3A_254], %shift_right_logical3A_253 {strides = array<i32>} : memref<64xi32, #tpu.memory_space<vmem>>, vector<16xi32>,
      %mul3A_256 = arith.constant 64 : i32
      %mul3A_257 = arith.muli %add3A_225, %mul3A_256 : i32
      %add3A_258 = arith.constant 32 : i32
      %add3A_259 = arith.addi %mul3A_257, %add3A_258 : i32
      %get3A_260 = arith.index_cast %add3A_259 : i32 to index
      %get3A_261 = tpu.vector_load %arg5[%get3A_260] {strides = array<i32>} : memref<10240xi32, #tpu.memory_space<vmem>>, vector<16xi32>,
      %shift_right_logical3A_262 = arith.constant 16 : i32
      %shift_right_logical3A_263 = vector.broadcast %shift_right_logical3A_262 : i32 to vector<16xi32>
      %shift_right_logical3A_264 = arith.shrui %get3A_261, %shift_right_logical3A_263 : vector<16xi32>
      %swap3A_265 = arith.constant 32 : index
      %swap3A_266 = tpu.vector_load %arg17[%swap3A_265] {strides = array<i32>} : memref<64xi32, #tpu.memory_space<vmem>>, vector<16xi32>,
      tpu.vector_store %arg17[%swap3A_265], %shift_right_logical3A_264 {strides = array<i32>} : memref<64xi32, #tpu.memory_space<vmem>>, vector<16xi32>,
      %mul3A_267 = arith.constant 64 : i32
      %mul3A_268 = arith.muli %add3A_225, %mul3A_267 : i32
      %add3A_269 = arith.constant 48 : i32
      %add3A_270 = arith.addi %mul3A_268, %add3A_269 : i32
      %get3A_271 = arith.index_cast %add3A_270 : i32 to index
      %get3A_272 = tpu.vector_load %arg5[%get3A_271] {strides = array<i32>} : memref<10240xi32, #tpu.memory_space<vmem>>, vector<16xi32>,
      %shift_right_logical3A_273 = arith.constant 16 : i32
      %shift_right_logical3A_274 = vector.broadcast %shift_right_logical3A_273 : i32 to vector<16xi32>
      %shift_right_logical3A_275 = arith.shrui %get3A_272, %shift_right_logical3A_274 : vector<16xi32>
      %swap3A_276 = arith.constant 48 : index
      %swap3A_277 = tpu.vector_load %arg17[%swap3A_276] {strides = array<i32>} : memref<64xi32, #tpu.memory_space<vmem>>, vector<16xi32>,
      tpu.vector_store %arg17[%swap3A_276], %shift_right_logical3A_275 {strides = array<i32>} : memref<64xi32, #tpu.memory_space<vmem>>, vector<16xi32>,
      %scan3A_278 = arith.constant 0 : i32
      %scan3A_279 = arith.constant 0 : i32
      %scan3A_280 = arith.constant 64 : i32
      %scan3A_281 = arith.addi %scan3A_279, %scan3A_280 : i32
      %scan3A_282 = arith.constant 1 : i32
      scf.for %scan3A_438 = %scan3A_279 to %scan3A_281 step %scan3A_282  : i32 {
        %get3A_439 = arith.index_cast %scan3A_438 : i32 to index
        %get3A_440 = arith.constant 0 : index
        %get3A_441 = tpu.vector_load %arg7[%get3A_439, %get3A_440] {strides = array<i32>} : memref<64x64xi32, #tpu.memory_space<vmem>>, vector<16xi32>,
        %bitcast3A = vector.bitcast %get3A_441 : vector<16xi32> to vector<32xbf16>
        %unpack3A = tpu.unpack_subelements %bitcast3A, 0 {pack_format = #tpu.pack_format<interleaved>} : vector<32xbf16> -> vector<16xf32>
        %unpack3A_442 = tpu.unpack_subelements %bitcast3A, 1 {pack_format = #tpu.pack_format<interleaved>} : vector<32xbf16> -> vector<16xf32>
        %swap3A_443 = arith.index_cast %scan3A_438 : i32 to index
        %swap3A_444 = arith.constant 0 : index
        %swap3A_445 = tpu.vector_load %arg11[%swap3A_443, %swap3A_444] {strides = array<i32>} : memref<64x128xf32, #tpu.memory_space<vmem>>, vector<16xf32>,
        tpu.vector_store %arg11[%swap3A_443, %swap3A_444], %unpack3A {strides = array<i32>} : memref<64x128xf32, #tpu.memory_space<vmem>>, vector<16xf32>,
        %swap3A_446 = arith.index_cast %scan3A_438 : i32 to index
        %swap3A_447 = arith.constant 64 : index
        %swap3A_448 = tpu.vector_load %arg11[%swap3A_446, %swap3A_447] {strides = array<i32>} : memref<64x128xf32, #tpu.memory_space<vmem>>, vector<16xf32>,
        tpu.vector_store %arg11[%swap3A_446, %swap3A_447], %unpack3A_442 {strides = array<i32>} : memref<64x128xf32, #tpu.memory_space<vmem>>, vector<16xf32>,
        %get3A_449 = arith.index_cast %scan3A_438 : i32 to index
        %get3A_450 = arith.constant 16 : index
        %get3A_451 = tpu.vector_load %arg7[%get3A_449, %get3A_450] {strides = array<i32>} : memref<64x64xi32, #tpu.memory_space<vmem>>, vector<16xi32>,
        %bitcast3A_452 = vector.bitcast %get3A_451 : vector<16xi32> to vector<32xbf16>
        %unpack3A_453 = tpu.unpack_subelements %bitcast3A_452, 0 {pack_format = #tpu.pack_format<interleaved>} : vector<32xbf16> -> vector<16xf32>
        %unpack3A_454 = tpu.unpack_subelements %bitcast3A_452, 1 {pack_format = #tpu.pack_format<interleaved>} : vector<32xbf16> -> vector<16xf32>
        %swap3A_455 = arith.index_cast %scan3A_438 : i32 to index
        %swap3A_456 = arith.constant 16 : index
        %swap3A_457 = tpu.vector_load %arg11[%swap3A_455, %swap3A_456] {strides = array<i32>} : memref<64x128xf32, #tpu.memory_space<vmem>>, vector<16xf32>,
        tpu.vector_store %arg11[%swap3A_455, %swap3A_456], %unpack3A_453 {strides = array<i32>} : memref<64x128xf32, #tpu.memory_space<vmem>>, vector<16xf32>,
        %swap3A_458 = arith.index_cast %scan3A_438 : i32 to index
        %swap3A_459 = arith.constant 80 : index
        %swap3A_460 = tpu.vector_load %arg11[%swap3A_458, %swap3A_459] {strides = array<i32>} : memref<64x128xf32, #tpu.memory_space<vmem>>, vector<16xf32>,
        tpu.vector_store %arg11[%swap3A_458, %swap3A_459], %unpack3A_454 {strides = array<i32>} : memref<64x128xf32, #tpu.memory_space<vmem>>, vector<16xf32>,
        %get3A_461 = arith.index_cast %scan3A_438 : i32 to index
        %get3A_462 = arith.constant 32 : index
        %get3A_463 = tpu.vector_load %arg7[%get3A_461, %get3A_462] {strides = array<i32>} : memref<64x64xi32, #tpu.memory_space<vmem>>, vector<16xi32>,
        %bitcast3A_464 = vector.bitcast %get3A_463 : vector<16xi32> to vector<32xbf16>
        %unpack3A_465 = tpu.unpack_subelements %bitcast3A_464, 0 {pack_format = #tpu.pack_format<interleaved>} : vector<32xbf16> -> vector<16xf32>
        %unpack3A_466 = tpu.unpack_subelements %bitcast3A_464, 1 {pack_format = #tpu.pack_format<interleaved>} : vector<32xbf16> -> vector<16xf32>
        %swap3A_467 = arith.index_cast %scan3A_438 : i32 to index
        %swap3A_468 = arith.constant 32 : index
        %swap3A_469 = tpu.vector_load %arg11[%swap3A_467, %swap3A_468] {strides = array<i32>} : memref<64x128xf32, #tpu.memory_space<vmem>>, vector<16xf32>,
        tpu.vector_store %arg11[%swap3A_467, %swap3A_468], %unpack3A_465 {strides = array<i32>} : memref<64x128xf32, #tpu.memory_space<vmem>>, vector<16xf32>,
        %swap3A_470 = arith.index_cast %scan3A_438 : i32 to index
        %swap3A_471 = arith.constant 96 : index
        %swap3A_472 = tpu.vector_load %arg11[%swap3A_470, %swap3A_471] {strides = array<i32>} : memref<64x128xf32, #tpu.memory_space<vmem>>, vector<16xf32>,
        tpu.vector_store %arg11[%swap3A_470, %swap3A_471], %unpack3A_466 {strides = array<i32>} : memref<64x128xf32, #tpu.memory_space<vmem>>, vector<16xf32>,
        %get3A_473 = arith.index_cast %scan3A_438 : i32 to index
        %get3A_474 = arith.constant 48 : index
        %get3A_475 = tpu.vector_load %arg7[%get3A_473, %get3A_474] {strides = array<i32>} : memref<64x64xi32, #tpu.memory_space<vmem>>, vector<16xi32>,
        %bitcast3A_476 = vector.bitcast %get3A_475 : vector<16xi32> to vector<32xbf16>
        %unpack3A_477 = tpu.unpack_subelements %bitcast3A_476, 0 {pack_format = #tpu.pack_format<interleaved>} : vector<32xbf16> -> vector<16xf32>
        %unpack3A_478 = tpu.unpack_subelements %bitcast3A_476, 1 {pack_format = #tpu.pack_format<interleaved>} : vector<32xbf16> -> vector<16xf32>
        %swap3A_479 = arith.index_cast %scan3A_438 : i32 to index
        %swap3A_480 = arith.constant 48 : index
        %swap3A_481 = tpu.vector_load %arg11[%swap3A_479, %swap3A_480] {strides = array<i32>} : memref<64x128xf32, #tpu.memory_space<vmem>>, vector<16xf32>,
        tpu.vector_store %arg11[%swap3A_479, %swap3A_480], %unpack3A_477 {strides = array<i32>} : memref<64x128xf32, #tpu.memory_space<vmem>>, vector<16xf32>,
        %swap3A_482 = arith.index_cast %scan3A_438 : i32 to index
        %swap3A_483 = arith.constant 112 : index
        %swap3A_484 = tpu.vector_load %arg11[%swap3A_482, %swap3A_483] {strides = array<i32>} : memref<64x128xf32, #tpu.memory_space<vmem>>, vector<16xf32>,
        tpu.vector_store %arg11[%swap3A_482, %swap3A_483], %unpack3A_478 {strides = array<i32>} : memref<64x128xf32, #tpu.memory_space<vmem>>, vector<16xf32>,
      }
      %scan3A_283 = arith.constant 64 : i32
      %dma_start3A_284 = arith.constant 0 : i32
      %dma_start3A_285 = arith.constant 0 : i32
      %dma_start3A_286 = tpu.memref_slice %arg18[%dma_start3A_284, %dma_start3A_285] : memref<10240x128xf32, #tpu.memory_space<vmem_shared>> -> memref<10240x128xf32, #tpu.memory_space<vmem_shared>>
      tpu.enqueue_indirect_dma source(%arg11 : memref<64x128xf32, #tpu.memory_space<vmem>>) target(%dma_start3A_286 : memref<10240x128xf32, #tpu.memory_space<vmem_shared>>) offsets(%arg17 : memref<64xi32, #tpu.memory_space<vmem>>) semaphore(%arg24 : memref<!tpu.dma_semaphore, #tpu.memory_space<semaphore_mem>>) {add = true}
      %add3A_287 = arith.constant 3 : i32
      %add3A_288 = arith.addi %add3A_225, %add3A_287 : i32
      %lt3A_289 = arith.constant 160 : i32
      %lt3A_290 = arith.cmpi slt, %add3A_288, %lt3A_289 : i32
      %convert_element_type3A_291 = arith.extui %lt3A_290 : i1 to i32
      %cond3A_292 = arith.constant 0 : i32
      %cond3A_293 = arith.cmpi ne, %convert_element_type3A_291, %cond3A_292 : i32
      scf.if %cond3A_293 {
        %add3A_438 = arith.constant 3 : i32
        %add3A_439 = arith.addi %add3A_225, %add3A_438 : i32
        %mul3A_440 = arith.constant 64 : i32
        %mul3A_441 = arith.muli %add3A_439, %mul3A_440 : i32
        %add3A_442 = arith.constant 0 : i32
        %add3A_443 = arith.addi %mul3A_441, %add3A_442 : i32
        %get3A_444 = arith.index_cast %add3A_443 : i32 to index
        %get3A_445 = tpu.vector_load %arg5[%get3A_444] {strides = array<i32>} : memref<10240xi32, #tpu.memory_space<vmem>>, vector<16xi32>,
        %and3A_446 = arith.constant 65535 : i32
        %and3A_447 = vector.broadcast %and3A_446 : i32 to vector<16xi32>
        %and3A_448 = arith.andi %get3A_445, %and3A_447 : vector<16xi32>
        %swap3A_449 = arith.constant 0 : index
        %swap3A_450 = tpu.vector_load %arg12[%swap3A_449] {strides = array<i32>} : memref<64xi32, #tpu.memory_space<vmem>>, vector<16xi32>,
        tpu.vector_store %arg12[%swap3A_449], %and3A_448 {strides = array<i32>} : memref<64xi32, #tpu.memory_space<vmem>>, vector<16xi32>,
        %mul3A_451 = arith.constant 64 : i32
        %mul3A_452 = arith.muli %add3A_439, %mul3A_451 : i32
        %add3A_453 = arith.constant 16 : i32
        %add3A_454 = arith.addi %mul3A_452, %add3A_453 : i32
        %get3A_455 = arith.index_cast %add3A_454 : i32 to index
        %get3A_456 = tpu.vector_load %arg5[%get3A_455] {strides = array<i32>} : memref<10240xi32, #tpu.memory_space<vmem>>, vector<16xi32>,
        %and3A_457 = arith.constant 65535 : i32
        %and3A_458 = vector.broadcast %and3A_457 : i32 to vector<16xi32>
        %and3A_459 = arith.andi %get3A_456, %and3A_458 : vector<16xi32>
        %swap3A_460 = arith.constant 16 : index
        %swap3A_461 = tpu.vector_load %arg12[%swap3A_460] {strides = array<i32>} : memref<64xi32, #tpu.memory_space<vmem>>, vector<16xi32>,
        tpu.vector_store %arg12[%swap3A_460], %and3A_459 {strides = array<i32>} : memref<64xi32, #tpu.memory_space<vmem>>, vector<16xi32>,
        %mul3A_462 = arith.constant 64 : i32
        %mul3A_463 = arith.muli %add3A_439, %mul3A_462 : i32
        %add3A_464 = arith.constant 32 : i32
        %add3A_465 = arith.addi %mul3A_463, %add3A_464 : i32
        %get3A_466 = arith.index_cast %add3A_465 : i32 to index
        %get3A_467 = tpu.vector_load %arg5[%get3A_466] {strides = array<i32>} : memref<10240xi32, #tpu.memory_space<vmem>>, vector<16xi32>,
        %and3A_468 = arith.constant 65535 : i32
        %and3A_469 = vector.broadcast %and3A_468 : i32 to vector<16xi32>
        %and3A_470 = arith.andi %get3A_467, %and3A_469 : vector<16xi32>
        %swap3A_471 = arith.constant 32 : index
        %swap3A_472 = tpu.vector_load %arg12[%swap3A_471] {strides = array<i32>} : memref<64xi32, #tpu.memory_space<vmem>>, vector<16xi32>,
        tpu.vector_store %arg12[%swap3A_471], %and3A_470 {strides = array<i32>} : memref<64xi32, #tpu.memory_space<vmem>>, vector<16xi32>,
        %mul3A_473 = arith.constant 64 : i32
        %mul3A_474 = arith.muli %add3A_439, %mul3A_473 : i32
        %add3A_475 = arith.constant 48 : i32
        %add3A_476 = arith.addi %mul3A_474, %add3A_475 : i32
        %get3A_477 = arith.index_cast %add3A_476 : i32 to index
        %get3A_478 = tpu.vector_load %arg5[%get3A_477] {strides = array<i32>} : memref<10240xi32, #tpu.memory_space<vmem>>, vector<16xi32>,
        %and3A_479 = arith.constant 65535 : i32
        %and3A_480 = vector.broadcast %and3A_479 : i32 to vector<16xi32>
        %and3A_481 = arith.andi %get3A_478, %and3A_480 : vector<16xi32>
        %swap3A_482 = arith.constant 48 : index
        %swap3A_483 = tpu.vector_load %arg12[%swap3A_482] {strides = array<i32>} : memref<64xi32, #tpu.memory_space<vmem>>, vector<16xi32>,
        tpu.vector_store %arg12[%swap3A_482], %and3A_481 {strides = array<i32>} : memref<64xi32, #tpu.memory_space<vmem>>, vector<16xi32>,
        %dma_start3A_484 = arith.constant 0 : i32
        %dma_start3A_485 = arith.constant 0 : i32
        %dma_start3A_486 = tpu.memref_slice %arg2[%dma_start3A_484, %dma_start3A_485] : memref<10240x64xi32, #tpu.memory_space<hbm>> -> memref<10240x64xi32, #tpu.memory_space<hbm>>
        tpu.enqueue_indirect_dma source(%dma_start3A_486 : memref<10240x64xi32, #tpu.memory_space<hbm>>) target(%arg6 : memref<64x64xi32, #tpu.memory_space<vmem>>) offsets(%arg12 : memref<64xi32, #tpu.memory_space<vmem>>) semaphore(%arg19 : memref<!tpu.dma_semaphore, #tpu.memory_space<semaphore_mem>>)
      } else {
      }
      %mul3A_294 = arith.constant 4 : i32
      %mul3A_295 = arith.muli %mul3A_294, %scan3A_154 : i32
      %add3A_296 = arith.constant 2 : i32
      %add3A_297 = arith.addi %mul3A_295, %add3A_296 : i32
      %dma_wait3A_298 = arith.constant 0 : i32
      %dma_wait3A_299 = arith.constant 0 : i32
      %dma_wait3A_300 = tpu.memref_slice %arg2[%dma_wait3A_298, %dma_wait3A_299] : memref<10240x64xi32, #tpu.memory_space<hbm>> -> memref<10240x64xi32, #tpu.memory_space<hbm>>
      tpu.wait_indirect_dma semaphore(%arg21 : memref<!tpu.dma_semaphore, #tpu.memory_space<semaphore_mem>>) src(%dma_wait3A_300 : memref<10240x64xi32, #tpu.memory_space<hbm>>) dst(%arg8 : memref<64x64xi32, #tpu.memory_space<vmem>>)
      %ge3A_301 = arith.constant 2 : i32
      %ge3A_302 = arith.cmpi sge, %add3A_297, %ge3A_301 : i32
      %convert_element_type3A_303 = arith.extui %ge3A_302 : i1 to i32
      %cond3A_304 = arith.constant 0 : i32
      %cond3A_305 = arith.cmpi ne, %convert_element_type3A_303, %cond3A_304 : i32
      scf.if %cond3A_305 {
        %dma_wait3A_438 = arith.constant 0 : i32
        %dma_wait3A_439 = arith.constant 0 : i32
        %dma_wait3A_440 = tpu.memref_slice %arg18[%dma_wait3A_438, %dma_wait3A_439] : memref<10240x128xf32, #tpu.memory_space<vmem_shared>> -> memref<10240x128xf32, #tpu.memory_space<vmem_shared>>
        tpu.wait_indirect_dma semaphore(%arg23 : memref<!tpu.dma_semaphore, #tpu.memory_space<semaphore_mem>>) src(%arg10 : memref<64x128xf32, #tpu.memory_space<vmem>>) dst(%dma_wait3A_440 : memref<10240x128xf32, #tpu.memory_space<vmem_shared>>)
      } else {
      }
      %mul3A_306 = arith.constant 64 : i32
      %mul3A_307 = arith.muli %add3A_297, %mul3A_306 : i32
      %add3A_308 = arith.constant 0 : i32
      %add3A_309 = arith.addi %mul3A_307, %add3A_308 : i32
      %get3A_310 = arith.index_cast %add3A_309 : i32 to index
      %get3A_311 = tpu.vector_load %arg5[%get3A_310] {strides = array<i32>} : memref<10240xi32, #tpu.memory_space<vmem>>, vector<16xi32>,
      %shift_right_logical3A_312 = arith.constant 16 : i32
      %shift_right_logical3A_313 = vector.broadcast %shift_right_logical3A_312 : i32 to vector<16xi32>
      %shift_right_logical3A_314 = arith.shrui %get3A_311, %shift_right_logical3A_313 : vector<16xi32>
      %swap3A_315 = arith.constant 0 : index
      %swap3A_316 = tpu.vector_load %arg16[%swap3A_315] {strides = array<i32>} : memref<64xi32, #tpu.memory_space<vmem>>, vector<16xi32>,
      tpu.vector_store %arg16[%swap3A_315], %shift_right_logical3A_314 {strides = array<i32>} : memref<64xi32, #tpu.memory_space<vmem>>, vector<16xi32>,
      %mul3A_317 = arith.constant 64 : i32
      %mul3A_318 = arith.muli %add3A_297, %mul3A_317 : i32
      %add3A_319 = arith.constant 16 : i32
      %add3A_320 = arith.addi %mul3A_318, %add3A_319 : i32
      %get3A_321 = arith.index_cast %add3A_320 : i32 to index
      %get3A_322 = tpu.vector_load %arg5[%get3A_321] {strides = array<i32>} : memref<10240xi32, #tpu.memory_space<vmem>>, vector<16xi32>,
      %shift_right_logical3A_323 = arith.constant 16 : i32
      %shift_right_logical3A_324 = vector.broadcast %shift_right_logical3A_323 : i32 to vector<16xi32>
      %shift_right_logical3A_325 = arith.shrui %get3A_322, %shift_right_logical3A_324 : vector<16xi32>
      %swap3A_326 = arith.constant 16 : index
      %swap3A_327 = tpu.vector_load %arg16[%swap3A_326] {strides = array<i32>} : memref<64xi32, #tpu.memory_space<vmem>>, vector<16xi32>,
      tpu.vector_store %arg16[%swap3A_326], %shift_right_logical3A_325 {strides = array<i32>} : memref<64xi32, #tpu.memory_space<vmem>>, vector<16xi32>,
      %mul3A_328 = arith.constant 64 : i32
      %mul3A_329 = arith.muli %add3A_297, %mul3A_328 : i32
      %add3A_330 = arith.constant 32 : i32
      %add3A_331 = arith.addi %mul3A_329, %add3A_330 : i32
      %get3A_332 = arith.index_cast %add3A_331 : i32 to index
      %get3A_333 = tpu.vector_load %arg5[%get3A_332] {strides = array<i32>} : memref<10240xi32, #tpu.memory_space<vmem>>, vector<16xi32>,
      %shift_right_logical3A_334 = arith.constant 16 : i32
      %shift_right_logical3A_335 = vector.broadcast %shift_right_logical3A_334 : i32 to vector<16xi32>
      %shift_right_logical3A_336 = arith.shrui %get3A_333, %shift_right_logical3A_335 : vector<16xi32>
      %swap3A_337 = arith.constant 32 : index
      %swap3A_338 = tpu.vector_load %arg16[%swap3A_337] {strides = array<i32>} : memref<64xi32, #tpu.memory_space<vmem>>, vector<16xi32>,
      tpu.vector_store %arg16[%swap3A_337], %shift_right_logical3A_336 {strides = array<i32>} : memref<64xi32, #tpu.memory_space<vmem>>, vector<16xi32>,
      %mul3A_339 = arith.constant 64 : i32
      %mul3A_340 = arith.muli %add3A_297, %mul3A_339 : i32
      %add3A_341 = arith.constant 48 : i32
      %add3A_342 = arith.addi %mul3A_340, %add3A_341 : i32
      %get3A_343 = arith.index_cast %add3A_342 : i32 to index
      %get3A_344 = tpu.vector_load %arg5[%get3A_343] {strides = array<i32>} : memref<10240xi32, #tpu.memory_space<vmem>>, vector<16xi32>,
      %shift_right_logical3A_345 = arith.constant 16 : i32
      %shift_right_logical3A_346 = vector.broadcast %shift_right_logical3A_345 : i32 to vector<16xi32>
      %shift_right_logical3A_347 = arith.shrui %get3A_344, %shift_right_logical3A_346 : vector<16xi32>
      %swap3A_348 = arith.constant 48 : index
      %swap3A_349 = tpu.vector_load %arg16[%swap3A_348] {strides = array<i32>} : memref<64xi32, #tpu.memory_space<vmem>>, vector<16xi32>,
      tpu.vector_store %arg16[%swap3A_348], %shift_right_logical3A_347 {strides = array<i32>} : memref<64xi32, #tpu.memory_space<vmem>>, vector<16xi32>,
      %scan3A_350 = arith.constant 0 : i32
      %scan3A_351 = arith.constant 0 : i32
      %scan3A_352 = arith.constant 64 : i32
      %scan3A_353 = arith.addi %scan3A_351, %scan3A_352 : i32
      %scan3A_354 = arith.constant 1 : i32
      scf.for %scan3A_438 = %scan3A_351 to %scan3A_353 step %scan3A_354  : i32 {
        %get3A_439 = arith.index_cast %scan3A_438 : i32 to index
        %get3A_440 = arith.constant 0 : index
        %get3A_441 = tpu.vector_load %arg8[%get3A_439, %get3A_440] {strides = array<i32>} : memref<64x64xi32, #tpu.memory_space<vmem>>, vector<16xi32>,
        %bitcast3A = vector.bitcast %get3A_441 : vector<16xi32> to vector<32xbf16>
        %unpack3A = tpu.unpack_subelements %bitcast3A, 0 {pack_format = #tpu.pack_format<interleaved>} : vector<32xbf16> -> vector<16xf32>
        %unpack3A_442 = tpu.unpack_subelements %bitcast3A, 1 {pack_format = #tpu.pack_format<interleaved>} : vector<32xbf16> -> vector<16xf32>
        %swap3A_443 = arith.index_cast %scan3A_438 : i32 to index
        %swap3A_444 = arith.constant 0 : index
        %swap3A_445 = tpu.vector_load %arg10[%swap3A_443, %swap3A_444] {strides = array<i32>} : memref<64x128xf32, #tpu.memory_space<vmem>>, vector<16xf32>,
        tpu.vector_store %arg10[%swap3A_443, %swap3A_444], %unpack3A {strides = array<i32>} : memref<64x128xf32, #tpu.memory_space<vmem>>, vector<16xf32>,
        %swap3A_446 = arith.index_cast %scan3A_438 : i32 to index
        %swap3A_447 = arith.constant 64 : index
        %swap3A_448 = tpu.vector_load %arg10[%swap3A_446, %swap3A_447] {strides = array<i32>} : memref<64x128xf32, #tpu.memory_space<vmem>>, vector<16xf32>,
        tpu.vector_store %arg10[%swap3A_446, %swap3A_447], %unpack3A_442 {strides = array<i32>} : memref<64x128xf32, #tpu.memory_space<vmem>>, vector<16xf32>,
        %get3A_449 = arith.index_cast %scan3A_438 : i32 to index
        %get3A_450 = arith.constant 16 : index
        %get3A_451 = tpu.vector_load %arg8[%get3A_449, %get3A_450] {strides = array<i32>} : memref<64x64xi32, #tpu.memory_space<vmem>>, vector<16xi32>,
        %bitcast3A_452 = vector.bitcast %get3A_451 : vector<16xi32> to vector<32xbf16>
        %unpack3A_453 = tpu.unpack_subelements %bitcast3A_452, 0 {pack_format = #tpu.pack_format<interleaved>} : vector<32xbf16> -> vector<16xf32>
        %unpack3A_454 = tpu.unpack_subelements %bitcast3A_452, 1 {pack_format = #tpu.pack_format<interleaved>} : vector<32xbf16> -> vector<16xf32>
        %swap3A_455 = arith.index_cast %scan3A_438 : i32 to index
        %swap3A_456 = arith.constant 16 : index
        %swap3A_457 = tpu.vector_load %arg10[%swap3A_455, %swap3A_456] {strides = array<i32>} : memref<64x128xf32, #tpu.memory_space<vmem>>, vector<16xf32>,
        tpu.vector_store %arg10[%swap3A_455, %swap3A_456], %unpack3A_453 {strides = array<i32>} : memref<64x128xf32, #tpu.memory_space<vmem>>, vector<16xf32>,
        %swap3A_458 = arith.index_cast %scan3A_438 : i32 to index
        %swap3A_459 = arith.constant 80 : index
        %swap3A_460 = tpu.vector_load %arg10[%swap3A_458, %swap3A_459] {strides = array<i32>} : memref<64x128xf32, #tpu.memory_space<vmem>>, vector<16xf32>,
        tpu.vector_store %arg10[%swap3A_458, %swap3A_459], %unpack3A_454 {strides = array<i32>} : memref<64x128xf32, #tpu.memory_space<vmem>>, vector<16xf32>,
        %get3A_461 = arith.index_cast %scan3A_438 : i32 to index
        %get3A_462 = arith.constant 32 : index
        %get3A_463 = tpu.vector_load %arg8[%get3A_461, %get3A_462] {strides = array<i32>} : memref<64x64xi32, #tpu.memory_space<vmem>>, vector<16xi32>,
        %bitcast3A_464 = vector.bitcast %get3A_463 : vector<16xi32> to vector<32xbf16>
        %unpack3A_465 = tpu.unpack_subelements %bitcast3A_464, 0 {pack_format = #tpu.pack_format<interleaved>} : vector<32xbf16> -> vector<16xf32>
        %unpack3A_466 = tpu.unpack_subelements %bitcast3A_464, 1 {pack_format = #tpu.pack_format<interleaved>} : vector<32xbf16> -> vector<16xf32>
        %swap3A_467 = arith.index_cast %scan3A_438 : i32 to index
        %swap3A_468 = arith.constant 32 : index
        %swap3A_469 = tpu.vector_load %arg10[%swap3A_467, %swap3A_468] {strides = array<i32>} : memref<64x128xf32, #tpu.memory_space<vmem>>, vector<16xf32>,
        tpu.vector_store %arg10[%swap3A_467, %swap3A_468], %unpack3A_465 {strides = array<i32>} : memref<64x128xf32, #tpu.memory_space<vmem>>, vector<16xf32>,
        %swap3A_470 = arith.index_cast %scan3A_438 : i32 to index
        %swap3A_471 = arith.constant 96 : index
        %swap3A_472 = tpu.vector_load %arg10[%swap3A_470, %swap3A_471] {strides = array<i32>} : memref<64x128xf32, #tpu.memory_space<vmem>>, vector<16xf32>,
        tpu.vector_store %arg10[%swap3A_470, %swap3A_471], %unpack3A_466 {strides = array<i32>} : memref<64x128xf32, #tpu.memory_space<vmem>>, vector<16xf32>,
        %get3A_473 = arith.index_cast %scan3A_438 : i32 to index
        %get3A_474 = arith.constant 48 : index
        %get3A_475 = tpu.vector_load %arg8[%get3A_473, %get3A_474] {strides = array<i32>} : memref<64x64xi32, #tpu.memory_space<vmem>>, vector<16xi32>,
        %bitcast3A_476 = vector.bitcast %get3A_475 : vector<16xi32> to vector<32xbf16>
        %unpack3A_477 = tpu.unpack_subelements %bitcast3A_476, 0 {pack_format = #tpu.pack_format<interleaved>} : vector<32xbf16> -> vector<16xf32>
        %unpack3A_478 = tpu.unpack_subelements %bitcast3A_476, 1 {pack_format = #tpu.pack_format<interleaved>} : vector<32xbf16> -> vector<16xf32>
        %swap3A_479 = arith.index_cast %scan3A_438 : i32 to index
        %swap3A_480 = arith.constant 48 : index
        %swap3A_481 = tpu.vector_load %arg10[%swap3A_479, %swap3A_480] {strides = array<i32>} : memref<64x128xf32, #tpu.memory_space<vmem>>, vector<16xf32>,
        tpu.vector_store %arg10[%swap3A_479, %swap3A_480], %unpack3A_477 {strides = array<i32>} : memref<64x128xf32, #tpu.memory_space<vmem>>, vector<16xf32>,
        %swap3A_482 = arith.index_cast %scan3A_438 : i32 to index
        %swap3A_483 = arith.constant 112 : index
        %swap3A_484 = tpu.vector_load %arg10[%swap3A_482, %swap3A_483] {strides = array<i32>} : memref<64x128xf32, #tpu.memory_space<vmem>>, vector<16xf32>,
        tpu.vector_store %arg10[%swap3A_482, %swap3A_483], %unpack3A_478 {strides = array<i32>} : memref<64x128xf32, #tpu.memory_space<vmem>>, vector<16xf32>,
      }
      %scan3A_355 = arith.constant 64 : i32
      %dma_start3A_356 = arith.constant 0 : i32
      %dma_start3A_357 = arith.constant 0 : i32
      %dma_start3A_358 = tpu.memref_slice %arg18[%dma_start3A_356, %dma_start3A_357] : memref<10240x128xf32, #tpu.memory_space<vmem_shared>> -> memref<10240x128xf32, #tpu.memory_space<vmem_shared>>
      tpu.enqueue_indirect_dma source(%arg10 : memref<64x128xf32, #tpu.memory_space<vmem>>) target(%dma_start3A_358 : memref<10240x128xf32, #tpu.memory_space<vmem_shared>>) offsets(%arg16 : memref<64xi32, #tpu.memory_space<vmem>>) semaphore(%arg23 : memref<!tpu.dma_semaphore, #tpu.memory_space<semaphore_mem>>) {add = true}
      %add3A_359 = arith.constant 3 : i32
      %add3A_360 = arith.addi %add3A_297, %add3A_359 : i32
      %lt3A_361 = arith.constant 160 : i32
      %lt3A_362 = arith.cmpi slt, %add3A_360, %lt3A_361 : i32
      %convert_element_type3A_363 = arith.extui %lt3A_362 : i1 to i32
      %cond3A_364 = arith.constant 0 : i32
      %cond3A_365 = arith.cmpi ne, %convert_element_type3A_363, %cond3A_364 : i32
      scf.if %cond3A_365 {
        %add3A_438 = arith.constant 3 : i32
        %add3A_439 = arith.addi %add3A_297, %add3A_438 : i32
        %mul3A_440 = arith.constant 64 : i32
        %mul3A_441 = arith.muli %add3A_439, %mul3A_440 : i32
        %add3A_442 = arith.constant 0 : i32
        %add3A_443 = arith.addi %mul3A_441, %add3A_442 : i32
        %get3A_444 = arith.index_cast %add3A_443 : i32 to index
        %get3A_445 = tpu.vector_load %arg5[%get3A_444] {strides = array<i32>} : memref<10240xi32, #tpu.memory_space<vmem>>, vector<16xi32>,
        %and3A_446 = arith.constant 65535 : i32
        %and3A_447 = vector.broadcast %and3A_446 : i32 to vector<16xi32>
        %and3A_448 = arith.andi %get3A_445, %and3A_447 : vector<16xi32>
        %swap3A_449 = arith.constant 0 : index
        %swap3A_450 = tpu.vector_load %arg13[%swap3A_449] {strides = array<i32>} : memref<64xi32, #tpu.memory_space<vmem>>, vector<16xi32>,
        tpu.vector_store %arg13[%swap3A_449], %and3A_448 {strides = array<i32>} : memref<64xi32, #tpu.memory_space<vmem>>, vector<16xi32>,
        %mul3A_451 = arith.constant 64 : i32
        %mul3A_452 = arith.muli %add3A_439, %mul3A_451 : i32
        %add3A_453 = arith.constant 16 : i32
        %add3A_454 = arith.addi %mul3A_452, %add3A_453 : i32
        %get3A_455 = arith.index_cast %add3A_454 : i32 to index
        %get3A_456 = tpu.vector_load %arg5[%get3A_455] {strides = array<i32>} : memref<10240xi32, #tpu.memory_space<vmem>>, vector<16xi32>,
        %and3A_457 = arith.constant 65535 : i32
        %and3A_458 = vector.broadcast %and3A_457 : i32 to vector<16xi32>
        %and3A_459 = arith.andi %get3A_456, %and3A_458 : vector<16xi32>
        %swap3A_460 = arith.constant 16 : index
        %swap3A_461 = tpu.vector_load %arg13[%swap3A_460] {strides = array<i32>} : memref<64xi32, #tpu.memory_space<vmem>>, vector<16xi32>,
        tpu.vector_store %arg13[%swap3A_460], %and3A_459 {strides = array<i32>} : memref<64xi32, #tpu.memory_space<vmem>>, vector<16xi32>,
        %mul3A_462 = arith.constant 64 : i32
        %mul3A_463 = arith.muli %add3A_439, %mul3A_462 : i32
        %add3A_464 = arith.constant 32 : i32
        %add3A_465 = arith.addi %mul3A_463, %add3A_464 : i32
        %get3A_466 = arith.index_cast %add3A_465 : i32 to index
        %get3A_467 = tpu.vector_load %arg5[%get3A_466] {strides = array<i32>} : memref<10240xi32, #tpu.memory_space<vmem>>, vector<16xi32>,
        %and3A_468 = arith.constant 65535 : i32
        %and3A_469 = vector.broadcast %and3A_468 : i32 to vector<16xi32>
        %and3A_470 = arith.andi %get3A_467, %and3A_469 : vector<16xi32>
        %swap3A_471 = arith.constant 32 : index
        %swap3A_472 = tpu.vector_load %arg13[%swap3A_471] {strides = array<i32>} : memref<64xi32, #tpu.memory_space<vmem>>, vector<16xi32>,
        tpu.vector_store %arg13[%swap3A_471], %and3A_470 {strides = array<i32>} : memref<64xi32, #tpu.memory_space<vmem>>, vector<16xi32>,
        %mul3A_473 = arith.constant 64 : i32
        %mul3A_474 = arith.muli %add3A_439, %mul3A_473 : i32
        %add3A_475 = arith.constant 48 : i32
        %add3A_476 = arith.addi %mul3A_474, %add3A_475 : i32
        %get3A_477 = arith.index_cast %add3A_476 : i32 to index
        %get3A_478 = tpu.vector_load %arg5[%get3A_477] {strides = array<i32>} : memref<10240xi32, #tpu.memory_space<vmem>>, vector<16xi32>,
        %and3A_479 = arith.constant 65535 : i32
        %and3A_480 = vector.broadcast %and3A_479 : i32 to vector<16xi32>
        %and3A_481 = arith.andi %get3A_478, %and3A_480 : vector<16xi32>
        %swap3A_482 = arith.constant 48 : index
        %swap3A_483 = tpu.vector_load %arg13[%swap3A_482] {strides = array<i32>} : memref<64xi32, #tpu.memory_space<vmem>>, vector<16xi32>,
        tpu.vector_store %arg13[%swap3A_482], %and3A_481 {strides = array<i32>} : memref<64xi32, #tpu.memory_space<vmem>>, vector<16xi32>,
        %dma_start3A_484 = arith.constant 0 : i32
        %dma_start3A_485 = arith.constant 0 : i32
        %dma_start3A_486 = tpu.memref_slice %arg2[%dma_start3A_484, %dma_start3A_485] : memref<10240x64xi32, #tpu.memory_space<hbm>> -> memref<10240x64xi32, #tpu.memory_space<hbm>>
        tpu.enqueue_indirect_dma source(%dma_start3A_486 : memref<10240x64xi32, #tpu.memory_space<hbm>>) target(%arg7 : memref<64x64xi32, #tpu.memory_space<vmem>>) offsets(%arg13 : memref<64xi32, #tpu.memory_space<vmem>>) semaphore(%arg20 : memref<!tpu.dma_semaphore, #tpu.memory_space<semaphore_mem>>)
      } else {
      }
      %mul3A_366 = arith.constant 4 : i32
      %mul3A_367 = arith.muli %mul3A_366, %scan3A_154 : i32
      %add3A_368 = arith.constant 3 : i32
      %add3A_369 = arith.addi %mul3A_367, %add3A_368 : i32
      %dma_wait3A_370 = arith.constant 0 : i32
      %dma_wait3A_371 = arith.constant 0 : i32
      %dma_wait3A_372 = tpu.memref_slice %arg2[%dma_wait3A_370, %dma_wait3A_371] : memref<10240x64xi32, #tpu.memory_space<hbm>> -> memref<10240x64xi32, #tpu.memory_space<hbm>>
      tpu.wait_indirect_dma semaphore(%arg22 : memref<!tpu.dma_semaphore, #tpu.memory_space<semaphore_mem>>) src(%dma_wait3A_372 : memref<10240x64xi32, #tpu.memory_space<hbm>>) dst(%arg9 : memref<64x64xi32, #tpu.memory_space<vmem>>)
      %ge3A_373 = arith.constant 2 : i32
      %ge3A_374 = arith.cmpi sge, %add3A_369, %ge3A_373 : i32
      %convert_element_type3A_375 = arith.extui %ge3A_374 : i1 to i32
      %cond3A_376 = arith.constant 0 : i32
      %cond3A_377 = arith.cmpi ne, %convert_element_type3A_375, %cond3A_376 : i32
      scf.if %cond3A_377 {
        %dma_wait3A_438 = arith.constant 0 : i32
        %dma_wait3A_439 = arith.constant 0 : i32
        %dma_wait3A_440 = tpu.memref_slice %arg18[%dma_wait3A_438, %dma_wait3A_439] : memref<10240x128xf32, #tpu.memory_space<vmem_shared>> -> memref<10240x128xf32, #tpu.memory_space<vmem_shared>>
        tpu.wait_indirect_dma semaphore(%arg24 : memref<!tpu.dma_semaphore, #tpu.memory_space<semaphore_mem>>) src(%arg11 : memref<64x128xf32, #tpu.memory_space<vmem>>) dst(%dma_wait3A_440 : memref<10240x128xf32, #tpu.memory_space<vmem_shared>>)
      } else {
      }
      %mul3A_378 = arith.constant 64 : i32
      %mul3A_379 = arith.muli %add3A_369, %mul3A_378 : i32
      %add3A_380 = arith.constant 0 : i32
      %add3A_381 = arith.addi %mul3A_379, %add3A_380 : i32
      %get3A_382 = arith.index_cast %add3A_381 : i32 to index
      %get3A_383 = tpu.vector_load %arg5[%get3A_382] {strides = array<i32>} : memref<10240xi32, #tpu.memory_space<vmem>>, vector<16xi32>,
      %shift_right_logical3A_384 = arith.constant 16 : i32
      %shift_right_logical3A_385 = vector.broadcast %shift_right_logical3A_384 : i32 to vector<16xi32>
      %shift_right_logical3A_386 = arith.shrui %get3A_383, %shift_right_logical3A_385 : vector<16xi32>
      %swap3A_387 = arith.constant 0 : index
      %swap3A_388 = tpu.vector_load %arg17[%swap3A_387] {strides = array<i32>} : memref<64xi32, #tpu.memory_space<vmem>>, vector<16xi32>,
      tpu.vector_store %arg17[%swap3A_387], %shift_right_logical3A_386 {strides = array<i32>} : memref<64xi32, #tpu.memory_space<vmem>>, vector<16xi32>,
      %mul3A_389 = arith.constant 64 : i32
      %mul3A_390 = arith.muli %add3A_369, %mul3A_389 : i32
      %add3A_391 = arith.constant 16 : i32
      %add3A_392 = arith.addi %mul3A_390, %add3A_391 : i32
      %get3A_393 = arith.index_cast %add3A_392 : i32 to index
      %get3A_394 = tpu.vector_load %arg5[%get3A_393] {strides = array<i32>} : memref<10240xi32, #tpu.memory_space<vmem>>, vector<16xi32>,
      %shift_right_logical3A_395 = arith.constant 16 : i32
      %shift_right_logical3A_396 = vector.broadcast %shift_right_logical3A_395 : i32 to vector<16xi32>
      %shift_right_logical3A_397 = arith.shrui %get3A_394, %shift_right_logical3A_396 : vector<16xi32>
      %swap3A_398 = arith.constant 16 : index
      %swap3A_399 = tpu.vector_load %arg17[%swap3A_398] {strides = array<i32>} : memref<64xi32, #tpu.memory_space<vmem>>, vector<16xi32>,
      tpu.vector_store %arg17[%swap3A_398], %shift_right_logical3A_397 {strides = array<i32>} : memref<64xi32, #tpu.memory_space<vmem>>, vector<16xi32>,
      %mul3A_400 = arith.constant 64 : i32
      %mul3A_401 = arith.muli %add3A_369, %mul3A_400 : i32
      %add3A_402 = arith.constant 32 : i32
      %add3A_403 = arith.addi %mul3A_401, %add3A_402 : i32
      %get3A_404 = arith.index_cast %add3A_403 : i32 to index
      %get3A_405 = tpu.vector_load %arg5[%get3A_404] {strides = array<i32>} : memref<10240xi32, #tpu.memory_space<vmem>>, vector<16xi32>,
      %shift_right_logical3A_406 = arith.constant 16 : i32
      %shift_right_logical3A_407 = vector.broadcast %shift_right_logical3A_406 : i32 to vector<16xi32>
      %shift_right_logical3A_408 = arith.shrui %get3A_405, %shift_right_logical3A_407 : vector<16xi32>
      %swap3A_409 = arith.constant 32 : index
      %swap3A_410 = tpu.vector_load %arg17[%swap3A_409] {strides = array<i32>} : memref<64xi32, #tpu.memory_space<vmem>>, vector<16xi32>,
      tpu.vector_store %arg17[%swap3A_409], %shift_right_logical3A_408 {strides = array<i32>} : memref<64xi32, #tpu.memory_space<vmem>>, vector<16xi32>,
      %mul3A_411 = arith.constant 64 : i32
      %mul3A_412 = arith.muli %add3A_369, %mul3A_411 : i32
      %add3A_413 = arith.constant 48 : i32
      %add3A_414 = arith.addi %mul3A_412, %add3A_413 : i32
      %get3A_415 = arith.index_cast %add3A_414 : i32 to index
      %get3A_416 = tpu.vector_load %arg5[%get3A_415] {strides = array<i32>} : memref<10240xi32, #tpu.memory_space<vmem>>, vector<16xi32>,
      %shift_right_logical3A_417 = arith.constant 16 : i32
      %shift_right_logical3A_418 = vector.broadcast %shift_right_logical3A_417 : i32 to vector<16xi32>
      %shift_right_logical3A_419 = arith.shrui %get3A_416, %shift_right_logical3A_418 : vector<16xi32>
      %swap3A_420 = arith.constant 48 : index
      %swap3A_421 = tpu.vector_load %arg17[%swap3A_420] {strides = array<i32>} : memref<64xi32, #tpu.memory_space<vmem>>, vector<16xi32>,
      tpu.vector_store %arg17[%swap3A_420], %shift_right_logical3A_419 {strides = array<i32>} : memref<64xi32, #tpu.memory_space<vmem>>, vector<16xi32>,
      %scan3A_422 = arith.constant 0 : i32
      %scan3A_423 = arith.constant 0 : i32
      %scan3A_424 = arith.constant 64 : i32
      %scan3A_425 = arith.addi %scan3A_423, %scan3A_424 : i32
      %scan3A_426 = arith.constant 1 : i32
      scf.for %scan3A_438 = %scan3A_423 to %scan3A_425 step %scan3A_426  : i32 {
        %get3A_439 = arith.index_cast %scan3A_438 : i32 to index
        %get3A_440 = arith.constant 0 : index
        %get3A_441 = tpu.vector_load %arg9[%get3A_439, %get3A_440] {strides = array<i32>} : memref<64x64xi32, #tpu.memory_space<vmem>>, vector<16xi32>,
        %bitcast3A = vector.bitcast %get3A_441 : vector<16xi32> to vector<32xbf16>
        %unpack3A = tpu.unpack_subelements %bitcast3A, 0 {pack_format = #tpu.pack_format<interleaved>} : vector<32xbf16> -> vector<16xf32>
        %unpack3A_442 = tpu.unpack_subelements %bitcast3A, 1 {pack_format = #tpu.pack_format<interleaved>} : vector<32xbf16> -> vector<16xf32>
        %swap3A_443 = arith.index_cast %scan3A_438 : i32 to index
        %swap3A_444 = arith.constant 0 : index
        %swap3A_445 = tpu.vector_load %arg11[%swap3A_443, %swap3A_444] {strides = array<i32>} : memref<64x128xf32, #tpu.memory_space<vmem>>, vector<16xf32>,
        tpu.vector_store %arg11[%swap3A_443, %swap3A_444], %unpack3A {strides = array<i32>} : memref<64x128xf32, #tpu.memory_space<vmem>>, vector<16xf32>,
        %swap3A_446 = arith.index_cast %scan3A_438 : i32 to index
        %swap3A_447 = arith.constant 64 : index
        %swap3A_448 = tpu.vector_load %arg11[%swap3A_446, %swap3A_447] {strides = array<i32>} : memref<64x128xf32, #tpu.memory_space<vmem>>, vector<16xf32>,
        tpu.vector_store %arg11[%swap3A_446, %swap3A_447], %unpack3A_442 {strides = array<i32>} : memref<64x128xf32, #tpu.memory_space<vmem>>, vector<16xf32>,
        %get3A_449 = arith.index_cast %scan3A_438 : i32 to index
        %get3A_450 = arith.constant 16 : index
        %get3A_451 = tpu.vector_load %arg9[%get3A_449, %get3A_450] {strides = array<i32>} : memref<64x64xi32, #tpu.memory_space<vmem>>, vector<16xi32>,
        %bitcast3A_452 = vector.bitcast %get3A_451 : vector<16xi32> to vector<32xbf16>
        %unpack3A_453 = tpu.unpack_subelements %bitcast3A_452, 0 {pack_format = #tpu.pack_format<interleaved>} : vector<32xbf16> -> vector<16xf32>
        %unpack3A_454 = tpu.unpack_subelements %bitcast3A_452, 1 {pack_format = #tpu.pack_format<interleaved>} : vector<32xbf16> -> vector<16xf32>
        %swap3A_455 = arith.index_cast %scan3A_438 : i32 to index
        %swap3A_456 = arith.constant 16 : index
        %swap3A_457 = tpu.vector_load %arg11[%swap3A_455, %swap3A_456] {strides = array<i32>} : memref<64x128xf32, #tpu.memory_space<vmem>>, vector<16xf32>,
        tpu.vector_store %arg11[%swap3A_455, %swap3A_456], %unpack3A_453 {strides = array<i32>} : memref<64x128xf32, #tpu.memory_space<vmem>>, vector<16xf32>,
        %swap3A_458 = arith.index_cast %scan3A_438 : i32 to index
        %swap3A_459 = arith.constant 80 : index
        %swap3A_460 = tpu.vector_load %arg11[%swap3A_458, %swap3A_459] {strides = array<i32>} : memref<64x128xf32, #tpu.memory_space<vmem>>, vector<16xf32>,
        tpu.vector_store %arg11[%swap3A_458, %swap3A_459], %unpack3A_454 {strides = array<i32>} : memref<64x128xf32, #tpu.memory_space<vmem>>, vector<16xf32>,
        %get3A_461 = arith.index_cast %scan3A_438 : i32 to index
        %get3A_462 = arith.constant 32 : index
        %get3A_463 = tpu.vector_load %arg9[%get3A_461, %get3A_462] {strides = array<i32>} : memref<64x64xi32, #tpu.memory_space<vmem>>, vector<16xi32>,
        %bitcast3A_464 = vector.bitcast %get3A_463 : vector<16xi32> to vector<32xbf16>
        %unpack3A_465 = tpu.unpack_subelements %bitcast3A_464, 0 {pack_format = #tpu.pack_format<interleaved>} : vector<32xbf16> -> vector<16xf32>
        %unpack3A_466 = tpu.unpack_subelements %bitcast3A_464, 1 {pack_format = #tpu.pack_format<interleaved>} : vector<32xbf16> -> vector<16xf32>
        %swap3A_467 = arith.index_cast %scan3A_438 : i32 to index
        %swap3A_468 = arith.constant 32 : index
        %swap3A_469 = tpu.vector_load %arg11[%swap3A_467, %swap3A_468] {strides = array<i32>} : memref<64x128xf32, #tpu.memory_space<vmem>>, vector<16xf32>,
        tpu.vector_store %arg11[%swap3A_467, %swap3A_468], %unpack3A_465 {strides = array<i32>} : memref<64x128xf32, #tpu.memory_space<vmem>>, vector<16xf32>,
        %swap3A_470 = arith.index_cast %scan3A_438 : i32 to index
        %swap3A_471 = arith.constant 96 : index
        %swap3A_472 = tpu.vector_load %arg11[%swap3A_470, %swap3A_471] {strides = array<i32>} : memref<64x128xf32, #tpu.memory_space<vmem>>, vector<16xf32>,
        tpu.vector_store %arg11[%swap3A_470, %swap3A_471], %unpack3A_466 {strides = array<i32>} : memref<64x128xf32, #tpu.memory_space<vmem>>, vector<16xf32>,
        %get3A_473 = arith.index_cast %scan3A_438 : i32 to index
        %get3A_474 = arith.constant 48 : index
        %get3A_475 = tpu.vector_load %arg9[%get3A_473, %get3A_474] {strides = array<i32>} : memref<64x64xi32, #tpu.memory_space<vmem>>, vector<16xi32>,
        %bitcast3A_476 = vector.bitcast %get3A_475 : vector<16xi32> to vector<32xbf16>
        %unpack3A_477 = tpu.unpack_subelements %bitcast3A_476, 0 {pack_format = #tpu.pack_format<interleaved>} : vector<32xbf16> -> vector<16xf32>
        %unpack3A_478 = tpu.unpack_subelements %bitcast3A_476, 1 {pack_format = #tpu.pack_format<interleaved>} : vector<32xbf16> -> vector<16xf32>
        %swap3A_479 = arith.index_cast %scan3A_438 : i32 to index
        %swap3A_480 = arith.constant 48 : index
        %swap3A_481 = tpu.vector_load %arg11[%swap3A_479, %swap3A_480] {strides = array<i32>} : memref<64x128xf32, #tpu.memory_space<vmem>>, vector<16xf32>,
        tpu.vector_store %arg11[%swap3A_479, %swap3A_480], %unpack3A_477 {strides = array<i32>} : memref<64x128xf32, #tpu.memory_space<vmem>>, vector<16xf32>,
        %swap3A_482 = arith.index_cast %scan3A_438 : i32 to index
        %swap3A_483 = arith.constant 112 : index
        %swap3A_484 = tpu.vector_load %arg11[%swap3A_482, %swap3A_483] {strides = array<i32>} : memref<64x128xf32, #tpu.memory_space<vmem>>, vector<16xf32>,
        tpu.vector_store %arg11[%swap3A_482, %swap3A_483], %unpack3A_478 {strides = array<i32>} : memref<64x128xf32, #tpu.memory_space<vmem>>, vector<16xf32>,
      }
      %scan3A_427 = arith.constant 64 : i32
      %dma_start3A_428 = arith.constant 0 : i32
      %dma_start3A_429 = arith.constant 0 : i32
      %dma_start3A_430 = tpu.memref_slice %arg18[%dma_start3A_428, %dma_start3A_429] : memref<10240x128xf32, #tpu.memory_space<vmem_shared>> -> memref<10240x128xf32, #tpu.memory_space<vmem_shared>>
      tpu.enqueue_indirect_dma source(%arg11 : memref<64x128xf32, #tpu.memory_space<vmem>>) target(%dma_start3A_430 : memref<10240x128xf32, #tpu.memory_space<vmem_shared>>) offsets(%arg17 : memref<64xi32, #tpu.memory_space<vmem>>) semaphore(%arg24 : memref<!tpu.dma_semaphore, #tpu.memory_space<semaphore_mem>>) {add = true}
      %add3A_431 = arith.constant 3 : i32
      %add3A_432 = arith.addi %add3A_369, %add3A_431 : i32
      %lt3A_433 = arith.constant 160 : i32
      %lt3A_434 = arith.cmpi slt, %add3A_432, %lt3A_433 : i32
      %convert_element_type3A_435 = arith.extui %lt3A_434 : i1 to i32
      %cond3A_436 = arith.constant 0 : i32
      %cond3A_437 = arith.cmpi ne, %convert_element_type3A_435, %cond3A_436 : i32
      scf.if %cond3A_437 {
        %add3A_438 = arith.constant 3 : i32
        %add3A_439 = arith.addi %add3A_369, %add3A_438 : i32
        %mul3A_440 = arith.constant 64 : i32
        %mul3A_441 = arith.muli %add3A_439, %mul3A_440 : i32
        %add3A_442 = arith.constant 0 : i32
        %add3A_443 = arith.addi %mul3A_441, %add3A_442 : i32
        %get3A_444 = arith.index_cast %add3A_443 : i32 to index
        %get3A_445 = tpu.vector_load %arg5[%get3A_444] {strides = array<i32>} : memref<10240xi32, #tpu.memory_space<vmem>>, vector<16xi32>,
        %and3A_446 = arith.constant 65535 : i32
        %and3A_447 = vector.broadcast %and3A_446 : i32 to vector<16xi32>
        %and3A_448 = arith.andi %get3A_445, %and3A_447 : vector<16xi32>
        %swap3A_449 = arith.constant 0 : index
        %swap3A_450 = tpu.vector_load %arg14[%swap3A_449] {strides = array<i32>} : memref<64xi32, #tpu.memory_space<vmem>>, vector<16xi32>,
        tpu.vector_store %arg14[%swap3A_449], %and3A_448 {strides = array<i32>} : memref<64xi32, #tpu.memory_space<vmem>>, vector<16xi32>,
        %mul3A_451 = arith.constant 64 : i32
        %mul3A_452 = arith.muli %add3A_439, %mul3A_451 : i32
        %add3A_453 = arith.constant 16 : i32
        %add3A_454 = arith.addi %mul3A_452, %add3A_453 : i32
        %get3A_455 = arith.index_cast %add3A_454 : i32 to index
        %get3A_456 = tpu.vector_load %arg5[%get3A_455] {strides = array<i32>} : memref<10240xi32, #tpu.memory_space<vmem>>, vector<16xi32>,
        %and3A_457 = arith.constant 65535 : i32
        %and3A_458 = vector.broadcast %and3A_457 : i32 to vector<16xi32>
        %and3A_459 = arith.andi %get3A_456, %and3A_458 : vector<16xi32>
        %swap3A_460 = arith.constant 16 : index
        %swap3A_461 = tpu.vector_load %arg14[%swap3A_460] {strides = array<i32>} : memref<64xi32, #tpu.memory_space<vmem>>, vector<16xi32>,
        tpu.vector_store %arg14[%swap3A_460], %and3A_459 {strides = array<i32>} : memref<64xi32, #tpu.memory_space<vmem>>, vector<16xi32>,
        %mul3A_462 = arith.constant 64 : i32
        %mul3A_463 = arith.muli %add3A_439, %mul3A_462 : i32
        %add3A_464 = arith.constant 32 : i32
        %add3A_465 = arith.addi %mul3A_463, %add3A_464 : i32
        %get3A_466 = arith.index_cast %add3A_465 : i32 to index
        %get3A_467 = tpu.vector_load %arg5[%get3A_466] {strides = array<i32>} : memref<10240xi32, #tpu.memory_space<vmem>>, vector<16xi32>,
        %and3A_468 = arith.constant 65535 : i32
        %and3A_469 = vector.broadcast %and3A_468 : i32 to vector<16xi32>
        %and3A_470 = arith.andi %get3A_467, %and3A_469 : vector<16xi32>
        %swap3A_471 = arith.constant 32 : index
        %swap3A_472 = tpu.vector_load %arg14[%swap3A_471] {strides = array<i32>} : memref<64xi32, #tpu.memory_space<vmem>>, vector<16xi32>,
        tpu.vector_store %arg14[%swap3A_471], %and3A_470 {strides = array<i32>} : memref<64xi32, #tpu.memory_space<vmem>>, vector<16xi32>,
        %mul3A_473 = arith.constant 64 : i32
        %mul3A_474 = arith.muli %add3A_439, %mul3A_473 : i32
        %add3A_475 = arith.constant 48 : i32
        %add3A_476 = arith.addi %mul3A_474, %add3A_475 : i32
        %get3A_477 = arith.index_cast %add3A_476 : i32 to index
        %get3A_478 = tpu.vector_load %arg5[%get3A_477] {strides = array<i32>} : memref<10240xi32, #tpu.memory_space<vmem>>, vector<16xi32>,
        %and3A_479 = arith.constant 65535 : i32
        %and3A_480 = vector.broadcast %and3A_479 : i32 to vector<16xi32>
        %and3A_481 = arith.andi %get3A_478, %and3A_480 : vector<16xi32>
        %swap3A_482 = arith.constant 48 : index
        %swap3A_483 = tpu.vector_load %arg14[%swap3A_482] {strides = array<i32>} : memref<64xi32, #tpu.memory_space<vmem>>, vector<16xi32>,
        tpu.vector_store %arg14[%swap3A_482], %and3A_481 {strides = array<i32>} : memref<64xi32, #tpu.memory_space<vmem>>, vector<16xi32>,
        %dma_start3A_484 = arith.constant 0 : i32
        %dma_start3A_485 = arith.constant 0 : i32
        %dma_start3A_486 = tpu.memref_slice %arg2[%dma_start3A_484, %dma_start3A_485] : memref<10240x64xi32, #tpu.memory_space<hbm>> -> memref<10240x64xi32, #tpu.memory_space<hbm>>
        tpu.enqueue_indirect_dma source(%dma_start3A_486 : memref<10240x64xi32, #tpu.memory_space<hbm>>) target(%arg8 : memref<64x64xi32, #tpu.memory_space<vmem>>) offsets(%arg14 : memref<64xi32, #tpu.memory_space<vmem>>) semaphore(%arg21 : memref<!tpu.dma_semaphore, #tpu.memory_space<semaphore_mem>>)
      } else {
      }
    }
    %scan3A_140 = arith.constant 40 : i32
    %dma_wait3A = arith.constant 0 : i32
    %dma_wait3A_141 = arith.constant 0 : i32
    %dma_wait3A_142 = tpu.memref_slice %arg18[%dma_wait3A, %dma_wait3A_141] : memref<10240x128xf32, #tpu.memory_space<vmem_shared>> -> memref<10240x128xf32, #tpu.memory_space<vmem_shared>>
    tpu.wait_indirect_dma semaphore(%arg23 : memref<!tpu.dma_semaphore, #tpu.memory_space<semaphore_mem>>) src(%arg10 : memref<64x128xf32, #tpu.memory_space<vmem>>) dst(%dma_wait3A_142 : memref<10240x128xf32, #tpu.memory_space<vmem_shared>>)
    %dma_wait3A_143 = arith.constant 0 : i32
    %dma_wait3A_144 = arith.constant 0 : i32
    %dma_wait3A_145 = tpu.memref_slice %arg18[%dma_wait3A_143, %dma_wait3A_144] : memref<10240x128xf32, #tpu.memory_space<vmem_shared>> -> memref<10240x128xf32, #tpu.memory_space<vmem_shared>>
    tpu.wait_indirect_dma semaphore(%arg24 : memref<!tpu.dma_semaphore, #tpu.memory_space<semaphore_mem>>) src(%arg11 : memref<64x128xf32, #tpu.memory_space<vmem>>) dst(%dma_wait3A_145 : memref<10240x128xf32, #tpu.memory_space<vmem_shared>>)
    %barrier3A_146 = arith.constant 0 : index
    tpu.barrier barrier_id(%barrier3A_146)
    %mul3A_147 = arith.constant 640 : i32
    %mul3A_148 = arith.muli %arg1, %mul3A_147 : i32
    %mul3A_149 = arith.constant 10240 : i32
    %mul3A_150 = arith.muli %arg0, %mul3A_149 : i32
    %mul3A_151 = arith.constant 640 : i32
    %mul3A_152 = arith.muli %arg1, %mul3A_151 : i32
    %add3A_153 = arith.addi %mul3A_150, %mul3A_152 : i32
    "tpu.region"() ({
      %run_scoped3A = tpu.sem_alloc : memref<!tpu.dma_semaphore, #tpu.memory_space<semaphore_mem>>
      %dma_start3A_154 = arith.constant 0 : i32
      %dma_start3A_155 = tpu.memref_slice %arg4[%add3A_153, %dma_start3A_154] : memref<20480x128xf32, #tpu.memory_space<hbm>> -> memref<640x128xf32, #tpu.memory_space<hbm>>
      %dma_start3A_156 = arith.constant 0 : i32
      %dma_start3A_157 = tpu.memref_slice %arg18[%mul3A_148, %dma_start3A_156] : memref<10240x128xf32, #tpu.memory_space<vmem_shared>> -> memref<640x128xf32, #tpu.memory_space<vmem_shared>>
      tpu.enqueue_dma source(%dma_start3A_157 : memref<640x128xf32, #tpu.memory_space<vmem_shared>>) target(%dma_start3A_155 : memref<640x128xf32, #tpu.memory_space<hbm>>) target_semaphore(%run_scoped3A : memref<!tpu.dma_semaphore, #tpu.memory_space<semaphore_mem>>)
      %dma_wait3A_158 = arith.constant 0 : i32
      %dma_wait3A_159 = tpu.memref_slice %arg4[%add3A_153, %dma_wait3A_158] : memref<20480x128xf32, #tpu.memory_space<hbm>> -> memref<640x128xf32, #tpu.memory_space<hbm>>
      %dma_wait3A_160 = arith.constant 0 : i32
      %dma_wait3A_161 = tpu.memref_slice %arg18[%mul3A_148, %dma_wait3A_160] : memref<10240x128xf32, #tpu.memory_space<vmem_shared>> -> memref<640x128xf32, #tpu.memory_space<vmem_shared>>
      tpu.wait_dma2 semaphore(%run_scoped3A : memref<!tpu.dma_semaphore, #tpu.memory_space<semaphore_mem>>) src(%dma_wait3A_161 : memref<640x128xf32, #tpu.memory_space<vmem_shared>>) dst(%dma_wait3A_159 : memref<640x128xf32, #tpu.memory_space<hbm>>)
      tpu.yield
    }) : () -> ()
    return
  }
}

#map = affine_map<(d0, d1) -> (0, 0, 0)>
#map1 = affine_map<(d0, d1) -> (0)>
module attributes {stable_mosaic.version = 14 : i64} {
  func.func @_deg_kernel(%arg0: i32, %arg1: i32, %arg2: memref<32x160x64xi32, #tpu.memory_space<hbm>>, %arg3: memref<20480xf32, #tpu.memory_space<hbm>>, %arg4: memref<160x64xi32, #tpu.memory_space<vmem>>, %arg5: memref<64xf32, #tpu.memory_space<vmem>>, %arg6: memref<10240xf32, #tpu.memory_space<vmem_shared>>, %arg7: memref<!tpu.dma_semaphore, #tpu.memory_space<semaphore_mem>>) attributes {dimension_semantics = [#tpu.dimension_semantics<core_parallel>, #tpu.dimension_semantics<subcore_parallel>], iteration_bounds = array<i64: 2, 16>, scalar_prefetch = 0 : i64, scratch_operands = 4 : i64, tpu.core_type = #tpu.core_type<sc_vector_subcore>, window_params = [{transform_indices = #map}, {transform_indices = #map1}]} {
    %mul3A = arith.constant 16 : i32
    %mul3A_0 = arith.muli %arg0, %mul3A : i32
    %add3A = arith.addi %mul3A_0, %arg1 : i32
    %broadcast_in_dim3A = arith.constant 0.000000e+00 : f32
    %broadcast_in_dim3A_1 = vector.broadcast %broadcast_in_dim3A : f32 to vector<16xf32>
    %swap3A = arith.constant 0 : index
    %swap3A_2 = tpu.vector_load %arg5[%swap3A] {strides = array<i32>} : memref<64xf32, #tpu.memory_space<vmem>>, vector<16xf32>,
    %swap3A_3 = vector.shape_cast %swap3A_2 : vector<16xf32> to vector<16xf32>
    %swap3A_4 = vector.shape_cast %broadcast_in_dim3A_1 : vector<16xf32> to vector<16xf32>
    tpu.vector_store %arg5[%swap3A], %swap3A_4 {strides = array<i32>} : memref<64xf32, #tpu.memory_space<vmem>>, vector<16xf32>,
    %broadcast_in_dim3A_5 = arith.constant 0.000000e+00 : f32
    %broadcast_in_dim3A_6 = vector.broadcast %broadcast_in_dim3A_5 : f32 to vector<16xf32>
    %swap3A_7 = arith.constant 16 : index
    %swap3A_8 = tpu.vector_load %arg5[%swap3A_7] {strides = array<i32>} : memref<64xf32, #tpu.memory_space<vmem>>, vector<16xf32>,
    %swap3A_9 = vector.shape_cast %swap3A_8 : vector<16xf32> to vector<16xf32>
    %swap3A_10 = vector.shape_cast %broadcast_in_dim3A_6 : vector<16xf32> to vector<16xf32>
    tpu.vector_store %arg5[%swap3A_7], %swap3A_10 {strides = array<i32>} : memref<64xf32, #tpu.memory_space<vmem>>, vector<16xf32>,
    %broadcast_in_dim3A_11 = arith.constant 0.000000e+00 : f32
    %broadcast_in_dim3A_12 = vector.broadcast %broadcast_in_dim3A_11 : f32 to vector<16xf32>
    %swap3A_13 = arith.constant 32 : index
    %swap3A_14 = tpu.vector_load %arg5[%swap3A_13] {strides = array<i32>} : memref<64xf32, #tpu.memory_space<vmem>>, vector<16xf32>,
    %swap3A_15 = vector.shape_cast %swap3A_14 : vector<16xf32> to vector<16xf32>
    %swap3A_16 = vector.shape_cast %broadcast_in_dim3A_12 : vector<16xf32> to vector<16xf32>
    tpu.vector_store %arg5[%swap3A_13], %swap3A_16 {strides = array<i32>} : memref<64xf32, #tpu.memory_space<vmem>>, vector<16xf32>,
    %broadcast_in_dim3A_17 = arith.constant 0.000000e+00 : f32
    %broadcast_in_dim3A_18 = vector.broadcast %broadcast_in_dim3A_17 : f32 to vector<16xf32>
    %swap3A_19 = arith.constant 48 : index
    %swap3A_20 = tpu.vector_load %arg5[%swap3A_19] {strides = array<i32>} : memref<64xf32, #tpu.memory_space<vmem>>, vector<16xf32>,
    %swap3A_21 = vector.shape_cast %swap3A_20 : vector<16xf32> to vector<16xf32>
    %swap3A_22 = vector.shape_cast %broadcast_in_dim3A_18 : vector<16xf32> to vector<16xf32>
    tpu.vector_store %arg5[%swap3A_19], %swap3A_22 {strides = array<i32>} : memref<64xf32, #tpu.memory_space<vmem>>, vector<16xf32>,
    %mul3A_23 = arith.constant 640 : i32
    %mul3A_24 = arith.muli %arg1, %mul3A_23 : i32
    %add3A_25 = arith.constant 0 : i32
    %add3A_26 = arith.addi %mul3A_24, %add3A_25 : i32
    "tpu.region"() ({
      %run_scoped3A = tpu.sem_alloc : memref<!tpu.dma_semaphore, #tpu.memory_space<semaphore_mem>>
      %dma_start3A = tpu.memref_slice %arg6[%add3A_26] : memref<10240xf32, #tpu.memory_space<vmem_shared>> -> memref<64xf32, #tpu.memory_space<vmem_shared>>
      %dma_start3A_106 = tpu.memref_slice %arg6[%add3A_26] : memref<10240xf32, #tpu.memory_space<vmem_shared>> -> memref<64xf32, #tpu.memory_space<vmem_shared>>
      tpu.enqueue_dma source(%arg5 : memref<64xf32, #tpu.memory_space<vmem>>) target(%dma_start3A_106 : memref<64xf32, #tpu.memory_space<vmem_shared>>) target_semaphore(%run_scoped3A : memref<!tpu.dma_semaphore, #tpu.memory_space<semaphore_mem>>)
      %dma_wait3A = tpu.memref_slice %arg6[%add3A_26] : memref<10240xf32, #tpu.memory_space<vmem_shared>> -> memref<64xf32, #tpu.memory_space<vmem_shared>>
      %dma_wait3A_107 = tpu.memref_slice %arg6[%add3A_26] : memref<10240xf32, #tpu.memory_space<vmem_shared>> -> memref<64xf32, #tpu.memory_space<vmem_shared>>
      tpu.wait_dma2 semaphore(%run_scoped3A : memref<!tpu.dma_semaphore, #tpu.memory_space<semaphore_mem>>) src(%arg5 : memref<64xf32, #tpu.memory_space<vmem>>) dst(%dma_wait3A_107 : memref<64xf32, #tpu.memory_space<vmem_shared>>)
      tpu.yield
    }) : () -> ()
    %mul3A_27 = arith.constant 640 : i32
    %mul3A_28 = arith.muli %arg1, %mul3A_27 : i32
    %add3A_29 = arith.constant 64 : i32
    %add3A_30 = arith.addi %mul3A_28, %add3A_29 : i32
    "tpu.region"() ({
      %run_scoped3A = tpu.sem_alloc : memref<!tpu.dma_semaphore, #tpu.memory_space<semaphore_mem>>
      %dma_start3A = tpu.memref_slice %arg6[%add3A_30] : memref<10240xf32, #tpu.memory_space<vmem_shared>> -> memref<64xf32, #tpu.memory_space<vmem_shared>>
      %dma_start3A_106 = tpu.memref_slice %arg6[%add3A_30] : memref<10240xf32, #tpu.memory_space<vmem_shared>> -> memref<64xf32, #tpu.memory_space<vmem_shared>>
      tpu.enqueue_dma source(%arg5 : memref<64xf32, #tpu.memory_space<vmem>>) target(%dma_start3A_106 : memref<64xf32, #tpu.memory_space<vmem_shared>>) target_semaphore(%run_scoped3A : memref<!tpu.dma_semaphore, #tpu.memory_space<semaphore_mem>>)
      %dma_wait3A = tpu.memref_slice %arg6[%add3A_30] : memref<10240xf32, #tpu.memory_space<vmem_shared>> -> memref<64xf32, #tpu.memory_space<vmem_shared>>
      %dma_wait3A_107 = tpu.memref_slice %arg6[%add3A_30] : memref<10240xf32, #tpu.memory_space<vmem_shared>> -> memref<64xf32, #tpu.memory_space<vmem_shared>>
      tpu.wait_dma2 semaphore(%run_scoped3A : memref<!tpu.dma_semaphore, #tpu.memory_space<semaphore_mem>>) src(%arg5 : memref<64xf32, #tpu.memory_space<vmem>>) dst(%dma_wait3A_107 : memref<64xf32, #tpu.memory_space<vmem_shared>>)
      tpu.yield
    }) : () -> ()
    %mul3A_31 = arith.constant 640 : i32
    %mul3A_32 = arith.muli %arg1, %mul3A_31 : i32
    %add3A_33 = arith.constant 128 : i32
    %add3A_34 = arith.addi %mul3A_32, %add3A_33 : i32
    "tpu.region"() ({
      %run_scoped3A = tpu.sem_alloc : memref<!tpu.dma_semaphore, #tpu.memory_space<semaphore_mem>>
      %dma_start3A = tpu.memref_slice %arg6[%add3A_34] : memref<10240xf32, #tpu.memory_space<vmem_shared>> -> memref<64xf32, #tpu.memory_space<vmem_shared>>
      %dma_start3A_106 = tpu.memref_slice %arg6[%add3A_34] : memref<10240xf32, #tpu.memory_space<vmem_shared>> -> memref<64xf32, #tpu.memory_space<vmem_shared>>
      tpu.enqueue_dma source(%arg5 : memref<64xf32, #tpu.memory_space<vmem>>) target(%dma_start3A_106 : memref<64xf32, #tpu.memory_space<vmem_shared>>) target_semaphore(%run_scoped3A : memref<!tpu.dma_semaphore, #tpu.memory_space<semaphore_mem>>)
      %dma_wait3A = tpu.memref_slice %arg6[%add3A_34] : memref<10240xf32, #tpu.memory_space<vmem_shared>> -> memref<64xf32, #tpu.memory_space<vmem_shared>>
      %dma_wait3A_107 = tpu.memref_slice %arg6[%add3A_34] : memref<10240xf32, #tpu.memory_space<vmem_shared>> -> memref<64xf32, #tpu.memory_space<vmem_shared>>
      tpu.wait_dma2 semaphore(%run_scoped3A : memref<!tpu.dma_semaphore, #tpu.memory_space<semaphore_mem>>) src(%arg5 : memref<64xf32, #tpu.memory_space<vmem>>) dst(%dma_wait3A_107 : memref<64xf32, #tpu.memory_space<vmem_shared>>)
      tpu.yield
    }) : () -> ()
    %mul3A_35 = arith.constant 640 : i32
    %mul3A_36 = arith.muli %arg1, %mul3A_35 : i32
    %add3A_37 = arith.constant 192 : i32
    %add3A_38 = arith.addi %mul3A_36, %add3A_37 : i32
    "tpu.region"() ({
      %run_scoped3A = tpu.sem_alloc : memref<!tpu.dma_semaphore, #tpu.memory_space<semaphore_mem>>
      %dma_start3A = tpu.memref_slice %arg6[%add3A_38] : memref<10240xf32, #tpu.memory_space<vmem_shared>> -> memref<64xf32, #tpu.memory_space<vmem_shared>>
      %dma_start3A_106 = tpu.memref_slice %arg6[%add3A_38] : memref<10240xf32, #tpu.memory_space<vmem_shared>> -> memref<64xf32, #tpu.memory_space<vmem_shared>>
      tpu.enqueue_dma source(%arg5 : memref<64xf32, #tpu.memory_space<vmem>>) target(%dma_start3A_106 : memref<64xf32, #tpu.memory_space<vmem_shared>>) target_semaphore(%run_scoped3A : memref<!tpu.dma_semaphore, #tpu.memory_space<semaphore_mem>>)
      %dma_wait3A = tpu.memref_slice %arg6[%add3A_38] : memref<10240xf32, #tpu.memory_space<vmem_shared>> -> memref<64xf32, #tpu.memory_space<vmem_shared>>
      %dma_wait3A_107 = tpu.memref_slice %arg6[%add3A_38] : memref<10240xf32, #tpu.memory_space<vmem_shared>> -> memref<64xf32, #tpu.memory_space<vmem_shared>>
      tpu.wait_dma2 semaphore(%run_scoped3A : memref<!tpu.dma_semaphore, #tpu.memory_space<semaphore_mem>>) src(%arg5 : memref<64xf32, #tpu.memory_space<vmem>>) dst(%dma_wait3A_107 : memref<64xf32, #tpu.memory_space<vmem_shared>>)
      tpu.yield
    }) : () -> ()
    %mul3A_39 = arith.constant 640 : i32
    %mul3A_40 = arith.muli %arg1, %mul3A_39 : i32
    %add3A_41 = arith.constant 256 : i32
    %add3A_42 = arith.addi %mul3A_40, %add3A_41 : i32
    "tpu.region"() ({
      %run_scoped3A = tpu.sem_alloc : memref<!tpu.dma_semaphore, #tpu.memory_space<semaphore_mem>>
      %dma_start3A = tpu.memref_slice %arg6[%add3A_42] : memref<10240xf32, #tpu.memory_space<vmem_shared>> -> memref<64xf32, #tpu.memory_space<vmem_shared>>
      %dma_start3A_106 = tpu.memref_slice %arg6[%add3A_42] : memref<10240xf32, #tpu.memory_space<vmem_shared>> -> memref<64xf32, #tpu.memory_space<vmem_shared>>
      tpu.enqueue_dma source(%arg5 : memref<64xf32, #tpu.memory_space<vmem>>) target(%dma_start3A_106 : memref<64xf32, #tpu.memory_space<vmem_shared>>) target_semaphore(%run_scoped3A : memref<!tpu.dma_semaphore, #tpu.memory_space<semaphore_mem>>)
      %dma_wait3A = tpu.memref_slice %arg6[%add3A_42] : memref<10240xf32, #tpu.memory_space<vmem_shared>> -> memref<64xf32, #tpu.memory_space<vmem_shared>>
      %dma_wait3A_107 = tpu.memref_slice %arg6[%add3A_42] : memref<10240xf32, #tpu.memory_space<vmem_shared>> -> memref<64xf32, #tpu.memory_space<vmem_shared>>
      tpu.wait_dma2 semaphore(%run_scoped3A : memref<!tpu.dma_semaphore, #tpu.memory_space<semaphore_mem>>) src(%arg5 : memref<64xf32, #tpu.memory_space<vmem>>) dst(%dma_wait3A_107 : memref<64xf32, #tpu.memory_space<vmem_shared>>)
      tpu.yield
    }) : () -> ()
    %mul3A_43 = arith.constant 640 : i32
    %mul3A_44 = arith.muli %arg1, %mul3A_43 : i32
    %add3A_45 = arith.constant 320 : i32
    %add3A_46 = arith.addi %mul3A_44, %add3A_45 : i32
    "tpu.region"() ({
      %run_scoped3A = tpu.sem_alloc : memref<!tpu.dma_semaphore, #tpu.memory_space<semaphore_mem>>
      %dma_start3A = tpu.memref_slice %arg6[%add3A_46] : memref<10240xf32, #tpu.memory_space<vmem_shared>> -> memref<64xf32, #tpu.memory_space<vmem_shared>>
      %dma_start3A_106 = tpu.memref_slice %arg6[%add3A_46] : memref<10240xf32, #tpu.memory_space<vmem_shared>> -> memref<64xf32, #tpu.memory_space<vmem_shared>>
      tpu.enqueue_dma source(%arg5 : memref<64xf32, #tpu.memory_space<vmem>>) target(%dma_start3A_106 : memref<64xf32, #tpu.memory_space<vmem_shared>>) target_semaphore(%run_scoped3A : memref<!tpu.dma_semaphore, #tpu.memory_space<semaphore_mem>>)
      %dma_wait3A = tpu.memref_slice %arg6[%add3A_46] : memref<10240xf32, #tpu.memory_space<vmem_shared>> -> memref<64xf32, #tpu.memory_space<vmem_shared>>
      %dma_wait3A_107 = tpu.memref_slice %arg6[%add3A_46] : memref<10240xf32, #tpu.memory_space<vmem_shared>> -> memref<64xf32, #tpu.memory_space<vmem_shared>>
      tpu.wait_dma2 semaphore(%run_scoped3A : memref<!tpu.dma_semaphore, #tpu.memory_space<semaphore_mem>>) src(%arg5 : memref<64xf32, #tpu.memory_space<vmem>>) dst(%dma_wait3A_107 : memref<64xf32, #tpu.memory_space<vmem_shared>>)
      tpu.yield
    }) : () -> ()
    %mul3A_47 = arith.constant 640 : i32
    %mul3A_48 = arith.muli %arg1, %mul3A_47 : i32
    %add3A_49 = arith.constant 384 : i32
    %add3A_50 = arith.addi %mul3A_48, %add3A_49 : i32
    "tpu.region"() ({
      %run_scoped3A = tpu.sem_alloc : memref<!tpu.dma_semaphore, #tpu.memory_space<semaphore_mem>>
      %dma_start3A = tpu.memref_slice %arg6[%add3A_50] : memref<10240xf32, #tpu.memory_space<vmem_shared>> -> memref<64xf32, #tpu.memory_space<vmem_shared>>
      %dma_start3A_106 = tpu.memref_slice %arg6[%add3A_50] : memref<10240xf32, #tpu.memory_space<vmem_shared>> -> memref<64xf32, #tpu.memory_space<vmem_shared>>
      tpu.enqueue_dma source(%arg5 : memref<64xf32, #tpu.memory_space<vmem>>) target(%dma_start3A_106 : memref<64xf32, #tpu.memory_space<vmem_shared>>) target_semaphore(%run_scoped3A : memref<!tpu.dma_semaphore, #tpu.memory_space<semaphore_mem>>)
      %dma_wait3A = tpu.memref_slice %arg6[%add3A_50] : memref<10240xf32, #tpu.memory_space<vmem_shared>> -> memref<64xf32, #tpu.memory_space<vmem_shared>>
      %dma_wait3A_107 = tpu.memref_slice %arg6[%add3A_50] : memref<10240xf32, #tpu.memory_space<vmem_shared>> -> memref<64xf32, #tpu.memory_space<vmem_shared>>
      tpu.wait_dma2 semaphore(%run_scoped3A : memref<!tpu.dma_semaphore, #tpu.memory_space<semaphore_mem>>) src(%arg5 : memref<64xf32, #tpu.memory_space<vmem>>) dst(%dma_wait3A_107 : memref<64xf32, #tpu.memory_space<vmem_shared>>)
      tpu.yield
    }) : () -> ()
    %mul3A_51 = arith.constant 640 : i32
    %mul3A_52 = arith.muli %arg1, %mul3A_51 : i32
    %add3A_53 = arith.constant 448 : i32
    %add3A_54 = arith.addi %mul3A_52, %add3A_53 : i32
    "tpu.region"() ({
      %run_scoped3A = tpu.sem_alloc : memref<!tpu.dma_semaphore, #tpu.memory_space<semaphore_mem>>
      %dma_start3A = tpu.memref_slice %arg6[%add3A_54] : memref<10240xf32, #tpu.memory_space<vmem_shared>> -> memref<64xf32, #tpu.memory_space<vmem_shared>>
      %dma_start3A_106 = tpu.memref_slice %arg6[%add3A_54] : memref<10240xf32, #tpu.memory_space<vmem_shared>> -> memref<64xf32, #tpu.memory_space<vmem_shared>>
      tpu.enqueue_dma source(%arg5 : memref<64xf32, #tpu.memory_space<vmem>>) target(%dma_start3A_106 : memref<64xf32, #tpu.memory_space<vmem_shared>>) target_semaphore(%run_scoped3A : memref<!tpu.dma_semaphore, #tpu.memory_space<semaphore_mem>>)
      %dma_wait3A = tpu.memref_slice %arg6[%add3A_54] : memref<10240xf32, #tpu.memory_space<vmem_shared>> -> memref<64xf32, #tpu.memory_space<vmem_shared>>
      %dma_wait3A_107 = tpu.memref_slice %arg6[%add3A_54] : memref<10240xf32, #tpu.memory_space<vmem_shared>> -> memref<64xf32, #tpu.memory_space<vmem_shared>>
      tpu.wait_dma2 semaphore(%run_scoped3A : memref<!tpu.dma_semaphore, #tpu.memory_space<semaphore_mem>>) src(%arg5 : memref<64xf32, #tpu.memory_space<vmem>>) dst(%dma_wait3A_107 : memref<64xf32, #tpu.memory_space<vmem_shared>>)
      tpu.yield
    }) : () -> ()
    %mul3A_55 = arith.constant 640 : i32
    %mul3A_56 = arith.muli %arg1, %mul3A_55 : i32
    %add3A_57 = arith.constant 512 : i32
    %add3A_58 = arith.addi %mul3A_56, %add3A_57 : i32
    "tpu.region"() ({
      %run_scoped3A = tpu.sem_alloc : memref<!tpu.dma_semaphore, #tpu.memory_space<semaphore_mem>>
      %dma_start3A = tpu.memref_slice %arg6[%add3A_58] : memref<10240xf32, #tpu.memory_space<vmem_shared>> -> memref<64xf32, #tpu.memory_space<vmem_shared>>
      %dma_start3A_106 = tpu.memref_slice %arg6[%add3A_58] : memref<10240xf32, #tpu.memory_space<vmem_shared>> -> memref<64xf32, #tpu.memory_space<vmem_shared>>
      tpu.enqueue_dma source(%arg5 : memref<64xf32, #tpu.memory_space<vmem>>) target(%dma_start3A_106 : memref<64xf32, #tpu.memory_space<vmem_shared>>) target_semaphore(%run_scoped3A : memref<!tpu.dma_semaphore, #tpu.memory_space<semaphore_mem>>)
      %dma_wait3A = tpu.memref_slice %arg6[%add3A_58] : memref<10240xf32, #tpu.memory_space<vmem_shared>> -> memref<64xf32, #tpu.memory_space<vmem_shared>>
      %dma_wait3A_107 = tpu.memref_slice %arg6[%add3A_58] : memref<10240xf32, #tpu.memory_space<vmem_shared>> -> memref<64xf32, #tpu.memory_space<vmem_shared>>
      tpu.wait_dma2 semaphore(%run_scoped3A : memref<!tpu.dma_semaphore, #tpu.memory_space<semaphore_mem>>) src(%arg5 : memref<64xf32, #tpu.memory_space<vmem>>) dst(%dma_wait3A_107 : memref<64xf32, #tpu.memory_space<vmem_shared>>)
      tpu.yield
    }) : () -> ()
    %mul3A_59 = arith.constant 640 : i32
    %mul3A_60 = arith.muli %arg1, %mul3A_59 : i32
    %add3A_61 = arith.constant 576 : i32
    %add3A_62 = arith.addi %mul3A_60, %add3A_61 : i32
    "tpu.region"() ({
      %run_scoped3A = tpu.sem_alloc : memref<!tpu.dma_semaphore, #tpu.memory_space<semaphore_mem>>
      %dma_start3A = tpu.memref_slice %arg6[%add3A_62] : memref<10240xf32, #tpu.memory_space<vmem_shared>> -> memref<64xf32, #tpu.memory_space<vmem_shared>>
      %dma_start3A_106 = tpu.memref_slice %arg6[%add3A_62] : memref<10240xf32, #tpu.memory_space<vmem_shared>> -> memref<64xf32, #tpu.memory_space<vmem_shared>>
      tpu.enqueue_dma source(%arg5 : memref<64xf32, #tpu.memory_space<vmem>>) target(%dma_start3A_106 : memref<64xf32, #tpu.memory_space<vmem_shared>>) target_semaphore(%run_scoped3A : memref<!tpu.dma_semaphore, #tpu.memory_space<semaphore_mem>>)
      %dma_wait3A = tpu.memref_slice %arg6[%add3A_62] : memref<10240xf32, #tpu.memory_space<vmem_shared>> -> memref<64xf32, #tpu.memory_space<vmem_shared>>
      %dma_wait3A_107 = tpu.memref_slice %arg6[%add3A_62] : memref<10240xf32, #tpu.memory_space<vmem_shared>> -> memref<64xf32, #tpu.memory_space<vmem_shared>>
      tpu.wait_dma2 semaphore(%run_scoped3A : memref<!tpu.dma_semaphore, #tpu.memory_space<semaphore_mem>>) src(%arg5 : memref<64xf32, #tpu.memory_space<vmem>>) dst(%dma_wait3A_107 : memref<64xf32, #tpu.memory_space<vmem_shared>>)
      tpu.yield
    }) : () -> ()
    %broadcast_in_dim3A_63 = arith.constant 1.000000e+00 : f32
    %broadcast_in_dim3A_64 = vector.broadcast %broadcast_in_dim3A_63 : f32 to vector<16xf32>
    %swap3A_65 = arith.constant 0 : index
    %swap3A_66 = tpu.vector_load %arg5[%swap3A_65] {strides = array<i32>} : memref<64xf32, #tpu.memory_space<vmem>>, vector<16xf32>,
    %swap3A_67 = vector.shape_cast %swap3A_66 : vector<16xf32> to vector<16xf32>
    %swap3A_68 = vector.shape_cast %broadcast_in_dim3A_64 : vector<16xf32> to vector<16xf32>
    tpu.vector_store %arg5[%swap3A_65], %swap3A_68 {strides = array<i32>} : memref<64xf32, #tpu.memory_space<vmem>>, vector<16xf32>,
    %broadcast_in_dim3A_69 = arith.constant 1.000000e+00 : f32
    %broadcast_in_dim3A_70 = vector.broadcast %broadcast_in_dim3A_69 : f32 to vector<16xf32>
    %swap3A_71 = arith.constant 16 : index
    %swap3A_72 = tpu.vector_load %arg5[%swap3A_71] {strides = array<i32>} : memref<64xf32, #tpu.memory_space<vmem>>, vector<16xf32>,
    %swap3A_73 = vector.shape_cast %swap3A_72 : vector<16xf32> to vector<16xf32>
    %swap3A_74 = vector.shape_cast %broadcast_in_dim3A_70 : vector<16xf32> to vector<16xf32>
    tpu.vector_store %arg5[%swap3A_71], %swap3A_74 {strides = array<i32>} : memref<64xf32, #tpu.memory_space<vmem>>, vector<16xf32>,
    %broadcast_in_dim3A_75 = arith.constant 1.000000e+00 : f32
    %broadcast_in_dim3A_76 = vector.broadcast %broadcast_in_dim3A_75 : f32 to vector<16xf32>
    %swap3A_77 = arith.constant 32 : index
    %swap3A_78 = tpu.vector_load %arg5[%swap3A_77] {strides = array<i32>} : memref<64xf32, #tpu.memory_space<vmem>>, vector<16xf32>,
    %swap3A_79 = vector.shape_cast %swap3A_78 : vector<16xf32> to vector<16xf32>
    %swap3A_80 = vector.shape_cast %broadcast_in_dim3A_76 : vector<16xf32> to vector<16xf32>
    tpu.vector_store %arg5[%swap3A_77], %swap3A_80 {strides = array<i32>} : memref<64xf32, #tpu.memory_space<vmem>>, vector<16xf32>,
    %broadcast_in_dim3A_81 = arith.constant 1.000000e+00 : f32
    %broadcast_in_dim3A_82 = vector.broadcast %broadcast_in_dim3A_81 : f32 to vector<16xf32>
    %swap3A_83 = arith.constant 48 : index
    %swap3A_84 = tpu.vector_load %arg5[%swap3A_83] {strides = array<i32>} : memref<64xf32, #tpu.memory_space<vmem>>, vector<16xf32>,
    %swap3A_85 = vector.shape_cast %swap3A_84 : vector<16xf32> to vector<16xf32>
    %swap3A_86 = vector.shape_cast %broadcast_in_dim3A_82 : vector<16xf32> to vector<16xf32>
    tpu.vector_store %arg5[%swap3A_83], %swap3A_86 {strides = array<i32>} : memref<64xf32, #tpu.memory_space<vmem>>, vector<16xf32>,
    "tpu.region"() ({
      %run_scoped3A = tpu.sem_alloc : memref<!tpu.dma_semaphore, #tpu.memory_space<semaphore_mem>>
      %dma_start3A = arith.constant 0 : i32
      %dma_start3A_106 = arith.constant 0 : i32
      %dma_start3A_107 = tpu.memref_slice %arg2[%add3A, %dma_start3A, %dma_start3A_106] : memref<32x160x64xi32, #tpu.memory_space<hbm>> -> memref<1x160x64xi32, #tpu.memory_space<hbm>>
      %dma_start3A_108 = tpu.memref_squeeze %dma_start3A_107 : memref<1x160x64xi32, #tpu.memory_space<hbm>> -> memref<160x64xi32, #tpu.memory_space<hbm>>
      %dma_start3A_109 = arith.constant 0 : i32
      %dma_start3A_110 = arith.constant 0 : i32
      %dma_start3A_111 = tpu.memref_slice %arg2[%add3A, %dma_start3A_109, %dma_start3A_110] : memref<32x160x64xi32, #tpu.memory_space<hbm>> -> memref<1x160x64xi32, #tpu.memory_space<hbm>>
      %dma_start3A_112 = tpu.memref_squeeze %dma_start3A_111 : memref<1x160x64xi32, #tpu.memory_space<hbm>> -> memref<160x64xi32, #tpu.memory_space<hbm>>
      tpu.enqueue_dma source(%dma_start3A_112 : memref<160x64xi32, #tpu.memory_space<hbm>>) target(%arg4 : memref<160x64xi32, #tpu.memory_space<vmem>>) target_semaphore(%run_scoped3A : memref<!tpu.dma_semaphore, #tpu.memory_space<semaphore_mem>>)
      %dma_wait3A = arith.constant 0 : i32
      %dma_wait3A_113 = arith.constant 0 : i32
      %dma_wait3A_114 = tpu.memref_slice %arg2[%add3A, %dma_wait3A, %dma_wait3A_113] : memref<32x160x64xi32, #tpu.memory_space<hbm>> -> memref<1x160x64xi32, #tpu.memory_space<hbm>>
      %dma_wait3A_115 = tpu.memref_squeeze %dma_wait3A_114 : memref<1x160x64xi32, #tpu.memory_space<hbm>> -> memref<160x64xi32, #tpu.memory_space<hbm>>
      %dma_wait3A_116 = arith.constant 0 : i32
      %dma_wait3A_117 = arith.constant 0 : i32
      %dma_wait3A_118 = tpu.memref_slice %arg2[%add3A, %dma_wait3A_116, %dma_wait3A_117] : memref<32x160x64xi32, #tpu.memory_space<hbm>> -> memref<1x160x64xi32, #tpu.memory_space<hbm>>
      %dma_wait3A_119 = tpu.memref_squeeze %dma_wait3A_118 : memref<1x160x64xi32, #tpu.memory_space<hbm>> -> memref<160x64xi32, #tpu.memory_space<hbm>>
      tpu.wait_dma2 semaphore(%run_scoped3A : memref<!tpu.dma_semaphore, #tpu.memory_space<semaphore_mem>>) src(%dma_wait3A_119 : memref<160x64xi32, #tpu.memory_space<hbm>>) dst(%arg4 : memref<160x64xi32, #tpu.memory_space<vmem>>)
      tpu.yield
    }) : () -> ()
    %barrier3A = arith.constant 0 : index
    tpu.barrier barrier_id(%barrier3A)
    %scan3A = arith.constant 0 : i32
    %scan3A_87 = arith.constant 0 : i32
    %scan3A_88 = arith.constant 160 : i32
    %scan3A_89 = arith.addi %scan3A_87, %scan3A_88 : i32
    %scan3A_90 = arith.constant 1 : i32
    scf.for %scan3A_106 = %scan3A_87 to %scan3A_89 step %scan3A_90  : i32 {
      %dma_start3A = arith.constant 0 : i32
      %dma_start3A_107 = tpu.memref_slice %arg4[%scan3A_106, %dma_start3A] : memref<160x64xi32, #tpu.memory_space<vmem>> -> memref<1x64xi32, #tpu.memory_space<vmem>>
      %dma_start3A_108 = tpu.memref_squeeze %dma_start3A_107 : memref<1x64xi32, #tpu.memory_space<vmem>> -> memref<64xi32, #tpu.memory_space<vmem>>
      %dma_start3A_109 = arith.constant 0 : i32
      %dma_start3A_110 = tpu.memref_slice %arg6[%dma_start3A_109] : memref<10240xf32, #tpu.memory_space<vmem_shared>> -> memref<10240xf32, #tpu.memory_space<vmem_shared>>
      tpu.enqueue_indirect_dma source(%arg5 : memref<64xf32, #tpu.memory_space<vmem>>) target(%dma_start3A_110 : memref<10240xf32, #tpu.memory_space<vmem_shared>>) offsets(%dma_start3A_108 : memref<64xi32, #tpu.memory_space<vmem>>) semaphore(%arg7 : memref<!tpu.dma_semaphore, #tpu.memory_space<semaphore_mem>>) {add = true}
    }
    %scan3A_91 = arith.constant 160 : i32
    %scan3A_92 = arith.constant 0 : i32
    %scan3A_93 = arith.constant 0 : i32
    %scan3A_94 = arith.constant 160 : i32
    %scan3A_95 = arith.addi %scan3A_93, %scan3A_94 : i32
    %scan3A_96 = arith.constant 1 : i32
    scf.for %scan3A_106 = %scan3A_93 to %scan3A_95 step %scan3A_96  : i32 {
      %dma_wait3A = arith.constant 0 : i32
      %dma_wait3A_107 = arith.constant 0 : i32
      %dma_wait3A_108 = tpu.memref_slice %arg4[%dma_wait3A, %dma_wait3A_107] : memref<160x64xi32, #tpu.memory_space<vmem>> -> memref<1x64xi32, #tpu.memory_space<vmem>>
      %dma_wait3A_109 = tpu.memref_squeeze %dma_wait3A_108 : memref<1x64xi32, #tpu.memory_space<vmem>> -> memref<64xi32, #tpu.memory_space<vmem>>
      %dma_wait3A_110 = arith.constant 0 : i32
      %dma_wait3A_111 = tpu.memref_slice %arg6[%dma_wait3A_110] : memref<10240xf32, #tpu.memory_space<vmem_shared>> -> memref<10240xf32, #tpu.memory_space<vmem_shared>>
      tpu.wait_indirect_dma semaphore(%arg7 : memref<!tpu.dma_semaphore, #tpu.memory_space<semaphore_mem>>) src(%arg5 : memref<64xf32, #tpu.memory_space<vmem>>) dst(%dma_wait3A_111 : memref<10240xf32, #tpu.memory_space<vmem_shared>>)
    }
    %scan3A_97 = arith.constant 160 : i32
    %barrier3A_98 = arith.constant 0 : index
    tpu.barrier barrier_id(%barrier3A_98)
    %mul3A_99 = arith.constant 640 : i32
    %mul3A_100 = arith.muli %arg1, %mul3A_99 : i32
    %mul3A_101 = arith.constant 10240 : i32
    %mul3A_102 = arith.muli %arg0, %mul3A_101 : i32
    %mul3A_103 = arith.constant 640 : i32
    %mul3A_104 = arith.muli %arg1, %mul3A_103 : i32
    %add3A_105 = arith.addi %mul3A_102, %mul3A_104 : i32
    "tpu.region"() ({
      %run_scoped3A = tpu.sem_alloc : memref<!tpu.dma_semaphore, #tpu.memory_space<semaphore_mem>>
      %dma_start3A = tpu.memref_slice %arg3[%add3A_105] : memref<20480xf32, #tpu.memory_space<hbm>> -> memref<640xf32, #tpu.memory_space<hbm>>
      %dma_start3A_106 = tpu.memref_slice %arg6[%mul3A_100] : memref<10240xf32, #tpu.memory_space<vmem_shared>> -> memref<640xf32, #tpu.memory_space<vmem_shared>>
      tpu.enqueue_dma source(%dma_start3A_106 : memref<640xf32, #tpu.memory_space<vmem_shared>>) target(%dma_start3A : memref<640xf32, #tpu.memory_space<hbm>>) target_semaphore(%run_scoped3A : memref<!tpu.dma_semaphore, #tpu.memory_space<semaphore_mem>>)
      %dma_wait3A = tpu.memref_slice %arg3[%add3A_105] : memref<20480xf32, #tpu.memory_space<hbm>> -> memref<640xf32, #tpu.memory_space<hbm>>
      %dma_wait3A_107 = tpu.memref_slice %arg6[%mul3A_100] : memref<10240xf32, #tpu.memory_space<vmem_shared>> -> memref<640xf32, #tpu.memory_space<vmem_shared>>
      tpu.wait_dma2 semaphore(%run_scoped3A : memref<!tpu.dma_semaphore, #tpu.memory_space<semaphore_mem>>) src(%dma_wait3A_107 : memref<640xf32, #tpu.memory_space<vmem_shared>>) dst(%dma_wait3A : memref<640xf32, #tpu.memory_space<hbm>>)
      tpu.yield
    }) : () -> ()
    return
  }
}

module attributes {stable_mosaic.version = 14 : i64} {
  func.func @_tc1_body(%arg0: i32, %arg1: memref<2x2048x1xf32, #tpu.memory_space<vmem>>, %arg2: memref<2048x128xf32, #tpu.memory_space<vmem>>, %arg3: memref<128x128xf32, #tpu.memory_space<vmem>>, %arg4: memref<2048x128xf32, #tpu.memory_space<vmem>>, %arg5: memref<2048x64xi32, #tpu.memory_space<vmem>>, %arg6: memref<2048x1xf32, #tpu.memory_space<vmem>>) attributes {dimension_semantics = [#tpu.dimension_semantics<arbitrary>], iteration_bounds = array<i64: 5>, scalar_prefetch = 0 : i64, scratch_operands = 0 : i64, tpu.core_type = #tpu.core_type<tc>, window_params = [{transform_indices = @transform_0, window_bounds = array<i64: 2, 2048, 1>}, {transform_indices = @transform_1, window_bounds = array<i64: 2048, 128>}, {pipeline_mode = #tpu.pipeline_mode<synchronous>, transform_indices = @transform_2, window_bounds = array<i64: 128, 128>}, {transform_indices = @transform_3, window_bounds = array<i64: 2048, 128>}, {transform_indices = @transform_4, window_bounds = array<i64: 2048, 64>}, {transform_indices = @transform_5, window_bounds = array<i64: 2048, 1>}]} {
    %get3A = arith.constant 0 : index
    %get3A_0 = arith.constant 0 : index
    %get3A_1 = arith.constant 0 : index
    %get3A_2 = vector.load %arg1[%get3A, %get3A_0, %get3A_1] : memref<2x2048x1xf32, #tpu.memory_space<vmem>>, vector<1x2048x1xf32>
    %get3A_3 = vector.shape_cast %get3A_2 : vector<1x2048x1xf32> to vector<2048x1xf32>
    %add3A = arith.constant 1.000000e+00 : f32
    %add3A_4 = vector.broadcast %add3A : f32 to vector<2048x1xf32>
    %add3A_5 = arith.addf %add3A_4, %get3A_3 : vector<2048x1xf32>
    %get3A_6 = arith.constant 1 : index
    %get3A_7 = arith.constant 0 : index
    %get3A_8 = arith.constant 0 : index
    %get3A_9 = vector.load %arg1[%get3A_6, %get3A_7, %get3A_8] : memref<2x2048x1xf32, #tpu.memory_space<vmem>>, vector<1x2048x1xf32>
    %get3A_10 = vector.shape_cast %get3A_9 : vector<1x2048x1xf32> to vector<2048x1xf32>
    %add3A_11 = arith.addf %add3A_5, %get3A_10 : vector<2048x1xf32>
    %rsqrt3A = math.rsqrt %add3A_11 : vector<2048x1xf32>
    %swap3A = arith.constant 0 : index
    %swap3A_12 = arith.constant 0 : index
    %swap3A_13 = vector.load %arg6[%swap3A, %swap3A_12] : memref<2048x1xf32, #tpu.memory_space<vmem>>, vector<2048x1xf32>
    tpu.vector_store %arg6[%swap3A, %swap3A_12], %rsqrt3A {strides = array<i32>} : memref<2048x1xf32, #tpu.memory_space<vmem>>, vector<2048x1xf32>,
    %get3A_14 = arith.constant 0 : index
    %get3A_15 = arith.constant 0 : index
    %get3A_16 = vector.load %arg2[%get3A_14, %get3A_15] : memref<2048x128xf32, #tpu.memory_space<vmem>>, vector<2048x128xf32>
    %get3A_17 = arith.constant 0 : index
    %get3A_18 = arith.constant 0 : index
    %get3A_19 = vector.load %arg3[%get3A_17, %get3A_18] : memref<128x128xf32, #tpu.memory_space<vmem>>, vector<128x128xf32>
    %dot_general3A = arith.constant dense<0.000000e+00> : vector<2048x128xf32>
    %dot_general3A_20 = tpu.matmul %get3A_16, %get3A_19, %dot_general3A {dimension_numbers = #tpu.dot_dimension_numbers<[1], [1], [0], [0], [0, 0, 1, 0], [], []>, precision = #tpu.contract_precision<fp32>, transpose_lhs_hint = false} : vector<2048x128xf32>, vector<128x128xf32>, vector<2048x128xf32> -> vector<2048x128xf32>
    %mul3A = vector.broadcast %rsqrt3A : vector<2048x1xf32> to vector<2048x128xf32>
    %mul3A_21 = arith.mulf %mul3A, %dot_general3A_20 : vector<2048x128xf32>
    %swap3A_22 = arith.constant 0 : index
    %swap3A_23 = arith.constant 0 : index
    %swap3A_24 = vector.load %arg4[%swap3A_22, %swap3A_23] : memref<2048x128xf32, #tpu.memory_space<vmem>>, vector<2048x128xf32>
    tpu.vector_store %arg4[%swap3A_22, %swap3A_23], %mul3A_21 {strides = array<i32>} : memref<2048x128xf32, #tpu.memory_space<vmem>>, vector<2048x128xf32>,
    %slice3A = vector.extract_strided_slice %mul3A_21 {offsets = [0, 0], sizes = [2048, 64], strides = [1, 1]} : vector<2048x128xf32> to vector<2048x64xf32>
    %bitcast_convert_type3A = tpu.bitcast %slice3A : vector<2048x64xf32> -> vector<2048x64xi32>
    %slice3A_25 = vector.extract_strided_slice %mul3A_21 {offsets = [0, 64], sizes = [2048, 64], strides = [1, 1]} : vector<2048x128xf32> to vector<2048x64xf32>
    %bitcast_convert_type3A_26 = tpu.bitcast %slice3A_25 : vector<2048x64xf32> -> vector<2048x64xi32>
    %add3A_27 = arith.constant 32767 : i32
    %add3A_28 = vector.broadcast %add3A_27 : i32 to vector<2048x64xi32>
    %add3A_29 = arith.addi %bitcast_convert_type3A, %add3A_28 : vector<2048x64xi32>
    %shift_right_logical3A = arith.constant 16 : i32
    %shift_right_logical3A_30 = vector.broadcast %shift_right_logical3A : i32 to vector<2048x64xi32>
    %shift_right_logical3A_31 = arith.shrui %bitcast_convert_type3A, %shift_right_logical3A_30 : vector<2048x64xi32>
    %and3A = arith.constant 1 : i32
    %and3A_32 = vector.broadcast %and3A : i32 to vector<2048x64xi32>
    %and3A_33 = arith.andi %shift_right_logical3A_31, %and3A_32 : vector<2048x64xi32>
    %add3A_34 = arith.addi %add3A_29, %and3A_33 : vector<2048x64xi32>
    %shift_right_logical3A_35 = arith.constant 16 : i32
    %shift_right_logical3A_36 = vector.broadcast %shift_right_logical3A_35 : i32 to vector<2048x64xi32>
    %shift_right_logical3A_37 = arith.shrui %add3A_34, %shift_right_logical3A_36 : vector<2048x64xi32>
    %add3A_38 = arith.constant 32767 : i32
    %add3A_39 = vector.broadcast %add3A_38 : i32 to vector<2048x64xi32>
    %add3A_40 = arith.addi %bitcast_convert_type3A_26, %add3A_39 : vector<2048x64xi32>
    %shift_right_logical3A_41 = arith.constant 16 : i32
    %shift_right_logical3A_42 = vector.broadcast %shift_right_logical3A_41 : i32 to vector<2048x64xi32>
    %shift_right_logical3A_43 = arith.shrui %bitcast_convert_type3A_26, %shift_right_logical3A_42 : vector<2048x64xi32>
    %and3A_44 = arith.constant 1 : i32
    %and3A_45 = vector.broadcast %and3A_44 : i32 to vector<2048x64xi32>
    %and3A_46 = arith.andi %shift_right_logical3A_43, %and3A_45 : vector<2048x64xi32>
    %add3A_47 = arith.addi %add3A_40, %and3A_46 : vector<2048x64xi32>
    %shift_right_logical3A_48 = arith.constant 16 : i32
    %shift_right_logical3A_49 = vector.broadcast %shift_right_logical3A_48 : i32 to vector<2048x64xi32>
    %shift_right_logical3A_50 = arith.shrui %add3A_47, %shift_right_logical3A_49 : vector<2048x64xi32>
    %mul3A_51 = arith.constant 65536 : i32
    %mul3A_52 = vector.broadcast %mul3A_51 : i32 to vector<2048x64xi32>
    %mul3A_53 = arith.muli %shift_right_logical3A_50, %mul3A_52 : vector<2048x64xi32>
    %or3A = arith.ori %shift_right_logical3A_37, %mul3A_53 : vector<2048x64xi32>
    %swap3A_54 = arith.constant 0 : index
    %swap3A_55 = arith.constant 0 : index
    %swap3A_56 = vector.load %arg5[%swap3A_54, %swap3A_55] : memref<2048x64xi32, #tpu.memory_space<vmem>>, vector<2048x64xi32>
    tpu.vector_store %arg5[%swap3A_54, %swap3A_55], %or3A {strides = array<i32>} : memref<2048x64xi32, #tpu.memory_space<vmem>>, vector<2048x64xi32>,
    return
  }
  func.func @transform_0(%arg0: i32) -> (i32, i32, i32) {
    %c0_i32 = arith.constant 0 : i32
    %c0_i32_0 = arith.constant 0 : i32
    %c0_i32_1 = arith.constant 0 : i32
    return %c0_i32, %arg0, %c0_i32_0 : i32, i32, i32
  }
  func.func @transform_1(%arg0: i32) -> (i32, i32) {
    %c0_i32 = arith.constant 0 : i32
    %c0_i32_0 = arith.constant 0 : i32
    return %arg0, %c0_i32 : i32, i32
  }
  func.func @transform_2(%arg0: i32) -> (i32, i32) {
    %c0_i32 = arith.constant 0 : i32
    %c0_i32_0 = arith.constant 0 : i32
    %c0_i32_1 = arith.constant 0 : i32
    return %c0_i32, %c0_i32_0 : i32, i32
  }
  func.func @transform_3(%arg0: i32) -> (i32, i32) {
    %c0_i32 = arith.constant 0 : i32
    %c0_i32_0 = arith.constant 0 : i32
    return %arg0, %c0_i32 : i32, i32
  }
  func.func @transform_4(%arg0: i32) -> (i32, i32) {
    %c0_i32 = arith.constant 0 : i32
    %c0_i32_0 = arith.constant 0 : i32
    return %arg0, %c0_i32 : i32, i32
  }
  func.func @transform_5(%arg0: i32) -> (i32, i32) {
    %c0_i32 = arith.constant 0 : i32
    %c0_i32_0 = arith.constant 0 : i32
    return %arg0, %c0_i32 : i32, i32
  }
}

module attributes {stable_mosaic.version = 14 : i64} {
  func.func @_tc2_body(%arg0: i32, %arg1: memref<2x2048x128xf32, #tpu.memory_space<vmem>>, %arg2: memref<2048x128xf32, #tpu.memory_space<vmem>>, %arg3: memref<2048x1xf32, #tpu.memory_space<vmem>>, %arg4: memref<1x128xf32, #tpu.memory_space<vmem>>, %arg5: memref<128x128xf32, #tpu.memory_space<vmem>>, %arg6: memref<2048x128xf32, #tpu.memory_space<vmem>>, %arg7: memref<2048x64xi32, #tpu.memory_space<vmem>>) attributes {dimension_semantics = [#tpu.dimension_semantics<arbitrary>], iteration_bounds = array<i64: 5>, scalar_prefetch = 0 : i64, scratch_operands = 0 : i64, tpu.core_type = #tpu.core_type<tc>, window_params = [{transform_indices = @transform_0, window_bounds = array<i64: 2, 2048, 128>}, {transform_indices = @transform_1, window_bounds = array<i64: 2048, 128>}, {transform_indices = @transform_2, window_bounds = array<i64: 2048, 1>}, {pipeline_mode = #tpu.pipeline_mode<synchronous>, transform_indices = @transform_3, window_bounds = array<i64: 1, 128>}, {pipeline_mode = #tpu.pipeline_mode<synchronous>, transform_indices = @transform_4, window_bounds = array<i64: 128, 128>}, {transform_indices = @transform_5, window_bounds = array<i64: 2048, 128>}, {transform_indices = @transform_6, window_bounds = array<i64: 2048, 64>}]} {
    %get3A = arith.constant 0 : index
    %get3A_0 = arith.constant 0 : index
    %get3A_1 = vector.load %arg3[%get3A, %get3A_0] : memref<2048x1xf32, #tpu.memory_space<vmem>>, vector<2048x1xf32>
    %get3A_2 = arith.constant 0 : index
    %get3A_3 = arith.constant 0 : index
    %get3A_4 = arith.constant 0 : index
    %get3A_5 = vector.load %arg1[%get3A_2, %get3A_3, %get3A_4] : memref<2x2048x128xf32, #tpu.memory_space<vmem>>, vector<1x2048x128xf32>
    %get3A_6 = vector.shape_cast %get3A_5 : vector<1x2048x128xf32> to vector<2048x128xf32>
    %get3A_7 = arith.constant 1 : index
    %get3A_8 = arith.constant 0 : index
    %get3A_9 = arith.constant 0 : index
    %get3A_10 = vector.load %arg1[%get3A_7, %get3A_8, %get3A_9] : memref<2x2048x128xf32, #tpu.memory_space<vmem>>, vector<1x2048x128xf32>
    %get3A_11 = vector.shape_cast %get3A_10 : vector<1x2048x128xf32> to vector<2048x128xf32>
    %add3A = arith.addf %get3A_6, %get3A_11 : vector<2048x128xf32>
    %get3A_12 = arith.constant 0 : index
    %get3A_13 = arith.constant 0 : index
    %get3A_14 = vector.load %arg2[%get3A_12, %get3A_13] : memref<2048x128xf32, #tpu.memory_space<vmem>>, vector<2048x128xf32>
    %add3A_15 = arith.addf %add3A, %get3A_14 : vector<2048x128xf32>
    %mul3A = vector.broadcast %get3A_1 : vector<2048x1xf32> to vector<2048x128xf32>
    %mul3A_16 = arith.mulf %mul3A, %add3A_15 : vector<2048x128xf32>
    %get3A_17 = arith.constant 0 : index
    %get3A_18 = arith.constant 0 : index
    %get3A_19 = vector.load %arg4[%get3A_17, %get3A_18] : memref<1x128xf32, #tpu.memory_space<vmem>>, vector<1x128xf32>
    %add3A_20 = vector.broadcast %get3A_19 : vector<1x128xf32> to vector<2048x128xf32>
    %add3A_21 = arith.addf %mul3A_16, %add3A_20 : vector<2048x128xf32>
    %max3A = arith.constant 0.000000e+00 : f32
    %max3A_22 = vector.broadcast %max3A : f32 to vector<2048x128xf32>
    %max3A_23 = arith.maximumf %add3A_21, %max3A_22 : vector<2048x128xf32>
    %get3A_24 = arith.constant 0 : index
    %get3A_25 = arith.constant 0 : index
    %get3A_26 = vector.load %arg5[%get3A_24, %get3A_25] : memref<128x128xf32, #tpu.memory_space<vmem>>, vector<128x128xf32>
    %dot_general3A = arith.constant dense<0.000000e+00> : vector<2048x128xf32>
    %dot_general3A_27 = tpu.matmul %max3A_23, %get3A_26, %dot_general3A {dimension_numbers = #tpu.dot_dimension_numbers<[1], [1], [0], [0], [0, 0, 1, 0], [], []>, precision = #tpu.contract_precision<fp32>, transpose_lhs_hint = false} : vector<2048x128xf32>, vector<128x128xf32>, vector<2048x128xf32> -> vector<2048x128xf32>
    %mul3A_28 = vector.broadcast %get3A_1 : vector<2048x1xf32> to vector<2048x128xf32>
    %mul3A_29 = arith.mulf %mul3A_28, %dot_general3A_27 : vector<2048x128xf32>
    %swap3A = arith.constant 0 : index
    %swap3A_30 = arith.constant 0 : index
    %swap3A_31 = vector.load %arg6[%swap3A, %swap3A_30] : memref<2048x128xf32, #tpu.memory_space<vmem>>, vector<2048x128xf32>
    tpu.vector_store %arg6[%swap3A, %swap3A_30], %mul3A_29 {strides = array<i32>} : memref<2048x128xf32, #tpu.memory_space<vmem>>, vector<2048x128xf32>,
    %slice3A = vector.extract_strided_slice %mul3A_29 {offsets = [0, 0], sizes = [2048, 64], strides = [1, 1]} : vector<2048x128xf32> to vector<2048x64xf32>
    %bitcast_convert_type3A = tpu.bitcast %slice3A : vector<2048x64xf32> -> vector<2048x64xi32>
    %slice3A_32 = vector.extract_strided_slice %mul3A_29 {offsets = [0, 64], sizes = [2048, 64], strides = [1, 1]} : vector<2048x128xf32> to vector<2048x64xf32>
    %bitcast_convert_type3A_33 = tpu.bitcast %slice3A_32 : vector<2048x64xf32> -> vector<2048x64xi32>
    %add3A_34 = arith.constant 32767 : i32
    %add3A_35 = vector.broadcast %add3A_34 : i32 to vector<2048x64xi32>
    %add3A_36 = arith.addi %bitcast_convert_type3A, %add3A_35 : vector<2048x64xi32>
    %shift_right_logical3A = arith.constant 16 : i32
    %shift_right_logical3A_37 = vector.broadcast %shift_right_logical3A : i32 to vector<2048x64xi32>
    %shift_right_logical3A_38 = arith.shrui %bitcast_convert_type3A, %shift_right_logical3A_37 : vector<2048x64xi32>
    %and3A = arith.constant 1 : i32
    %and3A_39 = vector.broadcast %and3A : i32 to vector<2048x64xi32>
    %and3A_40 = arith.andi %shift_right_logical3A_38, %and3A_39 : vector<2048x64xi32>
    %add3A_41 = arith.addi %add3A_36, %and3A_40 : vector<2048x64xi32>
    %shift_right_logical3A_42 = arith.constant 16 : i32
    %shift_right_logical3A_43 = vector.broadcast %shift_right_logical3A_42 : i32 to vector<2048x64xi32>
    %shift_right_logical3A_44 = arith.shrui %add3A_41, %shift_right_logical3A_43 : vector<2048x64xi32>
    %add3A_45 = arith.constant 32767 : i32
    %add3A_46 = vector.broadcast %add3A_45 : i32 to vector<2048x64xi32>
    %add3A_47 = arith.addi %bitcast_convert_type3A_33, %add3A_46 : vector<2048x64xi32>
    %shift_right_logical3A_48 = arith.constant 16 : i32
    %shift_right_logical3A_49 = vector.broadcast %shift_right_logical3A_48 : i32 to vector<2048x64xi32>
    %shift_right_logical3A_50 = arith.shrui %bitcast_convert_type3A_33, %shift_right_logical3A_49 : vector<2048x64xi32>
    %and3A_51 = arith.constant 1 : i32
    %and3A_52 = vector.broadcast %and3A_51 : i32 to vector<2048x64xi32>
    %and3A_53 = arith.andi %shift_right_logical3A_50, %and3A_52 : vector<2048x64xi32>
    %add3A_54 = arith.addi %add3A_47, %and3A_53 : vector<2048x64xi32>
    %shift_right_logical3A_55 = arith.constant 16 : i32
    %shift_right_logical3A_56 = vector.broadcast %shift_right_logical3A_55 : i32 to vector<2048x64xi32>
    %shift_right_logical3A_57 = arith.shrui %add3A_54, %shift_right_logical3A_56 : vector<2048x64xi32>
    %mul3A_58 = arith.constant 65536 : i32
    %mul3A_59 = vector.broadcast %mul3A_58 : i32 to vector<2048x64xi32>
    %mul3A_60 = arith.muli %shift_right_logical3A_57, %mul3A_59 : vector<2048x64xi32>
    %or3A = arith.ori %shift_right_logical3A_44, %mul3A_60 : vector<2048x64xi32>
    %swap3A_61 = arith.constant 0 : index
    %swap3A_62 = arith.constant 0 : index
    %swap3A_63 = vector.load %arg7[%swap3A_61, %swap3A_62] : memref<2048x64xi32, #tpu.memory_space<vmem>>, vector<2048x64xi32>
    tpu.vector_store %arg7[%swap3A_61, %swap3A_62], %or3A {strides = array<i32>} : memref<2048x64xi32, #tpu.memory_space<vmem>>, vector<2048x64xi32>,
    return
  }
  func.func @transform_0(%arg0: i32) -> (i32, i32, i32) {
    %c0_i32 = arith.constant 0 : i32
    %c0_i32_0 = arith.constant 0 : i32
    %c0_i32_1 = arith.constant 0 : i32
    return %c0_i32, %arg0, %c0_i32_0 : i32, i32, i32
  }
  func.func @transform_1(%arg0: i32) -> (i32, i32) {
    %c0_i32 = arith.constant 0 : i32
    %c0_i32_0 = arith.constant 0 : i32
    return %arg0, %c0_i32 : i32, i32
  }
  func.func @transform_2(%arg0: i32) -> (i32, i32) {
    %c0_i32 = arith.constant 0 : i32
    %c0_i32_0 = arith.constant 0 : i32
    return %arg0, %c0_i32 : i32, i32
  }
  func.func @transform_3(%arg0: i32) -> (i32, i32) {
    %c0_i32 = arith.constant 0 : i32
    %c0_i32_0 = arith.constant 0 : i32
    %c0_i32_1 = arith.constant 0 : i32
    return %c0_i32, %c0_i32_0 : i32, i32
  }
  func.func @transform_4(%arg0: i32) -> (i32, i32) {
    %c0_i32 = arith.constant 0 : i32
    %c0_i32_0 = arith.constant 0 : i32
    %c0_i32_1 = arith.constant 0 : i32
    return %c0_i32, %c0_i32_0 : i32, i32
  }
  func.func @transform_5(%arg0: i32) -> (i32, i32) {
    %c0_i32 = arith.constant 0 : i32
    %c0_i32_0 = arith.constant 0 : i32
    return %arg0, %c0_i32 : i32, i32
  }
  func.func @transform_6(%arg0: i32) -> (i32, i32) {
    %c0_i32 = arith.constant 0 : i32
    %c0_i32_0 = arith.constant 0 : i32
    return %arg0, %c0_i32 : i32, i32
  }
}

module attributes {stable_mosaic.version = 14 : i64} {
  func.func @_tc3_body(%arg0: i32, %arg1: memref<2x2048x128xf32, #tpu.memory_space<vmem>>, %arg2: memref<2048x128xf32, #tpu.memory_space<vmem>>, %arg3: memref<2048x1xf32, #tpu.memory_space<vmem>>, %arg4: memref<1x128xf32, #tpu.memory_space<vmem>>, %arg5: memref<64x128xf32, #tpu.memory_space<vmem>>, %arg6: memref<1x64xf32, #tpu.memory_space<vmem>>, %arg7: memref<2048x64xf32, #tpu.memory_space<vmem>>) attributes {dimension_semantics = [#tpu.dimension_semantics<arbitrary>], iteration_bounds = array<i64: 5>, scalar_prefetch = 0 : i64, scratch_operands = 0 : i64, tpu.core_type = #tpu.core_type<tc>, window_params = [{transform_indices = @transform_0, window_bounds = array<i64: 2, 2048, 128>}, {transform_indices = @transform_1, window_bounds = array<i64: 2048, 128>}, {transform_indices = @transform_2, window_bounds = array<i64: 2048, 1>}, {pipeline_mode = #tpu.pipeline_mode<synchronous>, transform_indices = @transform_3, window_bounds = array<i64: 1, 128>}, {pipeline_mode = #tpu.pipeline_mode<synchronous>, transform_indices = @transform_4, window_bounds = array<i64: 64, 128>}, {pipeline_mode = #tpu.pipeline_mode<synchronous>, transform_indices = @transform_5, window_bounds = array<i64: 1, 64>}, {transform_indices = @transform_6, window_bounds = array<i64: 2048, 64>}]} {
    %get3A = arith.constant 0 : index
    %get3A_0 = arith.constant 0 : index
    %get3A_1 = vector.load %arg3[%get3A, %get3A_0] : memref<2048x1xf32, #tpu.memory_space<vmem>>, vector<2048x1xf32>
    %get3A_2 = arith.constant 0 : index
    %get3A_3 = arith.constant 0 : index
    %get3A_4 = arith.constant 0 : index
    %get3A_5 = vector.load %arg1[%get3A_2, %get3A_3, %get3A_4] : memref<2x2048x128xf32, #tpu.memory_space<vmem>>, vector<1x2048x128xf32>
    %get3A_6 = vector.shape_cast %get3A_5 : vector<1x2048x128xf32> to vector<2048x128xf32>
    %get3A_7 = arith.constant 1 : index
    %get3A_8 = arith.constant 0 : index
    %get3A_9 = arith.constant 0 : index
    %get3A_10 = vector.load %arg1[%get3A_7, %get3A_8, %get3A_9] : memref<2x2048x128xf32, #tpu.memory_space<vmem>>, vector<1x2048x128xf32>
    %get3A_11 = vector.shape_cast %get3A_10 : vector<1x2048x128xf32> to vector<2048x128xf32>
    %add3A = arith.addf %get3A_6, %get3A_11 : vector<2048x128xf32>
    %get3A_12 = arith.constant 0 : index
    %get3A_13 = arith.constant 0 : index
    %get3A_14 = vector.load %arg2[%get3A_12, %get3A_13] : memref<2048x128xf32, #tpu.memory_space<vmem>>, vector<2048x128xf32>
    %add3A_15 = arith.addf %add3A, %get3A_14 : vector<2048x128xf32>
    %mul3A = vector.broadcast %get3A_1 : vector<2048x1xf32> to vector<2048x128xf32>
    %mul3A_16 = arith.mulf %mul3A, %add3A_15 : vector<2048x128xf32>
    %get3A_17 = arith.constant 0 : index
    %get3A_18 = arith.constant 0 : index
    %get3A_19 = vector.load %arg4[%get3A_17, %get3A_18] : memref<1x128xf32, #tpu.memory_space<vmem>>, vector<1x128xf32>
    %add3A_20 = vector.broadcast %get3A_19 : vector<1x128xf32> to vector<2048x128xf32>
    %add3A_21 = arith.addf %mul3A_16, %add3A_20 : vector<2048x128xf32>
    %max3A = arith.constant 0.000000e+00 : f32
    %max3A_22 = vector.broadcast %max3A : f32 to vector<2048x128xf32>
    %max3A_23 = arith.maximumf %add3A_21, %max3A_22 : vector<2048x128xf32>
    %get3A_24 = arith.constant 0 : index
    %get3A_25 = arith.constant 0 : index
    %get3A_26 = vector.load %arg5[%get3A_24, %get3A_25] : memref<64x128xf32, #tpu.memory_space<vmem>>, vector<64x128xf32>
    %dot_general3A = arith.constant dense<0.000000e+00> : vector<2048x64xf32>
    %dot_general3A_27 = tpu.matmul %max3A_23, %get3A_26, %dot_general3A {dimension_numbers = #tpu.dot_dimension_numbers<[1], [1], [0], [0], [0, 0, 1, 0], [], []>, precision = #tpu.contract_precision<fp32>, transpose_lhs_hint = false} : vector<2048x128xf32>, vector<64x128xf32>, vector<2048x64xf32> -> vector<2048x64xf32>
    %get3A_28 = arith.constant 0 : index
    %get3A_29 = arith.constant 0 : index
    %get3A_30 = vector.load %arg6[%get3A_28, %get3A_29] : memref<1x64xf32, #tpu.memory_space<vmem>>, vector<1x64xf32>
    %add3A_31 = vector.broadcast %get3A_30 : vector<1x64xf32> to vector<2048x64xf32>
    %add3A_32 = arith.addf %dot_general3A_27, %add3A_31 : vector<2048x64xf32>
    %logistic3A = arith.negf %add3A_32 : vector<2048x64xf32>
    %logistic3A_33 = math.exp %logistic3A : vector<2048x64xf32>
    %logistic3A_34 = arith.constant 1.000000e+00 : f32
    %logistic3A_35 = vector.broadcast %logistic3A_34 : f32 to vector<2048x64xf32>
    %logistic3A_36 = arith.addf %logistic3A_35, %logistic3A_33 : vector<2048x64xf32>
    %logistic3A_37 = arith.divf %logistic3A_35, %logistic3A_36 : vector<2048x64xf32>
    %swap3A = arith.constant 0 : index
    %swap3A_38 = arith.constant 0 : index
    %swap3A_39 = vector.load %arg7[%swap3A, %swap3A_38] : memref<2048x64xf32, #tpu.memory_space<vmem>>, vector<2048x64xf32>
    tpu.vector_store %arg7[%swap3A, %swap3A_38], %logistic3A_37 {strides = array<i32>} : memref<2048x64xf32, #tpu.memory_space<vmem>>, vector<2048x64xf32>,
    return
  }
  func.func @transform_0(%arg0: i32) -> (i32, i32, i32) {
    %c0_i32 = arith.constant 0 : i32
    %c0_i32_0 = arith.constant 0 : i32
    %c0_i32_1 = arith.constant 0 : i32
    return %c0_i32, %arg0, %c0_i32_0 : i32, i32, i32
  }
  func.func @transform_1(%arg0: i32) -> (i32, i32) {
    %c0_i32 = arith.constant 0 : i32
    %c0_i32_0 = arith.constant 0 : i32
    return %arg0, %c0_i32 : i32, i32
  }
  func.func @transform_2(%arg0: i32) -> (i32, i32) {
    %c0_i32 = arith.constant 0 : i32
    %c0_i32_0 = arith.constant 0 : i32
    return %arg0, %c0_i32 : i32, i32
  }
  func.func @transform_3(%arg0: i32) -> (i32, i32) {
    %c0_i32 = arith.constant 0 : i32
    %c0_i32_0 = arith.constant 0 : i32
    %c0_i32_1 = arith.constant 0 : i32
    return %c0_i32, %c0_i32_0 : i32, i32
  }
  func.func @transform_4(%arg0: i32) -> (i32, i32) {
    %c0_i32 = arith.constant 0 : i32
    %c0_i32_0 = arith.constant 0 : i32
    %c0_i32_1 = arith.constant 0 : i32
    return %c0_i32, %c0_i32_0 : i32, i32
  }
  func.func @transform_5(%arg0: i32) -> (i32, i32) {
    %c0_i32 = arith.constant 0 : i32
    %c0_i32_0 = arith.constant 0 : i32
    %c0_i32_1 = arith.constant 0 : i32
    return %c0_i32, %c0_i32_0 : i32, i32
  }
  func.func @transform_6(%arg0: i32) -> (i32, i32) {
    %c0_i32 = arith.constant 0 : i32
    %c0_i32_0 = arith.constant 0 : i32
    return %arg0, %c0_i32 : i32, i32
  }
}

</mosaic_0001>

<sc_bundles>
// kernel: kernel.11.cloned.1.call-start
scs
__scs_entry_jumppad:
0x0: {  	(pc) =	sbr.rel $0x88, $3  }
0x1: {  	(tag) =	ssettag $0x0;
	lr =	simm.s32 $0x1  }
0x2: {  	[smem:$0x3F99] =	sst lr;
	_ =	strace $0xD0000000  }
0x3: {  	_ = 	snop  }
0x4: {  	_ = 	snop  }
0x5: {  	_ = 	snop  }
0x6: {  	_ = 	snop  }
0x7: {  	_ = 	snop  }
__scs_overlays_trampoline_lowered:
0x8: {  	[smem:$0x3FA8] =	sst s0  }
0x9: {  	[smem:$0x3FA9] =	sst s1  }
0xa: {  	[smem:$0x3FAA] =	sst s2  }
0xb: {  	[smem:$0x3FAB] =	sst s3  }
0xc: {  	[smem:$0x3FAC] =	sst s4  }
0xd: {  	[smem:$0x3FAD] =	sst s5  }
0xe: {  	[smem:$0x3FAE] =	sst s6  }
0xf: {  	[smem:$0x3FAF] =	sst s7  }
0x10: {  	[smem:$0x3FB0] =	sst s8  }
0x11: {  	[smem:$0x3FB1] =	sst s9;
	s0 =	simm.s32 @!p0 $0x0  }
0x12: {  	s1 =	sld [smem:$0x3F97];
	s0 =	simm.s32 @p0 $0x1  }
0x13: {  	[smem:$0x3FB2] =	sst s0;
	s0 =	simm.s32 @!p1 $0x0  }
0x14: {  	s2 =	sld [smem:$0x3F96];
	s0 =	simm.s32 @p1 $0x1  }
0x15: {  	[smem:$0x3FB3] =	sst s0;
	s0 =	simm.s32 @!p2 $0x0  }
0x16: {  	s3 =	sld [smem:$0x3FDB];
	s0 =	simm.s32 @p2 $0x1  }
0x17: {  	s4 =	simm.s32 $0x1BF5;
	[smem:$0x3FB5] =	sst s0  }
0x18: {  	s0 =	sld [smem:$0x3F98];
	_ =	swait.ge [sflag:s4], $0x0  }
0x19: {  	s7 =	sld [smem:$0x3F99]  }
0x1a: {  	s8 =	sadd.s32 $0xFFFFE003, lr  }
0x1b: {  	s9 =	sadd.s32 $0xFFFFFEF7, lr;
	s5 =	simm.s32 $0xFFFFFFFF;
	p2 =	slt.u32 s8, $0xFFFFF086  }
0x1c: {  	p1 =	slt.u32 s9, $0xF7A;
	s5 =	simm.s32 @!p2 $0x0  }
0x1d: {  	s5 =	simm.s32 @p1 $0x1;
	p0 =	seq.s32 s7, s2  }
0x1e: {  	s7 =	smul.u32 @!p0 $0xF7A, s2;
	p2 =	seq.s32 @!p0 s5, $0x0  }
0x1f: {  	s9 =	smul.u32 $0xF7A, s1;
	s8 =	simm.s32 @!p0 $0x1BF5;
	p2 =	por !p2, p0  }
0x20: {  	[sflag:s8] =	ssyncset.s32 @!p0 $0xFFFFF086;
	s6 =	sadd.s32 @!p0 s3, s7;
	s7 =	simm.s32 @!p0 $0x108  }
0x21: {  	s3 =	sadd.s32 s3, s9;
	s6 =	sadd.s32 @!p0 $0x88, s6;
	s7 =	simm.s32 @p2 $0x1082  }
0x22: {  	[simem:s7], [sflag:s8] =	dma.local @!p0 [hbm:s6], $0xF7A  }
0x23: {  	s9 =	sor.u32 $0xD0000000, s2;
	s6 =	simm.s32 $0x108;
	_ =	swait.ge @!p0 [sflag:s8], $0x0  }
0x24: {  	s3 =	sadd.s32 $0x88, s3;
	s6 =	simm.s32 @!p1 $0x1082;
	[sflag:s4] =	ssyncset.s32 $0xFFFFF086  }
0x25: {  	[simem:s6], [sflag:s4] =	dma.local [hbm:s3], $0xF7A  }
0x26: {  	[smem:$0x3F99] =	sst s1;
	(tag) =	ssettag s2;
	_ =	strace s9  }
0x27: {  	s1 =	sld [smem:$0x3FA9]  }
0x28: {  	s2 =	sld [smem:$0x3FAA]  }
0x29: {  	s4 =	sld [smem:$0x3FAC]  }
0x2a: {  	p0 =	seq.s32 s5, $0x0;
	s5 =	sld [smem:$0x3FAD]  }
0x2b: {  	s6 =	sld [smem:$0x3FAE]  }
0x2c: {  	s7 =	sld [smem:$0x3FAF]  }
0x2d: {  	s3 =	simm.s32 $0x108;
	s8 =	sld [smem:$0x3FB0]  }
0x2e: {  	s3 =	simm.s32 @!p0 $0x1082;
	s9 =	sld [smem:$0x3FB1]  }
0x2f: {  	lr =	sadd.s32 s0, s3;
	s0 =	sld [smem:$0x3FA8]  }
0x30: {  	s3 =	sld [smem:$0x3FAB]  }
0x31: {  	[smem:$0x3FB4] =	sst s10  }
0x32: {  	s10 =	sld [smem:$0x3FB2];
	_ =	sdelay $0x3  }
0x33: {  	p0 =	seq.s32 s10, $0x1;
	s10 =	sld [smem:$0x3FB4];
	_ =	sdelay $0x3  }
0x34: {  	[smem:$0x3FB4] =	sst s10  }
0x35: {  	s10 =	sld [smem:$0x3FB3];
	_ =	sdelay $0x3  }
0x36: {  	p1 =	seq.s32 s10, $0x1;
	s10 =	sld [smem:$0x3FB4];
	_ =	sdelay $0x3  }
0x37: {  	[smem:$0x3FB4] =	sst s10  }
0x38: {  	s10 =	sld [smem:$0x3FB5]  }
0x39: {  	_ = 	snop;
	(pc) =	sbr.ind lr, $3  }
0x3a: {  	_ = 	snop  }
0x3b: {  	_ = 	snop  }
0x3c: {  	p2 =	seq.s32 s10, $0x1;
	s10 =	sld [smem:$0x3FB4]  }
0x3d: {  	_ =	shalt  }
0x3e: {  	_ =	shalt  }
0x3f: {  	_ =	shalt  }
0x40: {  	_ =	shalt  }
0x41: {  	_ =	shalt  }
0x42: {  	_ =	shalt  }
0x43: {  	_ =	shalt  }
0x44: {  	_ =	shalt  }
0x45: {  	_ =	shalt  }
0x46: {  	_ =	shalt  }
0x47: {  	_ =	shalt  }
0x48: {  	_ =	shalt  }
0x49: {  	_ =	shalt  }
0x4a: {  	_ =	shalt  }
0x4b: {  	_ =	shalt  }
0x4c: {  	_ =	shalt  }
0x4d: {  	_ =	shalt  }
0x4e: {  	_ =	shalt  }
0x4f: {  	_ =	shalt  }
0x50: {  	_ =	shalt  }
0x51: {  	_ =	shalt  }
0x52: {  	_ =	shalt  }
0x53: {  	_ =	shalt  }
0x54: {  	_ =	shalt  }
0x55: {  	_ =	shalt  }
0x56: {  	_ =	shalt  }
0x57: {  	_ =	shalt  }
0x58: {  	_ =	shalt  }
0x59: {  	_ =	shalt  }
0x5a: {  	_ =	shalt  }
0x5b: {  	_ =	shalt  }
0x5c: {  	_ =	shalt  }
0x5d: {  	_ =	shalt  }
0x5e: {  	_ =	shalt  }
0x5f: {  	_ =	shalt  }
0x60: {  	_ =	shalt  }
0x61: {  	_ =	shalt  }
0x62: {  	_ =	shalt  }
0x63: {  	_ =	shalt  }
0x64: {  	_ =	shalt  }
0x65: {  	_ =	shalt  }
0x66: {  	_ =	shalt  }
0x67: {  	_ =	shalt  }
0x68: {  	_ =	shalt  }
0x69: {  	_ =	shalt  }
0x6a: {  	_ =	shalt  }
0x6b: {  	_ =	shalt  }
0x6c: {  	_ =	shalt  }
0x6d: {  	_ =	shalt  }
0x6e: {  	_ =	shalt  }
0x6f: {  	_ =	shalt  }
0x70: {  	_ =	shalt  }
0x71: {  	_ =	shalt  }
0x72: {  	_ =	shalt  }
0x73: {  	_ =	shalt  }
0x74: {  	_ =	shalt  }
0x75: {  	_ =	shalt  }
0x76: {  	_ =	shalt  }
0x77: {  	_ =	shalt  }
0x78: {  	_ =	shalt  }
0x79: {  	_ =	shalt  }
0x7a: {  	_ =	shalt  }
0x7b: {  	_ =	shalt  }
0x7c: {  	_ =	shalt  }
0x7d: {  	_ =	shalt  }
0x7e: {  	_ =	shalt  }
0x7f: {  	_ =	shalt  }
0x80: {  	_ =	shalt  }
0x81: {  	_ =	shalt  }
0x82: {  	_ =	shalt  }
0x83: {  	_ =	shalt  }
0x84: {  	_ =	shalt  }
0x85: {  	_ =	shalt  }
0x86: {  	_ =	shalt  }
0x87: {  	_ =	shalt  }
.Lfunc_end0:
.L_simem_size_0:
called_computation.1_lowered:
.L_overlay_start_0:
0x88: {  	s2 =	sld [smem:$0x3FD9]  }
0x89: {  	s3 =	sld [smem:$0x3FFE];
	_ =	sdelay $0x1  }
0x8a: {  	s1 =	srdreg.scid  }
0x8b: {  	s0 =	sand.u32 $0x1, s1  }
0x8c: {  	s17 =	sshll.u32 s0, $0xA;
	s2 =	sadd.s32 s3, s2  }
0x8d: {  	s2 =	sadd.s32 s2, s17  }
0x8e: {  	[smem:$0x3FC0] =	sst s2  }
0x8f: {  	_ = 	snop  }
0x90: {  	s2 =	sld [smem:$0x3FD0];
	(tm) =	ssettm $0x1  }
0x91: {  	s18 =	sld [smem:$0x3FFB];
	_ =	sdelay $0x3  }
0x92: {  	_ =	strace s18  }
0x93: {  	s3 =	sld [smem:$0x3FFC];
	_ =	sdelay $0x3  }
0x94: {  	_ =	strace s3  }
0x95: {  	s3 =	sld [smem:$0x3FFD];
	_ =	sdelay $0x3  }
0x96: {  	_ =	strace s3  }
0x97: {  	_ =	strace $0x8FFFFFFF  }
0x98: {  	s19 =	sld [smem:$0x3FDB];
	_ =	sdelay $0x1  }
0x99: {  	s4 =	simm.s32 $_scs_section_size  }
0x9a: {  	s5 =	simm.s32 $_size__tile_overlayer_lowered;
	s6 =	simm.s32 $_tile_overlayer_lowered  }
0x9b: {  	s22 =	simm.s32 $0x1BFF;
	s21 =	sshll.u32 s6, $0x1;
	s3 =	sadd.s32 s4, s19  }
0x9c: {  	s7 =	simm.s32 $0x0;
	s20 =	sshll.u32 s5, $0x1;
	s5 =	sadd.s32 s21, s3  }
0x9d: {  	[timem:s7], [sflag:s22] =	dma.local [hbm:s5], s20  }
0x9e: {  	_ =	swait.ge [sflag:s22], s20  }
0x9f: {  	s4 =	ssub.s32 $0x0, s20;
	[sflag:s22] =	ssyncset.done $0x0  }
0xa0: {  	[sflag:s22] =	ssyncadd.s32 s4;
	_ =	sdelay $0x1  }
0xa1: {  	s23 =	simm.s32 $0x1B8B  }
0xa2: {  	_ =	swait.ge [sflag:s23], $0x1  }
0xa3: {  	[sflag:s23] =	ssyncset.done $0x0  }
0xa4: {  	s25 =	simm.s32 $0x1B8E;
	s24 =	sld [smem:$0x3FFE];
	[sflag:s23] =	ssyncadd.s32 $0xFFFFFFFF  }
0xa5: {  	s26 =	simm.s32 $execute0_lowered;
	[smem:$0x3FD2] =	sst s25  }
0xa6: {  	s5 =	sshll.u32 s26, $0x1;
	_ =	strace $0x80000049;
	[dreg:$0x1] =	wrdreg $0xFFFFFFFF  }
0xa7: {  	s28 =	simm.s32 $_size_execute0_lowered;
	s3 =	sadd.s32 s3, s5;
	[dreg:$0x0] =	wrdreg $0x0  }
0xa8: {  	s5 =	sshll.u32 s28, $0x1;
	[dreg:$0x2] =	wrdreg s3  }
0xa9: {  	[dreg:$0x3] =	wrdreg s5  }
0xaa: {  	[dreg:$0x4] =	wrdreg $0xC0  }
0xab: {  	_ =	task [dreg:s7], $0x5FFFF  }
0xac: {  	[dreg:$0x1] =	wrdreg $0xFFFFFFFF  }
0xad: {  	[dreg:$0x0] =	wrdreg $0x60  }
0xae: {  	[dreg:$0x2] =	wrdreg s24  }
0xaf: {  	[dreg:$0x3] =	wrdreg s2  }
0xb0: {  	[dreg:$0x4] =	wrdreg $0xA9800  }
0xb1: {  	[dreg:$0x5] =	wrdreg $0x9  }
0xb2: {  	_ =	task.clear_ibuf [dreg:s7], $0x6FFFF;
	_ =	strace $0x90000049  }
0xb3: {  	s29 =	simm.s32 $0x9;
	_ =	strace $0x8000004B  }
0xb4: {  	_ =	swait.ge [sflag:s29], $0x1  }
0xb5: {  	[sflag:s29] =	ssyncadd.s32 $0xFFFFFFFF  }
0xb6: {  	_ =	strace $0x9000004B  }
0xb7: {  	_ =	sfence  }
0xb8: {  	s30 =	sld [smem:$0x0];
	_ =	sdelay $0x2  }
0xb9: {  	s31 =	sshll.u32 s1, $0xD;
	s1 =	sshrl.u32 s1, $0x2  }
0xba: {  	s3 =	sand.u32 $0x4000, s31;
	s1 =	sadd.s32 s1, s30  }
0xbb: {  	s0 =	sor.u32 s3, s0;
	s1 =	sshll.u32 s1, $0x11  }
0xbc: {  	s0 =	sor.u32 s1, s0  }
0xbd: {  	s0 =	sadd.s32 $0x8F2B, s0  }
0xbe: {  	[sflag:s0] =	ssyncadd.remote.s32 $0x1  }
0xbf: {  	_ =	sfence.sel $0xFFFF  }
0xc0: {  	[dreg:$0x0] =	wrdreg $0xFFFFFFFF;
	(pc) =	sbr.abs _section_cstart, $3  }
0xc1: {  	[dreg:$0x1] =	wrdreg $0xFFFFFFFF  }
0xc2: {  	_ =	task.clear_ibuf [dreg:s7], $0x2FFFF;
	_ =	strace $0x9FFFFFFF  }
0xc3: {  	(tm) =	ssettm $0x7FFFFFFF  }
tec
execute0_lowered:
.L_overlay_start_1:
0x0: {  	(tag) =	ssettag $0x1  }
0x1: {  	s0 =	rddreg [dreg:$0x0]  }
0x2: {  	s1 =	rddreg [dreg:$0x1]  }
0x3: {  	s3 =	srdreg.scid;
	s9 =	stileid.u32  }
0x4: {  	s2 =	rddreg [dreg:$0x2];
	s18 =	simm.s32 $0x6800;
	s28 =	simm.s32 $0x1  }
0x5: {  	s29 =	simm.s32 $0xA900;
	s30 =	simm.s32 $0xA8C0;
	s4 =	smul.u32 $0x2800, s9  }
0x6: {  	s5 =	sand.u32 $0x1, s3;
	s3 =	simm.s32 $0x0;
	s7 =	smul.u32 $0x50000, s9  }
0x7: {  	s31 =	simm.s32 $0x5800;
	s6 =	smul.u32 $0x28000, s5;
	[smem:$0x7FF] =	sst s3  }
0x8: {  	s19 =	ssub.s32 $0x2, s5;
	s5 =	sshll.u32 s5, $0x4;
	_ =	strace $0x8000004A  }
0x9: {  	s8 =	sshrl.u32 s19, $0x1;
	s7 =	sshrl.u32 s7, $0x2;
	s20 =	sor.u32 s9, s5  }
0xa: {  	s6 =	sadd.s32 s4, s6;
	s4 =	sadd.s32 $0x1E00, s0;
	s5 =	sadd.s32 s7, s2  }
0xb: {  	s25 =	smul.u32 $0x500, s20;
	s20 =	simm.s32 $0x40;
	s7 =	sadd.s32 $0x2000, s5  }
0xc: {  	s0 =	sadd.s32 s6, s0;
	s21 =	sadd.s32 $0x4000, s5;
	[dreg:$0x4] =	wrdreg s7  }
0xd: {  	s6 =	ssub.s32 s19, s8;
	s22 =	sadd.s32 $0x6000, s5;
	[dreg:$0x5] =	wrdreg s21  }
0xe: {  	s23 =	sadd.s32 $0x8000, s5;
	s24 =	sadd.s32 $0xA000, s5;
	[dreg:$0x6] =	wrdreg s22  }
0xf: {  	s26 =	sadd.s32 $0xC000, s5;
	s12 =	sadd.s32 $0xE000, s5;
	[dreg:$0x7] =	wrdreg s23  }
0x10: {  	s13 =	sadd.s32 $0x10000, s5;
	s14 =	sadd.s32 $0x12000, s5;
	[dreg:$0x8] =	wrdreg s24  }
.Ltmp0:
0x11: {  	s19 =	simm.s32 $0x7;
	[dreg:$0x9] =	wrdreg s26;
	(pc) =	sbr.rel .LBB2_1-.Ltmp0, $4  }
0x12: {  	s15 =	sadd.s32 s1, s25;
	s16 =	sadd.s32 $0x15E00, s0;
	s17 =	smax.u32 s6, $0x1  }
0x13: {  	s25 =	simm.s32 $0xA880;
	s26 =	simm.s32 $0x4800;
	s1 =	simm.s32 $0x2  }
0x14: {  	s21 =	simm.s32 $0xA940;
	s22 =	simm.s32 $0x8800;
	s23 =	simm.s32 $0x3  }
0x15: {  	v0 =	vimm.f32 $0.0e+00;
	s24 =	simm.s32 $0x5;
	s0 =	simm.s32 $0x4;
	s6 =	simm.s32 $0x6  }
.LBB2_14:
0x16: {  	_ =	swait.ge [sflag:s24], $0x2000  }
0x17: {  	[sflag:s24] =	ssyncset.done $0x0  }
0x18: {  	[sflag:s24] =	ssyncadd.s32 $0xFFFFE000  }
0x19: {  	s7 =	stileid.u32;
	_ =	swait.ge [sflag:s6], $0x2000  }
0x1a: {  	s8 =	sshrl.u32 s5, $0x3;
	s3 =	sadd.s32 $0x1, s3;
	[sflag:s6] =	ssyncset.done $0x0  }
0x1b: {  	s7 =	sshll.u32 s7, $0x6;
	p0 =	sne.s32 s3, s17;
	[sflag:s6] =	ssyncadd.s32 $0xFFFFE000  }
.Ltmp1:
0x1c: {  	s7 =	sor.u32 $0x1C07, s7;
	[bflag:$0x0] =	sbarrier.arrive $0xFFFF;
	(pc) =	sbr.rel @!p0 .LBB2_15-.Ltmp1, $4  }
0x1d: {  	[hbm:s16], [sflag:s7] =	dma.local [spmem:s8], $0x2800  }
0x1e: {  	_ =	swait.ge [sflag:s19], $0x2800  }
0x1f: {  	[sflag:s19] =	ssyncset.done $0x0  }
0x20: {  	[sflag:s19] =	ssyncadd.s32 $0xFFFFD800  }
.LBB2_1:
0x21: {  	s7 =	simm.s32 $0x0;
	s8 =	simm.s32 $0x200  }
.LBB2_2:
0x22: {  	p0 =	sne.s32 s8, $0x7E00;
	[tilespmem:s7+$0x6870] =	vst v0  }
0x23: {  	[tilespmem:s7+$0x6800] =	vst v0  }
0x24: {  	[tilespmem:s7+$0x6810] =	vst v0  }
.Ltmp2:
0x25: {  	[tilespmem:s7+$0x6820] =	vst v0;
	(pc) =	sbr.rel @p0 .LBB2_2-.Ltmp2, $4  }
0x26: {  	[tilespmem:s7+$0x6830] =	vst v0  }
0x27: {  	[tilespmem:s7+$0x6840] =	vst v0  }
0x28: {  	[tilespmem:s7+$0x6850] =	vst v0  }
0x29: {  	[tilespmem:s7+$0x6860] =	vst v0;
	s7 =	sshra.s32 s8, $0x2;
	s8 =	sadd.s32 $0x200, s8  }
0x2a: {  	[tilespmem:s7+$0x6870] =	vst v0  }
0x2b: {  	[tilespmem:s7+$0x6800] =	vst v0  }
0x2c: {  	[tilespmem:s7+$0x6810] =	vst v0  }
0x2d: {  	[tilespmem:s7+$0x6820] =	vst v0  }
0x2e: {  	[tilespmem:s7+$0x6830] =	vst v0  }
0x2f: {  	[tilespmem:s7+$0x6840] =	vst v0  }
0x30: {  	[tilespmem:s7+$0x6850] =	vst v0  }
0x31: {  	[tilespmem:s7+$0x6860] =	vst v0  }
0x32: {  	[spmem:s5] =	stream.linear.scatter [tilespmem:s18], [sflag:$0x7], $0x2000, $0x38;
	[tilespmem:$0x1E980] =	vst v63  }
0x33: {  	_ =	swait.ge [sflag:s19], $0x2000  }
0x34: {  	[sflag:s19] =	ssyncset.done $0x0  }
0x35: {  	s8 =	rddreg [dreg:$0x4];
	[sflag:s19] =	ssyncadd.s32 $0xFFFFE000  }
0x36: {  	[spmem:s8] =	stream.linear.scatter [tilespmem:s18], [sflag:$0x7], $0x2000, $0x38;
	[tilespmem:$0x1E980] =	vst v63  }
0x37: {  	_ =	swait.ge [sflag:s19], $0x2000  }
0x38: {  	[sflag:s19] =	ssyncset.done $0x0  }
0x39: {  	s9 =	rddreg [dreg:$0x5];
	[sflag:s19] =	ssyncadd.s32 $0xFFFFE000  }
0x3a: {  	[spmem:s9] =	stream.linear.scatter [tilespmem:s18], [sflag:$0x7], $0x2000, $0x38;
	[tilespmem:$0x1E980] =	vst v63  }
0x3b: {  	_ =	swait.ge [sflag:s19], $0x2000  }
0x3c: {  	[sflag:s19] =	ssyncset.done $0x0  }
0x3d: {  	s10 =	rddreg [dreg:$0x6];
	[sflag:s19] =	ssyncadd.s32 $0xFFFFE000  }
0x3e: {  	[spmem:s10] =	stream.linear.scatter [tilespmem:s18], [sflag:$0x7], $0x2000, $0x38;
	[tilespmem:$0x1E980] =	vst v63  }
0x3f: {  	_ =	swait.ge [sflag:s19], $0x2000  }
0x40: {  	[sflag:s19] =	ssyncset.done $0x0  }
0x41: {  	s11 =	rddreg [dreg:$0x7];
	[sflag:s19] =	ssyncadd.s32 $0xFFFFE000  }
0x42: {  	[spmem:s11] =	stream.linear.scatter [tilespmem:s18], [sflag:$0x7], $0x2000, $0x38;
	[tilespmem:$0x1E980] =	vst v63  }
0x43: {  	_ =	swait.ge [sflag:s19], $0x2000  }
0x44: {  	[sflag:s19] =	ssyncset.done $0x0  }
0x45: {  	s8 =	rddreg [dreg:$0x8];
	[sflag:s19] =	ssyncadd.s32 $0xFFFFE000  }
0x46: {  	[spmem:s8] =	stream.linear.scatter [tilespmem:s18], [sflag:$0x7], $0x2000, $0x38;
	[tilespmem:$0x1E980] =	vst v63  }
0x47: {  	_ =	swait.ge [sflag:s19], $0x2000  }
0x48: {  	[sflag:s19] =	ssyncset.done $0x0  }
0x49: {  	s9 =	rddreg [dreg:$0x9];
	[sflag:s19] =	ssyncadd.s32 $0xFFFFE000  }
0x4a: {  	[spmem:s9] =	stream.linear.scatter [tilespmem:s18], [sflag:$0x7], $0x2000, $0x38;
	[tilespmem:$0x1E980] =	vst v63  }
0x4b: {  	_ =	swait.ge [sflag:s19], $0x2000  }
0x4c: {  	[sflag:s19] =	ssyncset.done $0x0  }
0x4d: {  	[sflag:s19] =	ssyncadd.s32 $0xFFFFE000  }
0x4e: {  	[spmem:s12] =	stream.linear.scatter [tilespmem:s18], [sflag:$0x7], $0x2000, $0x38;
	[tilespmem:$0x1E980] =	vst v63  }
0x4f: {  	_ =	swait.ge [sflag:s19], $0x2000  }
0x50: {  	[sflag:s19] =	ssyncset.done $0x0  }
0x51: {  	[sflag:s19] =	ssyncadd.s32 $0xFFFFE000  }
0x52: {  	[spmem:s13] =	stream.linear.scatter [tilespmem:s18], [sflag:$0x7], $0x2000, $0x38;
	[tilespmem:$0x1E980] =	vst v63  }
0x53: {  	_ =	swait.ge [sflag:s19], $0x2000  }
0x54: {  	[sflag:s19] =	ssyncset.done $0x0  }
0x55: {  	[sflag:s19] =	ssyncadd.s32 $0xFFFFE000  }
0x56: {  	[spmem:s14] =	stream.linear.scatter [tilespmem:s18], [sflag:$0x7], $0x2000, $0x38;
	[tilespmem:$0x1E980] =	vst v63  }
0x57: {  	_ =	swait.ge [sflag:s19], $0x2000  }
0x58: {  	[sflag:s19] =	ssyncset.done $0x0  }
0x59: {  	s7 =	simm.s32 $0x0;
	[sflag:s19] =	ssyncadd.s32 $0xFFFFE000  }
0x5a: {  	[tilespmem:s7], [sflag:$0x7] =	stream.linear.gather [hbm4b:s15+s7], $0x2800, $0x38;
	[tilespmem:$0x1E980] =	vst v63  }
0x5b: {  	_ =	swait.ge [sflag:s19], $0x2800  }
0x5c: {  	[sflag:s19] =	ssyncset.done $0x0  }
0x5d: {  	[sflag:s19] =	ssyncadd.s32 $0xFFFFD800  }
0x5e: {  	[bflag:$0x0] =	sbarrier.arrive $0xFFFF  }
0x5f: {  	v1 =	vld [tilespmem:$0x0]  }
0x60: {  	v2 =	vld [tilespmem:$0x10]  }
0x61: {  	v3 =	vld [tilespmem:$0x20]  }
0x62: {  	v4 =	vld [tilespmem:$0x30];
	_ =	sdelay $0x1  }
0x63: {  	v1 =	vand.u32 $0xFFFF, v1  }
0x64: {  	[tilespmem:$0xA800] =	vst v1;
	v1 =	vand.u32 $0xFFFF, v2  }
0x65: {  	[tilespmem:$0xA810] =	vst v1;
	v1 =	vand.u32 $0xFFFF, v3  }
0x66: {  	[tilespmem:$0xA820] =	vst v1;
	v1 =	vand.u32 $0xFFFF, v4  }
0x67: {  	s8 =	simm.s32 $0xA800;
	s9 =	simm.s32 $0x2800;
	[tilespmem:$0xA830] =	vst v1  }
0x68: {  	[tilespmem:s9], [sflag:$0x1] =	stream.indirect.gather [hbm4b:s4+s20], $0x40, s8, s20, $0xb8;
	[tilespmem:$0x1E980] =	vst v63  }
0x69: {  	v1 =	vld [tilespmem:$0x40]  }
0x6a: {  	v2 =	vld [tilespmem:$0x50]  }
0x6b: {  	v3 =	vld [tilespmem:$0x60]  }
0x6c: {  	v62 =	vld [tilespmem:$0x70];
	_ =	sdelay $0x1  }
0x6d: {  	v1 =	vand.u32 $0xFFFF, v1  }
0x6e: {  	[tilespmem:$0xA840] =	vst v1;
	v1 =	vand.u32 $0xFFFF, v2  }
0x6f: {  	[tilespmem:$0xA850] =	vst v1;
	v1 =	vand.u32 $0xFFFF, v3  }
0x70: {  	[tilespmem:$0xA860] =	vst v1;
	v1 =	vand.u32 $0xFFFF, v62  }
0x71: {  	s10 =	simm.s32 $0xA840;
	s11 =	simm.s32 $0x3800;
	[tilespmem:$0xA870] =	vst v1  }
0x72: {  	[tilespmem:s11], [sflag:$0x2] =	stream.indirect.gather [hbm4b:s4+s20], $0x40, s10, s20, $0xb8;
	[tilespmem:$0x1E980] =	vst v63  }
0x73: {  	v1 =	vld [tilespmem:$0x80]  }
0x74: {  	v2 =	vld [tilespmem:$0x90]  }
0x75: {  	v3 =	vld [tilespmem:$0xA0]  }
0x76: {  	v63 =	vld [tilespmem:$0xB0];
	_ =	sdelay $0x1  }
0x77: {  	v1 =	vand.u32 $0xFFFF, v1  }
0x78: {  	[tilespmem:$0xA880] =	vst v1;
	v1 =	vand.u32 $0xFFFF, v2  }
0x79: {  	[tilespmem:$0xA890] =	vst v1;
	v1 =	vand.u32 $0xFFFF, v3  }
0x7a: {  	[tilespmem:$0xA8A0] =	vst v1;
	v1 =	vand.u32 $0xFFFF, v63  }
0x7b: {  	[tilespmem:$0xA8B0] =	vst v1  }
0x7c: {  	[tilespmem:s26], [sflag:$0x3] =	stream.indirect.gather [hbm4b:s4+s20], $0x40, s25, s20, $0xb8;
	[tilespmem:$0x1E980] =	vst v63  }
.LBB2_4:
0x7d: {  	_ =	swait.ge [sflag:s28], $0x1000  }
0x7e: {  	p0 =	seq.s32 s7, $0x0;
	[sflag:s28] =	ssyncset.done $0x0  }
0x7f: {  	s8 =	simm.s32 @!p0 $0x5;
	[sflag:s28] =	ssyncadd.s32 $0xFFFFF000  }
0x80: {  	_ =	swait.ge @!p0 [sflag:s8], $0x2000  }
0x81: {  	s9 =	sshll.u32 s7, $0xA;
	[sflag:s8] =	ssyncset.done @!p0 $0x0  }
0x82: {  	[sflag:s8] =	ssyncadd.s32 @!p0 $0xFFFFE000;
	s8 =	sshra.s32 s9, $0x2  }
0x83: {  	v1 =	vld [tilespmem:s8+$0x0];
	_ =	sdelay $0x4  }
0x84: {  	v1 =	vshrl.u32 v1, $0x10  }
0x85: {  	[tilespmem:$0xA900] =	vst v1  }
0x86: {  	v1 =	vld [tilespmem:s8+$0x10];
	_ =	sdelay $0x4  }
0x87: {  	v1 =	vshrl.u32 v1, $0x10  }
0x88: {  	[tilespmem:$0xA910] =	vst v1  }
0x89: {  	v1 =	vld [tilespmem:s8+$0x20];
	_ =	sdelay $0x4  }
0x8a: {  	v1 =	vshrl.u32 v1, $0x10  }
0x8b: {  	[tilespmem:$0xA920] =	vst v1  }
0x8c: {  	v1 =	vld [tilespmem:s8+$0x30];
	_ =	sdelay $0x4  }
0x8d: {  	v1 =	vshrl.u32 v1, $0x10  }
0x8e: {  	s10 =	simm.s32 $0x0;
	[tilespmem:$0xA930] =	vst v1  }
0x8f: {  	v1 =	vld [tilespmem:s10+$0x2800];
	_ =	sdelay $0x4  }
0x90: {  	s9 =	simm.s32 $0x6840;
	v2 =	vunpack.i.l.bf16.f32 v1  }
0x91: {  	v1 =	vunpack.i.u.bf16.f32 v1;
	[tilespmem:s9+$0xFFFFFFC0] =	vst v2  }
0x92: {  	[tilespmem:s9+$0x0] =	vst v1  }
0x93: {  	v1 =	vld [tilespmem:s10+$0x2810];
	_ =	sdelay $0x4  }
0x94: {  	v2 =	vunpack.i.l.bf16.f32 v1  }
0x95: {  	v1 =	vunpack.i.u.bf16.f32 v1;
	[tilespmem:s9+$0xFFFFFFD0] =	vst v2  }
0x96: {  	[tilespmem:s9+$0x10] =	vst v1  }
0x97: {  	v1 =	vld [tilespmem:s10+$0x2820];
	_ =	sdelay $0x4  }
0x98: {  	v2 =	vunpack.i.u.bf16.f32 v1  }
0x99: {  	v1 =	vunpack.i.l.bf16.f32 v1;
	[tilespmem:s9+$0x20] =	vst v2  }
0x9a: {  	[tilespmem:s9+$0xFFFFFFE0] =	vst v1  }
0x9b: {  	v1 =	vld [tilespmem:s10+$0x2830];
	_ =	sdelay $0x4  }
0x9c: {  	v2 =	vunpack.i.l.bf16.f32 v1  }
0x9d: {  	v1 =	vunpack.i.u.bf16.f32 v1;
	[tilespmem:s9+$0xFFFFFFF0] =	vst v2  }
0x9e: {  	s10 =	simm.s32 $0x40;
	[tilespmem:s9+$0x30] =	vst v1  }
0x9f: {  	v1 =	vld [tilespmem:s10+$0x2800]  }
0xa0: {  	s11 =	simm.s32 $0x200  }
.LBB2_5:
0xa1: {  	p1 =	sne.s32 s11, $0x3F00;
	_ =	sdelay $0x2  }
0xa2: {  	s9 =	sadd.s32 $0x80, s9;
	v2 =	vunpack.i.l.bf16.f32 v1  }
0xa3: {  	v1 =	vunpack.i.u.bf16.f32 v1;
	[tilespmem:s9+$0xFFFFFFC0] =	vst v2  }
0xa4: {  	[tilespmem:s9+$0x0] =	vst v1  }
0xa5: {  	v1 =	vld [tilespmem:s10+$0x2810];
	_ =	sdelay $0x4  }
0xa6: {  	v2 =	vunpack.i.l.bf16.f32 v1  }
0xa7: {  	v1 =	vunpack.i.u.bf16.f32 v1;
	[tilespmem:s9+$0xFFFFFFD0] =	vst v2  }
0xa8: {  	[tilespmem:s9+$0x10] =	vst v1  }
0xa9: {  	v1 =	vld [tilespmem:s10+$0x2820];
	_ =	sdelay $0x4  }
0xaa: {  	v2 =	vunpack.i.u.bf16.f32 v1;
	v1 =	vunpack.i.l.bf16.f32 v1  }
0xab: {  	[tilespmem:s9+$0x20] =	vst v2  }
0xac: {  	[tilespmem:s9+$0xFFFFFFE0] =	vst v1  }
0xad: {  	v1 =	vld [tilespmem:s10+$0x2830];
	_ =	sdelay $0x4  }
.Ltmp3:
0xae: {  	v2 =	vunpack.i.u.bf16.f32 v1;
	v1 =	vunpack.i.l.bf16.f32 v1;
	(pc) =	sbr.rel @p1 .LBB2_5-.Ltmp3, $4  }
0xaf: {  	[tilespmem:s9+$0xFFFFFFF0] =	vst v1  }
0xb0: {  	s10 =	sshra.s32 s11, $0x2;
	[tilespmem:s9+$0x30] =	vst v2  }
0xb1: {  	v1 =	vld [tilespmem:s10+$0x2800]  }
0xb2: {  	s11 =	sadd.s32 $0x100, s11  }
0xb3: {  	_ =	sdelay $0x2  }
0xb4: {  	s9 =	sadd.s32 $0x80, s9;
	v2 =	vunpack.i.l.bf16.f32 v1  }
0xb5: {  	v1 =	vunpack.i.u.bf16.f32 v1;
	[tilespmem:s9+$0xFFFFFFC0] =	vst v2  }
0xb6: {  	[tilespmem:s9+$0x0] =	vst v1  }
0xb7: {  	v1 =	vld [tilespmem:s10+$0x2810];
	_ =	sdelay $0x4  }
0xb8: {  	v2 =	vunpack.i.l.bf16.f32 v1  }
0xb9: {  	v1 =	vunpack.i.u.bf16.f32 v1;
	[tilespmem:s9+$0xFFFFFFD0] =	vst v2  }
0xba: {  	[tilespmem:s9+$0x10] =	vst v1  }
0xbb: {  	v1 =	vld [tilespmem:s10+$0x2820];
	_ =	sdelay $0x4  }
0xbc: {  	v2 =	vunpack.i.u.bf16.f32 v1  }
0xbd: {  	v1 =	vunpack.i.l.bf16.f32 v1;
	[tilespmem:s9+$0x20] =	vst v2  }
0xbe: {  	[tilespmem:s9+$0xFFFFFFE0] =	vst v1  }
0xbf: {  	v1 =	vld [tilespmem:s10+$0x2830];
	_ =	sdelay $0x4  }
0xc0: {  	v2 =	vunpack.i.l.bf16.f32 v1  }
0xc1: {  	v1 =	vunpack.i.u.bf16.f32 v1;
	[tilespmem:s9+$0xFFFFFFF0] =	vst v2  }
0xc2: {  	[tilespmem:s9+$0x30] =	vst v1  }
0xc3: {  	[spmem:s2] =	stream.indirect.scatter.add.f32 [tilespmem:s18], [sflag:$0x5], $0x80, s29, s20, $0xb8;
	[tilespmem:$0x1E980] =	vst v63  }
0xc4: {  	v1 =	vld [tilespmem:s8+$0xC0];
	_ =	sdelay $0x4  }
0xc5: {  	v1 =	vand.u32 $0xFFFF, v1  }
0xc6: {  	[tilespmem:$0xA8C0] =	vst v1  }
0xc7: {  	v1 =	vld [tilespmem:s8+$0xD0];
	_ =	sdelay $0x4  }
0xc8: {  	v1 =	vand.u32 $0xFFFF, v1  }
0xc9: {  	[tilespmem:$0xA8D0] =	vst v1  }
0xca: {  	v1 =	vld [tilespmem:s8+$0xE0];
	_ =	sdelay $0x4  }
0xcb: {  	v1 =	vand.u32 $0xFFFF, v1  }
0xcc: {  	[tilespmem:$0xA8E0] =	vst v1  }
0xcd: {  	v1 =	vld [tilespmem:s8+$0xF0];
	_ =	sdelay $0x4  }
0xce: {  	v1 =	vand.u32 $0xFFFF, v1  }
0xcf: {  	[tilespmem:$0xA8F0] =	vst v1  }
0xd0: {  	[tilespmem:s31], [sflag:$0x4] =	stream.indirect.gather [hbm4b:s4+s20], $0x40, s30, s20, $0xb8;
	[tilespmem:$0x1E980] =	vst v63  }
0xd1: {  	_ =	swait.ge [sflag:s1], $0x1000  }
0xd2: {  	[sflag:s1] =	ssyncset.done $0x0  }
0xd3: {  	s9 =	simm.s32 @!p0 $0x6;
	[sflag:s1] =	ssyncadd.s32 $0xFFFFF000  }
0xd4: {  	_ =	swait.ge @!p0 [sflag:s9], $0x2000  }
0xd5: {  	[sflag:s9] =	ssyncset.done @!p0 $0x0  }
0xd6: {  	[sflag:s9] =	ssyncadd.s32 @!p0 $0xFFFFE000  }
0xd7: {  	v1 =	vld [tilespmem:s8+$0x40];
	_ =	sdelay $0x4  }
0xd8: {  	v1 =	vshrl.u32 v1, $0x10  }
0xd9: {  	[tilespmem:$0xA940] =	vst v1  }
0xda: {  	v1 =	vld [tilespmem:s8+$0x50];
	_ =	sdelay $0x4  }
0xdb: {  	v1 =	vshrl.u32 v1, $0x10  }
0xdc: {  	[tilespmem:$0xA950] =	vst v1  }
0xdd: {  	v1 =	vld [tilespmem:s8+$0x60];
	_ =	sdelay $0x4  }
0xde: {  	v1 =	vshrl.u32 v1, $0x10  }
0xdf: {  	[tilespmem:$0xA960] =	vst v1  }
0xe0: {  	v1 =	vld [tilespmem:s8+$0x70];
	_ =	sdelay $0x4  }
0xe1: {  	v1 =	vshrl.u32 v1, $0x10  }
0xe2: {  	s11 =	simm.s32 $0x0;
	[tilespmem:$0xA970] =	vst v1  }
0xe3: {  	v1 =	vld [tilespmem:s11+$0x3800];
	_ =	sdelay $0x4  }
0xe4: {  	s9 =	simm.s32 $0x8840;
	v2 =	vunpack.i.l.bf16.f32 v1  }
0xe5: {  	v1 =	vunpack.i.u.bf16.f32 v1;
	[tilespmem:s9+$0xFFFFFFC0] =	vst v2  }
0xe6: {  	[tilespmem:s9+$0x0] =	vst v1  }
0xe7: {  	v1 =	vld [tilespmem:s11+$0x3810];
	_ =	sdelay $0x4  }
0xe8: {  	v2 =	vunpack.i.l.bf16.f32 v1  }
0xe9: {  	v1 =	vunpack.i.u.bf16.f32 v1;
	[tilespmem:s9+$0xFFFFFFD0] =	vst v2  }
0xea: {  	[tilespmem:s9+$0x10] =	vst v1  }
0xeb: {  	v1 =	vld [tilespmem:s11+$0x3820];
	_ =	sdelay $0x4  }
0xec: {  	v2 =	vunpack.i.u.bf16.f32 v1  }
0xed: {  	v1 =	vunpack.i.l.bf16.f32 v1;
	[tilespmem:s9+$0x20] =	vst v2  }
0xee: {  	[tilespmem:s9+$0xFFFFFFE0] =	vst v1  }
0xef: {  	v1 =	vld [tilespmem:s11+$0x3830];
	_ =	sdelay $0x4  }
0xf0: {  	v2 =	vunpack.i.l.bf16.f32 v1  }
0xf1: {  	v1 =	vunpack.i.u.bf16.f32 v1;
	[tilespmem:s9+$0xFFFFFFF0] =	vst v2  }
0xf2: {  	s10 =	simm.s32 $0x40;
	[tilespmem:s9+$0x30] =	vst v1  }
0xf3: {  	v1 =	vld [tilespmem:s10+$0x3800]  }
0xf4: {  	s11 =	simm.s32 $0x200  }
.LBB2_7:
0xf5: {  	p0 =	sne.s32 s11, $0x3F00;
	_ =	sdelay $0x2  }
0xf6: {  	s9 =	sadd.s32 $0x80, s9;
	v2 =	vunpack.i.l.bf16.f32 v1  }
0xf7: {  	v1 =	vunpack.i.u.bf16.f32 v1;
	[tilespmem:s9+$0xFFFFFFC0] =	vst v2  }
0xf8: {  	[tilespmem:s9+$0x0] =	vst v1  }
0xf9: {  	v1 =	vld [tilespmem:s10+$0x3810];
	_ =	sdelay $0x4  }
0xfa: {  	v2 =	vunpack.i.l.bf16.f32 v1  }
0xfb: {  	v1 =	vunpack.i.u.bf16.f32 v1;
	[tilespmem:s9+$0xFFFFFFD0] =	vst v2  }
0xfc: {  	[tilespmem:s9+$0x10] =	vst v1  }
0xfd: {  	v1 =	vld [tilespmem:s10+$0x3820];
	_ =	sdelay $0x4  }
0xfe: {  	v2 =	vunpack.i.u.bf16.f32 v1;
	v1 =	vunpack.i.l.bf16.f32 v1  }
0xff: {  	[tilespmem:s9+$0x20] =	vst v2  }
0x100: {  	[tilespmem:s9+$0xFFFFFFE0] =	vst v1  }
0x101: {  	v1 =	vld [tilespmem:s10+$0x3830];
	_ =	sdelay $0x4  }
.Ltmp4:
0x102: {  	v2 =	vunpack.i.u.bf16.f32 v1;
	v1 =	vunpack.i.l.bf16.f32 v1;
	(pc) =	sbr.rel @p0 .LBB2_7-.Ltmp4, $4  }
0x103: {  	[tilespmem:s9+$0xFFFFFFF0] =	vst v1  }
0x104: {  	s10 =	sshra.s32 s11, $0x2;
	[tilespmem:s9+$0x30] =	vst v2  }
0x105: {  	v1 =	vld [tilespmem:s10+$0x3800]  }
0x106: {  	s11 =	sadd.s32 $0x100, s11  }
0x107: {  	_ =	sdelay $0x2  }
0x108: {  	s9 =	sadd.s32 $0x80, s9;
	v2 =	vunpack.i.l.bf16.f32 v1  }
0x109: {  	v1 =	vunpack.i.u.bf16.f32 v1;
	[tilespmem:s9+$0xFFFFFFC0] =	vst v2  }
0x10a: {  	[tilespmem:s9+$0x0] =	vst v1  }
0x10b: {  	v1 =	vld [tilespmem:s10+$0x3810];
	_ =	sdelay $0x4  }
0x10c: {  	v2 =	vunpack.i.l.bf16.f32 v1  }
0x10d: {  	v1 =	vunpack.i.u.bf16.f32 v1;
	[tilespmem:s9+$0xFFFFFFD0] =	vst v2  }
0x10e: {  	[tilespmem:s9+$0x10] =	vst v1  }
0x10f: {  	v1 =	vld [tilespmem:s10+$0x3820];
	_ =	sdelay $0x4  }
0x110: {  	v2 =	vunpack.i.u.bf16.f32 v1  }
0x111: {  	v1 =	vunpack.i.l.bf16.f32 v1;
	[tilespmem:s9+$0x20] =	vst v2  }
0x112: {  	[tilespmem:s9+$0xFFFFFFE0] =	vst v1  }
0x113: {  	v1 =	vld [tilespmem:s10+$0x3830];
	_ =	sdelay $0x4  }
0x114: {  	v2 =	vunpack.i.l.bf16.f32 v1  }
0x115: {  	v1 =	vunpack.i.u.bf16.f32 v1;
	[tilespmem:s9+$0xFFFFFFF0] =	vst v2  }
0x116: {  	p0 =	seq.s32 s7, $0x27;
	[tilespmem:s9+$0x30] =	vst v1  }
0x117: {  	[spmem:s2] =	stream.indirect.scatter.add.f32 [tilespmem:s22], [sflag:$0x6], $0x80, s21, s20, $0xb8;
	[tilespmem:$0x1E980] =	vst v63  }
0x118: {  	v1 =	vld @!p0 [tilespmem:s8+$0x100];
	_ =	sdelay $0x4  }
0x119: {  	v1 =	vand.u32 @!p0 $0xFFFF, v1  }
0x11a: {  	[tilespmem:$0xA800] =	vst @!p0 v1  }
0x11b: {  	v1 =	vld @!p0 [tilespmem:s8+$0x110];
	_ =	sdelay $0x4  }
0x11c: {  	v1 =	vand.u32 @!p0 $0xFFFF, v1  }
0x11d: {  	[tilespmem:$0xA810] =	vst @!p0 v1  }
0x11e: {  	v1 =	vld @!p0 [tilespmem:s8+$0x120];
	_ =	sdelay $0x4  }
0x11f: {  	v1 =	vand.u32 @!p0 $0xFFFF, v1  }
0x120: {  	[tilespmem:$0xA820] =	vst @!p0 v1  }
0x121: {  	v1 =	vld @!p0 [tilespmem:s8+$0x130];
	_ =	sdelay $0x4  }
0x122: {  	v1 =	vand.u32 @!p0 $0xFFFF, v1  }
0x123: {  	s11 =	simm.s32 @!p0 $0x2800;
	s10 =	simm.s32 @!p0 $0xA800;
	s9 =	simm.s32 @!p0 $0x40;
	[tilespmem:$0xA830] =	vst @!p0 v1  }
0x124: {  	[tilespmem:s11], [sflag:$0x1] =	stream.indirect.gather @!p0 [hbm4b:s4+s9], $0x40, s10, s9, $0xb8;
	[tilespmem:$0x1E980] =	vst v63  }
0x125: {  	_ =	swait.ge [sflag:s23], $0x1000  }
0x126: {  	[sflag:s23] =	ssyncset.done $0x0  }
0x127: {  	[sflag:s23] =	ssyncadd.s32 $0xFFFFF000  }
0x128: {  	_ =	swait.ge [sflag:s24], $0x2000  }
0x129: {  	[sflag:s24] =	ssyncset.done $0x0  }
0x12a: {  	[sflag:s24] =	ssyncadd.s32 $0xFFFFE000  }
0x12b: {  	v1 =	vld [tilespmem:s8+$0x80];
	_ =	sdelay $0x4  }
0x12c: {  	v1 =	vshrl.u32 v1, $0x10  }
0x12d: {  	[tilespmem:$0xA900] =	vst v1  }
0x12e: {  	v1 =	vld [tilespmem:s8+$0x90];
	_ =	sdelay $0x4  }
0x12f: {  	v1 =	vshrl.u32 v1, $0x10  }
0x130: {  	[tilespmem:$0xA910] =	vst v1  }
0x131: {  	v1 =	vld [tilespmem:s8+$0xA0];
	_ =	sdelay $0x4  }
0x132: {  	v1 =	vshrl.u32 v1, $0x10  }
0x133: {  	[tilespmem:$0xA920] =	vst v1  }
0x134: {  	v1 =	vld [tilespmem:s8+$0xB0];
	_ =	sdelay $0x4  }
0x135: {  	v1 =	vshrl.u32 v1, $0x10  }
0x136: {  	s11 =	simm.s32 $0x0;
	[tilespmem:$0xA930] =	vst v1  }
0x137: {  	v1 =	vld [tilespmem:s11+$0x4800];
	_ =	sdelay $0x4  }
0x138: {  	s9 =	simm.s32 $0x6840;
	v2 =	vunpack.i.l.bf16.f32 v1  }
0x139: {  	v1 =	vunpack.i.u.bf16.f32 v1;
	[tilespmem:s9+$0xFFFFFFC0] =	vst v2  }
0x13a: {  	[tilespmem:s9+$0x0] =	vst v1  }
0x13b: {  	v1 =	vld [tilespmem:s11+$0x4810];
	_ =	sdelay $0x4  }
0x13c: {  	v2 =	vunpack.i.l.bf16.f32 v1  }
0x13d: {  	v1 =	vunpack.i.u.bf16.f32 v1;
	[tilespmem:s9+$0xFFFFFFD0] =	vst v2  }
0x13e: {  	[tilespmem:s9+$0x10] =	vst v1  }
0x13f: {  	v1 =	vld [tilespmem:s11+$0x4820];
	_ =	sdelay $0x4  }
0x140: {  	v2 =	vunpack.i.u.bf16.f32 v1  }
0x141: {  	v1 =	vunpack.i.l.bf16.f32 v1;
	[tilespmem:s9+$0x20] =	vst v2  }
0x142: {  	[tilespmem:s9+$0xFFFFFFE0] =	vst v1  }
0x143: {  	v1 =	vld [tilespmem:s11+$0x4830];
	_ =	sdelay $0x4  }
0x144: {  	v2 =	vunpack.i.l.bf16.f32 v1  }
0x145: {  	v1 =	vunpack.i.u.bf16.f32 v1;
	[tilespmem:s9+$0xFFFFFFF0] =	vst v2  }
0x146: {  	s10 =	simm.s32 $0x40;
	[tilespmem:s9+$0x30] =	vst v1  }
0x147: {  	v1 =	vld [tilespmem:s10+$0x4800]  }
0x148: {  	s11 =	simm.s32 $0x200  }
.LBB2_9:
0x149: {  	p1 =	sne.s32 s11, $0x3F00;
	_ =	sdelay $0x2  }
0x14a: {  	s9 =	sadd.s32 $0x80, s9;
	v2 =	vunpack.i.l.bf16.f32 v1  }
0x14b: {  	v1 =	vunpack.i.u.bf16.f32 v1;
	[tilespmem:s9+$0xFFFFFFC0] =	vst v2  }
0x14c: {  	[tilespmem:s9+$0x0] =	vst v1  }
0x14d: {  	v1 =	vld [tilespmem:s10+$0x4810];
	_ =	sdelay $0x4  }
0x14e: {  	v2 =	vunpack.i.l.bf16.f32 v1  }
0x14f: {  	v1 =	vunpack.i.u.bf16.f32 v1;
	[tilespmem:s9+$0xFFFFFFD0] =	vst v2  }
0x150: {  	[tilespmem:s9+$0x10] =	vst v1  }
0x151: {  	v1 =	vld [tilespmem:s10+$0x4820];
	_ =	sdelay $0x4  }
0x152: {  	v2 =	vunpack.i.u.bf16.f32 v1;
	v1 =	vunpack.i.l.bf16.f32 v1  }
0x153: {  	[tilespmem:s9+$0x20] =	vst v2  }
0x154: {  	[tilespmem:s9+$0xFFFFFFE0] =	vst v1  }
0x155: {  	v1 =	vld [tilespmem:s10+$0x4830];
	_ =	sdelay $0x4  }
.Ltmp5:
0x156: {  	v2 =	vunpack.i.u.bf16.f32 v1;
	v1 =	vunpack.i.l.bf16.f32 v1;
	(pc) =	sbr.rel @p1 .LBB2_9-.Ltmp5, $4  }
0x157: {  	[tilespmem:s9+$0xFFFFFFF0] =	vst v1  }
0x158: {  	s10 =	sshra.s32 s11, $0x2;
	[tilespmem:s9+$0x30] =	vst v2  }
0x159: {  	v1 =	vld [tilespmem:s10+$0x4800]  }
0x15a: {  	s11 =	sadd.s32 $0x100, s11  }
0x15b: {  	_ =	sdelay $0x2  }
0x15c: {  	s9 =	sadd.s32 $0x80, s9;
	v2 =	vunpack.i.l.bf16.f32 v1  }
0x15d: {  	v1 =	vunpack.i.u.bf16.f32 v1;
	[tilespmem:s9+$0xFFFFFFC0] =	vst v2  }
0x15e: {  	[tilespmem:s9+$0x0] =	vst v1  }
0x15f: {  	v1 =	vld [tilespmem:s10+$0x4810];
	_ =	sdelay $0x4  }
0x160: {  	v2 =	vunpack.i.l.bf16.f32 v1  }
0x161: {  	v1 =	vunpack.i.u.bf16.f32 v1;
	[tilespmem:s9+$0xFFFFFFD0] =	vst v2  }
0x162: {  	[tilespmem:s9+$0x10] =	vst v1  }
0x163: {  	v1 =	vld [tilespmem:s10+$0x4820];
	_ =	sdelay $0x4  }
0x164: {  	v2 =	vunpack.i.u.bf16.f32 v1  }
0x165: {  	v1 =	vunpack.i.l.bf16.f32 v1;
	[tilespmem:s9+$0x20] =	vst v2  }
0x166: {  	[tilespmem:s9+$0xFFFFFFE0] =	vst v1  }
0x167: {  	v1 =	vld [tilespmem:s10+$0x4830];
	_ =	sdelay $0x4  }
0x168: {  	v2 =	vunpack.i.l.bf16.f32 v1  }
0x169: {  	v1 =	vunpack.i.u.bf16.f32 v1;
	[tilespmem:s9+$0xFFFFFFF0] =	vst v2  }
0x16a: {  	[tilespmem:s9+$0x30] =	vst v1  }
0x16b: {  	[spmem:s2] =	stream.indirect.scatter.add.f32 [tilespmem:s18], [sflag:$0x5], $0x80, s29, s20, $0xb8;
	[tilespmem:$0x1E980] =	vst v63  }
0x16c: {  	v1 =	vld @!p0 [tilespmem:s8+$0x140];
	_ =	sdelay $0x4  }
0x16d: {  	v1 =	vand.u32 @!p0 $0xFFFF, v1  }
0x16e: {  	[tilespmem:$0xA840] =	vst @!p0 v1  }
0x16f: {  	v1 =	vld @!p0 [tilespmem:s8+$0x150];
	_ =	sdelay $0x4  }
0x170: {  	v1 =	vand.u32 @!p0 $0xFFFF, v1  }
0x171: {  	[tilespmem:$0xA850] =	vst @!p0 v1  }
0x172: {  	v1 =	vld @!p0 [tilespmem:s8+$0x160];
	_ =	sdelay $0x4  }
0x173: {  	v1 =	vand.u32 @!p0 $0xFFFF, v1  }
0x174: {  	[tilespmem:$0xA860] =	vst @!p0 v1  }
0x175: {  	v1 =	vld @!p0 [tilespmem:s8+$0x170];
	_ =	sdelay $0x4  }
0x176: {  	v1 =	vand.u32 @!p0 $0xFFFF, v1  }
0x177: {  	s11 =	simm.s32 @!p0 $0x3800;
	s10 =	simm.s32 @!p0 $0xA840;
	s9 =	simm.s32 @!p0 $0x40;
	[tilespmem:$0xA870] =	vst @!p0 v1  }
0x178: {  	[tilespmem:s11], [sflag:$0x2] =	stream.indirect.gather @!p0 [hbm4b:s4+s9], $0x40, s10, s9, $0xb8;
	[tilespmem:$0x1E980] =	vst v63  }
0x179: {  	_ =	swait.ge [sflag:s0], $0x1000  }
0x17a: {  	[sflag:s0] =	ssyncset.done $0x0  }
0x17b: {  	[sflag:s0] =	ssyncadd.s32 $0xFFFFF000  }
0x17c: {  	_ =	swait.ge [sflag:s6], $0x2000  }
0x17d: {  	[sflag:s6] =	ssyncset.done $0x0  }
0x17e: {  	[sflag:s6] =	ssyncadd.s32 $0xFFFFE000  }
0x17f: {  	v1 =	vld [tilespmem:s8+$0xC0];
	_ =	sdelay $0x4  }
0x180: {  	v1 =	vshrl.u32 v1, $0x10  }
0x181: {  	[tilespmem:$0xA940] =	vst v1  }
0x182: {  	v1 =	vld [tilespmem:s8+$0xD0];
	_ =	sdelay $0x4  }
0x183: {  	v1 =	vshrl.u32 v1, $0x10  }
0x184: {  	[tilespmem:$0xA950] =	vst v1  }
0x185: {  	v1 =	vld [tilespmem:s8+$0xE0];
	_ =	sdelay $0x4  }
0x186: {  	v1 =	vshrl.u32 v1, $0x10  }
0x187: {  	[tilespmem:$0xA960] =	vst v1  }
0x188: {  	v1 =	vld [tilespmem:s8+$0xF0];
	_ =	sdelay $0x4  }
0x189: {  	v1 =	vshrl.u32 v1, $0x10  }
0x18a: {  	s11 =	simm.s32 $0x0;
	[tilespmem:$0xA970] =	vst v1  }
0x18b: {  	v1 =	vld [tilespmem:s11+$0x5800];
	_ =	sdelay $0x4  }
0x18c: {  	s9 =	simm.s32 $0x8840;
	v2 =	vunpack.i.l.bf16.f32 v1  }
0x18d: {  	v1 =	vunpack.i.u.bf16.f32 v1;
	[tilespmem:s9+$0xFFFFFFC0] =	vst v2  }
0x18e: {  	[tilespmem:s9+$0x0] =	vst v1  }
0x18f: {  	v1 =	vld [tilespmem:s11+$0x5810];
	_ =	sdelay $0x4  }
0x190: {  	v2 =	vunpack.i.l.bf16.f32 v1  }
0x191: {  	v1 =	vunpack.i.u.bf16.f32 v1;
	[tilespmem:s9+$0xFFFFFFD0] =	vst v2  }
0x192: {  	[tilespmem:s9+$0x10] =	vst v1  }
0x193: {  	v1 =	vld [tilespmem:s11+$0x5820];
	_ =	sdelay $0x4  }
0x194: {  	v2 =	vunpack.i.u.bf16.f32 v1  }
0x195: {  	v1 =	vunpack.i.l.bf16.f32 v1;
	[tilespmem:s9+$0x20] =	vst v2  }
0x196: {  	[tilespmem:s9+$0xFFFFFFE0] =	vst v1  }
0x197: {  	v1 =	vld [tilespmem:s11+$0x5830];
	_ =	sdelay $0x4  }
0x198: {  	v2 =	vunpack.i.l.bf16.f32 v1  }
0x199: {  	v1 =	vunpack.i.u.bf16.f32 v1;
	[tilespmem:s9+$0xFFFFFFF0] =	vst v2  }
0x19a: {  	s10 =	simm.s32 $0x40;
	[tilespmem:s9+$0x30] =	vst v1  }
0x19b: {  	v1 =	vld [tilespmem:s10+$0x5800]  }
0x19c: {  	s11 =	simm.s32 $0x200  }
.LBB2_11:
0x19d: {  	p1 =	sne.s32 s11, $0x3F00;
	_ =	sdelay $0x2  }
0x19e: {  	s9 =	sadd.s32 $0x80, s9;
	v2 =	vunpack.i.l.bf16.f32 v1  }
0x19f: {  	v1 =	vunpack.i.u.bf16.f32 v1;
	[tilespmem:s9+$0xFFFFFFC0] =	vst v2  }
0x1a0: {  	[tilespmem:s9+$0x0] =	vst v1  }
0x1a1: {  	v1 =	vld [tilespmem:s10+$0x5810];
	_ =	sdelay $0x4  }
0x1a2: {  	v2 =	vunpack.i.l.bf16.f32 v1  }
0x1a3: {  	v1 =	vunpack.i.u.bf16.f32 v1;
	[tilespmem:s9+$0xFFFFFFD0] =	vst v2  }
0x1a4: {  	[tilespmem:s9+$0x10] =	vst v1  }
0x1a5: {  	v1 =	vld [tilespmem:s10+$0x5820];
	_ =	sdelay $0x4  }
0x1a6: {  	v2 =	vunpack.i.u.bf16.f32 v1;
	v1 =	vunpack.i.l.bf16.f32 v1  }
0x1a7: {  	[tilespmem:s9+$0x20] =	vst v2  }
0x1a8: {  	[tilespmem:s9+$0xFFFFFFE0] =	vst v1  }
0x1a9: {  	v1 =	vld [tilespmem:s10+$0x5830];
	_ =	sdelay $0x4  }
.Ltmp6:
0x1aa: {  	v2 =	vunpack.i.u.bf16.f32 v1;
	v1 =	vunpack.i.l.bf16.f32 v1;
	(pc) =	sbr.rel @p1 .LBB2_11-.Ltmp6, $4  }
0x1ab: {  	[tilespmem:s9+$0xFFFFFFF0] =	vst v1  }
0x1ac: {  	s10 =	sshra.s32 s11, $0x2;
	[tilespmem:s9+$0x30] =	vst v2  }
0x1ad: {  	v1 =	vld [tilespmem:s10+$0x5800]  }
0x1ae: {  	s11 =	sadd.s32 $0x100, s11  }
0x1af: {  	_ =	sdelay $0x2  }
0x1b0: {  	s9 =	sadd.s32 $0x80, s9;
	v2 =	vunpack.i.l.bf16.f32 v1  }
0x1b1: {  	v1 =	vunpack.i.u.bf16.f32 v1;
	[tilespmem:s9+$0xFFFFFFC0] =	vst v2  }
0x1b2: {  	[tilespmem:s9+$0x0] =	vst v1  }
0x1b3: {  	v1 =	vld [tilespmem:s10+$0x5810];
	_ =	sdelay $0x4  }
0x1b4: {  	v2 =	vunpack.i.l.bf16.f32 v1  }
0x1b5: {  	v1 =	vunpack.i.u.bf16.f32 v1;
	[tilespmem:s9+$0xFFFFFFD0] =	vst v2  }
0x1b6: {  	[tilespmem:s9+$0x10] =	vst v1  }
0x1b7: {  	v1 =	vld [tilespmem:s10+$0x5820];
	_ =	sdelay $0x4  }
0x1b8: {  	v2 =	vunpack.i.u.bf16.f32 v1  }
0x1b9: {  	v1 =	vunpack.i.l.bf16.f32 v1;
	[tilespmem:s9+$0x20] =	vst v2  }
0x1ba: {  	[tilespmem:s9+$0xFFFFFFE0] =	vst v1  }
0x1bb: {  	v1 =	vld [tilespmem:s10+$0x5830];
	_ =	sdelay $0x3  }
.Ltmp7:
0x1bc: {  	_ = 	snop;
	(pc) =	sbr.rel @p0 .LBB2_14-.Ltmp7, $4  }
0x1bd: {  	v2 =	vunpack.i.l.bf16.f32 v1  }
0x1be: {  	v1 =	vunpack.i.u.bf16.f32 v1;
	[tilespmem:s9+$0xFFFFFFF0] =	vst v2  }
0x1bf: {  	[tilespmem:s9+$0x30] =	vst v1  }
0x1c0: {  	[spmem:s2] =	stream.indirect.scatter.add.f32 [tilespmem:s22], [sflag:$0x6], $0x80, s21, s20, $0xb8;
	[tilespmem:$0x1E980] =	vst v63  }
0x1c1: {  	v1 =	vld [tilespmem:s8+$0x180];
	_ =	sdelay $0x4  }
0x1c2: {  	v1 =	vand.u32 $0xFFFF, v1  }
0x1c3: {  	[tilespmem:$0xA880] =	vst v1  }
0x1c4: {  	v1 =	vld [tilespmem:s8+$0x190];
	_ =	sdelay $0x4  }
0x1c5: {  	v1 =	vand.u32 $0xFFFF, v1  }
0x1c6: {  	[tilespmem:$0xA890] =	vst v1  }
0x1c7: {  	v1 =	vld [tilespmem:s8+$0x1A0];
	_ =	sdelay $0x4  }
0x1c8: {  	v1 =	vand.u32 $0xFFFF, v1  }
0x1c9: {  	[tilespmem:$0xA8A0] =	vst v1  }
0x1ca: {  	v1 =	vld [tilespmem:s8+$0x1B0];
	_ =	sdelay $0x2  }
.Ltmp8:
0x1cb: {  	_ = 	snop;
	(pc) =	sbr.rel .LBB2_4-.Ltmp8, $4  }
0x1cc: {  	_ = 	snop  }
0x1cd: {  	v1 =	vand.u32 $0xFFFF, v1  }
0x1ce: {  	s7 =	sadd.s32 $0x1, s7;
	[tilespmem:$0xA8B0] =	vst v1  }
0x1cf: {  	[tilespmem:s26], [sflag:$0x3] =	stream.indirect.gather [hbm4b:s4+s20], $0x40, s25, s20, $0xb8;
	[tilespmem:$0x1E980] =	vst v63  }
.LBB2_15:
0x1d0: {  	_ =	sfence.sel $0x180000  }
0x1d1: {  	[bflag:$0x0] =	sbarrier.arrive $0xFFFF  }
0x1d2: {  	_ =	strace $0x9000004A  }
0x1d3: {  	s0 =	stileid.u32;
	[bflag:$0x2] =	sbarrier.arrive $0xFFFF  }
0x1d4: {  	p0 =	sne.s32 s0, $0x0;
	s0 =	rddreg [dreg:$0x3]  }
0x1d5: {  	s0 =	sadd.s32 @!p0 $0x100000, s0  }
0x1d6: {  	[sflag:s0] =	ssyncadd.tile.s32 @!p0 $0x1;
	_ =	shalt  }
.Lfunc_end2:
_tile_overlayer_lowered:
.L_overlay_start_2:
0x1d7: {  	(tag) =	ssettag $0x2  }
0x1d8: {  	s0 =	rddreg [dreg:$0x0];
	s2 =	stileid.u32  }
0x1d9: {  	s1 =	rddreg [dreg:$0x1];
	p0 =	sne.s32 s2, $0x0  }
0x1da: {  	s3 =	rddreg [dreg:$0x2];
	[bflag:$0x3] =	sbarrier.arrive $0xFFFF;
	s2 =	simm.s32 @!p0 $0x1C07  }
0x1db: {  	[timem:s3], [sflag:s2] =	dma.local @!p0 [hbm:s0], s1  }
0x1dc: {  	s0 =	simm.s32 @!p0 $0x7  }
0x1dd: {  	_ =	swait.ge @!p0 [sflag:s0], s1  }
0x1de: {  	s1 =	ssub.s32 @!p0 $0x0, s1;
	[sflag:s0] =	ssyncset.done @!p0 $0x0  }
0x1df: {  	[sflag:s0] =	ssyncadd.s32 @!p0 s1  }
0x1e0: {  	[bflag:$0x3] =	sbarrier.arrive $0xFFFF  }
0x1e1: {  	_ =	shalt  }

// kernel: kernel.14.cloned.1.call-start
scs
__scs_entry_jumppad:
0x0: {  	(pc) =	sbr.rel $0x88, $3  }
0x1: {  	(tag) =	ssettag $0x0;
	lr =	simm.s32 $0x1  }
0x2: {  	[smem:$0x3F99] =	sst lr;
	_ =	strace $0xD0000000  }
0x3: {  	_ = 	snop  }
0x4: {  	_ = 	snop  }
0x5: {  	_ = 	snop  }
0x6: {  	_ = 	snop  }
0x7: {  	_ = 	snop  }
__scs_overlays_trampoline_lowered:
0x8: {  	[smem:$0x3FA8] =	sst s0  }
0x9: {  	[smem:$0x3FA9] =	sst s1  }
0xa: {  	[smem:$0x3FAA] =	sst s2  }
0xb: {  	[smem:$0x3FAB] =	sst s3  }
0xc: {  	[smem:$0x3FAC] =	sst s4  }
0xd: {  	[smem:$0x3FAD] =	sst s5  }
0xe: {  	[smem:$0x3FAE] =	sst s6  }
0xf: {  	[smem:$0x3FAF] =	sst s7  }
0x10: {  	[smem:$0x3FB0] =	sst s8  }
0x11: {  	[smem:$0x3FB1] =	sst s9;
	s0 =	simm.s32 @!p0 $0x0  }
0x12: {  	s1 =	sld [smem:$0x3F97];
	s0 =	simm.s32 @p0 $0x1  }
0x13: {  	[smem:$0x3FB2] =	sst s0;
	s0 =	simm.s32 @!p1 $0x0  }
0x14: {  	s2 =	sld [smem:$0x3F96];
	s0 =	simm.s32 @p1 $0x1  }
0x15: {  	[smem:$0x3FB3] =	sst s0;
	s0 =	simm.s32 @!p2 $0x0  }
0x16: {  	s3 =	sld [smem:$0x3FDB];
	s0 =	simm.s32 @p2 $0x1  }
0x17: {  	s4 =	simm.s32 $0x1BF5;
	[smem:$0x3FB5] =	sst s0  }
0x18: {  	s0 =	sld [smem:$0x3F98];
	_ =	swait.ge [sflag:s4], $0x0  }
0x19: {  	s7 =	sld [smem:$0x3F99]  }
0x1a: {  	s8 =	sadd.s32 $0xFFFFE003, lr  }
0x1b: {  	s9 =	sadd.s32 $0xFFFFFEF7, lr;
	s5 =	simm.s32 $0xFFFFFFFF;
	p2 =	slt.u32 s8, $0xFFFFF086  }
0x1c: {  	p1 =	slt.u32 s9, $0xF7A;
	s5 =	simm.s32 @!p2 $0x0  }
0x1d: {  	s5 =	simm.s32 @p1 $0x1;
	p0 =	seq.s32 s7, s2  }
0x1e: {  	s7 =	smul.u32 @!p0 $0xF7A, s2;
	p2 =	seq.s32 @!p0 s5, $0x0  }
0x1f: {  	s9 =	smul.u32 $0xF7A, s1;
	s8 =	simm.s32 @!p0 $0x1BF5;
	p2 =	por !p2, p0  }
0x20: {  	[sflag:s8] =	ssyncset.s32 @!p0 $0xFFFFF086;
	s6 =	sadd.s32 @!p0 s3, s7;
	s7 =	simm.s32 @!p0 $0x108  }
0x21: {  	s3 =	sadd.s32 s3, s9;
	s6 =	sadd.s32 @!p0 $0x88, s6;
	s7 =	simm.s32 @p2 $0x1082  }
0x22: {  	[simem:s7], [sflag:s8] =	dma.local @!p0 [hbm:s6], $0xF7A  }
0x23: {  	s9 =	sor.u32 $0xD0000000, s2;
	s6 =	simm.s32 $0x108;
	_ =	swait.ge @!p0 [sflag:s8], $0x0  }
0x24: {  	s3 =	sadd.s32 $0x88, s3;
	s6 =	simm.s32 @!p1 $0x1082;
	[sflag:s4] =	ssyncset.s32 $0xFFFFF086  }
0x25: {  	[simem:s6], [sflag:s4] =	dma.local [hbm:s3], $0xF7A  }
0x26: {  	[smem:$0x3F99] =	sst s1;
	(tag) =	ssettag s2;
	_ =	strace s9  }
0x27: {  	s1 =	sld [smem:$0x3FA9]  }
0x28: {  	s2 =	sld [smem:$0x3FAA]  }
0x29: {  	s4 =	sld [smem:$0x3FAC]  }
0x2a: {  	p0 =	seq.s32 s5, $0x0;
	s5 =	sld [smem:$0x3FAD]  }
0x2b: {  	s6 =	sld [smem:$0x3FAE]  }
0x2c: {  	s7 =	sld [smem:$0x3FAF]  }
0x2d: {  	s3 =	simm.s32 $0x108;
	s8 =	sld [smem:$0x3FB0]  }
0x2e: {  	s3 =	simm.s32 @!p0 $0x1082;
	s9 =	sld [smem:$0x3FB1]  }
0x2f: {  	lr =	sadd.s32 s0, s3;
	s0 =	sld [smem:$0x3FA8]  }
0x30: {  	s3 =	sld [smem:$0x3FAB]  }
0x31: {  	[smem:$0x3FB4] =	sst s10  }
0x32: {  	s10 =	sld [smem:$0x3FB2];
	_ =	sdelay $0x3  }
0x33: {  	p0 =	seq.s32 s10, $0x1;
	s10 =	sld [smem:$0x3FB4];
	_ =	sdelay $0x3  }
0x34: {  	[smem:$0x3FB4] =	sst s10  }
0x35: {  	s10 =	sld [smem:$0x3FB3];
	_ =	sdelay $0x3  }
0x36: {  	p1 =	seq.s32 s10, $0x1;
	s10 =	sld [smem:$0x3FB4];
	_ =	sdelay $0x3  }
0x37: {  	[smem:$0x3FB4] =	sst s10  }
0x38: {  	s10 =	sld [smem:$0x3FB5]  }
0x39: {  	_ = 	snop;
	(pc) =	sbr.ind lr, $3  }
0x3a: {  	_ = 	snop  }
0x3b: {  	_ = 	snop  }
0x3c: {  	p2 =	seq.s32 s10, $0x1;
	s10 =	sld [smem:$0x3FB4]  }
0x3d: {  	_ =	shalt  }
0x3e: {  	_ =	shalt  }
0x3f: {  	_ =	shalt  }
0x40: {  	_ =	shalt  }
0x41: {  	_ =	shalt  }
0x42: {  	_ =	shalt  }
0x43: {  	_ =	shalt  }
0x44: {  	_ =	shalt  }
0x45: {  	_ =	shalt  }
0x46: {  	_ =	shalt  }
0x47: {  	_ =	shalt  }
0x48: {  	_ =	shalt  }
0x49: {  	_ =	shalt  }
0x4a: {  	_ =	shalt  }
0x4b: {  	_ =	shalt  }
0x4c: {  	_ =	shalt  }
0x4d: {  	_ =	shalt  }
0x4e: {  	_ =	shalt  }
0x4f: {  	_ =	shalt  }
0x50: {  	_ =	shalt  }
0x51: {  	_ =	shalt  }
0x52: {  	_ =	shalt  }
0x53: {  	_ =	shalt  }
0x54: {  	_ =	shalt  }
0x55: {  	_ =	shalt  }
0x56: {  	_ =	shalt  }
0x57: {  	_ =	shalt  }
0x58: {  	_ =	shalt  }
0x59: {  	_ =	shalt  }
0x5a: {  	_ =	shalt  }
0x5b: {  	_ =	shalt  }
0x5c: {  	_ =	shalt  }
0x5d: {  	_ =	shalt  }
0x5e: {  	_ =	shalt  }
0x5f: {  	_ =	shalt  }
0x60: {  	_ =	shalt  }
0x61: {  	_ =	shalt  }
0x62: {  	_ =	shalt  }
0x63: {  	_ =	shalt  }
0x64: {  	_ =	shalt  }
0x65: {  	_ =	shalt  }
0x66: {  	_ =	shalt  }
0x67: {  	_ =	shalt  }
0x68: {  	_ =	shalt  }
0x69: {  	_ =	shalt  }
0x6a: {  	_ =	shalt  }
0x6b: {  	_ =	shalt  }
0x6c: {  	_ =	shalt  }
0x6d: {  	_ =	shalt  }
0x6e: {  	_ =	shalt  }
0x6f: {  	_ =	shalt  }
0x70: {  	_ =	shalt  }
0x71: {  	_ =	shalt  }
0x72: {  	_ =	shalt  }
0x73: {  	_ =	shalt  }
0x74: {  	_ =	shalt  }
0x75: {  	_ =	shalt  }
0x76: {  	_ =	shalt  }
0x77: {  	_ =	shalt  }
0x78: {  	_ =	shalt  }
0x79: {  	_ =	shalt  }
0x7a: {  	_ =	shalt  }
0x7b: {  	_ =	shalt  }
0x7c: {  	_ =	shalt  }
0x7d: {  	_ =	shalt  }
0x7e: {  	_ =	shalt  }
0x7f: {  	_ =	shalt  }
0x80: {  	_ =	shalt  }
0x81: {  	_ =	shalt  }
0x82: {  	_ =	shalt  }
0x83: {  	_ =	shalt  }
0x84: {  	_ =	shalt  }
0x85: {  	_ =	shalt  }
0x86: {  	_ =	shalt  }
0x87: {  	_ =	shalt  }
.Lfunc_end0:
.L_simem_size_0:
called_computation.2_lowered:
.L_overlay_start_0:
0x88: {  	s2 =	sld [smem:$0x3FD9]  }
0x89: {  	s3 =	sld [smem:$0x3FFE];
	_ =	sdelay $0x1  }
0x8a: {  	s1 =	srdreg.scid  }
0x8b: {  	s0 =	sand.u32 $0x1, s1  }
0x8c: {  	s17 =	sshll.u32 s0, $0xA;
	s2 =	sadd.s32 s3, s2  }
0x8d: {  	s2 =	sadd.s32 s2, s17  }
0x8e: {  	[smem:$0x3FC0] =	sst s2  }
0x8f: {  	_ = 	snop  }
0x90: {  	s2 =	sld [smem:$0x3FD0];
	(tm) =	ssettm $0x1  }
0x91: {  	s18 =	sld [smem:$0x3FFB];
	_ =	sdelay $0x3  }
0x92: {  	_ =	strace s18  }
0x93: {  	s3 =	sld [smem:$0x3FFC];
	_ =	sdelay $0x3  }
0x94: {  	_ =	strace s3  }
0x95: {  	s3 =	sld [smem:$0x3FFD];
	_ =	sdelay $0x3  }
0x96: {  	_ =	strace s3  }
0x97: {  	_ =	strace $0x8FFFFFFF  }
0x98: {  	s19 =	sld [smem:$0x3FDB];
	_ =	sdelay $0x1  }
0x99: {  	s4 =	simm.s32 $_scs_section_size  }
0x9a: {  	s5 =	simm.s32 $_size__tile_overlayer_lowered;
	s6 =	simm.s32 $_tile_overlayer_lowered  }
0x9b: {  	s22 =	simm.s32 $0x1BFF;
	s21 =	sshll.u32 s6, $0x1;
	s3 =	sadd.s32 s4, s19  }
0x9c: {  	s7 =	simm.s32 $0x0;
	s20 =	sshll.u32 s5, $0x1;
	s5 =	sadd.s32 s21, s3  }
0x9d: {  	[timem:s7], [sflag:s22] =	dma.local [hbm:s5], s20  }
0x9e: {  	_ =	swait.ge [sflag:s22], s20  }
0x9f: {  	s4 =	ssub.s32 $0x0, s20;
	[sflag:s22] =	ssyncset.done $0x0  }
0xa0: {  	[sflag:s22] =	ssyncadd.s32 s4;
	_ =	sdelay $0x1  }
0xa1: {  	s23 =	simm.s32 $0x1B8B  }
0xa2: {  	_ =	swait.ge [sflag:s23], $0x1  }
0xa3: {  	[sflag:s23] =	ssyncset.done $0x0  }
0xa4: {  	s25 =	simm.s32 $0x1B8E;
	s24 =	sld [smem:$0x3FFE];
	[sflag:s23] =	ssyncadd.s32 $0xFFFFFFFF  }
0xa5: {  	s26 =	simm.s32 $execute0_lowered;
	[smem:$0x3FD2] =	sst s25  }
0xa6: {  	s5 =	sshll.u32 s26, $0x1;
	_ =	strace $0x8000004C;
	[dreg:$0x1] =	wrdreg $0xFFFFFFFF  }
0xa7: {  	s28 =	simm.s32 $_size_execute0_lowered;
	s3 =	sadd.s32 s3, s5;
	[dreg:$0x0] =	wrdreg $0x0  }
0xa8: {  	s5 =	sshll.u32 s28, $0x1;
	[dreg:$0x2] =	wrdreg s3  }
0xa9: {  	[dreg:$0x3] =	wrdreg s5  }
0xaa: {  	[dreg:$0x4] =	wrdreg $0xC0  }
0xab: {  	_ =	task [dreg:s7], $0x5FFFF  }
0xac: {  	[dreg:$0x1] =	wrdreg $0xFFFFFFFF  }
0xad: {  	[dreg:$0x0] =	wrdreg $0x60  }
0xae: {  	[dreg:$0x2] =	wrdreg s24  }
0xaf: {  	[dreg:$0x3] =	wrdreg s2  }
0xb0: {  	[dreg:$0x4] =	wrdreg $0xA9800  }
0xb1: {  	[dreg:$0x5] =	wrdreg $0x9  }
0xb2: {  	_ =	task.clear_ibuf [dreg:s7], $0x6FFFF;
	_ =	strace $0x9000004C  }
0xb3: {  	s29 =	simm.s32 $0x9;
	_ =	strace $0x8000004E  }
0xb4: {  	_ =	swait.ge [sflag:s29], $0x1  }
0xb5: {  	[sflag:s29] =	ssyncadd.s32 $0xFFFFFFFF  }
0xb6: {  	_ =	strace $0x9000004E  }
0xb7: {  	_ =	sfence  }
0xb8: {  	s30 =	sld [smem:$0x0];
	_ =	sdelay $0x2  }
0xb9: {  	s31 =	sshll.u32 s1, $0xD;
	s1 =	sshrl.u32 s1, $0x2  }
0xba: {  	s3 =	sand.u32 $0x4000, s31;
	s1 =	sadd.s32 s1, s30  }
0xbb: {  	s0 =	sor.u32 s3, s0;
	s1 =	sshll.u32 s1, $0x11  }
0xbc: {  	s0 =	sor.u32 s1, s0  }
0xbd: {  	s0 =	sadd.s32 $0x8F2B, s0  }
0xbe: {  	[sflag:s0] =	ssyncadd.remote.s32 $0x1  }
0xbf: {  	_ =	sfence.sel $0xFFFF  }
0xc0: {  	[dreg:$0x0] =	wrdreg $0xFFFFFFFF;
	(pc) =	sbr.abs _section_cstart, $3  }
0xc1: {  	[dreg:$0x1] =	wrdreg $0xFFFFFFFF  }
0xc2: {  	_ =	task.clear_ibuf [dreg:s7], $0x2FFFF;
	_ =	strace $0x9FFFFFFF  }
0xc3: {  	(tm) =	ssettm $0x7FFFFFFF  }
tec
execute0_lowered:
.L_overlay_start_1:
0x0: {  	(tag) =	ssettag $0x1  }
0x1: {  	s0 =	rddreg [dreg:$0x0]  }
0x2: {  	s1 =	rddreg [dreg:$0x1]  }
0x3: {  	s3 =	srdreg.scid;
	s9 =	stileid.u32  }
0x4: {  	s2 =	rddreg [dreg:$0x2];
	s18 =	simm.s32 $0x6800;
	s28 =	simm.s32 $0x1  }
0x5: {  	s29 =	simm.s32 $0xA900;
	s30 =	simm.s32 $0xA8C0;
	s4 =	smul.u32 $0x2800, s9  }
0x6: {  	s5 =	sand.u32 $0x1, s3;
	s3 =	simm.s32 $0x0;
	s7 =	smul.u32 $0x50000, s9  }
0x7: {  	s31 =	simm.s32 $0x5800;
	s6 =	smul.u32 $0x28000, s5;
	[smem:$0x7FF] =	sst s3  }
0x8: {  	s19 =	ssub.s32 $0x2, s5;
	s5 =	sshll.u32 s5, $0x4;
	_ =	strace $0x8000004D  }
0x9: {  	s8 =	sshrl.u32 s19, $0x1;
	s7 =	sshrl.u32 s7, $0x2;
	s20 =	sor.u32 s9, s5  }
0xa: {  	s6 =	sadd.s32 s4, s6;
	s4 =	sadd.s32 $0x1E00, s0;
	s5 =	sadd.s32 s7, s2  }
0xb: {  	s25 =	smul.u32 $0x500, s20;
	s20 =	simm.s32 $0x40;
	s7 =	sadd.s32 $0x2000, s5  }
0xc: {  	s0 =	sadd.s32 s6, s0;
	s21 =	sadd.s32 $0x4000, s5;
	[dreg:$0x4] =	wrdreg s7  }
0xd: {  	s6 =	ssub.s32 s19, s8;
	s22 =	sadd.s32 $0x6000, s5;
	[dreg:$0x5] =	wrdreg s21  }
0xe: {  	s23 =	sadd.s32 $0x8000, s5;
	s24 =	sadd.s32 $0xA000, s5;
	[dreg:$0x6] =	wrdreg s22  }
0xf: {  	s26 =	sadd.s32 $0xC000, s5;
	s12 =	sadd.s32 $0xE000, s5;
	[dreg:$0x7] =	wrdreg s23  }
0x10: {  	s13 =	sadd.s32 $0x10000, s5;
	s14 =	sadd.s32 $0x12000, s5;
	[dreg:$0x8] =	wrdreg s24  }
.Ltmp0:
0x11: {  	s19 =	simm.s32 $0x7;
	[dreg:$0x9] =	wrdreg s26;
	(pc) =	sbr.rel .LBB2_1-.Ltmp0, $4  }
0x12: {  	s15 =	sadd.s32 s1, s25;
	s16 =	sadd.s32 $0x15E00, s0;
	s17 =	smax.u32 s6, $0x1  }
0x13: {  	s25 =	simm.s32 $0xA880;
	s26 =	simm.s32 $0x4800;
	s1 =	simm.s32 $0x2  }
0x14: {  	s21 =	simm.s32 $0xA940;
	s22 =	simm.s32 $0x8800;
	s23 =	simm.s32 $0x3  }
0x15: {  	v0 =	vimm.f32 $0.0e+00;
	s24 =	simm.s32 $0x5;
	s0 =	simm.s32 $0x4;
	s6 =	simm.s32 $0x6  }
.LBB2_14:
0x16: {  	_ =	swait.ge [sflag:s24], $0x2000  }
0x17: {  	[sflag:s24] =	ssyncset.done $0x0  }
0x18: {  	[sflag:s24] =	ssyncadd.s32 $0xFFFFE000  }
0x19: {  	s7 =	stileid.u32;
	_ =	swait.ge [sflag:s6], $0x2000  }
0x1a: {  	s8 =	sshrl.u32 s5, $0x3;
	s3 =	sadd.s32 $0x1, s3;
	[sflag:s6] =	ssyncset.done $0x0  }
0x1b: {  	s7 =	sshll.u32 s7, $0x6;
	p0 =	sne.s32 s3, s17;
	[sflag:s6] =	ssyncadd.s32 $0xFFFFE000  }
.Ltmp1:
0x1c: {  	s7 =	sor.u32 $0x1C07, s7;
	[bflag:$0x0] =	sbarrier.arrive $0xFFFF;
	(pc) =	sbr.rel @!p0 .LBB2_15-.Ltmp1, $4  }
0x1d: {  	[hbm:s16], [sflag:s7] =	dma.local [spmem:s8], $0x2800  }
0x1e: {  	_ =	swait.ge [sflag:s19], $0x2800  }
0x1f: {  	[sflag:s19] =	ssyncset.done $0x0  }
0x20: {  	[sflag:s19] =	ssyncadd.s32 $0xFFFFD800  }
.LBB2_1:
0x21: {  	s7 =	simm.s32 $0x0;
	s8 =	simm.s32 $0x200  }
.LBB2_2:
0x22: {  	p0 =	sne.s32 s8, $0x7E00;
	[tilespmem:s7+$0x6870] =	vst v0  }
0x23: {  	[tilespmem:s7+$0x6800] =	vst v0  }
0x24: {  	[tilespmem:s7+$0x6810] =	vst v0  }
.Ltmp2:
0x25: {  	[tilespmem:s7+$0x6820] =	vst v0;
	(pc) =	sbr.rel @p0 .LBB2_2-.Ltmp2, $4  }
0x26: {  	[tilespmem:s7+$0x6830] =	vst v0  }
0x27: {  	[tilespmem:s7+$0x6840] =	vst v0  }
0x28: {  	[tilespmem:s7+$0x6850] =	vst v0  }
0x29: {  	[tilespmem:s7+$0x6860] =	vst v0;
	s7 =	sshra.s32 s8, $0x2;
	s8 =	sadd.s32 $0x200, s8  }
0x2a: {  	[tilespmem:s7+$0x6870] =	vst v0  }
0x2b: {  	[tilespmem:s7+$0x6800] =	vst v0  }
0x2c: {  	[tilespmem:s7+$0x6810] =	vst v0  }
0x2d: {  	[tilespmem:s7+$0x6820] =	vst v0  }
0x2e: {  	[tilespmem:s7+$0x6830] =	vst v0  }
0x2f: {  	[tilespmem:s7+$0x6840] =	vst v0  }
0x30: {  	[tilespmem:s7+$0x6850] =	vst v0  }
0x31: {  	[tilespmem:s7+$0x6860] =	vst v0  }
0x32: {  	[spmem:s5] =	stream.linear.scatter [tilespmem:s18], [sflag:$0x7], $0x2000, $0x38;
	[tilespmem:$0x1E980] =	vst v63  }
0x33: {  	_ =	swait.ge [sflag:s19], $0x2000  }
0x34: {  	[sflag:s19] =	ssyncset.done $0x0  }
0x35: {  	s8 =	rddreg [dreg:$0x4];
	[sflag:s19] =	ssyncadd.s32 $0xFFFFE000  }
0x36: {  	[spmem:s8] =	stream.linear.scatter [tilespmem:s18], [sflag:$0x7], $0x2000, $0x38;
	[tilespmem:$0x1E980] =	vst v63  }
0x37: {  	_ =	swait.ge [sflag:s19], $0x2000  }
0x38: {  	[sflag:s19] =	ssyncset.done $0x0  }
0x39: {  	s9 =	rddreg [dreg:$0x5];
	[sflag:s19] =	ssyncadd.s32 $0xFFFFE000  }
0x3a: {  	[spmem:s9] =	stream.linear.scatter [tilespmem:s18], [sflag:$0x7], $0x2000, $0x38;
	[tilespmem:$0x1E980] =	vst v63  }
0x3b: {  	_ =	swait.ge [sflag:s19], $0x2000  }
0x3c: {  	[sflag:s19] =	ssyncset.done $0x0  }
0x3d: {  	s10 =	rddreg [dreg:$0x6];
	[sflag:s19] =	ssyncadd.s32 $0xFFFFE000  }
0x3e: {  	[spmem:s10] =	stream.linear.scatter [tilespmem:s18], [sflag:$0x7], $0x2000, $0x38;
	[tilespmem:$0x1E980] =	vst v63  }
0x3f: {  	_ =	swait.ge [sflag:s19], $0x2000  }
0x40: {  	[sflag:s19] =	ssyncset.done $0x0  }
0x41: {  	s11 =	rddreg [dreg:$0x7];
	[sflag:s19] =	ssyncadd.s32 $0xFFFFE000  }
0x42: {  	[spmem:s11] =	stream.linear.scatter [tilespmem:s18], [sflag:$0x7], $0x2000, $0x38;
	[tilespmem:$0x1E980] =	vst v63  }
0x43: {  	_ =	swait.ge [sflag:s19], $0x2000  }
0x44: {  	[sflag:s19] =	ssyncset.done $0x0  }
0x45: {  	s8 =	rddreg [dreg:$0x8];
	[sflag:s19] =	ssyncadd.s32 $0xFFFFE000  }
0x46: {  	[spmem:s8] =	stream.linear.scatter [tilespmem:s18], [sflag:$0x7], $0x2000, $0x38;
	[tilespmem:$0x1E980] =	vst v63  }
0x47: {  	_ =	swait.ge [sflag:s19], $0x2000  }
0x48: {  	[sflag:s19] =	ssyncset.done $0x0  }
0x49: {  	s9 =	rddreg [dreg:$0x9];
	[sflag:s19] =	ssyncadd.s32 $0xFFFFE000  }
0x4a: {  	[spmem:s9] =	stream.linear.scatter [tilespmem:s18], [sflag:$0x7], $0x2000, $0x38;
	[tilespmem:$0x1E980] =	vst v63  }
0x4b: {  	_ =	swait.ge [sflag:s19], $0x2000  }
0x4c: {  	[sflag:s19] =	ssyncset.done $0x0  }
0x4d: {  	[sflag:s19] =	ssyncadd.s32 $0xFFFFE000  }
0x4e: {  	[spmem:s12] =	stream.linear.scatter [tilespmem:s18], [sflag:$0x7], $0x2000, $0x38;
	[tilespmem:$0x1E980] =	vst v63  }
0x4f: {  	_ =	swait.ge [sflag:s19], $0x2000  }
0x50: {  	[sflag:s19] =	ssyncset.done $0x0  }
0x51: {  	[sflag:s19] =	ssyncadd.s32 $0xFFFFE000  }
0x52: {  	[spmem:s13] =	stream.linear.scatter [tilespmem:s18], [sflag:$0x7], $0x2000, $0x38;
	[tilespmem:$0x1E980] =	vst v63  }
0x53: {  	_ =	swait.ge [sflag:s19], $0x2000  }
0x54: {  	[sflag:s19] =	ssyncset.done $0x0  }
0x55: {  	[sflag:s19] =	ssyncadd.s32 $0xFFFFE000  }
0x56: {  	[spmem:s14] =	stream.linear.scatter [tilespmem:s18], [sflag:$0x7], $0x2000, $0x38;
	[tilespmem:$0x1E980] =	vst v63  }
0x57: {  	_ =	swait.ge [sflag:s19], $0x2000  }
0x58: {  	[sflag:s19] =	ssyncset.done $0x0  }
0x59: {  	s7 =	simm.s32 $0x0;
	[sflag:s19] =	ssyncadd.s32 $0xFFFFE000  }
0x5a: {  	[tilespmem:s7], [sflag:$0x7] =	stream.linear.gather [hbm4b:s15+s7], $0x2800, $0x38;
	[tilespmem:$0x1E980] =	vst v63  }
0x5b: {  	_ =	swait.ge [sflag:s19], $0x2800  }
0x5c: {  	[sflag:s19] =	ssyncset.done $0x0  }
0x5d: {  	[sflag:s19] =	ssyncadd.s32 $0xFFFFD800  }
0x5e: {  	[bflag:$0x0] =	sbarrier.arrive $0xFFFF  }
0x5f: {  	v1 =	vld [tilespmem:$0x0]  }
0x60: {  	v2 =	vld [tilespmem:$0x10]  }
0x61: {  	v3 =	vld [tilespmem:$0x20]  }
0x62: {  	v4 =	vld [tilespmem:$0x30];
	_ =	sdelay $0x1  }
0x63: {  	v1 =	vand.u32 $0xFFFF, v1  }
0x64: {  	[tilespmem:$0xA800] =	vst v1;
	v1 =	vand.u32 $0xFFFF, v2  }
0x65: {  	[tilespmem:$0xA810] =	vst v1;
	v1 =	vand.u32 $0xFFFF, v3  }
0x66: {  	[tilespmem:$0xA820] =	vst v1;
	v1 =	vand.u32 $0xFFFF, v4  }
0x67: {  	s8 =	simm.s32 $0xA800;
	s9 =	simm.s32 $0x2800;
	[tilespmem:$0xA830] =	vst v1  }
0x68: {  	[tilespmem:s9], [sflag:$0x1] =	stream.indirect.gather [hbm4b:s4+s20], $0x40, s8, s20, $0xb8;
	[tilespmem:$0x1E980] =	vst v63  }
0x69: {  	v1 =	vld [tilespmem:$0x40]  }
0x6a: {  	v2 =	vld [tilespmem:$0x50]  }
0x6b: {  	v3 =	vld [tilespmem:$0x60]  }
0x6c: {  	v62 =	vld [tilespmem:$0x70];
	_ =	sdelay $0x1  }
0x6d: {  	v1 =	vand.u32 $0xFFFF, v1  }
0x6e: {  	[tilespmem:$0xA840] =	vst v1;
	v1 =	vand.u32 $0xFFFF, v2  }
0x6f: {  	[tilespmem:$0xA850] =	vst v1;
	v1 =	vand.u32 $0xFFFF, v3  }
0x70: {  	[tilespmem:$0xA860] =	vst v1;
	v1 =	vand.u32 $0xFFFF, v62  }
0x71: {  	s10 =	simm.s32 $0xA840;
	s11 =	simm.s32 $0x3800;
	[tilespmem:$0xA870] =	vst v1  }
0x72: {  	[tilespmem:s11], [sflag:$0x2] =	stream.indirect.gather [hbm4b:s4+s20], $0x40, s10, s20, $0xb8;
	[tilespmem:$0x1E980] =	vst v63  }
0x73: {  	v1 =	vld [tilespmem:$0x80]  }
0x74: {  	v2 =	vld [tilespmem:$0x90]  }
0x75: {  	v3 =	vld [tilespmem:$0xA0]  }
0x76: {  	v63 =	vld [tilespmem:$0xB0];
	_ =	sdelay $0x1  }
0x77: {  	v1 =	vand.u32 $0xFFFF, v1  }
0x78: {  	[tilespmem:$0xA880] =	vst v1;
	v1 =	vand.u32 $0xFFFF, v2  }
0x79: {  	[tilespmem:$0xA890] =	vst v1;
	v1 =	vand.u32 $0xFFFF, v3  }
0x7a: {  	[tilespmem:$0xA8A0] =	vst v1;
	v1 =	vand.u32 $0xFFFF, v63  }
0x7b: {  	[tilespmem:$0xA8B0] =	vst v1  }
0x7c: {  	[tilespmem:s26], [sflag:$0x3] =	stream.indirect.gather [hbm4b:s4+s20], $0x40, s25, s20, $0xb8;
	[tilespmem:$0x1E980] =	vst v63  }
.LBB2_4:
0x7d: {  	_ =	swait.ge [sflag:s28], $0x1000  }
0x7e: {  	p0 =	seq.s32 s7, $0x0;
	[sflag:s28] =	ssyncset.done $0x0  }
0x7f: {  	s8 =	simm.s32 @!p0 $0x5;
	[sflag:s28] =	ssyncadd.s32 $0xFFFFF000  }
0x80: {  	_ =	swait.ge @!p0 [sflag:s8], $0x2000  }
0x81: {  	s9 =	sshll.u32 s7, $0xA;
	[sflag:s8] =	ssyncset.done @!p0 $0x0  }
0x82: {  	[sflag:s8] =	ssyncadd.s32 @!p0 $0xFFFFE000;
	s8 =	sshra.s32 s9, $0x2  }
0x83: {  	v1 =	vld [tilespmem:s8+$0x0];
	_ =	sdelay $0x4  }
0x84: {  	v1 =	vshrl.u32 v1, $0x10  }
0x85: {  	[tilespmem:$0xA900] =	vst v1  }
0x86: {  	v1 =	vld [tilespmem:s8+$0x10];
	_ =	sdelay $0x4  }
0x87: {  	v1 =	vshrl.u32 v1, $0x10  }
0x88: {  	[tilespmem:$0xA910] =	vst v1  }
0x89: {  	v1 =	vld [tilespmem:s8+$0x20];
	_ =	sdelay $0x4  }
0x8a: {  	v1 =	vshrl.u32 v1, $0x10  }
0x8b: {  	[tilespmem:$0xA920] =	vst v1  }
0x8c: {  	v1 =	vld [tilespmem:s8+$0x30];
	_ =	sdelay $0x4  }
0x8d: {  	v1 =	vshrl.u32 v1, $0x10  }
0x8e: {  	s10 =	simm.s32 $0x0;
	[tilespmem:$0xA930] =	vst v1  }
0x8f: {  	v1 =	vld [tilespmem:s10+$0x2800];
	_ =	sdelay $0x4  }
0x90: {  	s9 =	simm.s32 $0x6840;
	v2 =	vunpack.i.l.bf16.f32 v1  }
0x91: {  	v1 =	vunpack.i.u.bf16.f32 v1;
	[tilespmem:s9+$0xFFFFFFC0] =	vst v2  }
0x92: {  	[tilespmem:s9+$0x0] =	vst v1  }
0x93: {  	v1 =	vld [tilespmem:s10+$0x2810];
	_ =	sdelay $0x4  }
0x94: {  	v2 =	vunpack.i.l.bf16.f32 v1  }
0x95: {  	v1 =	vunpack.i.u.bf16.f32 v1;
	[tilespmem:s9+$0xFFFFFFD0] =	vst v2  }
0x96: {  	[tilespmem:s9+$0x10] =	vst v1  }
0x97: {  	v1 =	vld [tilespmem:s10+$0x2820];
	_ =	sdelay $0x4  }
0x98: {  	v2 =	vunpack.i.u.bf16.f32 v1  }
0x99: {  	v1 =	vunpack.i.l.bf16.f32 v1;
	[tilespmem:s9+$0x20] =	vst v2  }
0x9a: {  	[tilespmem:s9+$0xFFFFFFE0] =	vst v1  }
0x9b: {  	v1 =	vld [tilespmem:s10+$0x2830];
	_ =	sdelay $0x4  }
0x9c: {  	v2 =	vunpack.i.l.bf16.f32 v1  }
0x9d: {  	v1 =	vunpack.i.u.bf16.f32 v1;
	[tilespmem:s9+$0xFFFFFFF0] =	vst v2  }
0x9e: {  	s10 =	simm.s32 $0x40;
	[tilespmem:s9+$0x30] =	vst v1  }
0x9f: {  	v1 =	vld [tilespmem:s10+$0x2800]  }
0xa0: {  	s11 =	simm.s32 $0x200  }
.LBB2_5:
0xa1: {  	p1 =	sne.s32 s11, $0x3F00;
	_ =	sdelay $0x2  }
0xa2: {  	s9 =	sadd.s32 $0x80, s9;
	v2 =	vunpack.i.l.bf16.f32 v1  }
0xa3: {  	v1 =	vunpack.i.u.bf16.f32 v1;
	[tilespmem:s9+$0xFFFFFFC0] =	vst v2  }
0xa4: {  	[tilespmem:s9+$0x0] =	vst v1  }
0xa5: {  	v1 =	vld [tilespmem:s10+$0x2810];
	_ =	sdelay $0x4  }
0xa6: {  	v2 =	vunpack.i.l.bf16.f32 v1  }
0xa7: {  	v1 =	vunpack.i.u.bf16.f32 v1;
	[tilespmem:s9+$0xFFFFFFD0] =	vst v2  }
0xa8: {  	[tilespmem:s9+$0x10] =	vst v1  }
0xa9: {  	v1 =	vld [tilespmem:s10+$0x2820];
	_ =	sdelay $0x4  }
0xaa: {  	v2 =	vunpack.i.u.bf16.f32 v1;
	v1 =	vunpack.i.l.bf16.f32 v1  }
0xab: {  	[tilespmem:s9+$0x20] =	vst v2  }
0xac: {  	[tilespmem:s9+$0xFFFFFFE0] =	vst v1  }
0xad: {  	v1 =	vld [tilespmem:s10+$0x2830];
	_ =	sdelay $0x4  }
.Ltmp3:
0xae: {  	v2 =	vunpack.i.u.bf16.f32 v1;
	v1 =	vunpack.i.l.bf16.f32 v1;
	(pc) =	sbr.rel @p1 .LBB2_5-.Ltmp3, $4  }
0xaf: {  	[tilespmem:s9+$0xFFFFFFF0] =	vst v1  }
0xb0: {  	s10 =	sshra.s32 s11, $0x2;
	[tilespmem:s9+$0x30] =	vst v2  }
0xb1: {  	v1 =	vld [tilespmem:s10+$0x2800]  }
0xb2: {  	s11 =	sadd.s32 $0x100, s11  }
0xb3: {  	_ =	sdelay $0x2  }
0xb4: {  	s9 =	sadd.s32 $0x80, s9;
	v2 =	vunpack.i.l.bf16.f32 v1  }
0xb5: {  	v1 =	vunpack.i.u.bf16.f32 v1;
	[tilespmem:s9+$0xFFFFFFC0] =	vst v2  }
0xb6: {  	[tilespmem:s9+$0x0] =	vst v1  }
0xb7: {  	v1 =	vld [tilespmem:s10+$0x2810];
	_ =	sdelay $0x4  }
0xb8: {  	v2 =	vunpack.i.l.bf16.f32 v1  }
0xb9: {  	v1 =	vunpack.i.u.bf16.f32 v1;
	[tilespmem:s9+$0xFFFFFFD0] =	vst v2  }
0xba: {  	[tilespmem:s9+$0x10] =	vst v1  }
0xbb: {  	v1 =	vld [tilespmem:s10+$0x2820];
	_ =	sdelay $0x4  }
0xbc: {  	v2 =	vunpack.i.u.bf16.f32 v1  }
0xbd: {  	v1 =	vunpack.i.l.bf16.f32 v1;
	[tilespmem:s9+$0x20] =	vst v2  }
0xbe: {  	[tilespmem:s9+$0xFFFFFFE0] =	vst v1  }
0xbf: {  	v1 =	vld [tilespmem:s10+$0x2830];
	_ =	sdelay $0x4  }
0xc0: {  	v2 =	vunpack.i.l.bf16.f32 v1  }
0xc1: {  	v1 =	vunpack.i.u.bf16.f32 v1;
	[tilespmem:s9+$0xFFFFFFF0] =	vst v2  }
0xc2: {  	[tilespmem:s9+$0x30] =	vst v1  }
0xc3: {  	[spmem:s2] =	stream.indirect.scatter.add.f32 [tilespmem:s18], [sflag:$0x5], $0x80, s29, s20, $0xb8;
	[tilespmem:$0x1E980] =	vst v63  }
0xc4: {  	v1 =	vld [tilespmem:s8+$0xC0];
	_ =	sdelay $0x4  }
0xc5: {  	v1 =	vand.u32 $0xFFFF, v1  }
0xc6: {  	[tilespmem:$0xA8C0] =	vst v1  }
0xc7: {  	v1 =	vld [tilespmem:s8+$0xD0];
	_ =	sdelay $0x4  }
0xc8: {  	v1 =	vand.u32 $0xFFFF, v1  }
0xc9: {  	[tilespmem:$0xA8D0] =	vst v1  }
0xca: {  	v1 =	vld [tilespmem:s8+$0xE0];
	_ =	sdelay $0x4  }
0xcb: {  	v1 =	vand.u32 $0xFFFF, v1  }
0xcc: {  	[tilespmem:$0xA8E0] =	vst v1  }
0xcd: {  	v1 =	vld [tilespmem:s8+$0xF0];
	_ =	sdelay $0x4  }
0xce: {  	v1 =	vand.u32 $0xFFFF, v1  }
0xcf: {  	[tilespmem:$0xA8F0] =	vst v1  }
0xd0: {  	[tilespmem:s31], [sflag:$0x4] =	stream.indirect.gather [hbm4b:s4+s20], $0x40, s30, s20, $0xb8;
	[tilespmem:$0x1E980] =	vst v63  }
0xd1: {  	_ =	swait.ge [sflag:s1], $0x1000  }
0xd2: {  	[sflag:s1] =	ssyncset.done $0x0  }
0xd3: {  	s9 =	simm.s32 @!p0 $0x6;
	[sflag:s1] =	ssyncadd.s32 $0xFFFFF000  }
0xd4: {  	_ =	swait.ge @!p0 [sflag:s9], $0x2000  }
0xd5: {  	[sflag:s9] =	ssyncset.done @!p0 $0x0  }
0xd6: {  	[sflag:s9] =	ssyncadd.s32 @!p0 $0xFFFFE000  }
0xd7: {  	v1 =	vld [tilespmem:s8+$0x40];
	_ =	sdelay $0x4  }
0xd8: {  	v1 =	vshrl.u32 v1, $0x10  }
0xd9: {  	[tilespmem:$0xA940] =	vst v1  }
0xda: {  	v1 =	vld [tilespmem:s8+$0x50];
	_ =	sdelay $0x4  }
0xdb: {  	v1 =	vshrl.u32 v1, $0x10  }
0xdc: {  	[tilespmem:$0xA950] =	vst v1  }
0xdd: {  	v1 =	vld [tilespmem:s8+$0x60];
	_ =	sdelay $0x4  }
0xde: {  	v1 =	vshrl.u32 v1, $0x10  }
0xdf: {  	[tilespmem:$0xA960] =	vst v1  }
0xe0: {  	v1 =	vld [tilespmem:s8+$0x70];
	_ =	sdelay $0x4  }
0xe1: {  	v1 =	vshrl.u32 v1, $0x10  }
0xe2: {  	s11 =	simm.s32 $0x0;
	[tilespmem:$0xA970] =	vst v1  }
0xe3: {  	v1 =	vld [tilespmem:s11+$0x3800];
	_ =	sdelay $0x4  }
0xe4: {  	s9 =	simm.s32 $0x8840;
	v2 =	vunpack.i.l.bf16.f32 v1  }
0xe5: {  	v1 =	vunpack.i.u.bf16.f32 v1;
	[tilespmem:s9+$0xFFFFFFC0] =	vst v2  }
0xe6: {  	[tilespmem:s9+$0x0] =	vst v1  }
0xe7: {  	v1 =	vld [tilespmem:s11+$0x3810];
	_ =	sdelay $0x4  }
0xe8: {  	v2 =	vunpack.i.l.bf16.f32 v1  }
0xe9: {  	v1 =	vunpack.i.u.bf16.f32 v1;
	[tilespmem:s9+$0xFFFFFFD0] =	vst v2  }
0xea: {  	[tilespmem:s9+$0x10] =	vst v1  }
0xeb: {  	v1 =	vld [tilespmem:s11+$0x3820];
	_ =	sdelay $0x4  }
0xec: {  	v2 =	vunpack.i.u.bf16.f32 v1  }
0xed: {  	v1 =	vunpack.i.l.bf16.f32 v1;
	[tilespmem:s9+$0x20] =	vst v2  }
0xee: {  	[tilespmem:s9+$0xFFFFFFE0] =	vst v1  }
0xef: {  	v1 =	vld [tilespmem:s11+$0x3830];
	_ =	sdelay $0x4  }
0xf0: {  	v2 =	vunpack.i.l.bf16.f32 v1  }
0xf1: {  	v1 =	vunpack.i.u.bf16.f32 v1;
	[tilespmem:s9+$0xFFFFFFF0] =	vst v2  }
0xf2: {  	s10 =	simm.s32 $0x40;
	[tilespmem:s9+$0x30] =	vst v1  }
0xf3: {  	v1 =	vld [tilespmem:s10+$0x3800]  }
0xf4: {  	s11 =	simm.s32 $0x200  }
.LBB2_7:
0xf5: {  	p0 =	sne.s32 s11, $0x3F00;
	_ =	sdelay $0x2  }
0xf6: {  	s9 =	sadd.s32 $0x80, s9;
	v2 =	vunpack.i.l.bf16.f32 v1  }
0xf7: {  	v1 =	vunpack.i.u.bf16.f32 v1;
	[tilespmem:s9+$0xFFFFFFC0] =	vst v2  }
0xf8: {  	[tilespmem:s9+$0x0] =	vst v1  }
0xf9: {  	v1 =	vld [tilespmem:s10+$0x3810];
	_ =	sdelay $0x4  }
0xfa: {  	v2 =	vunpack.i.l.bf16.f32 v1  }
0xfb: {  	v1 =	vunpack.i.u.bf16.f32 v1;
	[tilespmem:s9+$0xFFFFFFD0] =	vst v2  }
0xfc: {  	[tilespmem:s9+$0x10] =	vst v1  }
0xfd: {  	v1 =	vld [tilespmem:s10+$0x3820];
	_ =	sdelay $0x4  }
0xfe: {  	v2 =	vunpack.i.u.bf16.f32 v1;
	v1 =	vunpack.i.l.bf16.f32 v1  }
0xff: {  	[tilespmem:s9+$0x20] =	vst v2  }
0x100: {  	[tilespmem:s9+$0xFFFFFFE0] =	vst v1  }
0x101: {  	v1 =	vld [tilespmem:s10+$0x3830];
	_ =	sdelay $0x4  }
.Ltmp4:
0x102: {  	v2 =	vunpack.i.u.bf16.f32 v1;
	v1 =	vunpack.i.l.bf16.f32 v1;
	(pc) =	sbr.rel @p0 .LBB2_7-.Ltmp4, $4  }
0x103: {  	[tilespmem:s9+$0xFFFFFFF0] =	vst v1  }
0x104: {  	s10 =	sshra.s32 s11, $0x2;
	[tilespmem:s9+$0x30] =	vst v2  }
0x105: {  	v1 =	vld [tilespmem:s10+$0x3800]  }
0x106: {  	s11 =	sadd.s32 $0x100, s11  }
0x107: {  	_ =	sdelay $0x2  }
0x108: {  	s9 =	sadd.s32 $0x80, s9;
	v2 =	vunpack.i.l.bf16.f32 v1  }
0x109: {  	v1 =	vunpack.i.u.bf16.f32 v1;
	[tilespmem:s9+$0xFFFFFFC0] =	vst v2  }
0x10a: {  	[tilespmem:s9+$0x0] =	vst v1  }
0x10b: {  	v1 =	vld [tilespmem:s10+$0x3810];
	_ =	sdelay $0x4  }
0x10c: {  	v2 =	vunpack.i.l.bf16.f32 v1  }
0x10d: {  	v1 =	vunpack.i.u.bf16.f32 v1;
	[tilespmem:s9+$0xFFFFFFD0] =	vst v2  }
0x10e: {  	[tilespmem:s9+$0x10] =	vst v1  }
0x10f: {  	v1 =	vld [tilespmem:s10+$0x3820];
	_ =	sdelay $0x4  }
0x110: {  	v2 =	vunpack.i.u.bf16.f32 v1  }
0x111: {  	v1 =	vunpack.i.l.bf16.f32 v1;
	[tilespmem:s9+$0x20] =	vst v2  }
0x112: {  	[tilespmem:s9+$0xFFFFFFE0] =	vst v1  }
0x113: {  	v1 =	vld [tilespmem:s10+$0x3830];
	_ =	sdelay $0x4  }
0x114: {  	v2 =	vunpack.i.l.bf16.f32 v1  }
0x115: {  	v1 =	vunpack.i.u.bf16.f32 v1;
	[tilespmem:s9+$0xFFFFFFF0] =	vst v2  }
0x116: {  	p0 =	seq.s32 s7, $0x27;
	[tilespmem:s9+$0x30] =	vst v1  }
0x117: {  	[spmem:s2] =	stream.indirect.scatter.add.f32 [tilespmem:s22], [sflag:$0x6], $0x80, s21, s20, $0xb8;
	[tilespmem:$0x1E980] =	vst v63  }
0x118: {  	v1 =	vld @!p0 [tilespmem:s8+$0x100];
	_ =	sdelay $0x4  }
0x119: {  	v1 =	vand.u32 @!p0 $0xFFFF, v1  }
0x11a: {  	[tilespmem:$0xA800] =	vst @!p0 v1  }
0x11b: {  	v1 =	vld @!p0 [tilespmem:s8+$0x110];
	_ =	sdelay $0x4  }
0x11c: {  	v1 =	vand.u32 @!p0 $0xFFFF, v1  }
0x11d: {  	[tilespmem:$0xA810] =	vst @!p0 v1  }
0x11e: {  	v1 =	vld @!p0 [tilespmem:s8+$0x120];
	_ =	sdelay $0x4  }
0x11f: {  	v1 =	vand.u32 @!p0 $0xFFFF, v1  }
0x120: {  	[tilespmem:$0xA820] =	vst @!p0 v1  }
0x121: {  	v1 =	vld @!p0 [tilespmem:s8+$0x130];
	_ =	sdelay $0x4  }
0x122: {  	v1 =	vand.u32 @!p0 $0xFFFF, v1  }
0x123: {  	s11 =	simm.s32 @!p0 $0x2800;
	s10 =	simm.s32 @!p0 $0xA800;
	s9 =	simm.s32 @!p0 $0x40;
	[tilespmem:$0xA830] =	vst @!p0 v1  }
0x124: {  	[tilespmem:s11], [sflag:$0x1] =	stream.indirect.gather @!p0 [hbm4b:s4+s9], $0x40, s10, s9, $0xb8;
	[tilespmem:$0x1E980] =	vst v63  }
0x125: {  	_ =	swait.ge [sflag:s23], $0x1000  }
0x126: {  	[sflag:s23] =	ssyncset.done $0x0  }
0x127: {  	[sflag:s23] =	ssyncadd.s32 $0xFFFFF000  }
0x128: {  	_ =	swait.ge [sflag:s24], $0x2000  }
0x129: {  	[sflag:s24] =	ssyncset.done $0x0  }
0x12a: {  	[sflag:s24] =	ssyncadd.s32 $0xFFFFE000  }
0x12b: {  	v1 =	vld [tilespmem:s8+$0x80];
	_ =	sdelay $0x4  }
0x12c: {  	v1 =	vshrl.u32 v1, $0x10  }
0x12d: {  	[tilespmem:$0xA900] =	vst v1  }
0x12e: {  	v1 =	vld [tilespmem:s8+$0x90];
	_ =	sdelay $0x4  }
0x12f: {  	v1 =	vshrl.u32 v1, $0x10  }
0x130: {  	[tilespmem:$0xA910] =	vst v1  }
0x131: {  	v1 =	vld [tilespmem:s8+$0xA0];
	_ =	sdelay $0x4  }
0x132: {  	v1 =	vshrl.u32 v1, $0x10  }
0x133: {  	[tilespmem:$0xA920] =	vst v1  }
0x134: {  	v1 =	vld [tilespmem:s8+$0xB0];
	_ =	sdelay $0x4  }
0x135: {  	v1 =	vshrl.u32 v1, $0x10  }
0x136: {  	s11 =	simm.s32 $0x0;
	[tilespmem:$0xA930] =	vst v1  }
0x137: {  	v1 =	vld [tilespmem:s11+$0x4800];
	_ =	sdelay $0x4  }
0x138: {  	s9 =	simm.s32 $0x6840;
	v2 =	vunpack.i.l.bf16.f32 v1  }
0x139: {  	v1 =	vunpack.i.u.bf16.f32 v1;
	[tilespmem:s9+$0xFFFFFFC0] =	vst v2  }
0x13a: {  	[tilespmem:s9+$0x0] =	vst v1  }
0x13b: {  	v1 =	vld [tilespmem:s11+$0x4810];
	_ =	sdelay $0x4  }
0x13c: {  	v2 =	vunpack.i.l.bf16.f32 v1  }
0x13d: {  	v1 =	vunpack.i.u.bf16.f32 v1;
	[tilespmem:s9+$0xFFFFFFD0] =	vst v2  }
0x13e: {  	[tilespmem:s9+$0x10] =	vst v1  }
0x13f: {  	v1 =	vld [tilespmem:s11+$0x4820];
	_ =	sdelay $0x4  }
0x140: {  	v2 =	vunpack.i.u.bf16.f32 v1  }
0x141: {  	v1 =	vunpack.i.l.bf16.f32 v1;
	[tilespmem:s9+$0x20] =	vst v2  }
0x142: {  	[tilespmem:s9+$0xFFFFFFE0] =	vst v1  }
0x143: {  	v1 =	vld [tilespmem:s11+$0x4830];
	_ =	sdelay $0x4  }
0x144: {  	v2 =	vunpack.i.l.bf16.f32 v1  }
0x145: {  	v1 =	vunpack.i.u.bf16.f32 v1;
	[tilespmem:s9+$0xFFFFFFF0] =	vst v2  }
0x146: {  	s10 =	simm.s32 $0x40;
	[tilespmem:s9+$0x30] =	vst v1  }
0x147: {  	v1 =	vld [tilespmem:s10+$0x4800]  }
0x148: {  	s11 =	simm.s32 $0x200  }
.LBB2_9:
0x149: {  	p1 =	sne.s32 s11, $0x3F00;
	_ =	sdelay $0x2  }
0x14a: {  	s9 =	sadd.s32 $0x80, s9;
	v2 =	vunpack.i.l.bf16.f32 v1  }
0x14b: {  	v1 =	vunpack.i.u.bf16.f32 v1;
	[tilespmem:s9+$0xFFFFFFC0] =	vst v2  }
0x14c: {  	[tilespmem:s9+$0x0] =	vst v1  }
0x14d: {  	v1 =	vld [tilespmem:s10+$0x4810];
	_ =	sdelay $0x4  }
0x14e: {  	v2 =	vunpack.i.l.bf16.f32 v1  }
0x14f: {  	v1 =	vunpack.i.u.bf16.f32 v1;
	[tilespmem:s9+$0xFFFFFFD0] =	vst v2  }
0x150: {  	[tilespmem:s9+$0x10] =	vst v1  }
0x151: {  	v1 =	vld [tilespmem:s10+$0x4820];
	_ =	sdelay $0x4  }
0x152: {  	v2 =	vunpack.i.u.bf16.f32 v1;
	v1 =	vunpack.i.l.bf16.f32 v1  }
0x153: {  	[tilespmem:s9+$0x20] =	vst v2  }
0x154: {  	[tilespmem:s9+$0xFFFFFFE0] =	vst v1  }
0x155: {  	v1 =	vld [tilespmem:s10+$0x4830];
	_ =	sdelay $0x4  }
.Ltmp5:
0x156: {  	v2 =	vunpack.i.u.bf16.f32 v1;
	v1 =	vunpack.i.l.bf16.f32 v1;
	(pc) =	sbr.rel @p1 .LBB2_9-.Ltmp5, $4  }
0x157: {  	[tilespmem:s9+$0xFFFFFFF0] =	vst v1  }
0x158: {  	s10 =	sshra.s32 s11, $0x2;
	[tilespmem:s9+$0x30] =	vst v2  }
0x159: {  	v1 =	vld [tilespmem:s10+$0x4800]  }
0x15a: {  	s11 =	sadd.s32 $0x100, s11  }
0x15b: {  	_ =	sdelay $0x2  }
0x15c: {  	s9 =	sadd.s32 $0x80, s9;
	v2 =	vunpack.i.l.bf16.f32 v1  }
0x15d: {  	v1 =	vunpack.i.u.bf16.f32 v1;
	[tilespmem:s9+$0xFFFFFFC0] =	vst v2  }
0x15e: {  	[tilespmem:s9+$0x0] =	vst v1  }
0x15f: {  	v1 =	vld [tilespmem:s10+$0x4810];
	_ =	sdelay $0x4  }
0x160: {  	v2 =	vunpack.i.l.bf16.f32 v1  }
0x161: {  	v1 =	vunpack.i.u.bf16.f32 v1;
	[tilespmem:s9+$0xFFFFFFD0] =	vst v2  }
0x162: {  	[tilespmem:s9+$0x10] =	vst v1  }
0x163: {  	v1 =	vld [tilespmem:s10+$0x4820];
	_ =	sdelay $0x4  }
0x164: {  	v2 =	vunpack.i.u.bf16.f32 v1  }
0x165: {  	v1 =	vunpack.i.l.bf16.f32 v1;
	[tilespmem:s9+$0x20] =	vst v2  }
0x166: {  	[tilespmem:s9+$0xFFFFFFE0] =	vst v1  }
0x167: {  	v1 =	vld [tilespmem:s10+$0x4830];
	_ =	sdelay $0x4  }
0x168: {  	v2 =	vunpack.i.l.bf16.f32 v1  }
0x169: {  	v1 =	vunpack.i.u.bf16.f32 v1;
	[tilespmem:s9+$0xFFFFFFF0] =	vst v2  }
0x16a: {  	[tilespmem:s9+$0x30] =	vst v1  }
0x16b: {  	[spmem:s2] =	stream.indirect.scatter.add.f32 [tilespmem:s18], [sflag:$0x5], $0x80, s29, s20, $0xb8;
	[tilespmem:$0x1E980] =	vst v63  }
0x16c: {  	v1 =	vld @!p0 [tilespmem:s8+$0x140];
	_ =	sdelay $0x4  }
0x16d: {  	v1 =	vand.u32 @!p0 $0xFFFF, v1  }
0x16e: {  	[tilespmem:$0xA840] =	vst @!p0 v1  }
0x16f: {  	v1 =	vld @!p0 [tilespmem:s8+$0x150];
	_ =	sdelay $0x4  }
0x170: {  	v1 =	vand.u32 @!p0 $0xFFFF, v1  }
0x171: {  	[tilespmem:$0xA850] =	vst @!p0 v1  }
0x172: {  	v1 =	vld @!p0 [tilespmem:s8+$0x160];
	_ =	sdelay $0x4  }
0x173: {  	v1 =	vand.u32 @!p0 $0xFFFF, v1  }
0x174: {  	[tilespmem:$0xA860] =	vst @!p0 v1  }
0x175: {  	v1 =	vld @!p0 [tilespmem:s8+$0x170];
	_ =	sdelay $0x4  }
0x176: {  	v1 =	vand.u32 @!p0 $0xFFFF, v1  }
0x177: {  	s11 =	simm.s32 @!p0 $0x3800;
	s10 =	simm.s32 @!p0 $0xA840;
	s9 =	simm.s32 @!p0 $0x40;
	[tilespmem:$0xA870] =	vst @!p0 v1  }
0x178: {  	[tilespmem:s11], [sflag:$0x2] =	stream.indirect.gather @!p0 [hbm4b:s4+s9], $0x40, s10, s9, $0xb8;
	[tilespmem:$0x1E980] =	vst v63  }
0x179: {  	_ =	swait.ge [sflag:s0], $0x1000  }
0x17a: {  	[sflag:s0] =	ssyncset.done $0x0  }
0x17b: {  	[sflag:s0] =	ssyncadd.s32 $0xFFFFF000  }
0x17c: {  	_ =	swait.ge [sflag:s6], $0x2000  }
0x17d: {  	[sflag:s6] =	ssyncset.done $0x0  }
0x17e: {  	[sflag:s6] =	ssyncadd.s32 $0xFFFFE000  }
0x17f: {  	v1 =	vld [tilespmem:s8+$0xC0];
	_ =	sdelay $0x4  }
0x180: {  	v1 =	vshrl.u32 v1, $0x10  }
0x181: {  	[tilespmem:$0xA940] =	vst v1  }
0x182: {  	v1 =	vld [tilespmem:s8+$0xD0];
	_ =	sdelay $0x4  }
0x183: {  	v1 =	vshrl.u32 v1, $0x10  }
0x184: {  	[tilespmem:$0xA950] =	vst v1  }
0x185: {  	v1 =	vld [tilespmem:s8+$0xE0];
	_ =	sdelay $0x4  }
0x186: {  	v1 =	vshrl.u32 v1, $0x10  }
0x187: {  	[tilespmem:$0xA960] =	vst v1  }
0x188: {  	v1 =	vld [tilespmem:s8+$0xF0];
	_ =	sdelay $0x4  }
0x189: {  	v1 =	vshrl.u32 v1, $0x10  }
0x18a: {  	s11 =	simm.s32 $0x0;
	[tilespmem:$0xA970] =	vst v1  }
0x18b: {  	v1 =	vld [tilespmem:s11+$0x5800];
	_ =	sdelay $0x4  }
0x18c: {  	s9 =	simm.s32 $0x8840;
	v2 =	vunpack.i.l.bf16.f32 v1  }
0x18d: {  	v1 =	vunpack.i.u.bf16.f32 v1;
	[tilespmem:s9+$0xFFFFFFC0] =	vst v2  }
0x18e: {  	[tilespmem:s9+$0x0] =	vst v1  }
0x18f: {  	v1 =	vld [tilespmem:s11+$0x5810];
	_ =	sdelay $0x4  }
0x190: {  	v2 =	vunpack.i.l.bf16.f32 v1  }
0x191: {  	v1 =	vunpack.i.u.bf16.f32 v1;
	[tilespmem:s9+$0xFFFFFFD0] =	vst v2  }
0x192: {  	[tilespmem:s9+$0x10] =	vst v1  }
0x193: {  	v1 =	vld [tilespmem:s11+$0x5820];
	_ =	sdelay $0x4  }
0x194: {  	v2 =	vunpack.i.u.bf16.f32 v1  }
0x195: {  	v1 =	vunpack.i.l.bf16.f32 v1;
	[tilespmem:s9+$0x20] =	vst v2  }
0x196: {  	[tilespmem:s9+$0xFFFFFFE0] =	vst v1  }
0x197: {  	v1 =	vld [tilespmem:s11+$0x5830];
	_ =	sdelay $0x4  }
0x198: {  	v2 =	vunpack.i.l.bf16.f32 v1  }
0x199: {  	v1 =	vunpack.i.u.bf16.f32 v1;
	[tilespmem:s9+$0xFFFFFFF0] =	vst v2  }
0x19a: {  	s10 =	simm.s32 $0x40;
	[tilespmem:s9+$0x30] =	vst v1  }
0x19b: {  	v1 =	vld [tilespmem:s10+$0x5800]  }
0x19c: {  	s11 =	simm.s32 $0x200  }
.LBB2_11:
0x19d: {  	p1 =	sne.s32 s11, $0x3F00;
	_ =	sdelay $0x2  }
0x19e: {  	s9 =	sadd.s32 $0x80, s9;
	v2 =	vunpack.i.l.bf16.f32 v1  }
0x19f: {  	v1 =	vunpack.i.u.bf16.f32 v1;
	[tilespmem:s9+$0xFFFFFFC0] =	vst v2  }
0x1a0: {  	[tilespmem:s9+$0x0] =	vst v1  }
0x1a1: {  	v1 =	vld [tilespmem:s10+$0x5810];
	_ =	sdelay $0x4  }
0x1a2: {  	v2 =	vunpack.i.l.bf16.f32 v1  }
0x1a3: {  	v1 =	vunpack.i.u.bf16.f32 v1;
	[tilespmem:s9+$0xFFFFFFD0] =	vst v2  }
0x1a4: {  	[tilespmem:s9+$0x10] =	vst v1  }
0x1a5: {  	v1 =	vld [tilespmem:s10+$0x5820];
	_ =	sdelay $0x4  }
0x1a6: {  	v2 =	vunpack.i.u.bf16.f32 v1;
	v1 =	vunpack.i.l.bf16.f32 v1  }
0x1a7: {  	[tilespmem:s9+$0x20] =	vst v2  }
0x1a8: {  	[tilespmem:s9+$0xFFFFFFE0] =	vst v1  }
0x1a9: {  	v1 =	vld [tilespmem:s10+$0x5830];
	_ =	sdelay $0x4  }
.Ltmp6:
0x1aa: {  	v2 =	vunpack.i.u.bf16.f32 v1;
	v1 =	vunpack.i.l.bf16.f32 v1;
	(pc) =	sbr.rel @p1 .LBB2_11-.Ltmp6, $4  }
0x1ab: {  	[tilespmem:s9+$0xFFFFFFF0] =	vst v1  }
0x1ac: {  	s10 =	sshra.s32 s11, $0x2;
	[tilespmem:s9+$0x30] =	vst v2  }
0x1ad: {  	v1 =	vld [tilespmem:s10+$0x5800]  }
0x1ae: {  	s11 =	sadd.s32 $0x100, s11  }
0x1af: {  	_ =	sdelay $0x2  }
0x1b0: {  	s9 =	sadd.s32 $0x80, s9;
	v2 =	vunpack.i.l.bf16.f32 v1  }
0x1b1: {  	v1 =	vunpack.i.u.bf16.f32 v1;
	[tilespmem:s9+$0xFFFFFFC0] =	vst v2  }
0x1b2: {  	[tilespmem:s9+$0x0] =	vst v1  }
0x1b3: {  	v1 =	vld [tilespmem:s10+$0x5810];
	_ =	sdelay $0x4  }
0x1b4: {  	v2 =	vunpack.i.l.bf16.f32 v1  }
0x1b5: {  	v1 =	vunpack.i.u.bf16.f32 v1;
	[tilespmem:s9+$0xFFFFFFD0] =	vst v2  }
0x1b6: {  	[tilespmem:s9+$0x10] =	vst v1  }
0x1b7: {  	v1 =	vld [tilespmem:s10+$0x5820];
	_ =	sdelay $0x4  }
0x1b8: {  	v2 =	vunpack.i.u.bf16.f32 v1  }
0x1b9: {  	v1 =	vunpack.i.l.bf16.f32 v1;
	[tilespmem:s9+$0x20] =	vst v2  }
0x1ba: {  	[tilespmem:s9+$0xFFFFFFE0] =	vst v1  }
0x1bb: {  	v1 =	vld [tilespmem:s10+$0x5830];
	_ =	sdelay $0x3  }
.Ltmp7:
0x1bc: {  	_ = 	snop;
	(pc) =	sbr.rel @p0 .LBB2_14-.Ltmp7, $4  }
0x1bd: {  	v2 =	vunpack.i.l.bf16.f32 v1  }
0x1be: {  	v1 =	vunpack.i.u.bf16.f32 v1;
	[tilespmem:s9+$0xFFFFFFF0] =	vst v2  }
0x1bf: {  	[tilespmem:s9+$0x30] =	vst v1  }
0x1c0: {  	[spmem:s2] =	stream.indirect.scatter.add.f32 [tilespmem:s22], [sflag:$0x6], $0x80, s21, s20, $0xb8;
	[tilespmem:$0x1E980] =	vst v63  }
0x1c1: {  	v1 =	vld [tilespmem:s8+$0x180];
	_ =	sdelay $0x4  }
0x1c2: {  	v1 =	vand.u32 $0xFFFF, v1  }
0x1c3: {  	[tilespmem:$0xA880] =	vst v1  }
0x1c4: {  	v1 =	vld [tilespmem:s8+$0x190];
	_ =	sdelay $0x4  }
0x1c5: {  	v1 =	vand.u32 $0xFFFF, v1  }
0x1c6: {  	[tilespmem:$0xA890] =	vst v1  }
0x1c7: {  	v1 =	vld [tilespmem:s8+$0x1A0];
	_ =	sdelay $0x4  }
0x1c8: {  	v1 =	vand.u32 $0xFFFF, v1  }
0x1c9: {  	[tilespmem:$0xA8A0] =	vst v1  }
0x1ca: {  	v1 =	vld [tilespmem:s8+$0x1B0];
	_ =	sdelay $0x2  }
.Ltmp8:
0x1cb: {  	_ = 	snop;
	(pc) =	sbr.rel .LBB2_4-.Ltmp8, $4  }
0x1cc: {  	_ = 	snop  }
0x1cd: {  	v1 =	vand.u32 $0xFFFF, v1  }
0x1ce: {  	s7 =	sadd.s32 $0x1, s7;
	[tilespmem:$0xA8B0] =	vst v1  }
0x1cf: {  	[tilespmem:s26], [sflag:$0x3] =	stream.indirect.gather [hbm4b:s4+s20], $0x40, s25, s20, $0xb8;
	[tilespmem:$0x1E980] =	vst v63  }
.LBB2_15:
0x1d0: {  	_ =	sfence.sel $0x180000  }
0x1d1: {  	[bflag:$0x0] =	sbarrier.arrive $0xFFFF  }
0x1d2: {  	_ =	strace $0x9000004D  }
0x1d3: {  	s0 =	stileid.u32;
	[bflag:$0x2] =	sbarrier.arrive $0xFFFF  }
0x1d4: {  	p0 =	sne.s32 s0, $0x0;
	s0 =	rddreg [dreg:$0x3]  }
0x1d5: {  	s0 =	sadd.s32 @!p0 $0x100000, s0  }
0x1d6: {  	[sflag:s0] =	ssyncadd.tile.s32 @!p0 $0x1;
	_ =	shalt  }
.Lfunc_end2:
_tile_overlayer_lowered:
.L_overlay_start_2:
0x1d7: {  	(tag) =	ssettag $0x2  }
0x1d8: {  	s0 =	rddreg [dreg:$0x0];
	s2 =	stileid.u32  }
0x1d9: {  	s1 =	rddreg [dreg:$0x1];
	p0 =	sne.s32 s2, $0x0  }
0x1da: {  	s3 =	rddreg [dreg:$0x2];
	[bflag:$0x3] =	sbarrier.arrive $0xFFFF;
	s2 =	simm.s32 @!p0 $0x1C07  }
0x1db: {  	[timem:s3], [sflag:s2] =	dma.local @!p0 [hbm:s0], s1  }
0x1dc: {  	s0 =	simm.s32 @!p0 $0x7  }
0x1dd: {  	_ =	swait.ge @!p0 [sflag:s0], s1  }
0x1de: {  	s1 =	ssub.s32 @!p0 $0x0, s1;
	[sflag:s0] =	ssyncset.done @!p0 $0x0  }
0x1df: {  	[sflag:s0] =	ssyncadd.s32 @!p0 s1  }
0x1e0: {  	[bflag:$0x3] =	sbarrier.arrive $0xFFFF  }
0x1e1: {  	_ =	shalt  }

// kernel: kernel.8.cloned.1.call-start
scs
__scs_entry_jumppad:
0x0: {  	(pc) =	sbr.rel $0x88, $3  }
0x1: {  	(tag) =	ssettag $0x0;
	lr =	simm.s32 $0x1  }
0x2: {  	[smem:$0x3F99] =	sst lr;
	_ =	strace $0xD0000000  }
0x3: {  	_ = 	snop  }
0x4: {  	_ = 	snop  }
0x5: {  	_ = 	snop  }
0x6: {  	_ = 	snop  }
0x7: {  	_ = 	snop  }
__scs_overlays_trampoline_lowered:
0x8: {  	[smem:$0x3FA8] =	sst s0  }
0x9: {  	[smem:$0x3FA9] =	sst s1  }
0xa: {  	[smem:$0x3FAA] =	sst s2  }
0xb: {  	[smem:$0x3FAB] =	sst s3  }
0xc: {  	[smem:$0x3FAC] =	sst s4  }
0xd: {  	[smem:$0x3FAD] =	sst s5  }
0xe: {  	[smem:$0x3FAE] =	sst s6  }
0xf: {  	[smem:$0x3FAF] =	sst s7  }
0x10: {  	[smem:$0x3FB0] =	sst s8  }
0x11: {  	[smem:$0x3FB1] =	sst s9;
	s0 =	simm.s32 @!p0 $0x0  }
0x12: {  	s1 =	sld [smem:$0x3F97];
	s0 =	simm.s32 @p0 $0x1  }
0x13: {  	[smem:$0x3FB2] =	sst s0;
	s0 =	simm.s32 @!p1 $0x0  }
0x14: {  	s2 =	sld [smem:$0x3F96];
	s0 =	simm.s32 @p1 $0x1  }
0x15: {  	[smem:$0x3FB3] =	sst s0;
	s0 =	simm.s32 @!p2 $0x0  }
0x16: {  	s3 =	sld [smem:$0x3FDB];
	s0 =	simm.s32 @p2 $0x1  }
0x17: {  	s4 =	simm.s32 $0x1BF5;
	[smem:$0x3FB5] =	sst s0  }
0x18: {  	s0 =	sld [smem:$0x3F98];
	_ =	swait.ge [sflag:s4], $0x0  }
0x19: {  	s7 =	sld [smem:$0x3F99]  }
0x1a: {  	s8 =	sadd.s32 $0xFFFFE003, lr  }
0x1b: {  	s9 =	sadd.s32 $0xFFFFFEF7, lr;
	s5 =	simm.s32 $0xFFFFFFFF;
	p2 =	slt.u32 s8, $0xFFFFF086  }
0x1c: {  	p1 =	slt.u32 s9, $0xF7A;
	s5 =	simm.s32 @!p2 $0x0  }
0x1d: {  	s5 =	simm.s32 @p1 $0x1;
	p0 =	seq.s32 s7, s2  }
0x1e: {  	s7 =	smul.u32 @!p0 $0xF7A, s2;
	p2 =	seq.s32 @!p0 s5, $0x0  }
0x1f: {  	s9 =	smul.u32 $0xF7A, s1;
	s8 =	simm.s32 @!p0 $0x1BF5;
	p2 =	por !p2, p0  }
0x20: {  	[sflag:s8] =	ssyncset.s32 @!p0 $0xFFFFF086;
	s6 =	sadd.s32 @!p0 s3, s7;
	s7 =	simm.s32 @!p0 $0x108  }
0x21: {  	s3 =	sadd.s32 s3, s9;
	s6 =	sadd.s32 @!p0 $0x88, s6;
	s7 =	simm.s32 @p2 $0x1082  }
0x22: {  	[simem:s7], [sflag:s8] =	dma.local @!p0 [hbm:s6], $0xF7A  }
0x23: {  	s9 =	sor.u32 $0xD0000000, s2;
	s6 =	simm.s32 $0x108;
	_ =	swait.ge @!p0 [sflag:s8], $0x0  }
0x24: {  	s3 =	sadd.s32 $0x88, s3;
	s6 =	simm.s32 @!p1 $0x1082;
	[sflag:s4] =	ssyncset.s32 $0xFFFFF086  }
0x25: {  	[simem:s6], [sflag:s4] =	dma.local [hbm:s3], $0xF7A  }
0x26: {  	[smem:$0x3F99] =	sst s1;
	(tag) =	ssettag s2;
	_ =	strace s9  }
0x27: {  	s1 =	sld [smem:$0x3FA9]  }
0x28: {  	s2 =	sld [smem:$0x3FAA]  }
0x29: {  	s4 =	sld [smem:$0x3FAC]  }
0x2a: {  	p0 =	seq.s32 s5, $0x0;
	s5 =	sld [smem:$0x3FAD]  }
0x2b: {  	s6 =	sld [smem:$0x3FAE]  }
0x2c: {  	s7 =	sld [smem:$0x3FAF]  }
0x2d: {  	s3 =	simm.s32 $0x108;
	s8 =	sld [smem:$0x3FB0]  }
0x2e: {  	s3 =	simm.s32 @!p0 $0x1082;
	s9 =	sld [smem:$0x3FB1]  }
0x2f: {  	lr =	sadd.s32 s0, s3;
	s0 =	sld [smem:$0x3FA8]  }
0x30: {  	s3 =	sld [smem:$0x3FAB]  }
0x31: {  	[smem:$0x3FB4] =	sst s10  }
0x32: {  	s10 =	sld [smem:$0x3FB2];
	_ =	sdelay $0x3  }
0x33: {  	p0 =	seq.s32 s10, $0x1;
	s10 =	sld [smem:$0x3FB4];
	_ =	sdelay $0x3  }
0x34: {  	[smem:$0x3FB4] =	sst s10  }
0x35: {  	s10 =	sld [smem:$0x3FB3];
	_ =	sdelay $0x3  }
0x36: {  	p1 =	seq.s32 s10, $0x1;
	s10 =	sld [smem:$0x3FB4];
	_ =	sdelay $0x3  }
0x37: {  	[smem:$0x3FB4] =	sst s10  }
0x38: {  	s10 =	sld [smem:$0x3FB5]  }
0x39: {  	_ = 	snop;
	(pc) =	sbr.ind lr, $3  }
0x3a: {  	_ = 	snop  }
0x3b: {  	_ = 	snop  }
0x3c: {  	p2 =	seq.s32 s10, $0x1;
	s10 =	sld [smem:$0x3FB4]  }
0x3d: {  	_ =	shalt  }
0x3e: {  	_ =	shalt  }
0x3f: {  	_ =	shalt  }
0x40: {  	_ =	shalt  }
0x41: {  	_ =	shalt  }
0x42: {  	_ =	shalt  }
0x43: {  	_ =	shalt  }
0x44: {  	_ =	shalt  }
0x45: {  	_ =	shalt  }
0x46: {  	_ =	shalt  }
0x47: {  	_ =	shalt  }
0x48: {  	_ =	shalt  }
0x49: {  	_ =	shalt  }
0x4a: {  	_ =	shalt  }
0x4b: {  	_ =	shalt  }
0x4c: {  	_ =	shalt  }
0x4d: {  	_ =	shalt  }
0x4e: {  	_ =	shalt  }
0x4f: {  	_ =	shalt  }
0x50: {  	_ =	shalt  }
0x51: {  	_ =	shalt  }
0x52: {  	_ =	shalt  }
0x53: {  	_ =	shalt  }
0x54: {  	_ =	shalt  }
0x55: {  	_ =	shalt  }
0x56: {  	_ =	shalt  }
0x57: {  	_ =	shalt  }
0x58: {  	_ =	shalt  }
0x59: {  	_ =	shalt  }
0x5a: {  	_ =	shalt  }
0x5b: {  	_ =	shalt  }
0x5c: {  	_ =	shalt  }
0x5d: {  	_ =	shalt  }
0x5e: {  	_ =	shalt  }
0x5f: {  	_ =	shalt  }
0x60: {  	_ =	shalt  }
0x61: {  	_ =	shalt  }
0x62: {  	_ =	shalt  }
0x63: {  	_ =	shalt  }
0x64: {  	_ =	shalt  }
0x65: {  	_ =	shalt  }
0x66: {  	_ =	shalt  }
0x67: {  	_ =	shalt  }
0x68: {  	_ =	shalt  }
0x69: {  	_ =	shalt  }
0x6a: {  	_ =	shalt  }
0x6b: {  	_ =	shalt  }
0x6c: {  	_ =	shalt  }
0x6d: {  	_ =	shalt  }
0x6e: {  	_ =	shalt  }
0x6f: {  	_ =	shalt  }
0x70: {  	_ =	shalt  }
0x71: {  	_ =	shalt  }
0x72: {  	_ =	shalt  }
0x73: {  	_ =	shalt  }
0x74: {  	_ =	shalt  }
0x75: {  	_ =	shalt  }
0x76: {  	_ =	shalt  }
0x77: {  	_ =	shalt  }
0x78: {  	_ =	shalt  }
0x79: {  	_ =	shalt  }
0x7a: {  	_ =	shalt  }
0x7b: {  	_ =	shalt  }
0x7c: {  	_ =	shalt  }
0x7d: {  	_ =	shalt  }
0x7e: {  	_ =	shalt  }
0x7f: {  	_ =	shalt  }
0x80: {  	_ =	shalt  }
0x81: {  	_ =	shalt  }
0x82: {  	_ =	shalt  }
0x83: {  	_ =	shalt  }
0x84: {  	_ =	shalt  }
0x85: {  	_ =	shalt  }
0x86: {  	_ =	shalt  }
0x87: {  	_ =	shalt  }
.Lfunc_end0:
.L_simem_size_0:
called_computation_lowered:
.L_overlay_start_0:
0x88: {  	s2 =	sld [smem:$0x3FD9]  }
0x89: {  	s3 =	sld [smem:$0x3FFE];
	_ =	sdelay $0x1  }
0x8a: {  	s1 =	srdreg.scid  }
0x8b: {  	s0 =	sand.u32 $0x1, s1  }
0x8c: {  	s16 =	sshll.u32 s0, $0xA;
	s2 =	sadd.s32 s3, s2  }
0x8d: {  	s2 =	sadd.s32 s2, s16  }
0x8e: {  	[smem:$0x3FC0] =	sst s2  }
0x8f: {  	_ = 	snop  }
0x90: {  	(tm) =	ssettm $0x1  }
0x91: {  	s17 =	sld [smem:$0x3FFB];
	_ =	sdelay $0x3  }
0x92: {  	_ =	strace s17  }
0x93: {  	s2 =	sld [smem:$0x3FFC];
	_ =	sdelay $0x3  }
0x94: {  	_ =	strace s2  }
0x95: {  	s2 =	sld [smem:$0x3FFD];
	_ =	sdelay $0x3  }
0x96: {  	_ =	strace s2  }
0x97: {  	_ =	strace $0x8FFFFFFF  }
0x98: {  	s18 =	sld [smem:$0x3FDB];
	_ =	sdelay $0x1  }
0x99: {  	s19 =	simm.s32 $_scs_section_size  }
0x9a: {  	s4 =	simm.s32 $_size__tile_overlayer_lowered;
	s5 =	simm.s32 $_tile_overlayer_lowered  }
0x9b: {  	s22 =	simm.s32 $0x1BFF;
	s21 =	sshll.u32 s5, $0x1;
	s2 =	sadd.s32 s19, s18  }
0x9c: {  	s6 =	simm.s32 $0x0;
	s20 =	sshll.u32 s4, $0x1;
	s4 =	sadd.s32 s21, s2  }
0x9d: {  	[timem:s6], [sflag:s22] =	dma.local [hbm:s4], s20  }
0x9e: {  	_ =	swait.ge [sflag:s22], s20  }
0x9f: {  	s3 =	ssub.s32 $0x0, s20;
	[sflag:s22] =	ssyncset.done $0x0  }
0xa0: {  	[sflag:s22] =	ssyncadd.s32 s3;
	_ =	sdelay $0x1  }
0xa1: {  	s23 =	simm.s32 $0x1B8B  }
0xa2: {  	_ =	swait.ge [sflag:s23], $0x1  }
0xa3: {  	[sflag:s23] =	ssyncset.done $0x0  }
0xa4: {  	s25 =	simm.s32 $0x1B8E;
	s24 =	sld [smem:$0x3FFE];
	[sflag:s23] =	ssyncadd.s32 $0xFFFFFFFF  }
0xa5: {  	s26 =	simm.s32 $execute0_lowered;
	[smem:$0x3FD2] =	sst s25  }
0xa6: {  	s4 =	sshll.u32 s26, $0x1;
	_ =	strace $0x80000046;
	[dreg:$0x1] =	wrdreg $0xFFFFFFFF  }
0xa7: {  	s28 =	simm.s32 $_size_execute0_lowered;
	s2 =	sadd.s32 s2, s4;
	[dreg:$0x0] =	wrdreg $0x0  }
0xa8: {  	s4 =	sshll.u32 s28, $0x1;
	[dreg:$0x2] =	wrdreg s2  }
0xa9: {  	[dreg:$0x3] =	wrdreg s4  }
0xaa: {  	[dreg:$0x4] =	wrdreg $0xC0  }
0xab: {  	_ =	task [dreg:s6], $0x5FFFF  }
0xac: {  	[dreg:$0x1] =	wrdreg $0xFFFFFFFF  }
0xad: {  	[dreg:$0x0] =	wrdreg $0x60  }
0xae: {  	[dreg:$0x2] =	wrdreg s24  }
0xaf: {  	[dreg:$0x3] =	wrdreg $0x50800  }
0xb0: {  	[dreg:$0x4] =	wrdreg $0x9  }
0xb1: {  	_ =	task.clear_ibuf [dreg:s6], $0x5FFFF;
	_ =	strace $0x90000046  }
0xb2: {  	s29 =	simm.s32 $0x9;
	_ =	strace $0x80000048  }
0xb3: {  	_ =	swait.ge [sflag:s29], $0x1  }
0xb4: {  	[sflag:s29] =	ssyncadd.s32 $0xFFFFFFFF  }
0xb5: {  	_ =	strace $0x90000048  }
0xb6: {  	_ =	sfence  }
0xb7: {  	s30 =	sld [smem:$0x0];
	_ =	sdelay $0x2  }
0xb8: {  	s31 =	sshll.u32 s1, $0xD;
	s1 =	sshrl.u32 s1, $0x2  }
0xb9: {  	s3 =	sand.u32 $0x4000, s31;
	s1 =	sadd.s32 s1, s30  }
0xba: {  	s0 =	sor.u32 s3, s0;
	s1 =	sshll.u32 s1, $0x11  }
0xbb: {  	s0 =	sor.u32 s1, s0  }
0xbc: {  	s0 =	sadd.s32 $0x8F2B, s0  }
0xbd: {  	[sflag:s0] =	ssyncadd.remote.s32 $0x1  }
0xbe: {  	_ =	sfence.sel $0xFFFF  }
0xbf: {  	[dreg:$0x0] =	wrdreg $0xFFFFFFFF;
	(pc) =	sbr.abs _section_cstart, $3  }
0xc0: {  	[dreg:$0x1] =	wrdreg $0xFFFFFFFF  }
0xc1: {  	_ =	task.clear_ibuf [dreg:s6], $0x2FFFF;
	_ =	strace $0x9FFFFFFF  }
0xc2: {  	(tm) =	ssettm $0x7FFFFFFF  }
0xc3: {  	_ =	shalt  }
tec
execute0_lowered:
.L_overlay_start_1:
0x0: {  	(tag) =	ssettag $0x1  }
0x1: {  	s4 =	rddreg [dreg:$0x0]  }
0x2: {  	s0 =	srdreg.scid;
	s2 =	rddreg [dreg:$0x1]  }
0x3: {  	s1 =	stileid.u32;
	s3 =	simm.s32 $0x0;
	s17 =	simm.s32 $0x5000  }
0x4: {  	s18 =	simm.s32 $0x2;
	s19 =	simm.s32 $0x40;
	s20 =	simm.s32 $0x1  }
0x5: {  	s23 =	simm.s32 $0x0;
	s5 =	sand.u32 $0x1, s0;
	s0 =	rddreg [dreg:$0x2]  }
0x6: {  	s7 =	smul.u32 $0x280, s1;
	[smem:$0x7FF] =	sst s3;
	s21 =	sshll.u32 s1, $0x6  }
0x7: {  	s6 =	sshll.u32 s5, $0x4;
	s8 =	smul.u32 $0x2800, s5;
	s5 =	ssub.s32 $0x2, s5  }
0x8: {  	_ =	strace $0x80000047;
	s6 =	sor.u32 s1, s6;
	s31 =	sshrl.u32 s5, $0x1  }
0x9: {  	s6 =	smul.u32 $0xA00, s6;
	s8 =	sadd.s32 s7, s8;
	s16 =	ssub.s32 s5, s31  }
0xa: {  	s21 =	sor.u32 $0x1C02, s21;
	s30 =	sshrl.u32 s8, $0x3;
	s16 =	smax.u32 s16, $0x1  }
0xb: {  	s14 =	sadd.s32 s6, s4;
	s15 =	sadd.s32 s30, s4;
	s4 =	sadd.s32 s7, s2  }
0xc: {  	s5 =	sadd.s32 $0x40, s4;
	s6 =	sadd.s32 $0x80, s4;
	s7 =	sadd.s32 $0xC0, s4  }
0xd: {  	s8 =	sadd.s32 $0x100, s4;
	s9 =	sadd.s32 $0x140, s4;
	s10 =	sadd.s32 $0x180, s4  }
0xe: {  	s11 =	sadd.s32 $0x1C0, s4;
	s12 =	sadd.s32 $0x200, s4;
	s13 =	sadd.s32 $0x240, s4  }
0xf: {  	v0 =	vimm.f32 $0.0e+00;
	v1 =	vimm.f32 $1.000000000e+00;
	s14 =	sadd.s32 $0x1E00, s14;
	s15 =	sadd.s32 $0x15E00, s15;
	s22 =	sshrl.u32 s4, $0x3  }
.LBB2_1:
0x10: {  	[tilespmem:$0x5000] =	vst v0  }
0x11: {  	[tilespmem:$0x5010] =	vst v0  }
0x12: {  	[tilespmem:$0x5020] =	vst v0  }
0x13: {  	[tilespmem:$0x5030] =	vst v0  }
0x14: {  	[spmem:s4] =	stream.linear.scatter [tilespmem:s17], [sflag:$0x2], $0x40, $0x38;
	[tilespmem:$0x5300] =	vst v63  }
0x15: {  	_ =	swait.ge [sflag:s18], $0x40  }
0x16: {  	[sflag:s18] =	ssyncset.done $0x0  }
0x17: {  	[sflag:s18] =	ssyncadd.s32 $0xFFFFFFC0  }
0x18: {  	[spmem:s5] =	stream.linear.scatter [tilespmem:s17], [sflag:$0x2], $0x40, $0x38;
	[tilespmem:$0x5300] =	vst v63  }
0x19: {  	_ =	swait.ge [sflag:s18], $0x40  }
0x1a: {  	[sflag:s18] =	ssyncset.done $0x0  }
0x1b: {  	[sflag:s18] =	ssyncadd.s32 $0xFFFFFFC0  }
0x1c: {  	[spmem:s6] =	stream.linear.scatter [tilespmem:s17], [sflag:$0x2], $0x40, $0x38;
	[tilespmem:$0x5300] =	vst v63  }
0x1d: {  	_ =	swait.ge [sflag:s18], $0x40  }
0x1e: {  	[sflag:s18] =	ssyncset.done $0x0  }
0x1f: {  	[sflag:s18] =	ssyncadd.s32 $0xFFFFFFC0  }
0x20: {  	[spmem:s7] =	stream.linear.scatter [tilespmem:s17], [sflag:$0x2], $0x40, $0x38;
	[tilespmem:$0x5300] =	vst v63  }
0x21: {  	_ =	swait.ge [sflag:s18], $0x40  }
0x22: {  	[sflag:s18] =	ssyncset.done $0x0  }
0x23: {  	[sflag:s18] =	ssyncadd.s32 $0xFFFFFFC0  }
0x24: {  	[spmem:s8] =	stream.linear.scatter [tilespmem:s17], [sflag:$0x2], $0x40, $0x38;
	[tilespmem:$0x5300] =	vst v63  }
0x25: {  	_ =	swait.ge [sflag:s18], $0x40  }
0x26: {  	[sflag:s18] =	ssyncset.done $0x0  }
0x27: {  	[sflag:s18] =	ssyncadd.s32 $0xFFFFFFC0  }
0x28: {  	[spmem:s9] =	stream.linear.scatter [tilespmem:s17], [sflag:$0x2], $0x40, $0x38;
	[tilespmem:$0x5300] =	vst v63  }
0x29: {  	_ =	swait.ge [sflag:s18], $0x40  }
0x2a: {  	[sflag:s18] =	ssyncset.done $0x0  }
0x2b: {  	[sflag:s18] =	ssyncadd.s32 $0xFFFFFFC0  }
0x2c: {  	[spmem:s10] =	stream.linear.scatter [tilespmem:s17], [sflag:$0x2], $0x40, $0x38;
	[tilespmem:$0x5300] =	vst v63  }
0x2d: {  	_ =	swait.ge [sflag:s18], $0x40  }
0x2e: {  	[sflag:s18] =	ssyncset.done $0x0  }
0x2f: {  	[sflag:s18] =	ssyncadd.s32 $0xFFFFFFC0  }
0x30: {  	[spmem:s11] =	stream.linear.scatter [tilespmem:s17], [sflag:$0x2], $0x40, $0x38;
	[tilespmem:$0x5300] =	vst v63  }
0x31: {  	_ =	swait.ge [sflag:s18], $0x40  }
0x32: {  	[sflag:s18] =	ssyncset.done $0x0  }
0x33: {  	[sflag:s18] =	ssyncadd.s32 $0xFFFFFFC0  }
0x34: {  	[spmem:s12] =	stream.linear.scatter [tilespmem:s17], [sflag:$0x2], $0x40, $0x38;
	[tilespmem:$0x5300] =	vst v63  }
0x35: {  	_ =	swait.ge [sflag:s18], $0x40  }
0x36: {  	[sflag:s18] =	ssyncset.done $0x0  }
0x37: {  	[sflag:s18] =	ssyncadd.s32 $0xFFFFFFC0  }
0x38: {  	[spmem:s13] =	stream.linear.scatter [tilespmem:s17], [sflag:$0x2], $0x40, $0x38;
	[tilespmem:$0x5300] =	vst v63  }
0x39: {  	_ =	swait.ge [sflag:s18], $0x40  }
0x3a: {  	[sflag:s18] =	ssyncset.done $0x0  }
0x3b: {  	[sflag:s18] =	ssyncadd.s32 $0xFFFFFFC0  }
0x3c: {  	[tilespmem:$0x5000] =	vst v1  }
0x3d: {  	[tilespmem:$0x5010] =	vst v1  }
0x3e: {  	[tilespmem:$0x5020] =	vst v1  }
0x3f: {  	[tilespmem:$0x5030] =	vst v1  }
0x40: {  	[tilespmem:s3], [sflag:$0x2] =	stream.linear.gather [hbm4b:s14+s3], $0x5000, $0x38;
	[tilespmem:$0x5300] =	vst v63  }
0x41: {  	_ =	swait.ge [sflag:s18], $0x5000  }
0x42: {  	[sflag:s18] =	ssyncset.done $0x0  }
0x43: {  	[sflag:s18] =	ssyncadd.s32 $0xFFFFB000  }
0x44: {  	s24 =	simm.s32 $0x0;
	[bflag:$0x0] =	sbarrier.arrive $0xFFFF  }
.LBB2_2:
0x45: {  	p0 =	sne.s32 s24, $0x13E00  }
.Ltmp0:
0x46: {  	_ = 	snop;
	(pc) =	sbr.rel @p0 .LBB2_2-.Ltmp0, $3  }
0x47: {  	_ =	sdelay $0x1  }
0x48: {  	s25 =	sshra.s32 s24, $0x2;
	s24 =	sadd.s32 $0x200, s24  }
0x49: {  	[spmem:s2] =	stream.indirect.scatter.add.f32 [tilespmem:s17], [sflag:$0x1], $0x1, s25, s19, $0xb8;
	[tilespmem:$0x5300] =	vst v63  }
0x4a: {  	_ =	swait.ge [sflag:s20], $0x40  }
0x4b: {  	s24 =	simm.s32 $0x9F;
	[sflag:s20] =	ssyncset.done $0x0  }
.LBB2_4:
0x4c: {  	p0 =	sne.s32 s24, $0x1;
	s24 =	sadd.s32 $0xFFFFFFFF, s24;
	[sflag:s20] =	ssyncadd.s32 $0xFFFFFFC0  }
.Ltmp1:
0x4d: {  	(pc) =	sbr.rel @p0 .LBB2_4-.Ltmp1, $3  }
0x4e: {  	_ =	sdelay $0x1  }
0x4f: {  	_ =	swait.ge [sflag:s20], $0x40  }
0x50: {  	[sflag:s20] =	ssyncset.done $0x0  }
0x51: {  	s23 =	sadd.s32 $0x1, s23  }
0x52: {  	[sflag:s20] =	ssyncadd.s32 $0xFFFFFFC0;
	p0 =	sne.s32 s23, s16  }
.Ltmp2:
0x53: {  	[bflag:$0x0] =	sbarrier.arrive $0xFFFF;
	(pc) =	sbr.rel @p0 .LBB2_1-.Ltmp2, $4  }
0x54: {  	[hbm:s15], [sflag:s21] =	dma.local [spmem:s22], $0x50  }
0x55: {  	_ =	swait.ge [sflag:s18], $0x50  }
0x56: {  	[sflag:s18] =	ssyncset.done $0x0  }
0x57: {  	[sflag:s18] =	ssyncadd.s32 $0xFFFFFFB0  }
0x58: {  	_ =	sfence.sel $0x180000  }
0x59: {  	[bflag:$0x0] =	sbarrier.arrive $0xFFFF  }
0x5a: {  	p0 =	sne.s32 s1, $0x0;
	_ =	strace $0x90000047  }
0x5b: {  	s0 =	sadd.s32 @!p0 $0x100000, s0;
	[bflag:$0x2] =	sbarrier.arrive $0xFFFF  }
0x5c: {  	[sflag:s0] =	ssyncadd.tile.s32 @!p0 $0x1;
	_ =	shalt  }
.Lfunc_end2:
_tile_overlayer_lowered:
.L_overlay_start_2:
0x5d: {  	(tag) =	ssettag $0x2  }
0x5e: {  	s0 =	rddreg [dreg:$0x0];
	s2 =	stileid.u32  }
0x5f: {  	s1 =	rddreg [dreg:$0x1];
	p0 =	sne.s32 s2, $0x0  }
0x60: {  	s3 =	rddreg [dreg:$0x2];
	[bflag:$0x3] =	sbarrier.arrive $0xFFFF;
	s2 =	simm.s32 @!p0 $0x1C02  }
0x61: {  	[timem:s3], [sflag:s2] =	dma.local @!p0 [hbm:s0], s1  }
0x62: {  	s0 =	simm.s32 @!p0 $0x2  }
0x63: {  	_ =	swait.ge @!p0 [sflag:s0], s1  }
0x64: {  	s1 =	ssub.s32 @!p0 $0x0, s1;
	[sflag:s0] =	ssyncset.done @!p0 $0x0  }
0x65: {  	[sflag:s0] =	ssyncadd.s32 @!p0 s1  }
0x66: {  	[bflag:$0x3] =	sbarrier.arrive $0xFFFF  }
0x67: {  	_ =	shalt  }

</sc_bundles>
